<compile_context>
chip_gen: v7x
topology: tpu7x:2x2x1
jax: 0.10.2.dev20260603
libtpu: 0.0.44.dev20260713+nightly
codegen_flags: <defaults>
</compile_context>

<pallas_src>
import functools

import jax
import jax.numpy as jnp
from jax import lax
from jax.experimental import pallas as pl
from jax.experimental.pallas import tpu as pltpu
from jax.experimental.pallas import tpu_sc as plsc

B, S, D = 4, 4096, 1024
NC, NS = 2, 16
NW = NC * NS
SEQ_PER_W = S // NW
ROWS = 8
HD = D // 2
N_UNITS = (SEQ_PER_W // ROWS) * 2
NSLOT = 4
N_STEPS = N_UNITS // NSLOT
LANES = 16
HCOLS = HD // LANES
UNROLL = 1

_mesh = plsc.VectorSubcoreMesh(core_axis_name="c", subcore_axis_name="s")


@functools.partial(
    pl.kernel,
    out_type=jax.ShapeDtypeStruct((B, S, D), jnp.float32),
    mesh=_mesh,
    scratch_types=[
        [pltpu.VMEM((B, ROWS, HD), jnp.float32) for _ in range(NSLOT)],
        [pltpu.VMEM((ROWS, HD), jnp.float32) for _ in range(2)],
        [pltpu.SemaphoreType.DMA for _ in range(NSLOT)],
        [pltpu.SemaphoreType.DMA for _ in range(NSLOT)],
        [pltpu.SemaphoreType.DMA for _ in range(2)],
    ],
)
def _pe_add(te_hbm, enc_hbm, out_hbm, slots, ebufs, in_sems, out_sems, e_sems):
    wid = lax.axis_index("s") * NC + lax.axis_index("c")
    s_base = wid * SEQ_PER_W

    def unit_origin(u):
        s0 = pl.multiple_of(jnp.clip(s_base + (u >> 1) * ROWS, 0, S - ROWS), ROWS)
        d0 = pl.multiple_of((u & 1) * HD, HD)
        return s0, d0

    def in_copy(u, j):
        s0, d0 = unit_origin(u)
        return pltpu.make_async_copy(
            te_hbm.at[:, pl.ds(s0, ROWS), pl.ds(d0, HD)], slots[j], in_sems[j]
        )

    def out_copy(u, j):
        s0, d0 = unit_origin(u)
        return pltpu.make_async_copy(
            slots[j], out_hbm.at[:, pl.ds(s0, ROWS), pl.ds(d0, HD)], out_sems[j]
        )

    def enc_copy(u, p):
        s0, d0 = unit_origin(u)
        return pltpu.make_async_copy(
            enc_hbm.at[pl.ds(s0, ROWS), pl.ds(d0, HD)], ebufs[p], e_sems[p]
        )

    in_copy(0, 0).start()
    in_copy(1, 1).start()
    enc_copy(0, 0).start()

    def step(k, carry):
        for j in range(NSLOT):
            u = k * NSLOT + j
            enc_copy(u + 1, (j + 1) % 2).start()
            in_copy(u, j).wait()
            enc_copy(u, j % 2).wait()

            tbuf = slots[j]
            ebuf = ebufs[j % 2]

            @plsc.parallel_loop(0, HCOLS, step=1, unroll=UNROLL)
            def body(i):
                col = i * LANES
                for row in range(ROWS):
                    e = ebuf[row, pl.ds(col, LANES)]
                    for b in range(B):
                        tbuf[b, row, pl.ds(col, LANES)] = (
                            tbuf[b, row, pl.ds(col, LANES)] + e
                        )

            jo = (j + 2) % NSLOT

            @pl.when(u >= 2)
            def _():
                out_copy(u - 2, jo).wait()

            in_copy(u + 2, jo).start()
            out_copy(u, j).start()
        return carry

    lax.fori_loop(0, N_STEPS, step, 0)

    out_copy(N_UNITS - 2, 2).wait()
    out_copy(N_UNITS - 1, 3).wait()
    in_copy(N_UNITS, 0).wait()
    in_copy(N_UNITS + 1, 1).wait()
    enc_copy(N_UNITS, 0).wait()


def kernel(token_embeddings, encoding):
    return _pe_add(token_embeddings, encoding)

# --- scband reference (transcript-rebuilt; emitter-appended) ---
"""Pipeline reference for scband-dynamic-positional-encoding-26671746908605 (READ-ONLY COPY).

The authoritative reference and input builder live on the scoring server;
editing this copy changes nothing except your own understanding.
"""

import jax, jax.numpy as jnp
import numpy as np

DIM_MODEL = 1024
MAX_LEN = 8192

def setup_inputs(seed: int = 0) -> dict:
    key = jax.random.key(seed)
    k1, k2 = jax.random.split(key)
    token_embeddings = jax.random.normal(k1, (4, 4096, DIM_MODEL), dtype=jnp.float32)
    encoding = jax.random.normal(k2, (MAX_LEN, DIM_MODEL), dtype=jnp.float32)
    return {"token_embeddings": token_embeddings, "encoding": encoding}

def reference(token_embeddings, encoding):
    batch_size, seq_length, _ = token_embeddings.shape
    enc = encoding[:seq_length, :][None, :, :]
    enc = jnp.broadcast_to(enc, (batch_size, seq_length, encoding.shape[1]))
    return token_embeddings + enc

if __name__ == "__main__":
    import jax
    _d = setup_inputs()
    print(jax.jit(kernel)(*tuple(_d.values())))

</pallas_src>

<mosaic_0001>
#map = affine_map<(d0, d1) -> (0, 0, 0)>
#map1 = affine_map<(d0, d1) -> (0, 0)>
module attributes {stable_mosaic.version = 14 : i64} {
  func.func @_pe_add(%arg0: i32, %arg1: i32, %arg2: memref<4x4096x1024xf32, #tpu.memory_space<hbm>>, %arg3: memref<8192x1024xf32, #tpu.memory_space<hbm>>, %arg4: memref<4x4096x1024xf32, #tpu.memory_space<hbm>>, %arg5: memref<4x8x512xf32, #tpu.memory_space<vmem>>, %arg6: memref<4x8x512xf32, #tpu.memory_space<vmem>>, %arg7: memref<4x8x512xf32, #tpu.memory_space<vmem>>, %arg8: memref<4x8x512xf32, #tpu.memory_space<vmem>>, %arg9: memref<8x512xf32, #tpu.memory_space<vmem>>, %arg10: memref<8x512xf32, #tpu.memory_space<vmem>>, %arg11: memref<!tpu.dma_semaphore, #tpu.memory_space<semaphore_mem>>, %arg12: memref<!tpu.dma_semaphore, #tpu.memory_space<semaphore_mem>>, %arg13: memref<!tpu.dma_semaphore, #tpu.memory_space<semaphore_mem>>, %arg14: memref<!tpu.dma_semaphore, #tpu.memory_space<semaphore_mem>>, %arg15: memref<!tpu.dma_semaphore, #tpu.memory_space<semaphore_mem>>, %arg16: memref<!tpu.dma_semaphore, #tpu.memory_space<semaphore_mem>>, %arg17: memref<!tpu.dma_semaphore, #tpu.memory_space<semaphore_mem>>, %arg18: memref<!tpu.dma_semaphore, #tpu.memory_space<semaphore_mem>>, %arg19: memref<!tpu.dma_semaphore, #tpu.memory_space<semaphore_mem>>, %arg20: memref<!tpu.dma_semaphore, #tpu.memory_space<semaphore_mem>>) attributes {dimension_semantics = [#tpu.dimension_semantics<core_parallel>, #tpu.dimension_semantics<subcore_parallel>], iteration_bounds = array<i64: 2, 16>, scalar_prefetch = 0 : i64, scratch_operands = 16 : i64, tpu.core_type = #tpu.core_type<sc_vector_subcore>, window_params = [{transform_indices = #map}, {transform_indices = #map1}, {transform_indices = #map}]} {
    %mul3A = arith.constant 2 : i32
    %mul3A_0 = arith.muli %arg1, %mul3A : i32
    %add3A = arith.addi %mul3A_0, %arg0 : i32
    %mul3A_1 = arith.constant 128 : i32
    %mul3A_2 = arith.muli %add3A, %mul3A_1 : i32
    %add3A_3 = arith.constant 0 : i32
    %add3A_4 = arith.addi %mul3A_2, %add3A_3 : i32
    %jit3A = arith.constant 0 : i32
    %jit3A_5 = arith.constant 4088 : i32
    %max3A = arith.maxsi %jit3A, %add3A_4 : i32
    %min3A = arith.minsi %jit3A_5, %max3A : i32
    %multiple_of3A = tpu.assume_multiple %min3A, 8 : i32
    %multiple_of3A_6 = arith.constant 0 : i32
    %multiple_of3A_7 = tpu.assume_multiple %multiple_of3A_6, 512 : i32
    %dma_start3A = arith.constant 0 : i32
    %dma_start3A_8 = tpu.memref_slice %arg2[%dma_start3A, %multiple_of3A, %multiple_of3A_7] : memref<4x4096x1024xf32, #tpu.memory_space<hbm>> -> memref<4x8x512xf32, #tpu.memory_space<hbm>>
    %dma_start3A_9 = arith.constant 0 : i32
    %dma_start3A_10 = tpu.memref_slice %arg2[%dma_start3A_9, %multiple_of3A, %multiple_of3A_7] : memref<4x4096x1024xf32, #tpu.memory_space<hbm>> -> memref<4x8x512xf32, #tpu.memory_space<hbm>>
    tpu.enqueue_dma source(%dma_start3A_10 : memref<4x8x512xf32, #tpu.memory_space<hbm>>) target(%arg5 : memref<4x8x512xf32, #tpu.memory_space<vmem>>) target_semaphore(%arg11 : memref<!tpu.dma_semaphore, #tpu.memory_space<semaphore_mem>>)
    %add3A_11 = arith.constant 0 : i32
    %add3A_12 = arith.addi %mul3A_2, %add3A_11 : i32
    %jit3A_13 = arith.constant 0 : i32
    %jit3A_14 = arith.constant 4088 : i32
    %max3A_15 = arith.maxsi %jit3A_13, %add3A_12 : i32
    %min3A_16 = arith.minsi %jit3A_14, %max3A_15 : i32
    %multiple_of3A_17 = tpu.assume_multiple %min3A_16, 8 : i32
    %multiple_of3A_18 = arith.constant 512 : i32
    %multiple_of3A_19 = tpu.assume_multiple %multiple_of3A_18, 512 : i32
    %dma_start3A_20 = arith.constant 0 : i32
    %dma_start3A_21 = tpu.memref_slice %arg2[%dma_start3A_20, %multiple_of3A_17, %multiple_of3A_19] : memref<4x4096x1024xf32, #tpu.memory_space<hbm>> -> memref<4x8x512xf32, #tpu.memory_space<hbm>>
    %dma_start3A_22 = arith.constant 0 : i32
    %dma_start3A_23 = tpu.memref_slice %arg2[%dma_start3A_22, %multiple_of3A_17, %multiple_of3A_19] : memref<4x4096x1024xf32, #tpu.memory_space<hbm>> -> memref<4x8x512xf32, #tpu.memory_space<hbm>>
    tpu.enqueue_dma source(%dma_start3A_23 : memref<4x8x512xf32, #tpu.memory_space<hbm>>) target(%arg6 : memref<4x8x512xf32, #tpu.memory_space<vmem>>) target_semaphore(%arg12 : memref<!tpu.dma_semaphore, #tpu.memory_space<semaphore_mem>>)
    %add3A_24 = arith.constant 0 : i32
    %add3A_25 = arith.addi %mul3A_2, %add3A_24 : i32
    %jit3A_26 = arith.constant 0 : i32
    %jit3A_27 = arith.constant 4088 : i32
    %max3A_28 = arith.maxsi %jit3A_26, %add3A_25 : i32
    %min3A_29 = arith.minsi %jit3A_27, %max3A_28 : i32
    %multiple_of3A_30 = tpu.assume_multiple %min3A_29, 8 : i32
    %multiple_of3A_31 = arith.constant 0 : i32
    %multiple_of3A_32 = tpu.assume_multiple %multiple_of3A_31, 512 : i32
    %dma_start3A_33 = tpu.memref_slice %arg3[%multiple_of3A_30, %multiple_of3A_32] : memref<8192x1024xf32, #tpu.memory_space<hbm>> -> memref<8x512xf32, #tpu.memory_space<hbm>>
    %dma_start3A_34 = tpu.memref_slice %arg3[%multiple_of3A_30, %multiple_of3A_32] : memref<8192x1024xf32, #tpu.memory_space<hbm>> -> memref<8x512xf32, #tpu.memory_space<hbm>>
    tpu.enqueue_dma source(%dma_start3A_34 : memref<8x512xf32, #tpu.memory_space<hbm>>) target(%arg9 : memref<8x512xf32, #tpu.memory_space<vmem>>) target_semaphore(%arg19 : memref<!tpu.dma_semaphore, #tpu.memory_space<semaphore_mem>>)
    %scan3A = arith.constant 0 : i32
    %scan3A_35 = arith.constant 0 : i32
    %scan3A_36 = arith.constant 8 : i32
    %scan3A_37 = arith.addi %scan3A_35, %scan3A_36 : i32
    %scan3A_38 = arith.constant 1 : i32
    scf.for %scan3A_102 = %scan3A_35 to %scan3A_37 step %scan3A_38  : i32 {
      %mul3A_103 = arith.constant 4 : i32
      %mul3A_104 = arith.muli %scan3A_102, %mul3A_103 : i32
      %add3A_105 = arith.constant 0 : i32
      %add3A_106 = arith.addi %mul3A_104, %add3A_105 : i32
      %add3A_107 = arith.constant 1 : i32
      %add3A_108 = arith.addi %add3A_106, %add3A_107 : i32
      %shift_right_arithmetic3A = arith.constant 1 : i32
      %shift_right_arithmetic3A_109 = arith.shrsi %add3A_108, %shift_right_arithmetic3A : i32
      %mul3A_110 = arith.constant 8 : i32
      %mul3A_111 = arith.muli %shift_right_arithmetic3A_109, %mul3A_110 : i32
      %add3A_112 = arith.addi %mul3A_2, %mul3A_111 : i32
      %jit3A_113 = arith.constant 0 : i32
      %jit3A_114 = arith.constant 4088 : i32
      %max3A_115 = arith.maxsi %jit3A_113, %add3A_112 : i32
      %min3A_116 = arith.minsi %jit3A_114, %max3A_115 : i32
      %multiple_of3A_117 = tpu.assume_multiple %min3A_116, 8 : i32
      %and3A = arith.constant 1 : i32
      %and3A_118 = arith.andi %add3A_108, %and3A : i32
      %mul3A_119 = arith.constant 512 : i32
      %mul3A_120 = arith.muli %and3A_118, %mul3A_119 : i32
      %multiple_of3A_121 = tpu.assume_multiple %mul3A_120, 512 : i32
      %dma_start3A_122 = tpu.memref_slice %arg3[%multiple_of3A_117, %multiple_of3A_121] : memref<8192x1024xf32, #tpu.memory_space<hbm>> -> memref<8x512xf32, #tpu.memory_space<hbm>>
      %dma_start3A_123 = tpu.memref_slice %arg3[%multiple_of3A_117, %multiple_of3A_121] : memref<8192x1024xf32, #tpu.memory_space<hbm>> -> memref<8x512xf32, #tpu.memory_space<hbm>>
      tpu.enqueue_dma source(%dma_start3A_123 : memref<8x512xf32, #tpu.memory_space<hbm>>) target(%arg10 : memref<8x512xf32, #tpu.memory_space<vmem>>) target_semaphore(%arg20 : memref<!tpu.dma_semaphore, #tpu.memory_space<semaphore_mem>>)
      %shift_right_arithmetic3A_124 = arith.constant 1 : i32
      %shift_right_arithmetic3A_125 = arith.shrsi %add3A_106, %shift_right_arithmetic3A_124 : i32
      %mul3A_126 = arith.constant 8 : i32
      %mul3A_127 = arith.muli %shift_right_arithmetic3A_125, %mul3A_126 : i32
      %add3A_128 = arith.addi %mul3A_2, %mul3A_127 : i32
      %jit3A_129 = arith.constant 0 : i32
      %jit3A_130 = arith.constant 4088 : i32
      %max3A_131 = arith.maxsi %jit3A_129, %add3A_128 : i32
      %min3A_132 = arith.minsi %jit3A_130, %max3A_131 : i32
      %multiple_of3A_133 = tpu.assume_multiple %min3A_132, 8 : i32
      %and3A_134 = arith.constant 1 : i32
      %and3A_135 = arith.andi %add3A_106, %and3A_134 : i32
      %mul3A_136 = arith.constant 512 : i32
      %mul3A_137 = arith.muli %and3A_135, %mul3A_136 : i32
      %multiple_of3A_138 = tpu.assume_multiple %mul3A_137, 512 : i32
      %dma_wait3A_139 = arith.constant 0 : i32
      %dma_wait3A_140 = tpu.memref_slice %arg2[%dma_wait3A_139, %multiple_of3A_133, %multiple_of3A_138] : memref<4x4096x1024xf32, #tpu.memory_space<hbm>> -> memref<4x8x512xf32, #tpu.memory_space<hbm>>
      %dma_wait3A_141 = arith.constant 0 : i32
      %dma_wait3A_142 = tpu.memref_slice %arg2[%dma_wait3A_141, %multiple_of3A_133, %multiple_of3A_138] : memref<4x4096x1024xf32, #tpu.memory_space<hbm>> -> memref<4x8x512xf32, #tpu.memory_space<hbm>>
      tpu.wait_dma2 semaphore(%arg11 : memref<!tpu.dma_semaphore, #tpu.memory_space<semaphore_mem>>) src(%dma_wait3A_142 : memref<4x8x512xf32, #tpu.memory_space<hbm>>) dst(%arg5 : memref<4x8x512xf32, #tpu.memory_space<vmem>>)
      %shift_right_arithmetic3A_143 = arith.constant 1 : i32
      %shift_right_arithmetic3A_144 = arith.shrsi %add3A_106, %shift_right_arithmetic3A_143 : i32
      %mul3A_145 = arith.constant 8 : i32
      %mul3A_146 = arith.muli %shift_right_arithmetic3A_144, %mul3A_145 : i32
      %add3A_147 = arith.addi %mul3A_2, %mul3A_146 : i32
      %jit3A_148 = arith.constant 0 : i32
      %jit3A_149 = arith.constant 4088 : i32
      %max3A_150 = arith.maxsi %jit3A_148, %add3A_147 : i32
      %min3A_151 = arith.minsi %jit3A_149, %max3A_150 : i32
      %multiple_of3A_152 = tpu.assume_multiple %min3A_151, 8 : i32
      %and3A_153 = arith.constant 1 : i32
      %and3A_154 = arith.andi %add3A_106, %and3A_153 : i32
      %mul3A_155 = arith.constant 512 : i32
      %mul3A_156 = arith.muli %and3A_154, %mul3A_155 : i32
      %multiple_of3A_157 = tpu.assume_multiple %mul3A_156, 512 : i32
      %dma_wait3A_158 = tpu.memref_slice %arg3[%multiple_of3A_152, %multiple_of3A_157] : memref<8192x1024xf32, #tpu.memory_space<hbm>> -> memref<8x512xf32, #tpu.memory_space<hbm>>
      %dma_wait3A_159 = tpu.memref_slice %arg3[%multiple_of3A_152, %multiple_of3A_157] : memref<8192x1024xf32, #tpu.memory_space<hbm>> -> memref<8x512xf32, #tpu.memory_space<hbm>>
      tpu.wait_dma2 semaphore(%arg19 : memref<!tpu.dma_semaphore, #tpu.memory_space<semaphore_mem>>) src(%dma_wait3A_159 : memref<8x512xf32, #tpu.memory_space<hbm>>) dst(%arg9 : memref<8x512xf32, #tpu.memory_space<vmem>>)
      %parallel_loop3A = arith.constant 0 : i32
      %parallel_loop3A_160 = arith.constant 32 : i32
      %parallel_loop3A_161 = arith.constant 1 : i32
      scf.for %parallel_loop3A_525 = %parallel_loop3A to %parallel_loop3A_160 step %parallel_loop3A_161  : i32 {
        %parallel_loop3A_526 = arith.constant 16 : i32
        %parallel_loop3A_527 = arith.muli %parallel_loop3A_525, %parallel_loop3A_526 : i32
        %parallel_loop3A_528 = arith.constant 0 : i32
        %parallel_loop3A_529 = arith.index_cast %parallel_loop3A_528 : i32 to index
        %parallel_loop3A_530 = arith.index_cast %parallel_loop3A_527 : i32 to index
        %parallel_loop3A_531 = tpu.vector_load %arg9[%parallel_loop3A_529, %parallel_loop3A_530] {strides = array<i32>} : memref<8x512xf32, #tpu.memory_space<vmem>>, vector<1x16xf32>,
        %parallel_loop3A_532 = vector.shape_cast %parallel_loop3A_531 : vector<1x16xf32> to vector<16xf32>
        %parallel_loop3A_533 = arith.constant 0 : i32
        %parallel_loop3A_534 = arith.constant 0 : i32
        %parallel_loop3A_535 = arith.index_cast %parallel_loop3A_533 : i32 to index
        %parallel_loop3A_536 = arith.index_cast %parallel_loop3A_534 : i32 to index
        %parallel_loop3A_537 = arith.index_cast %parallel_loop3A_527 : i32 to index
        %parallel_loop3A_538 = tpu.vector_load %arg5[%parallel_loop3A_535, %parallel_loop3A_536, %parallel_loop3A_537] {strides = array<i32>} : memref<4x8x512xf32, #tpu.memory_space<vmem>>, vector<1x1x16xf32>,
        %parallel_loop3A_539 = vector.shape_cast %parallel_loop3A_538 : vector<1x1x16xf32> to vector<16xf32>
        %parallel_loop3A_540 = arith.addf %parallel_loop3A_539, %parallel_loop3A_532 : vector<16xf32>
        %parallel_loop3A_541 = arith.constant 0 : i32
        %parallel_loop3A_542 = arith.constant 0 : i32
        %parallel_loop3A_543 = arith.index_cast %parallel_loop3A_541 : i32 to index
        %parallel_loop3A_544 = arith.index_cast %parallel_loop3A_542 : i32 to index
        %parallel_loop3A_545 = arith.index_cast %parallel_loop3A_527 : i32 to index
        %parallel_loop3A_546 = tpu.vector_load %arg5[%parallel_loop3A_543, %parallel_loop3A_544, %parallel_loop3A_545] {strides = array<i32>} : memref<4x8x512xf32, #tpu.memory_space<vmem>>, vector<1x1x16xf32>,
        %parallel_loop3A_547 = vector.shape_cast %parallel_loop3A_546 : vector<1x1x16xf32> to vector<16xf32>
        %parallel_loop3A_548 = vector.shape_cast %parallel_loop3A_540 : vector<16xf32> to vector<1x1x16xf32>
        tpu.vector_store %arg5[%parallel_loop3A_543, %parallel_loop3A_544, %parallel_loop3A_545], %parallel_loop3A_548 {strides = array<i32>} : memref<4x8x512xf32, #tpu.memory_space<vmem>>, vector<1x1x16xf32>,
        %parallel_loop3A_549 = arith.constant 1 : i32
        %parallel_loop3A_550 = arith.constant 0 : i32
        %parallel_loop3A_551 = arith.index_cast %parallel_loop3A_549 : i32 to index
        %parallel_loop3A_552 = arith.index_cast %parallel_loop3A_550 : i32 to index
        %parallel_loop3A_553 = arith.index_cast %parallel_loop3A_527 : i32 to index
        %parallel_loop3A_554 = tpu.vector_load %arg5[%parallel_loop3A_551, %parallel_loop3A_552, %parallel_loop3A_553] {strides = array<i32>} : memref<4x8x512xf32, #tpu.memory_space<vmem>>, vector<1x1x16xf32>,
        %parallel_loop3A_555 = vector.shape_cast %parallel_loop3A_554 : vector<1x1x16xf32> to vector<16xf32>
        %parallel_loop3A_556 = arith.addf %parallel_loop3A_555, %parallel_loop3A_532 : vector<16xf32>
        %parallel_loop3A_557 = arith.constant 1 : i32
        %parallel_loop3A_558 = arith.constant 0 : i32
        %parallel_loop3A_559 = arith.index_cast %parallel_loop3A_557 : i32 to index
        %parallel_loop3A_560 = arith.index_cast %parallel_loop3A_558 : i32 to index
        %parallel_loop3A_561 = arith.index_cast %parallel_loop3A_527 : i32 to index
        %parallel_loop3A_562 = tpu.vector_load %arg5[%parallel_loop3A_559, %parallel_loop3A_560, %parallel_loop3A_561] {strides = array<i32>} : memref<4x8x512xf32, #tpu.memory_space<vmem>>, vector<1x1x16xf32>,
        %parallel_loop3A_563 = vector.shape_cast %parallel_loop3A_562 : vector<1x1x16xf32> to vector<16xf32>
        %parallel_loop3A_564 = vector.shape_cast %parallel_loop3A_556 : vector<16xf32> to vector<1x1x16xf32>
        tpu.vector_store %arg5[%parallel_loop3A_559, %parallel_loop3A_560, %parallel_loop3A_561], %parallel_loop3A_564 {strides = array<i32>} : memref<4x8x512xf32, #tpu.memory_space<vmem>>, vector<1x1x16xf32>,
        %parallel_loop3A_565 = arith.constant 2 : i32
        %parallel_loop3A_566 = arith.constant 0 : i32
        %parallel_loop3A_567 = arith.index_cast %parallel_loop3A_565 : i32 to index
        %parallel_loop3A_568 = arith.index_cast %parallel_loop3A_566 : i32 to index
        %parallel_loop3A_569 = arith.index_cast %parallel_loop3A_527 : i32 to index
        %parallel_loop3A_570 = tpu.vector_load %arg5[%parallel_loop3A_567, %parallel_loop3A_568, %parallel_loop3A_569] {strides = array<i32>} : memref<4x8x512xf32, #tpu.memory_space<vmem>>, vector<1x1x16xf32>,
        %parallel_loop3A_571 = vector.shape_cast %parallel_loop3A_570 : vector<1x1x16xf32> to vector<16xf32>
        %parallel_loop3A_572 = arith.addf %parallel_loop3A_571, %parallel_loop3A_532 : vector<16xf32>
        %parallel_loop3A_573 = arith.constant 2 : i32
        %parallel_loop3A_574 = arith.constant 0 : i32
        %parallel_loop3A_575 = arith.index_cast %parallel_loop3A_573 : i32 to index
        %parallel_loop3A_576 = arith.index_cast %parallel_loop3A_574 : i32 to index
        %parallel_loop3A_577 = arith.index_cast %parallel_loop3A_527 : i32 to index
        %parallel_loop3A_578 = tpu.vector_load %arg5[%parallel_loop3A_575, %parallel_loop3A_576, %parallel_loop3A_577] {strides = array<i32>} : memref<4x8x512xf32, #tpu.memory_space<vmem>>, vector<1x1x16xf32>,
        %parallel_loop3A_579 = vector.shape_cast %parallel_loop3A_578 : vector<1x1x16xf32> to vector<16xf32>
        %parallel_loop3A_580 = vector.shape_cast %parallel_loop3A_572 : vector<16xf32> to vector<1x1x16xf32>
        tpu.vector_store %arg5[%parallel_loop3A_575, %parallel_loop3A_576, %parallel_loop3A_577], %parallel_loop3A_580 {strides = array<i32>} : memref<4x8x512xf32, #tpu.memory_space<vmem>>, vector<1x1x16xf32>,
        %parallel_loop3A_581 = arith.constant 3 : i32
        %parallel_loop3A_582 = arith.constant 0 : i32
        %parallel_loop3A_583 = arith.index_cast %parallel_loop3A_581 : i32 to index
        %parallel_loop3A_584 = arith.index_cast %parallel_loop3A_582 : i32 to index
        %parallel_loop3A_585 = arith.index_cast %parallel_loop3A_527 : i32 to index
        %parallel_loop3A_586 = tpu.vector_load %arg5[%parallel_loop3A_583, %parallel_loop3A_584, %parallel_loop3A_585] {strides = array<i32>} : memref<4x8x512xf32, #tpu.memory_space<vmem>>, vector<1x1x16xf32>,
        %parallel_loop3A_587 = vector.shape_cast %parallel_loop3A_586 : vector<1x1x16xf32> to vector<16xf32>
        %parallel_loop3A_588 = arith.addf %parallel_loop3A_587, %parallel_loop3A_532 : vector<16xf32>
        %parallel_loop3A_589 = arith.constant 3 : i32
        %parallel_loop3A_590 = arith.constant 0 : i32
        %parallel_loop3A_591 = arith.index_cast %parallel_loop3A_589 : i32 to index
        %parallel_loop3A_592 = arith.index_cast %parallel_loop3A_590 : i32 to index
        %parallel_loop3A_593 = arith.index_cast %parallel_loop3A_527 : i32 to index
        %parallel_loop3A_594 = tpu.vector_load %arg5[%parallel_loop3A_591, %parallel_loop3A_592, %parallel_loop3A_593] {strides = array<i32>} : memref<4x8x512xf32, #tpu.memory_space<vmem>>, vector<1x1x16xf32>,
        %parallel_loop3A_595 = vector.shape_cast %parallel_loop3A_594 : vector<1x1x16xf32> to vector<16xf32>
        %parallel_loop3A_596 = vector.shape_cast %parallel_loop3A_588 : vector<16xf32> to vector<1x1x16xf32>
        tpu.vector_store %arg5[%parallel_loop3A_591, %parallel_loop3A_592, %parallel_loop3A_593], %parallel_loop3A_596 {strides = array<i32>} : memref<4x8x512xf32, #tpu.memory_space<vmem>>, vector<1x1x16xf32>,
        %parallel_loop3A_597 = arith.constant 1 : i32
        %parallel_loop3A_598 = arith.index_cast %parallel_loop3A_597 : i32 to index
        %parallel_loop3A_599 = arith.index_cast %parallel_loop3A_527 : i32 to index
        %parallel_loop3A_600 = tpu.vector_load %arg9[%parallel_loop3A_598, %parallel_loop3A_599] {strides = array<i32>} : memref<8x512xf32, #tpu.memory_space<vmem>>, vector<1x16xf32>,
        %parallel_loop3A_601 = vector.shape_cast %parallel_loop3A_600 : vector<1x16xf32> to vector<16xf32>
        %parallel_loop3A_602 = arith.constant 0 : i32
        %parallel_loop3A_603 = arith.constant 1 : i32
        %parallel_loop3A_604 = arith.index_cast %parallel_loop3A_602 : i32 to index
        %parallel_loop3A_605 = arith.index_cast %parallel_loop3A_603 : i32 to index
        %parallel_loop3A_606 = arith.index_cast %parallel_loop3A_527 : i32 to index
        %parallel_loop3A_607 = tpu.vector_load %arg5[%parallel_loop3A_604, %parallel_loop3A_605, %parallel_loop3A_606] {strides = array<i32>} : memref<4x8x512xf32, #tpu.memory_space<vmem>>, vector<1x1x16xf32>,
        %parallel_loop3A_608 = vector.shape_cast %parallel_loop3A_607 : vector<1x1x16xf32> to vector<16xf32>
        %parallel_loop3A_609 = arith.addf %parallel_loop3A_608, %parallel_loop3A_601 : vector<16xf32>
        %parallel_loop3A_610 = arith.constant 0 : i32
        %parallel_loop3A_611 = arith.constant 1 : i32
        %parallel_loop3A_612 = arith.index_cast %parallel_loop3A_610 : i32 to index
        %parallel_loop3A_613 = arith.index_cast %parallel_loop3A_611 : i32 to index
        %parallel_loop3A_614 = arith.index_cast %parallel_loop3A_527 : i32 to index
        %parallel_loop3A_615 = tpu.vector_load %arg5[%parallel_loop3A_612, %parallel_loop3A_613, %parallel_loop3A_614] {strides = array<i32>} : memref<4x8x512xf32, #tpu.memory_space<vmem>>, vector<1x1x16xf32>,
        %parallel_loop3A_616 = vector.shape_cast %parallel_loop3A_615 : vector<1x1x16xf32> to vector<16xf32>
        %parallel_loop3A_617 = vector.shape_cast %parallel_loop3A_609 : vector<16xf32> to vector<1x1x16xf32>
        tpu.vector_store %arg5[%parallel_loop3A_612, %parallel_loop3A_613, %parallel_loop3A_614], %parallel_loop3A_617 {strides = array<i32>} : memref<4x8x512xf32, #tpu.memory_space<vmem>>, vector<1x1x16xf32>,
        %parallel_loop3A_618 = arith.constant 1 : i32
        %parallel_loop3A_619 = arith.constant 1 : i32
        %parallel_loop3A_620 = arith.index_cast %parallel_loop3A_618 : i32 to index
        %parallel_loop3A_621 = arith.index_cast %parallel_loop3A_619 : i32 to index
        %parallel_loop3A_622 = arith.index_cast %parallel_loop3A_527 : i32 to index
        %parallel_loop3A_623 = tpu.vector_load %arg5[%parallel_loop3A_620, %parallel_loop3A_621, %parallel_loop3A_622] {strides = array<i32>} : memref<4x8x512xf32, #tpu.memory_space<vmem>>, vector<1x1x16xf32>,
        %parallel_loop3A_624 = vector.shape_cast %parallel_loop3A_623 : vector<1x1x16xf32> to vector<16xf32>
        %parallel_loop3A_625 = arith.addf %parallel_loop3A_624, %parallel_loop3A_601 : vector<16xf32>
        %parallel_loop3A_626 = arith.constant 1 : i32
        %parallel_loop3A_627 = arith.constant 1 : i32
        %parallel_loop3A_628 = arith.index_cast %parallel_loop3A_626 : i32 to index
        %parallel_loop3A_629 = arith.index_cast %parallel_loop3A_627 : i32 to index
        %parallel_loop3A_630 = arith.index_cast %parallel_loop3A_527 : i32 to index
        %parallel_loop3A_631 = tpu.vector_load %arg5[%parallel_loop3A_628, %parallel_loop3A_629, %parallel_loop3A_630] {strides = array<i32>} : memref<4x8x512xf32, #tpu.memory_space<vmem>>, vector<1x1x16xf32>,
        %parallel_loop3A_632 = vector.shape_cast %parallel_loop3A_631 : vector<1x1x16xf32> to vector<16xf32>
        %parallel_loop3A_633 = vector.shape_cast %parallel_loop3A_625 : vector<16xf32> to vector<1x1x16xf32>
        tpu.vector_store %arg5[%parallel_loop3A_628, %parallel_loop3A_629, %parallel_loop3A_630], %parallel_loop3A_633 {strides = array<i32>} : memref<4x8x512xf32, #tpu.memory_space<vmem>>, vector<1x1x16xf32>,
        %parallel_loop3A_634 = arith.constant 2 : i32
        %parallel_loop3A_635 = arith.constant 1 : i32
        %parallel_loop3A_636 = arith.index_cast %parallel_loop3A_634 : i32 to index
        %parallel_loop3A_637 = arith.index_cast %parallel_loop3A_635 : i32 to index
        %parallel_loop3A_638 = arith.index_cast %parallel_loop3A_527 : i32 to index
        %parallel_loop3A_639 = tpu.vector_load %arg5[%parallel_loop3A_636, %parallel_loop3A_637, %parallel_loop3A_638] {strides = array<i32>} : memref<4x8x512xf32, #tpu.memory_space<vmem>>, vector<1x1x16xf32>,
        %parallel_loop3A_640 = vector.shape_cast %parallel_loop3A_639 : vector<1x1x16xf32> to vector<16xf32>
        %parallel_loop3A_641 = arith.addf %parallel_loop3A_640, %parallel_loop3A_601 : vector<16xf32>
        %parallel_loop3A_642 = arith.constant 2 : i32
        %parallel_loop3A_643 = arith.constant 1 : i32
        %parallel_loop3A_644 = arith.index_cast %parallel_loop3A_642 : i32 to index
        %parallel_loop3A_645 = arith.index_cast %parallel_loop3A_643 : i32 to index
        %parallel_loop3A_646 = arith.index_cast %parallel_loop3A_527 : i32 to index
        %parallel_loop3A_647 = tpu.vector_load %arg5[%parallel_loop3A_644, %parallel_loop3A_645, %parallel_loop3A_646] {strides = array<i32>} : memref<4x8x512xf32, #tpu.memory_space<vmem>>, vector<1x1x16xf32>,
        %parallel_loop3A_648 = vector.shape_cast %parallel_loop3A_647 : vector<1x1x16xf32> to vector<16xf32>
        %parallel_loop3A_649 = vector.shape_cast %parallel_loop3A_641 : vector<16xf32> to vector<1x1x16xf32>
        tpu.vector_store %arg5[%parallel_loop3A_644, %parallel_loop3A_645, %parallel_loop3A_646], %parallel_loop3A_649 {strides = array<i32>} : memref<4x8x512xf32, #tpu.memory_space<vmem>>, vector<1x1x16xf32>,
        %parallel_loop3A_650 = arith.constant 3 : i32
        %parallel_loop3A_651 = arith.constant 1 : i32
        %parallel_loop3A_652 = arith.index_cast %parallel_loop3A_650 : i32 to index
        %parallel_loop3A_653 = arith.index_cast %parallel_loop3A_651 : i32 to index
        %parallel_loop3A_654 = arith.index_cast %parallel_loop3A_527 : i32 to index
        %parallel_loop3A_655 = tpu.vector_load %arg5[%parallel_loop3A_652, %parallel_loop3A_653, %parallel_loop3A_654] {strides = array<i32>} : memref<4x8x512xf32, #tpu.memory_space<vmem>>, vector<1x1x16xf32>,
        %parallel_loop3A_656 = vector.shape_cast %parallel_loop3A_655 : vector<1x1x16xf32> to vector<16xf32>
        %parallel_loop3A_657 = arith.addf %parallel_loop3A_656, %parallel_loop3A_601 : vector<16xf32>
        %parallel_loop3A_658 = arith.constant 3 : i32
        %parallel_loop3A_659 = arith.constant 1 : i32
        %parallel_loop3A_660 = arith.index_cast %parallel_loop3A_658 : i32 to index
        %parallel_loop3A_661 = arith.index_cast %parallel_loop3A_659 : i32 to index
        %parallel_loop3A_662 = arith.index_cast %parallel_loop3A_527 : i32 to index
        %parallel_loop3A_663 = tpu.vector_load %arg5[%parallel_loop3A_660, %parallel_loop3A_661, %parallel_loop3A_662] {strides = array<i32>} : memref<4x8x512xf32, #tpu.memory_space<vmem>>, vector<1x1x16xf32>,
        %parallel_loop3A_664 = vector.shape_cast %parallel_loop3A_663 : vector<1x1x16xf32> to vector<16xf32>
        %parallel_loop3A_665 = vector.shape_cast %parallel_loop3A_657 : vector<16xf32> to vector<1x1x16xf32>
        tpu.vector_store %arg5[%parallel_loop3A_660, %parallel_loop3A_661, %parallel_loop3A_662], %parallel_loop3A_665 {strides = array<i32>} : memref<4x8x512xf32, #tpu.memory_space<vmem>>, vector<1x1x16xf32>,
        %parallel_loop3A_666 = arith.constant 2 : i32
        %parallel_loop3A_667 = arith.index_cast %parallel_loop3A_666 : i32 to index
        %parallel_loop3A_668 = arith.index_cast %parallel_loop3A_527 : i32 to index
        %parallel_loop3A_669 = tpu.vector_load %arg9[%parallel_loop3A_667, %parallel_loop3A_668] {strides = array<i32>} : memref<8x512xf32, #tpu.memory_space<vmem>>, vector<1x16xf32>,
        %parallel_loop3A_670 = vector.shape_cast %parallel_loop3A_669 : vector<1x16xf32> to vector<16xf32>
        %parallel_loop3A_671 = arith.constant 0 : i32
        %parallel_loop3A_672 = arith.constant 2 : i32
        %parallel_loop3A_673 = arith.index_cast %parallel_loop3A_671 : i32 to index
        %parallel_loop3A_674 = arith.index_cast %parallel_loop3A_672 : i32 to index
        %parallel_loop3A_675 = arith.index_cast %parallel_loop3A_527 : i32 to index
        %parallel_loop3A_676 = tpu.vector_load %arg5[%parallel_loop3A_673, %parallel_loop3A_674, %parallel_loop3A_675] {strides = array<i32>} : memref<4x8x512xf32, #tpu.memory_space<vmem>>, vector<1x1x16xf32>,
        %parallel_loop3A_677 = vector.shape_cast %parallel_loop3A_676 : vector<1x1x16xf32> to vector<16xf32>
        %parallel_loop3A_678 = arith.addf %parallel_loop3A_677, %parallel_loop3A_670 : vector<16xf32>
        %parallel_loop3A_679 = arith.constant 0 : i32
        %parallel_loop3A_680 = arith.constant 2 : i32
        %parallel_loop3A_681 = arith.index_cast %parallel_loop3A_679 : i32 to index
        %parallel_loop3A_682 = arith.index_cast %parallel_loop3A_680 : i32 to index
        %parallel_loop3A_683 = arith.index_cast %parallel_loop3A_527 : i32 to index
        %parallel_loop3A_684 = tpu.vector_load %arg5[%parallel_loop3A_681, %parallel_loop3A_682, %parallel_loop3A_683] {strides = array<i32>} : memref<4x8x512xf32, #tpu.memory_space<vmem>>, vector<1x1x16xf32>,
        %parallel_loop3A_685 = vector.shape_cast %parallel_loop3A_684 : vector<1x1x16xf32> to vector<16xf32>
        %parallel_loop3A_686 = vector.shape_cast %parallel_loop3A_678 : vector<16xf32> to vector<1x1x16xf32>
        tpu.vector_store %arg5[%parallel_loop3A_681, %parallel_loop3A_682, %parallel_loop3A_683], %parallel_loop3A_686 {strides = array<i32>} : memref<4x8x512xf32, #tpu.memory_space<vmem>>, vector<1x1x16xf32>,
        %parallel_loop3A_687 = arith.constant 1 : i32
        %parallel_loop3A_688 = arith.constant 2 : i32
        %parallel_loop3A_689 = arith.index_cast %parallel_loop3A_687 : i32 to index
        %parallel_loop3A_690 = arith.index_cast %parallel_loop3A_688 : i32 to index
        %parallel_loop3A_691 = arith.index_cast %parallel_loop3A_527 : i32 to index
        %parallel_loop3A_692 = tpu.vector_load %arg5[%parallel_loop3A_689, %parallel_loop3A_690, %parallel_loop3A_691] {strides = array<i32>} : memref<4x8x512xf32, #tpu.memory_space<vmem>>, vector<1x1x16xf32>,
        %parallel_loop3A_693 = vector.shape_cast %parallel_loop3A_692 : vector<1x1x16xf32> to vector<16xf32>
        %parallel_loop3A_694 = arith.addf %parallel_loop3A_693, %parallel_loop3A_670 : vector<16xf32>
        %parallel_loop3A_695 = arith.constant 1 : i32
        %parallel_loop3A_696 = arith.constant 2 : i32
        %parallel_loop3A_697 = arith.index_cast %parallel_loop3A_695 : i32 to index
        %parallel_loop3A_698 = arith.index_cast %parallel_loop3A_696 : i32 to index
        %parallel_loop3A_699 = arith.index_cast %parallel_loop3A_527 : i32 to index
        %parallel_loop3A_700 = tpu.vector_load %arg5[%parallel_loop3A_697, %parallel_loop3A_698, %parallel_loop3A_699] {strides = array<i32>} : memref<4x8x512xf32, #tpu.memory_space<vmem>>, vector<1x1x16xf32>,
        %parallel_loop3A_701 = vector.shape_cast %parallel_loop3A_700 : vector<1x1x16xf32> to vector<16xf32>
        %parallel_loop3A_702 = vector.shape_cast %parallel_loop3A_694 : vector<16xf32> to vector<1x1x16xf32>
        tpu.vector_store %arg5[%parallel_loop3A_697, %parallel_loop3A_698, %parallel_loop3A_699], %parallel_loop3A_702 {strides = array<i32>} : memref<4x8x512xf32, #tpu.memory_space<vmem>>, vector<1x1x16xf32>,
        %parallel_loop3A_703 = arith.constant 2 : i32
        %parallel_loop3A_704 = arith.constant 2 : i32
        %parallel_loop3A_705 = arith.index_cast %parallel_loop3A_703 : i32 to index
        %parallel_loop3A_706 = arith.index_cast %parallel_loop3A_704 : i32 to index
        %parallel_loop3A_707 = arith.index_cast %parallel_loop3A_527 : i32 to index
        %parallel_loop3A_708 = tpu.vector_load %arg5[%parallel_loop3A_705, %parallel_loop3A_706, %parallel_loop3A_707] {strides = array<i32>} : memref<4x8x512xf32, #tpu.memory_space<vmem>>, vector<1x1x16xf32>,
        %parallel_loop3A_709 = vector.shape_cast %parallel_loop3A_708 : vector<1x1x16xf32> to vector<16xf32>
        %parallel_loop3A_710 = arith.addf %parallel_loop3A_709, %parallel_loop3A_670 : vector<16xf32>
        %parallel_loop3A_711 = arith.constant 2 : i32
        %parallel_loop3A_712 = arith.constant 2 : i32
        %parallel_loop3A_713 = arith.index_cast %parallel_loop3A_711 : i32 to index
        %parallel_loop3A_714 = arith.index_cast %parallel_loop3A_712 : i32 to index
        %parallel_loop3A_715 = arith.index_cast %parallel_loop3A_527 : i32 to index
        %parallel_loop3A_716 = tpu.vector_load %arg5[%parallel_loop3A_713, %parallel_loop3A_714, %parallel_loop3A_715] {strides = array<i32>} : memref<4x8x512xf32, #tpu.memory_space<vmem>>, vector<1x1x16xf32>,
        %parallel_loop3A_717 = vector.shape_cast %parallel_loop3A_716 : vector<1x1x16xf32> to vector<16xf32>
        %parallel_loop3A_718 = vector.shape_cast %parallel_loop3A_710 : vector<16xf32> to vector<1x1x16xf32>
        tpu.vector_store %arg5[%parallel_loop3A_713, %parallel_loop3A_714, %parallel_loop3A_715], %parallel_loop3A_718 {strides = array<i32>} : memref<4x8x512xf32, #tpu.memory_space<vmem>>, vector<1x1x16xf32>,
        %parallel_loop3A_719 = arith.constant 3 : i32
        %parallel_loop3A_720 = arith.constant 2 : i32
        %parallel_loop3A_721 = arith.index_cast %parallel_loop3A_719 : i32 to index
        %parallel_loop3A_722 = arith.index_cast %parallel_loop3A_720 : i32 to index
        %parallel_loop3A_723 = arith.index_cast %parallel_loop3A_527 : i32 to index
        %parallel_loop3A_724 = tpu.vector_load %arg5[%parallel_loop3A_721, %parallel_loop3A_722, %parallel_loop3A_723] {strides = array<i32>} : memref<4x8x512xf32, #tpu.memory_space<vmem>>, vector<1x1x16xf32>,
        %parallel_loop3A_725 = vector.shape_cast %parallel_loop3A_724 : vector<1x1x16xf32> to vector<16xf32>
        %parallel_loop3A_726 = arith.addf %parallel_loop3A_725, %parallel_loop3A_670 : vector<16xf32>
        %parallel_loop3A_727 = arith.constant 3 : i32
        %parallel_loop3A_728 = arith.constant 2 : i32
        %parallel_loop3A_729 = arith.index_cast %parallel_loop3A_727 : i32 to index
        %parallel_loop3A_730 = arith.index_cast %parallel_loop3A_728 : i32 to index
        %parallel_loop3A_731 = arith.index_cast %parallel_loop3A_527 : i32 to index
        %parallel_loop3A_732 = tpu.vector_load %arg5[%parallel_loop3A_729, %parallel_loop3A_730, %parallel_loop3A_731] {strides = array<i32>} : memref<4x8x512xf32, #tpu.memory_space<vmem>>, vector<1x1x16xf32>,
        %parallel_loop3A_733 = vector.shape_cast %parallel_loop3A_732 : vector<1x1x16xf32> to vector<16xf32>
        %parallel_loop3A_734 = vector.shape_cast %parallel_loop3A_726 : vector<16xf32> to vector<1x1x16xf32>
        tpu.vector_store %arg5[%parallel_loop3A_729, %parallel_loop3A_730, %parallel_loop3A_731], %parallel_loop3A_734 {strides = array<i32>} : memref<4x8x512xf32, #tpu.memory_space<vmem>>, vector<1x1x16xf32>,
        %parallel_loop3A_735 = arith.constant 3 : i32
        %parallel_loop3A_736 = arith.index_cast %parallel_loop3A_735 : i32 to index
        %parallel_loop3A_737 = arith.index_cast %parallel_loop3A_527 : i32 to index
        %parallel_loop3A_738 = tpu.vector_load %arg9[%parallel_loop3A_736, %parallel_loop3A_737] {strides = array<i32>} : memref<8x512xf32, #tpu.memory_space<vmem>>, vector<1x16xf32>,
        %parallel_loop3A_739 = vector.shape_cast %parallel_loop3A_738 : vector<1x16xf32> to vector<16xf32>
        %parallel_loop3A_740 = arith.constant 0 : i32
        %parallel_loop3A_741 = arith.constant 3 : i32
        %parallel_loop3A_742 = arith.index_cast %parallel_loop3A_740 : i32 to index
        %parallel_loop3A_743 = arith.index_cast %parallel_loop3A_741 : i32 to index
        %parallel_loop3A_744 = arith.index_cast %parallel_loop3A_527 : i32 to index
        %parallel_loop3A_745 = tpu.vector_load %arg5[%parallel_loop3A_742, %parallel_loop3A_743, %parallel_loop3A_744] {strides = array<i32>} : memref<4x8x512xf32, #tpu.memory_space<vmem>>, vector<1x1x16xf32>,
        %parallel_loop3A_746 = vector.shape_cast %parallel_loop3A_745 : vector<1x1x16xf32> to vector<16xf32>
        %parallel_loop3A_747 = arith.addf %parallel_loop3A_746, %parallel_loop3A_739 : vector<16xf32>
        %parallel_loop3A_748 = arith.constant 0 : i32
        %parallel_loop3A_749 = arith.constant 3 : i32
        %parallel_loop3A_750 = arith.index_cast %parallel_loop3A_748 : i32 to index
        %parallel_loop3A_751 = arith.index_cast %parallel_loop3A_749 : i32 to index
        %parallel_loop3A_752 = arith.index_cast %parallel_loop3A_527 : i32 to index
        %parallel_loop3A_753 = tpu.vector_load %arg5[%parallel_loop3A_750, %parallel_loop3A_751, %parallel_loop3A_752] {strides = array<i32>} : memref<4x8x512xf32, #tpu.memory_space<vmem>>, vector<1x1x16xf32>,
        %parallel_loop3A_754 = vector.shape_cast %parallel_loop3A_753 : vector<1x1x16xf32> to vector<16xf32>
        %parallel_loop3A_755 = vector.shape_cast %parallel_loop3A_747 : vector<16xf32> to vector<1x1x16xf32>
        tpu.vector_store %arg5[%parallel_loop3A_750, %parallel_loop3A_751, %parallel_loop3A_752], %parallel_loop3A_755 {strides = array<i32>} : memref<4x8x512xf32, #tpu.memory_space<vmem>>, vector<1x1x16xf32>,
        %parallel_loop3A_756 = arith.constant 1 : i32
        %parallel_loop3A_757 = arith.constant 3 : i32
        %parallel_loop3A_758 = arith.index_cast %parallel_loop3A_756 : i32 to index
        %parallel_loop3A_759 = arith.index_cast %parallel_loop3A_757 : i32 to index
        %parallel_loop3A_760 = arith.index_cast %parallel_loop3A_527 : i32 to index
        %parallel_loop3A_761 = tpu.vector_load %arg5[%parallel_loop3A_758, %parallel_loop3A_759, %parallel_loop3A_760] {strides = array<i32>} : memref<4x8x512xf32, #tpu.memory_space<vmem>>, vector<1x1x16xf32>,
        %parallel_loop3A_762 = vector.shape_cast %parallel_loop3A_761 : vector<1x1x16xf32> to vector<16xf32>
        %parallel_loop3A_763 = arith.addf %parallel_loop3A_762, %parallel_loop3A_739 : vector<16xf32>
        %parallel_loop3A_764 = arith.constant 1 : i32
        %parallel_loop3A_765 = arith.constant 3 : i32
        %parallel_loop3A_766 = arith.index_cast %parallel_loop3A_764 : i32 to index
        %parallel_loop3A_767 = arith.index_cast %parallel_loop3A_765 : i32 to index
        %parallel_loop3A_768 = arith.index_cast %parallel_loop3A_527 : i32 to index
        %parallel_loop3A_769 = tpu.vector_load %arg5[%parallel_loop3A_766, %parallel_loop3A_767, %parallel_loop3A_768] {strides = array<i32>} : memref<4x8x512xf32, #tpu.memory_space<vmem>>, vector<1x1x16xf32>,
        %parallel_loop3A_770 = vector.shape_cast %parallel_loop3A_769 : vector<1x1x16xf32> to vector<16xf32>
        %parallel_loop3A_771 = vector.shape_cast %parallel_loop3A_763 : vector<16xf32> to vector<1x1x16xf32>
        tpu.vector_store %arg5[%parallel_loop3A_766, %parallel_loop3A_767, %parallel_loop3A_768], %parallel_loop3A_771 {strides = array<i32>} : memref<4x8x512xf32, #tpu.memory_space<vmem>>, vector<1x1x16xf32>,
        %parallel_loop3A_772 = arith.constant 2 : i32
        %parallel_loop3A_773 = arith.constant 3 : i32
        %parallel_loop3A_774 = arith.index_cast %parallel_loop3A_772 : i32 to index
        %parallel_loop3A_775 = arith.index_cast %parallel_loop3A_773 : i32 to index
        %parallel_loop3A_776 = arith.index_cast %parallel_loop3A_527 : i32 to index
        %parallel_loop3A_777 = tpu.vector_load %arg5[%parallel_loop3A_774, %parallel_loop3A_775, %parallel_loop3A_776] {strides = array<i32>} : memref<4x8x512xf32, #tpu.memory_space<vmem>>, vector<1x1x16xf32>,
        %parallel_loop3A_778 = vector.shape_cast %parallel_loop3A_777 : vector<1x1x16xf32> to vector<16xf32>
        %parallel_loop3A_779 = arith.addf %parallel_loop3A_778, %parallel_loop3A_739 : vector<16xf32>
        %parallel_loop3A_780 = arith.constant 2 : i32
        %parallel_loop3A_781 = arith.constant 3 : i32
        %parallel_loop3A_782 = arith.index_cast %parallel_loop3A_780 : i32 to index
        %parallel_loop3A_783 = arith.index_cast %parallel_loop3A_781 : i32 to index
        %parallel_loop3A_784 = arith.index_cast %parallel_loop3A_527 : i32 to index
        %parallel_loop3A_785 = tpu.vector_load %arg5[%parallel_loop3A_782, %parallel_loop3A_783, %parallel_loop3A_784] {strides = array<i32>} : memref<4x8x512xf32, #tpu.memory_space<vmem>>, vector<1x1x16xf32>,
        %parallel_loop3A_786 = vector.shape_cast %parallel_loop3A_785 : vector<1x1x16xf32> to vector<16xf32>
        %parallel_loop3A_787 = vector.shape_cast %parallel_loop3A_779 : vector<16xf32> to vector<1x1x16xf32>
        tpu.vector_store %arg5[%parallel_loop3A_782, %parallel_loop3A_783, %parallel_loop3A_784], %parallel_loop3A_787 {strides = array<i32>} : memref<4x8x512xf32, #tpu.memory_space<vmem>>, vector<1x1x16xf32>,
        %parallel_loop3A_788 = arith.constant 3 : i32
        %parallel_loop3A_789 = arith.constant 3 : i32
        %parallel_loop3A_790 = arith.index_cast %parallel_loop3A_788 : i32 to index
        %parallel_loop3A_791 = arith.index_cast %parallel_loop3A_789 : i32 to index
        %parallel_loop3A_792 = arith.index_cast %parallel_loop3A_527 : i32 to index
        %parallel_loop3A_793 = tpu.vector_load %arg5[%parallel_loop3A_790, %parallel_loop3A_791, %parallel_loop3A_792] {strides = array<i32>} : memref<4x8x512xf32, #tpu.memory_space<vmem>>, vector<1x1x16xf32>,
        %parallel_loop3A_794 = vector.shape_cast %parallel_loop3A_793 : vector<1x1x16xf32> to vector<16xf32>
        %parallel_loop3A_795 = arith.addf %parallel_loop3A_794, %parallel_loop3A_739 : vector<16xf32>
        %parallel_loop3A_796 = arith.constant 3 : i32
        %parallel_loop3A_797 = arith.constant 3 : i32
        %parallel_loop3A_798 = arith.index_cast %parallel_loop3A_796 : i32 to index
        %parallel_loop3A_799 = arith.index_cast %parallel_loop3A_797 : i32 to index
        %parallel_loop3A_800 = arith.index_cast %parallel_loop3A_527 : i32 to index
        %parallel_loop3A_801 = tpu.vector_load %arg5[%parallel_loop3A_798, %parallel_loop3A_799, %parallel_loop3A_800] {strides = array<i32>} : memref<4x8x512xf32, #tpu.memory_space<vmem>>, vector<1x1x16xf32>,
        %parallel_loop3A_802 = vector.shape_cast %parallel_loop3A_801 : vector<1x1x16xf32> to vector<16xf32>
        %parallel_loop3A_803 = vector.shape_cast %parallel_loop3A_795 : vector<16xf32> to vector<1x1x16xf32>
        tpu.vector_store %arg5[%parallel_loop3A_798, %parallel_loop3A_799, %parallel_loop3A_800], %parallel_loop3A_803 {strides = array<i32>} : memref<4x8x512xf32, #tpu.memory_space<vmem>>, vector<1x1x16xf32>,
        %parallel_loop3A_804 = arith.constant 4 : i32
        %parallel_loop3A_805 = arith.index_cast %parallel_loop3A_804 : i32 to index
        %parallel_loop3A_806 = arith.index_cast %parallel_loop3A_527 : i32 to index
        %parallel_loop3A_807 = tpu.vector_load %arg9[%parallel_loop3A_805, %parallel_loop3A_806] {strides = array<i32>} : memref<8x512xf32, #tpu.memory_space<vmem>>, vector<1x16xf32>,
        %parallel_loop3A_808 = vector.shape_cast %parallel_loop3A_807 : vector<1x16xf32> to vector<16xf32>
        %parallel_loop3A_809 = arith.constant 0 : i32
        %parallel_loop3A_810 = arith.constant 4 : i32
        %parallel_loop3A_811 = arith.index_cast %parallel_loop3A_809 : i32 to index
        %parallel_loop3A_812 = arith.index_cast %parallel_loop3A_810 : i32 to index
        %parallel_loop3A_813 = arith.index_cast %parallel_loop3A_527 : i32 to index
        %parallel_loop3A_814 = tpu.vector_load %arg5[%parallel_loop3A_811, %parallel_loop3A_812, %parallel_loop3A_813] {strides = array<i32>} : memref<4x8x512xf32, #tpu.memory_space<vmem>>, vector<1x1x16xf32>,
        %parallel_loop3A_815 = vector.shape_cast %parallel_loop3A_814 : vector<1x1x16xf32> to vector<16xf32>
        %parallel_loop3A_816 = arith.addf %parallel_loop3A_815, %parallel_loop3A_808 : vector<16xf32>
        %parallel_loop3A_817 = arith.constant 0 : i32
        %parallel_loop3A_818 = arith.constant 4 : i32
        %parallel_loop3A_819 = arith.index_cast %parallel_loop3A_817 : i32 to index
        %parallel_loop3A_820 = arith.index_cast %parallel_loop3A_818 : i32 to index
        %parallel_loop3A_821 = arith.index_cast %parallel_loop3A_527 : i32 to index
        %parallel_loop3A_822 = tpu.vector_load %arg5[%parallel_loop3A_819, %parallel_loop3A_820, %parallel_loop3A_821] {strides = array<i32>} : memref<4x8x512xf32, #tpu.memory_space<vmem>>, vector<1x1x16xf32>,
        %parallel_loop3A_823 = vector.shape_cast %parallel_loop3A_822 : vector<1x1x16xf32> to vector<16xf32>
        %parallel_loop3A_824 = vector.shape_cast %parallel_loop3A_816 : vector<16xf32> to vector<1x1x16xf32>
        tpu.vector_store %arg5[%parallel_loop3A_819, %parallel_loop3A_820, %parallel_loop3A_821], %parallel_loop3A_824 {strides = array<i32>} : memref<4x8x512xf32, #tpu.memory_space<vmem>>, vector<1x1x16xf32>,
        %parallel_loop3A_825 = arith.constant 1 : i32
        %parallel_loop3A_826 = arith.constant 4 : i32
        %parallel_loop3A_827 = arith.index_cast %parallel_loop3A_825 : i32 to index
        %parallel_loop3A_828 = arith.index_cast %parallel_loop3A_826 : i32 to index
        %parallel_loop3A_829 = arith.index_cast %parallel_loop3A_527 : i32 to index
        %parallel_loop3A_830 = tpu.vector_load %arg5[%parallel_loop3A_827, %parallel_loop3A_828, %parallel_loop3A_829] {strides = array<i32>} : memref<4x8x512xf32, #tpu.memory_space<vmem>>, vector<1x1x16xf32>,
        %parallel_loop3A_831 = vector.shape_cast %parallel_loop3A_830 : vector<1x1x16xf32> to vector<16xf32>
        %parallel_loop3A_832 = arith.addf %parallel_loop3A_831, %parallel_loop3A_808 : vector<16xf32>
        %parallel_loop3A_833 = arith.constant 1 : i32
        %parallel_loop3A_834 = arith.constant 4 : i32
        %parallel_loop3A_835 = arith.index_cast %parallel_loop3A_833 : i32 to index
        %parallel_loop3A_836 = arith.index_cast %parallel_loop3A_834 : i32 to index
        %parallel_loop3A_837 = arith.index_cast %parallel_loop3A_527 : i32 to index
        %parallel_loop3A_838 = tpu.vector_load %arg5[%parallel_loop3A_835, %parallel_loop3A_836, %parallel_loop3A_837] {strides = array<i32>} : memref<4x8x512xf32, #tpu.memory_space<vmem>>, vector<1x1x16xf32>,
        %parallel_loop3A_839 = vector.shape_cast %parallel_loop3A_838 : vector<1x1x16xf32> to vector<16xf32>
        %parallel_loop3A_840 = vector.shape_cast %parallel_loop3A_832 : vector<16xf32> to vector<1x1x16xf32>
        tpu.vector_store %arg5[%parallel_loop3A_835, %parallel_loop3A_836, %parallel_loop3A_837], %parallel_loop3A_840 {strides = array<i32>} : memref<4x8x512xf32, #tpu.memory_space<vmem>>, vector<1x1x16xf32>,
        %parallel_loop3A_841 = arith.constant 2 : i32
        %parallel_loop3A_842 = arith.constant 4 : i32
        %parallel_loop3A_843 = arith.index_cast %parallel_loop3A_841 : i32 to index
        %parallel_loop3A_844 = arith.index_cast %parallel_loop3A_842 : i32 to index
        %parallel_loop3A_845 = arith.index_cast %parallel_loop3A_527 : i32 to index
        %parallel_loop3A_846 = tpu.vector_load %arg5[%parallel_loop3A_843, %parallel_loop3A_844, %parallel_loop3A_845] {strides = array<i32>} : memref<4x8x512xf32, #tpu.memory_space<vmem>>, vector<1x1x16xf32>,
        %parallel_loop3A_847 = vector.shape_cast %parallel_loop3A_846 : vector<1x1x16xf32> to vector<16xf32>
        %parallel_loop3A_848 = arith.addf %parallel_loop3A_847, %parallel_loop3A_808 : vector<16xf32>
        %parallel_loop3A_849 = arith.constant 2 : i32
        %parallel_loop3A_850 = arith.constant 4 : i32
        %parallel_loop3A_851 = arith.index_cast %parallel_loop3A_849 : i32 to index
        %parallel_loop3A_852 = arith.index_cast %parallel_loop3A_850 : i32 to index
        %parallel_loop3A_853 = arith.index_cast %parallel_loop3A_527 : i32 to index
        %parallel_loop3A_854 = tpu.vector_load %arg5[%parallel_loop3A_851, %parallel_loop3A_852, %parallel_loop3A_853] {strides = array<i32>} : memref<4x8x512xf32, #tpu.memory_space<vmem>>, vector<1x1x16xf32>,
        %parallel_loop3A_855 = vector.shape_cast %parallel_loop3A_854 : vector<1x1x16xf32> to vector<16xf32>
        %parallel_loop3A_856 = vector.shape_cast %parallel_loop3A_848 : vector<16xf32> to vector<1x1x16xf32>
        tpu.vector_store %arg5[%parallel_loop3A_851, %parallel_loop3A_852, %parallel_loop3A_853], %parallel_loop3A_856 {strides = array<i32>} : memref<4x8x512xf32, #tpu.memory_space<vmem>>, vector<1x1x16xf32>,
        %parallel_loop3A_857 = arith.constant 3 : i32
        %parallel_loop3A_858 = arith.constant 4 : i32
        %parallel_loop3A_859 = arith.index_cast %parallel_loop3A_857 : i32 to index
        %parallel_loop3A_860 = arith.index_cast %parallel_loop3A_858 : i32 to index
        %parallel_loop3A_861 = arith.index_cast %parallel_loop3A_527 : i32 to index
        %parallel_loop3A_862 = tpu.vector_load %arg5[%parallel_loop3A_859, %parallel_loop3A_860, %parallel_loop3A_861] {strides = array<i32>} : memref<4x8x512xf32, #tpu.memory_space<vmem>>, vector<1x1x16xf32>,
        %parallel_loop3A_863 = vector.shape_cast %parallel_loop3A_862 : vector<1x1x16xf32> to vector<16xf32>
        %parallel_loop3A_864 = arith.addf %parallel_loop3A_863, %parallel_loop3A_808 : vector<16xf32>
        %parallel_loop3A_865 = arith.constant 3 : i32
        %parallel_loop3A_866 = arith.constant 4 : i32
        %parallel_loop3A_867 = arith.index_cast %parallel_loop3A_865 : i32 to index
        %parallel_loop3A_868 = arith.index_cast %parallel_loop3A_866 : i32 to index
        %parallel_loop3A_869 = arith.index_cast %parallel_loop3A_527 : i32 to index
        %parallel_loop3A_870 = tpu.vector_load %arg5[%parallel_loop3A_867, %parallel_loop3A_868, %parallel_loop3A_869] {strides = array<i32>} : memref<4x8x512xf32, #tpu.memory_space<vmem>>, vector<1x1x16xf32>,
        %parallel_loop3A_871 = vector.shape_cast %parallel_loop3A_870 : vector<1x1x16xf32> to vector<16xf32>
        %parallel_loop3A_872 = vector.shape_cast %parallel_loop3A_864 : vector<16xf32> to vector<1x1x16xf32>
        tpu.vector_store %arg5[%parallel_loop3A_867, %parallel_loop3A_868, %parallel_loop3A_869], %parallel_loop3A_872 {strides = array<i32>} : memref<4x8x512xf32, #tpu.memory_space<vmem>>, vector<1x1x16xf32>,
        %parallel_loop3A_873 = arith.constant 5 : i32
        %parallel_loop3A_874 = arith.index_cast %parallel_loop3A_873 : i32 to index
        %parallel_loop3A_875 = arith.index_cast %parallel_loop3A_527 : i32 to index
        %parallel_loop3A_876 = tpu.vector_load %arg9[%parallel_loop3A_874, %parallel_loop3A_875] {strides = array<i32>} : memref<8x512xf32, #tpu.memory_space<vmem>>, vector<1x16xf32>,
        %parallel_loop3A_877 = vector.shape_cast %parallel_loop3A_876 : vector<1x16xf32> to vector<16xf32>
        %parallel_loop3A_878 = arith.constant 0 : i32
        %parallel_loop3A_879 = arith.constant 5 : i32
        %parallel_loop3A_880 = arith.index_cast %parallel_loop3A_878 : i32 to index
        %parallel_loop3A_881 = arith.index_cast %parallel_loop3A_879 : i32 to index
        %parallel_loop3A_882 = arith.index_cast %parallel_loop3A_527 : i32 to index
        %parallel_loop3A_883 = tpu.vector_load %arg5[%parallel_loop3A_880, %parallel_loop3A_881, %parallel_loop3A_882] {strides = array<i32>} : memref<4x8x512xf32, #tpu.memory_space<vmem>>, vector<1x1x16xf32>,
        %parallel_loop3A_884 = vector.shape_cast %parallel_loop3A_883 : vector<1x1x16xf32> to vector<16xf32>
        %parallel_loop3A_885 = arith.addf %parallel_loop3A_884, %parallel_loop3A_877 : vector<16xf32>
        %parallel_loop3A_886 = arith.constant 0 : i32
        %parallel_loop3A_887 = arith.constant 5 : i32
        %parallel_loop3A_888 = arith.index_cast %parallel_loop3A_886 : i32 to index
        %parallel_loop3A_889 = arith.index_cast %parallel_loop3A_887 : i32 to index
        %parallel_loop3A_890 = arith.index_cast %parallel_loop3A_527 : i32 to index
        %parallel_loop3A_891 = tpu.vector_load %arg5[%parallel_loop3A_888, %parallel_loop3A_889, %parallel_loop3A_890] {strides = array<i32>} : memref<4x8x512xf32, #tpu.memory_space<vmem>>, vector<1x1x16xf32>,
        %parallel_loop3A_892 = vector.shape_cast %parallel_loop3A_891 : vector<1x1x16xf32> to vector<16xf32>
        %parallel_loop3A_893 = vector.shape_cast %parallel_loop3A_885 : vector<16xf32> to vector<1x1x16xf32>
        tpu.vector_store %arg5[%parallel_loop3A_888, %parallel_loop3A_889, %parallel_loop3A_890], %parallel_loop3A_893 {strides = array<i32>} : memref<4x8x512xf32, #tpu.memory_space<vmem>>, vector<1x1x16xf32>,
        %parallel_loop3A_894 = arith.constant 1 : i32
        %parallel_loop3A_895 = arith.constant 5 : i32
        %parallel_loop3A_896 = arith.index_cast %parallel_loop3A_894 : i32 to index
        %parallel_loop3A_897 = arith.index_cast %parallel_loop3A_895 : i32 to index
        %parallel_loop3A_898 = arith.index_cast %parallel_loop3A_527 : i32 to index
        %parallel_loop3A_899 = tpu.vector_load %arg5[%parallel_loop3A_896, %parallel_loop3A_897, %parallel_loop3A_898] {strides = array<i32>} : memref<4x8x512xf32, #tpu.memory_space<vmem>>, vector<1x1x16xf32>,
        %parallel_loop3A_900 = vector.shape_cast %parallel_loop3A_899 : vector<1x1x16xf32> to vector<16xf32>
        %parallel_loop3A_901 = arith.addf %parallel_loop3A_900, %parallel_loop3A_877 : vector<16xf32>
        %parallel_loop3A_902 = arith.constant 1 : i32
        %parallel_loop3A_903 = arith.constant 5 : i32
        %parallel_loop3A_904 = arith.index_cast %parallel_loop3A_902 : i32 to index
        %parallel_loop3A_905 = arith.index_cast %parallel_loop3A_903 : i32 to index
        %parallel_loop3A_906 = arith.index_cast %parallel_loop3A_527 : i32 to index
        %parallel_loop3A_907 = tpu.vector_load %arg5[%parallel_loop3A_904, %parallel_loop3A_905, %parallel_loop3A_906] {strides = array<i32>} : memref<4x8x512xf32, #tpu.memory_space<vmem>>, vector<1x1x16xf32>,
        %parallel_loop3A_908 = vector.shape_cast %parallel_loop3A_907 : vector<1x1x16xf32> to vector<16xf32>
        %parallel_loop3A_909 = vector.shape_cast %parallel_loop3A_901 : vector<16xf32> to vector<1x1x16xf32>
        tpu.vector_store %arg5[%parallel_loop3A_904, %parallel_loop3A_905, %parallel_loop3A_906], %parallel_loop3A_909 {strides = array<i32>} : memref<4x8x512xf32, #tpu.memory_space<vmem>>, vector<1x1x16xf32>,
        %parallel_loop3A_910 = arith.constant 2 : i32
        %parallel_loop3A_911 = arith.constant 5 : i32
        %parallel_loop3A_912 = arith.index_cast %parallel_loop3A_910 : i32 to index
        %parallel_loop3A_913 = arith.index_cast %parallel_loop3A_911 : i32 to index
        %parallel_loop3A_914 = arith.index_cast %parallel_loop3A_527 : i32 to index
        %parallel_loop3A_915 = tpu.vector_load %arg5[%parallel_loop3A_912, %parallel_loop3A_913, %parallel_loop3A_914] {strides = array<i32>} : memref<4x8x512xf32, #tpu.memory_space<vmem>>, vector<1x1x16xf32>,
        %parallel_loop3A_916 = vector.shape_cast %parallel_loop3A_915 : vector<1x1x16xf32> to vector<16xf32>
        %parallel_loop3A_917 = arith.addf %parallel_loop3A_916, %parallel_loop3A_877 : vector<16xf32>
        %parallel_loop3A_918 = arith.constant 2 : i32
        %parallel_loop3A_919 = arith.constant 5 : i32
        %parallel_loop3A_920 = arith.index_cast %parallel_loop3A_918 : i32 to index
        %parallel_loop3A_921 = arith.index_cast %parallel_loop3A_919 : i32 to index
        %parallel_loop3A_922 = arith.index_cast %parallel_loop3A_527 : i32 to index
        %parallel_loop3A_923 = tpu.vector_load %arg5[%parallel_loop3A_920, %parallel_loop3A_921, %parallel_loop3A_922] {strides = array<i32>} : memref<4x8x512xf32, #tpu.memory_space<vmem>>, vector<1x1x16xf32>,
        %parallel_loop3A_924 = vector.shape_cast %parallel_loop3A_923 : vector<1x1x16xf32> to vector<16xf32>
        %parallel_loop3A_925 = vector.shape_cast %parallel_loop3A_917 : vector<16xf32> to vector<1x1x16xf32>
        tpu.vector_store %arg5[%parallel_loop3A_920, %parallel_loop3A_921, %parallel_loop3A_922], %parallel_loop3A_925 {strides = array<i32>} : memref<4x8x512xf32, #tpu.memory_space<vmem>>, vector<1x1x16xf32>,
        %parallel_loop3A_926 = arith.constant 3 : i32
        %parallel_loop3A_927 = arith.constant 5 : i32
        %parallel_loop3A_928 = arith.index_cast %parallel_loop3A_926 : i32 to index
        %parallel_loop3A_929 = arith.index_cast %parallel_loop3A_927 : i32 to index
        %parallel_loop3A_930 = arith.index_cast %parallel_loop3A_527 : i32 to index
        %parallel_loop3A_931 = tpu.vector_load %arg5[%parallel_loop3A_928, %parallel_loop3A_929, %parallel_loop3A_930] {strides = array<i32>} : memref<4x8x512xf32, #tpu.memory_space<vmem>>, vector<1x1x16xf32>,
        %parallel_loop3A_932 = vector.shape_cast %parallel_loop3A_931 : vector<1x1x16xf32> to vector<16xf32>
        %parallel_loop3A_933 = arith.addf %parallel_loop3A_932, %parallel_loop3A_877 : vector<16xf32>
        %parallel_loop3A_934 = arith.constant 3 : i32
        %parallel_loop3A_935 = arith.constant 5 : i32
        %parallel_loop3A_936 = arith.index_cast %parallel_loop3A_934 : i32 to index
        %parallel_loop3A_937 = arith.index_cast %parallel_loop3A_935 : i32 to index
        %parallel_loop3A_938 = arith.index_cast %parallel_loop3A_527 : i32 to index
        %parallel_loop3A_939 = tpu.vector_load %arg5[%parallel_loop3A_936, %parallel_loop3A_937, %parallel_loop3A_938] {strides = array<i32>} : memref<4x8x512xf32, #tpu.memory_space<vmem>>, vector<1x1x16xf32>,
        %parallel_loop3A_940 = vector.shape_cast %parallel_loop3A_939 : vector<1x1x16xf32> to vector<16xf32>
        %parallel_loop3A_941 = vector.shape_cast %parallel_loop3A_933 : vector<16xf32> to vector<1x1x16xf32>
        tpu.vector_store %arg5[%parallel_loop3A_936, %parallel_loop3A_937, %parallel_loop3A_938], %parallel_loop3A_941 {strides = array<i32>} : memref<4x8x512xf32, #tpu.memory_space<vmem>>, vector<1x1x16xf32>,
        %parallel_loop3A_942 = arith.constant 6 : i32
        %parallel_loop3A_943 = arith.index_cast %parallel_loop3A_942 : i32 to index
        %parallel_loop3A_944 = arith.index_cast %parallel_loop3A_527 : i32 to index
        %parallel_loop3A_945 = tpu.vector_load %arg9[%parallel_loop3A_943, %parallel_loop3A_944] {strides = array<i32>} : memref<8x512xf32, #tpu.memory_space<vmem>>, vector<1x16xf32>,
        %parallel_loop3A_946 = vector.shape_cast %parallel_loop3A_945 : vector<1x16xf32> to vector<16xf32>
        %parallel_loop3A_947 = arith.constant 0 : i32
        %parallel_loop3A_948 = arith.constant 6 : i32
        %parallel_loop3A_949 = arith.index_cast %parallel_loop3A_947 : i32 to index
        %parallel_loop3A_950 = arith.index_cast %parallel_loop3A_948 : i32 to index
        %parallel_loop3A_951 = arith.index_cast %parallel_loop3A_527 : i32 to index
        %parallel_loop3A_952 = tpu.vector_load %arg5[%parallel_loop3A_949, %parallel_loop3A_950, %parallel_loop3A_951] {strides = array<i32>} : memref<4x8x512xf32, #tpu.memory_space<vmem>>, vector<1x1x16xf32>,
        %parallel_loop3A_953 = vector.shape_cast %parallel_loop3A_952 : vector<1x1x16xf32> to vector<16xf32>
        %parallel_loop3A_954 = arith.addf %parallel_loop3A_953, %parallel_loop3A_946 : vector<16xf32>
        %parallel_loop3A_955 = arith.constant 0 : i32
        %parallel_loop3A_956 = arith.constant 6 : i32
        %parallel_loop3A_957 = arith.index_cast %parallel_loop3A_955 : i32 to index
        %parallel_loop3A_958 = arith.index_cast %parallel_loop3A_956 : i32 to index
        %parallel_loop3A_959 = arith.index_cast %parallel_loop3A_527 : i32 to index
        %parallel_loop3A_960 = tpu.vector_load %arg5[%parallel_loop3A_957, %parallel_loop3A_958, %parallel_loop3A_959] {strides = array<i32>} : memref<4x8x512xf32, #tpu.memory_space<vmem>>, vector<1x1x16xf32>,
        %parallel_loop3A_961 = vector.shape_cast %parallel_loop3A_960 : vector<1x1x16xf32> to vector<16xf32>
        %parallel_loop3A_962 = vector.shape_cast %parallel_loop3A_954 : vector<16xf32> to vector<1x1x16xf32>
        tpu.vector_store %arg5[%parallel_loop3A_957, %parallel_loop3A_958, %parallel_loop3A_959], %parallel_loop3A_962 {strides = array<i32>} : memref<4x8x512xf32, #tpu.memory_space<vmem>>, vector<1x1x16xf32>,
        %parallel_loop3A_963 = arith.constant 1 : i32
        %parallel_loop3A_964 = arith.constant 6 : i32
        %parallel_loop3A_965 = arith.index_cast %parallel_loop3A_963 : i32 to index
        %parallel_loop3A_966 = arith.index_cast %parallel_loop3A_964 : i32 to index
        %parallel_loop3A_967 = arith.index_cast %parallel_loop3A_527 : i32 to index
        %parallel_loop3A_968 = tpu.vector_load %arg5[%parallel_loop3A_965, %parallel_loop3A_966, %parallel_loop3A_967] {strides = array<i32>} : memref<4x8x512xf32, #tpu.memory_space<vmem>>, vector<1x1x16xf32>,
        %parallel_loop3A_969 = vector.shape_cast %parallel_loop3A_968 : vector<1x1x16xf32> to vector<16xf32>
        %parallel_loop3A_970 = arith.addf %parallel_loop3A_969, %parallel_loop3A_946 : vector<16xf32>
        %parallel_loop3A_971 = arith.constant 1 : i32
        %parallel_loop3A_972 = arith.constant 6 : i32
        %parallel_loop3A_973 = arith.index_cast %parallel_loop3A_971 : i32 to index
        %parallel_loop3A_974 = arith.index_cast %parallel_loop3A_972 : i32 to index
        %parallel_loop3A_975 = arith.index_cast %parallel_loop3A_527 : i32 to index
        %parallel_loop3A_976 = tpu.vector_load %arg5[%parallel_loop3A_973, %parallel_loop3A_974, %parallel_loop3A_975] {strides = array<i32>} : memref<4x8x512xf32, #tpu.memory_space<vmem>>, vector<1x1x16xf32>,
        %parallel_loop3A_977 = vector.shape_cast %parallel_loop3A_976 : vector<1x1x16xf32> to vector<16xf32>
        %parallel_loop3A_978 = vector.shape_cast %parallel_loop3A_970 : vector<16xf32> to vector<1x1x16xf32>
        tpu.vector_store %arg5[%parallel_loop3A_973, %parallel_loop3A_974, %parallel_loop3A_975], %parallel_loop3A_978 {strides = array<i32>} : memref<4x8x512xf32, #tpu.memory_space<vmem>>, vector<1x1x16xf32>,
        %parallel_loop3A_979 = arith.constant 2 : i32
        %parallel_loop3A_980 = arith.constant 6 : i32
        %parallel_loop3A_981 = arith.index_cast %parallel_loop3A_979 : i32 to index
        %parallel_loop3A_982 = arith.index_cast %parallel_loop3A_980 : i32 to index
        %parallel_loop3A_983 = arith.index_cast %parallel_loop3A_527 : i32 to index
        %parallel_loop3A_984 = tpu.vector_load %arg5[%parallel_loop3A_981, %parallel_loop3A_982, %parallel_loop3A_983] {strides = array<i32>} : memref<4x8x512xf32, #tpu.memory_space<vmem>>, vector<1x1x16xf32>,
        %parallel_loop3A_985 = vector.shape_cast %parallel_loop3A_984 : vector<1x1x16xf32> to vector<16xf32>
        %parallel_loop3A_986 = arith.addf %parallel_loop3A_985, %parallel_loop3A_946 : vector<16xf32>
        %parallel_loop3A_987 = arith.constant 2 : i32
        %parallel_loop3A_988 = arith.constant 6 : i32
        %parallel_loop3A_989 = arith.index_cast %parallel_loop3A_987 : i32 to index
        %parallel_loop3A_990 = arith.index_cast %parallel_loop3A_988 : i32 to index
        %parallel_loop3A_991 = arith.index_cast %parallel_loop3A_527 : i32 to index
        %parallel_loop3A_992 = tpu.vector_load %arg5[%parallel_loop3A_989, %parallel_loop3A_990, %parallel_loop3A_991] {strides = array<i32>} : memref<4x8x512xf32, #tpu.memory_space<vmem>>, vector<1x1x16xf32>,
        %parallel_loop3A_993 = vector.shape_cast %parallel_loop3A_992 : vector<1x1x16xf32> to vector<16xf32>
        %parallel_loop3A_994 = vector.shape_cast %parallel_loop3A_986 : vector<16xf32> to vector<1x1x16xf32>
        tpu.vector_store %arg5[%parallel_loop3A_989, %parallel_loop3A_990, %parallel_loop3A_991], %parallel_loop3A_994 {strides = array<i32>} : memref<4x8x512xf32, #tpu.memory_space<vmem>>, vector<1x1x16xf32>,
        %parallel_loop3A_995 = arith.constant 3 : i32
        %parallel_loop3A_996 = arith.constant 6 : i32
        %parallel_loop3A_997 = arith.index_cast %parallel_loop3A_995 : i32 to index
        %parallel_loop3A_998 = arith.index_cast %parallel_loop3A_996 : i32 to index
        %parallel_loop3A_999 = arith.index_cast %parallel_loop3A_527 : i32 to index
        %parallel_loop3A_1000 = tpu.vector_load %arg5[%parallel_loop3A_997, %parallel_loop3A_998, %parallel_loop3A_999] {strides = array<i32>} : memref<4x8x512xf32, #tpu.memory_space<vmem>>, vector<1x1x16xf32>,
        %parallel_loop3A_1001 = vector.shape_cast %parallel_loop3A_1000 : vector<1x1x16xf32> to vector<16xf32>
        %parallel_loop3A_1002 = arith.addf %parallel_loop3A_1001, %parallel_loop3A_946 : vector<16xf32>
        %parallel_loop3A_1003 = arith.constant 3 : i32
        %parallel_loop3A_1004 = arith.constant 6 : i32
        %parallel_loop3A_1005 = arith.index_cast %parallel_loop3A_1003 : i32 to index
        %parallel_loop3A_1006 = arith.index_cast %parallel_loop3A_1004 : i32 to index
        %parallel_loop3A_1007 = arith.index_cast %parallel_loop3A_527 : i32 to index
        %parallel_loop3A_1008 = tpu.vector_load %arg5[%parallel_loop3A_1005, %parallel_loop3A_1006, %parallel_loop3A_1007] {strides = array<i32>} : memref<4x8x512xf32, #tpu.memory_space<vmem>>, vector<1x1x16xf32>,
        %parallel_loop3A_1009 = vector.shape_cast %parallel_loop3A_1008 : vector<1x1x16xf32> to vector<16xf32>
        %parallel_loop3A_1010 = vector.shape_cast %parallel_loop3A_1002 : vector<16xf32> to vector<1x1x16xf32>
        tpu.vector_store %arg5[%parallel_loop3A_1005, %parallel_loop3A_1006, %parallel_loop3A_1007], %parallel_loop3A_1010 {strides = array<i32>} : memref<4x8x512xf32, #tpu.memory_space<vmem>>, vector<1x1x16xf32>,
        %parallel_loop3A_1011 = arith.constant 7 : i32
        %parallel_loop3A_1012 = arith.index_cast %parallel_loop3A_1011 : i32 to index
        %parallel_loop3A_1013 = arith.index_cast %parallel_loop3A_527 : i32 to index
        %parallel_loop3A_1014 = tpu.vector_load %arg9[%parallel_loop3A_1012, %parallel_loop3A_1013] {strides = array<i32>} : memref<8x512xf32, #tpu.memory_space<vmem>>, vector<1x16xf32>,
        %parallel_loop3A_1015 = vector.shape_cast %parallel_loop3A_1014 : vector<1x16xf32> to vector<16xf32>
        %parallel_loop3A_1016 = arith.constant 0 : i32
        %parallel_loop3A_1017 = arith.constant 7 : i32
        %parallel_loop3A_1018 = arith.index_cast %parallel_loop3A_1016 : i32 to index
        %parallel_loop3A_1019 = arith.index_cast %parallel_loop3A_1017 : i32 to index
        %parallel_loop3A_1020 = arith.index_cast %parallel_loop3A_527 : i32 to index
        %parallel_loop3A_1021 = tpu.vector_load %arg5[%parallel_loop3A_1018, %parallel_loop3A_1019, %parallel_loop3A_1020] {strides = array<i32>} : memref<4x8x512xf32, #tpu.memory_space<vmem>>, vector<1x1x16xf32>,
        %parallel_loop3A_1022 = vector.shape_cast %parallel_loop3A_1021 : vector<1x1x16xf32> to vector<16xf32>
        %parallel_loop3A_1023 = arith.addf %parallel_loop3A_1022, %parallel_loop3A_1015 : vector<16xf32>
        %parallel_loop3A_1024 = arith.constant 0 : i32
        %parallel_loop3A_1025 = arith.constant 7 : i32
        %parallel_loop3A_1026 = arith.index_cast %parallel_loop3A_1024 : i32 to index
        %parallel_loop3A_1027 = arith.index_cast %parallel_loop3A_1025 : i32 to index
        %parallel_loop3A_1028 = arith.index_cast %parallel_loop3A_527 : i32 to index
        %parallel_loop3A_1029 = tpu.vector_load %arg5[%parallel_loop3A_1026, %parallel_loop3A_1027, %parallel_loop3A_1028] {strides = array<i32>} : memref<4x8x512xf32, #tpu.memory_space<vmem>>, vector<1x1x16xf32>,
        %parallel_loop3A_1030 = vector.shape_cast %parallel_loop3A_1029 : vector<1x1x16xf32> to vector<16xf32>
        %parallel_loop3A_1031 = vector.shape_cast %parallel_loop3A_1023 : vector<16xf32> to vector<1x1x16xf32>
        tpu.vector_store %arg5[%parallel_loop3A_1026, %parallel_loop3A_1027, %parallel_loop3A_1028], %parallel_loop3A_1031 {strides = array<i32>} : memref<4x8x512xf32, #tpu.memory_space<vmem>>, vector<1x1x16xf32>,
        %parallel_loop3A_1032 = arith.constant 1 : i32
        %parallel_loop3A_1033 = arith.constant 7 : i32
        %parallel_loop3A_1034 = arith.index_cast %parallel_loop3A_1032 : i32 to index
        %parallel_loop3A_1035 = arith.index_cast %parallel_loop3A_1033 : i32 to index
        %parallel_loop3A_1036 = arith.index_cast %parallel_loop3A_527 : i32 to index
        %parallel_loop3A_1037 = tpu.vector_load %arg5[%parallel_loop3A_1034, %parallel_loop3A_1035, %parallel_loop3A_1036] {strides = array<i32>} : memref<4x8x512xf32, #tpu.memory_space<vmem>>, vector<1x1x16xf32>,
        %parallel_loop3A_1038 = vector.shape_cast %parallel_loop3A_1037 : vector<1x1x16xf32> to vector<16xf32>
        %parallel_loop3A_1039 = arith.addf %parallel_loop3A_1038, %parallel_loop3A_1015 : vector<16xf32>
        %parallel_loop3A_1040 = arith.constant 1 : i32
        %parallel_loop3A_1041 = arith.constant 7 : i32
        %parallel_loop3A_1042 = arith.index_cast %parallel_loop3A_1040 : i32 to index
        %parallel_loop3A_1043 = arith.index_cast %parallel_loop3A_1041 : i32 to index
        %parallel_loop3A_1044 = arith.index_cast %parallel_loop3A_527 : i32 to index
        %parallel_loop3A_1045 = tpu.vector_load %arg5[%parallel_loop3A_1042, %parallel_loop3A_1043, %parallel_loop3A_1044] {strides = array<i32>} : memref<4x8x512xf32, #tpu.memory_space<vmem>>, vector<1x1x16xf32>,
        %parallel_loop3A_1046 = vector.shape_cast %parallel_loop3A_1045 : vector<1x1x16xf32> to vector<16xf32>
        %parallel_loop3A_1047 = vector.shape_cast %parallel_loop3A_1039 : vector<16xf32> to vector<1x1x16xf32>
        tpu.vector_store %arg5[%parallel_loop3A_1042, %parallel_loop3A_1043, %parallel_loop3A_1044], %parallel_loop3A_1047 {strides = array<i32>} : memref<4x8x512xf32, #tpu.memory_space<vmem>>, vector<1x1x16xf32>,
        %parallel_loop3A_1048 = arith.constant 2 : i32
        %parallel_loop3A_1049 = arith.constant 7 : i32
        %parallel_loop3A_1050 = arith.index_cast %parallel_loop3A_1048 : i32 to index
        %parallel_loop3A_1051 = arith.index_cast %parallel_loop3A_1049 : i32 to index
        %parallel_loop3A_1052 = arith.index_cast %parallel_loop3A_527 : i32 to index
        %parallel_loop3A_1053 = tpu.vector_load %arg5[%parallel_loop3A_1050, %parallel_loop3A_1051, %parallel_loop3A_1052] {strides = array<i32>} : memref<4x8x512xf32, #tpu.memory_space<vmem>>, vector<1x1x16xf32>,
        %parallel_loop3A_1054 = vector.shape_cast %parallel_loop3A_1053 : vector<1x1x16xf32> to vector<16xf32>
        %parallel_loop3A_1055 = arith.addf %parallel_loop3A_1054, %parallel_loop3A_1015 : vector<16xf32>
        %parallel_loop3A_1056 = arith.constant 2 : i32
        %parallel_loop3A_1057 = arith.constant 7 : i32
        %parallel_loop3A_1058 = arith.index_cast %parallel_loop3A_1056 : i32 to index
        %parallel_loop3A_1059 = arith.index_cast %parallel_loop3A_1057 : i32 to index
        %parallel_loop3A_1060 = arith.index_cast %parallel_loop3A_527 : i32 to index
        %parallel_loop3A_1061 = tpu.vector_load %arg5[%parallel_loop3A_1058, %parallel_loop3A_1059, %parallel_loop3A_1060] {strides = array<i32>} : memref<4x8x512xf32, #tpu.memory_space<vmem>>, vector<1x1x16xf32>,
        %parallel_loop3A_1062 = vector.shape_cast %parallel_loop3A_1061 : vector<1x1x16xf32> to vector<16xf32>
        %parallel_loop3A_1063 = vector.shape_cast %parallel_loop3A_1055 : vector<16xf32> to vector<1x1x16xf32>
        tpu.vector_store %arg5[%parallel_loop3A_1058, %parallel_loop3A_1059, %parallel_loop3A_1060], %parallel_loop3A_1063 {strides = array<i32>} : memref<4x8x512xf32, #tpu.memory_space<vmem>>, vector<1x1x16xf32>,
        %parallel_loop3A_1064 = arith.constant 3 : i32
        %parallel_loop3A_1065 = arith.constant 7 : i32
        %parallel_loop3A_1066 = arith.index_cast %parallel_loop3A_1064 : i32 to index
        %parallel_loop3A_1067 = arith.index_cast %parallel_loop3A_1065 : i32 to index
        %parallel_loop3A_1068 = arith.index_cast %parallel_loop3A_527 : i32 to index
        %parallel_loop3A_1069 = tpu.vector_load %arg5[%parallel_loop3A_1066, %parallel_loop3A_1067, %parallel_loop3A_1068] {strides = array<i32>} : memref<4x8x512xf32, #tpu.memory_space<vmem>>, vector<1x1x16xf32>,
        %parallel_loop3A_1070 = vector.shape_cast %parallel_loop3A_1069 : vector<1x1x16xf32> to vector<16xf32>
        %parallel_loop3A_1071 = arith.addf %parallel_loop3A_1070, %parallel_loop3A_1015 : vector<16xf32>
        %parallel_loop3A_1072 = arith.constant 3 : i32
        %parallel_loop3A_1073 = arith.constant 7 : i32
        %parallel_loop3A_1074 = arith.index_cast %parallel_loop3A_1072 : i32 to index
        %parallel_loop3A_1075 = arith.index_cast %parallel_loop3A_1073 : i32 to index
        %parallel_loop3A_1076 = arith.index_cast %parallel_loop3A_527 : i32 to index
        %parallel_loop3A_1077 = tpu.vector_load %arg5[%parallel_loop3A_1074, %parallel_loop3A_1075, %parallel_loop3A_1076] {strides = array<i32>} : memref<4x8x512xf32, #tpu.memory_space<vmem>>, vector<1x1x16xf32>,
        %parallel_loop3A_1078 = vector.shape_cast %parallel_loop3A_1077 : vector<1x1x16xf32> to vector<16xf32>
        %parallel_loop3A_1079 = vector.shape_cast %parallel_loop3A_1071 : vector<16xf32> to vector<1x1x16xf32>
        tpu.vector_store %arg5[%parallel_loop3A_1074, %parallel_loop3A_1075, %parallel_loop3A_1076], %parallel_loop3A_1079 {strides = array<i32>} : memref<4x8x512xf32, #tpu.memory_space<vmem>>, vector<1x1x16xf32>,
      } {sc.loop_unroll_factor = 1 : i64, sc.parallel_access}
      %ge3A = arith.constant 2 : i32
      %ge3A_162 = arith.cmpi sge, %add3A_106, %ge3A : i32
      %convert_element_type3A = arith.extui %ge3A_162 : i1 to i32
      %cond3A = arith.constant 0 : i32
      %cond3A_163 = arith.cmpi ne, %convert_element_type3A, %cond3A : i32
      scf.if %cond3A_163 {
        %sub3A = arith.constant 2 : i32
        %sub3A_525 = arith.subi %add3A_106, %sub3A : i32
        %shift_right_arithmetic3A_526 = arith.constant 1 : i32
        %shift_right_arithmetic3A_527 = arith.shrsi %sub3A_525, %shift_right_arithmetic3A_526 : i32
        %mul3A_528 = arith.constant 8 : i32
        %mul3A_529 = arith.muli %shift_right_arithmetic3A_527, %mul3A_528 : i32
        %add3A_530 = arith.addi %mul3A_2, %mul3A_529 : i32
        %jit3A_531 = arith.constant 0 : i32
        %jit3A_532 = arith.constant 4088 : i32
        %max3A_533 = arith.maxsi %jit3A_531, %add3A_530 : i32
        %min3A_534 = arith.minsi %jit3A_532, %max3A_533 : i32
        %multiple_of3A_535 = tpu.assume_multiple %min3A_534, 8 : i32
        %and3A_536 = arith.constant 1 : i32
        %and3A_537 = arith.andi %sub3A_525, %and3A_536 : i32
        %mul3A_538 = arith.constant 512 : i32
        %mul3A_539 = arith.muli %and3A_537, %mul3A_538 : i32
        %multiple_of3A_540 = tpu.assume_multiple %mul3A_539, 512 : i32
        %dma_wait3A_541 = arith.constant 0 : i32
        %dma_wait3A_542 = tpu.memref_slice %arg4[%dma_wait3A_541, %multiple_of3A_535, %multiple_of3A_540] : memref<4x4096x1024xf32, #tpu.memory_space<hbm>> -> memref<4x8x512xf32, #tpu.memory_space<hbm>>
        %dma_wait3A_543 = arith.constant 0 : i32
        %dma_wait3A_544 = tpu.memref_slice %arg4[%dma_wait3A_543, %multiple_of3A_535, %multiple_of3A_540] : memref<4x4096x1024xf32, #tpu.memory_space<hbm>> -> memref<4x8x512xf32, #tpu.memory_space<hbm>>
        tpu.wait_dma2 semaphore(%arg17 : memref<!tpu.dma_semaphore, #tpu.memory_space<semaphore_mem>>) src(%arg7 : memref<4x8x512xf32, #tpu.memory_space<vmem>>) dst(%dma_wait3A_544 : memref<4x8x512xf32, #tpu.memory_space<hbm>>)
      } else {
      }
      %add3A_164 = arith.constant 2 : i32
      %add3A_165 = arith.addi %add3A_106, %add3A_164 : i32
      %shift_right_arithmetic3A_166 = arith.constant 1 : i32
      %shift_right_arithmetic3A_167 = arith.shrsi %add3A_165, %shift_right_arithmetic3A_166 : i32
      %mul3A_168 = arith.constant 8 : i32
      %mul3A_169 = arith.muli %shift_right_arithmetic3A_167, %mul3A_168 : i32
      %add3A_170 = arith.addi %mul3A_2, %mul3A_169 : i32
      %jit3A_171 = arith.constant 0 : i32
      %jit3A_172 = arith.constant 4088 : i32
      %max3A_173 = arith.maxsi %jit3A_171, %add3A_170 : i32
      %min3A_174 = arith.minsi %jit3A_172, %max3A_173 : i32
      %multiple_of3A_175 = tpu.assume_multiple %min3A_174, 8 : i32
      %and3A_176 = arith.constant 1 : i32
      %and3A_177 = arith.andi %add3A_165, %and3A_176 : i32
      %mul3A_178 = arith.constant 512 : i32
      %mul3A_179 = arith.muli %and3A_177, %mul3A_178 : i32
      %multiple_of3A_180 = tpu.assume_multiple %mul3A_179, 512 : i32
      %dma_start3A_181 = arith.constant 0 : i32
      %dma_start3A_182 = tpu.memref_slice %arg2[%dma_start3A_181, %multiple_of3A_175, %multiple_of3A_180] : memref<4x4096x1024xf32, #tpu.memory_space<hbm>> -> memref<4x8x512xf32, #tpu.memory_space<hbm>>
      %dma_start3A_183 = arith.constant 0 : i32
      %dma_start3A_184 = tpu.memref_slice %arg2[%dma_start3A_183, %multiple_of3A_175, %multiple_of3A_180] : memref<4x4096x1024xf32, #tpu.memory_space<hbm>> -> memref<4x8x512xf32, #tpu.memory_space<hbm>>
      tpu.enqueue_dma source(%dma_start3A_184 : memref<4x8x512xf32, #tpu.memory_space<hbm>>) target(%arg7 : memref<4x8x512xf32, #tpu.memory_space<vmem>>) target_semaphore(%arg13 : memref<!tpu.dma_semaphore, #tpu.memory_space<semaphore_mem>>)
      %shift_right_arithmetic3A_185 = arith.constant 1 : i32
      %shift_right_arithmetic3A_186 = arith.shrsi %add3A_106, %shift_right_arithmetic3A_185 : i32
      %mul3A_187 = arith.constant 8 : i32
      %mul3A_188 = arith.muli %shift_right_arithmetic3A_186, %mul3A_187 : i32
      %add3A_189 = arith.addi %mul3A_2, %mul3A_188 : i32
      %jit3A_190 = arith.constant 0 : i32
      %jit3A_191 = arith.constant 4088 : i32
      %max3A_192 = arith.maxsi %jit3A_190, %add3A_189 : i32
      %min3A_193 = arith.minsi %jit3A_191, %max3A_192 : i32
      %multiple_of3A_194 = tpu.assume_multiple %min3A_193, 8 : i32
      %and3A_195 = arith.constant 1 : i32
      %and3A_196 = arith.andi %add3A_106, %and3A_195 : i32
      %mul3A_197 = arith.constant 512 : i32
      %mul3A_198 = arith.muli %and3A_196, %mul3A_197 : i32
      %multiple_of3A_199 = tpu.assume_multiple %mul3A_198, 512 : i32
      %dma_start3A_200 = arith.constant 0 : i32
      %dma_start3A_201 = tpu.memref_slice %arg4[%dma_start3A_200, %multiple_of3A_194, %multiple_of3A_199] : memref<4x4096x1024xf32, #tpu.memory_space<hbm>> -> memref<4x8x512xf32, #tpu.memory_space<hbm>>
      %dma_start3A_202 = arith.constant 0 : i32
      %dma_start3A_203 = tpu.memref_slice %arg4[%dma_start3A_202, %multiple_of3A_194, %multiple_of3A_199] : memref<4x4096x1024xf32, #tpu.memory_space<hbm>> -> memref<4x8x512xf32, #tpu.memory_space<hbm>>
      tpu.enqueue_dma source(%arg5 : memref<4x8x512xf32, #tpu.memory_space<vmem>>) target(%dma_start3A_203 : memref<4x8x512xf32, #tpu.memory_space<hbm>>) target_semaphore(%arg15 : memref<!tpu.dma_semaphore, #tpu.memory_space<semaphore_mem>>)
      %mul3A_204 = arith.constant 4 : i32
      %mul3A_205 = arith.muli %scan3A_102, %mul3A_204 : i32
      %add3A_206 = arith.constant 1 : i32
      %add3A_207 = arith.addi %mul3A_205, %add3A_206 : i32
      %add3A_208 = arith.constant 1 : i32
      %add3A_209 = arith.addi %add3A_207, %add3A_208 : i32
      %shift_right_arithmetic3A_210 = arith.constant 1 : i32
      %shift_right_arithmetic3A_211 = arith.shrsi %add3A_209, %shift_right_arithmetic3A_210 : i32
      %mul3A_212 = arith.constant 8 : i32
      %mul3A_213 = arith.muli %shift_right_arithmetic3A_211, %mul3A_212 : i32
      %add3A_214 = arith.addi %mul3A_2, %mul3A_213 : i32
      %jit3A_215 = arith.constant 0 : i32
      %jit3A_216 = arith.constant 4088 : i32
      %max3A_217 = arith.maxsi %jit3A_215, %add3A_214 : i32
      %min3A_218 = arith.minsi %jit3A_216, %max3A_217 : i32
      %multiple_of3A_219 = tpu.assume_multiple %min3A_218, 8 : i32
      %and3A_220 = arith.constant 1 : i32
      %and3A_221 = arith.andi %add3A_209, %and3A_220 : i32
      %mul3A_222 = arith.constant 512 : i32
      %mul3A_223 = arith.muli %and3A_221, %mul3A_222 : i32
      %multiple_of3A_224 = tpu.assume_multiple %mul3A_223, 512 : i32
      %dma_start3A_225 = tpu.memref_slice %arg3[%multiple_of3A_219, %multiple_of3A_224] : memref<8192x1024xf32, #tpu.memory_space<hbm>> -> memref<8x512xf32, #tpu.memory_space<hbm>>
      %dma_start3A_226 = tpu.memref_slice %arg3[%multiple_of3A_219, %multiple_of3A_224] : memref<8192x1024xf32, #tpu.memory_space<hbm>> -> memref<8x512xf32, #tpu.memory_space<hbm>>
      tpu.enqueue_dma source(%dma_start3A_226 : memref<8x512xf32, #tpu.memory_space<hbm>>) target(%arg9 : memref<8x512xf32, #tpu.memory_space<vmem>>) target_semaphore(%arg19 : memref<!tpu.dma_semaphore, #tpu.memory_space<semaphore_mem>>)
      %shift_right_arithmetic3A_227 = arith.constant 1 : i32
      %shift_right_arithmetic3A_228 = arith.shrsi %add3A_207, %shift_right_arithmetic3A_227 : i32
      %mul3A_229 = arith.constant 8 : i32
      %mul3A_230 = arith.muli %shift_right_arithmetic3A_228, %mul3A_229 : i32
      %add3A_231 = arith.addi %mul3A_2, %mul3A_230 : i32
      %jit3A_232 = arith.constant 0 : i32
      %jit3A_233 = arith.constant 4088 : i32
      %max3A_234 = arith.maxsi %jit3A_232, %add3A_231 : i32
      %min3A_235 = arith.minsi %jit3A_233, %max3A_234 : i32
      %multiple_of3A_236 = tpu.assume_multiple %min3A_235, 8 : i32
      %and3A_237 = arith.constant 1 : i32
      %and3A_238 = arith.andi %add3A_207, %and3A_237 : i32
      %mul3A_239 = arith.constant 512 : i32
      %mul3A_240 = arith.muli %and3A_238, %mul3A_239 : i32
      %multiple_of3A_241 = tpu.assume_multiple %mul3A_240, 512 : i32
      %dma_wait3A_242 = arith.constant 0 : i32
      %dma_wait3A_243 = tpu.memref_slice %arg2[%dma_wait3A_242, %multiple_of3A_236, %multiple_of3A_241] : memref<4x4096x1024xf32, #tpu.memory_space<hbm>> -> memref<4x8x512xf32, #tpu.memory_space<hbm>>
      %dma_wait3A_244 = arith.constant 0 : i32
      %dma_wait3A_245 = tpu.memref_slice %arg2[%dma_wait3A_244, %multiple_of3A_236, %multiple_of3A_241] : memref<4x4096x1024xf32, #tpu.memory_space<hbm>> -> memref<4x8x512xf32, #tpu.memory_space<hbm>>
      tpu.wait_dma2 semaphore(%arg12 : memref<!tpu.dma_semaphore, #tpu.memory_space<semaphore_mem>>) src(%dma_wait3A_245 : memref<4x8x512xf32, #tpu.memory_space<hbm>>) dst(%arg6 : memref<4x8x512xf32, #tpu.memory_space<vmem>>)
      %shift_right_arithmetic3A_246 = arith.constant 1 : i32
      %shift_right_arithmetic3A_247 = arith.shrsi %add3A_207, %shift_right_arithmetic3A_246 : i32
      %mul3A_248 = arith.constant 8 : i32
      %mul3A_249 = arith.muli %shift_right_arithmetic3A_247, %mul3A_248 : i32
      %add3A_250 = arith.addi %mul3A_2, %mul3A_249 : i32
      %jit3A_251 = arith.constant 0 : i32
      %jit3A_252 = arith.constant 4088 : i32
      %max3A_253 = arith.maxsi %jit3A_251, %add3A_250 : i32
      %min3A_254 = arith.minsi %jit3A_252, %max3A_253 : i32
      %multiple_of3A_255 = tpu.assume_multiple %min3A_254, 8 : i32
      %and3A_256 = arith.constant 1 : i32
      %and3A_257 = arith.andi %add3A_207, %and3A_256 : i32
      %mul3A_258 = arith.constant 512 : i32
      %mul3A_259 = arith.muli %and3A_257, %mul3A_258 : i32
      %multiple_of3A_260 = tpu.assume_multiple %mul3A_259, 512 : i32
      %dma_wait3A_261 = tpu.memref_slice %arg3[%multiple_of3A_255, %multiple_of3A_260] : memref<8192x1024xf32, #tpu.memory_space<hbm>> -> memref<8x512xf32, #tpu.memory_space<hbm>>
      %dma_wait3A_262 = tpu.memref_slice %arg3[%multiple_of3A_255, %multiple_of3A_260] : memref<8192x1024xf32, #tpu.memory_space<hbm>> -> memref<8x512xf32, #tpu.memory_space<hbm>>
      tpu.wait_dma2 semaphore(%arg20 : memref<!tpu.dma_semaphore, #tpu.memory_space<semaphore_mem>>) src(%dma_wait3A_262 : memref<8x512xf32, #tpu.memory_space<hbm>>) dst(%arg10 : memref<8x512xf32, #tpu.memory_space<vmem>>)
      %parallel_loop3A_263 = arith.constant 0 : i32
      %parallel_loop3A_264 = arith.constant 32 : i32
      %parallel_loop3A_265 = arith.constant 1 : i32
      scf.for %parallel_loop3A_525 = %parallel_loop3A_263 to %parallel_loop3A_264 step %parallel_loop3A_265  : i32 {
        %parallel_loop3A_526 = arith.constant 16 : i32
        %parallel_loop3A_527 = arith.muli %parallel_loop3A_525, %parallel_loop3A_526 : i32
        %parallel_loop3A_528 = arith.constant 0 : i32
        %parallel_loop3A_529 = arith.index_cast %parallel_loop3A_528 : i32 to index
        %parallel_loop3A_530 = arith.index_cast %parallel_loop3A_527 : i32 to index
        %parallel_loop3A_531 = tpu.vector_load %arg10[%parallel_loop3A_529, %parallel_loop3A_530] {strides = array<i32>} : memref<8x512xf32, #tpu.memory_space<vmem>>, vector<1x16xf32>,
        %parallel_loop3A_532 = vector.shape_cast %parallel_loop3A_531 : vector<1x16xf32> to vector<16xf32>
        %parallel_loop3A_533 = arith.constant 0 : i32
        %parallel_loop3A_534 = arith.constant 0 : i32
        %parallel_loop3A_535 = arith.index_cast %parallel_loop3A_533 : i32 to index
        %parallel_loop3A_536 = arith.index_cast %parallel_loop3A_534 : i32 to index
        %parallel_loop3A_537 = arith.index_cast %parallel_loop3A_527 : i32 to index
        %parallel_loop3A_538 = tpu.vector_load %arg6[%parallel_loop3A_535, %parallel_loop3A_536, %parallel_loop3A_537] {strides = array<i32>} : memref<4x8x512xf32, #tpu.memory_space<vmem>>, vector<1x1x16xf32>,
        %parallel_loop3A_539 = vector.shape_cast %parallel_loop3A_538 : vector<1x1x16xf32> to vector<16xf32>
        %parallel_loop3A_540 = arith.addf %parallel_loop3A_539, %parallel_loop3A_532 : vector<16xf32>
        %parallel_loop3A_541 = arith.constant 0 : i32
        %parallel_loop3A_542 = arith.constant 0 : i32
        %parallel_loop3A_543 = arith.index_cast %parallel_loop3A_541 : i32 to index
        %parallel_loop3A_544 = arith.index_cast %parallel_loop3A_542 : i32 to index
        %parallel_loop3A_545 = arith.index_cast %parallel_loop3A_527 : i32 to index
        %parallel_loop3A_546 = tpu.vector_load %arg6[%parallel_loop3A_543, %parallel_loop3A_544, %parallel_loop3A_545] {strides = array<i32>} : memref<4x8x512xf32, #tpu.memory_space<vmem>>, vector<1x1x16xf32>,
        %parallel_loop3A_547 = vector.shape_cast %parallel_loop3A_546 : vector<1x1x16xf32> to vector<16xf32>
        %parallel_loop3A_548 = vector.shape_cast %parallel_loop3A_540 : vector<16xf32> to vector<1x1x16xf32>
        tpu.vector_store %arg6[%parallel_loop3A_543, %parallel_loop3A_544, %parallel_loop3A_545], %parallel_loop3A_548 {strides = array<i32>} : memref<4x8x512xf32, #tpu.memory_space<vmem>>, vector<1x1x16xf32>,
        %parallel_loop3A_549 = arith.constant 1 : i32
        %parallel_loop3A_550 = arith.constant 0 : i32
        %parallel_loop3A_551 = arith.index_cast %parallel_loop3A_549 : i32 to index
        %parallel_loop3A_552 = arith.index_cast %parallel_loop3A_550 : i32 to index
        %parallel_loop3A_553 = arith.index_cast %parallel_loop3A_527 : i32 to index
        %parallel_loop3A_554 = tpu.vector_load %arg6[%parallel_loop3A_551, %parallel_loop3A_552, %parallel_loop3A_553] {strides = array<i32>} : memref<4x8x512xf32, #tpu.memory_space<vmem>>, vector<1x1x16xf32>,
        %parallel_loop3A_555 = vector.shape_cast %parallel_loop3A_554 : vector<1x1x16xf32> to vector<16xf32>
        %parallel_loop3A_556 = arith.addf %parallel_loop3A_555, %parallel_loop3A_532 : vector<16xf32>
        %parallel_loop3A_557 = arith.constant 1 : i32
        %parallel_loop3A_558 = arith.constant 0 : i32
        %parallel_loop3A_559 = arith.index_cast %parallel_loop3A_557 : i32 to index
        %parallel_loop3A_560 = arith.index_cast %parallel_loop3A_558 : i32 to index
        %parallel_loop3A_561 = arith.index_cast %parallel_loop3A_527 : i32 to index
        %parallel_loop3A_562 = tpu.vector_load %arg6[%parallel_loop3A_559, %parallel_loop3A_560, %parallel_loop3A_561] {strides = array<i32>} : memref<4x8x512xf32, #tpu.memory_space<vmem>>, vector<1x1x16xf32>,
        %parallel_loop3A_563 = vector.shape_cast %parallel_loop3A_562 : vector<1x1x16xf32> to vector<16xf32>
        %parallel_loop3A_564 = vector.shape_cast %parallel_loop3A_556 : vector<16xf32> to vector<1x1x16xf32>
        tpu.vector_store %arg6[%parallel_loop3A_559, %parallel_loop3A_560, %parallel_loop3A_561], %parallel_loop3A_564 {strides = array<i32>} : memref<4x8x512xf32, #tpu.memory_space<vmem>>, vector<1x1x16xf32>,
        %parallel_loop3A_565 = arith.constant 2 : i32
        %parallel_loop3A_566 = arith.constant 0 : i32
        %parallel_loop3A_567 = arith.index_cast %parallel_loop3A_565 : i32 to index
        %parallel_loop3A_568 = arith.index_cast %parallel_loop3A_566 : i32 to index
        %parallel_loop3A_569 = arith.index_cast %parallel_loop3A_527 : i32 to index
        %parallel_loop3A_570 = tpu.vector_load %arg6[%parallel_loop3A_567, %parallel_loop3A_568, %parallel_loop3A_569] {strides = array<i32>} : memref<4x8x512xf32, #tpu.memory_space<vmem>>, vector<1x1x16xf32>,
        %parallel_loop3A_571 = vector.shape_cast %parallel_loop3A_570 : vector<1x1x16xf32> to vector<16xf32>
        %parallel_loop3A_572 = arith.addf %parallel_loop3A_571, %parallel_loop3A_532 : vector<16xf32>
        %parallel_loop3A_573 = arith.constant 2 : i32
        %parallel_loop3A_574 = arith.constant 0 : i32
        %parallel_loop3A_575 = arith.index_cast %parallel_loop3A_573 : i32 to index
        %parallel_loop3A_576 = arith.index_cast %parallel_loop3A_574 : i32 to index
        %parallel_loop3A_577 = arith.index_cast %parallel_loop3A_527 : i32 to index
        %parallel_loop3A_578 = tpu.vector_load %arg6[%parallel_loop3A_575, %parallel_loop3A_576, %parallel_loop3A_577] {strides = array<i32>} : memref<4x8x512xf32, #tpu.memory_space<vmem>>, vector<1x1x16xf32>,
        %parallel_loop3A_579 = vector.shape_cast %parallel_loop3A_578 : vector<1x1x16xf32> to vector<16xf32>
        %parallel_loop3A_580 = vector.shape_cast %parallel_loop3A_572 : vector<16xf32> to vector<1x1x16xf32>
        tpu.vector_store %arg6[%parallel_loop3A_575, %parallel_loop3A_576, %parallel_loop3A_577], %parallel_loop3A_580 {strides = array<i32>} : memref<4x8x512xf32, #tpu.memory_space<vmem>>, vector<1x1x16xf32>,
        %parallel_loop3A_581 = arith.constant 3 : i32
        %parallel_loop3A_582 = arith.constant 0 : i32
        %parallel_loop3A_583 = arith.index_cast %parallel_loop3A_581 : i32 to index
        %parallel_loop3A_584 = arith.index_cast %parallel_loop3A_582 : i32 to index
        %parallel_loop3A_585 = arith.index_cast %parallel_loop3A_527 : i32 to index
        %parallel_loop3A_586 = tpu.vector_load %arg6[%parallel_loop3A_583, %parallel_loop3A_584, %parallel_loop3A_585] {strides = array<i32>} : memref<4x8x512xf32, #tpu.memory_space<vmem>>, vector<1x1x16xf32>,
        %parallel_loop3A_587 = vector.shape_cast %parallel_loop3A_586 : vector<1x1x16xf32> to vector<16xf32>
        %parallel_loop3A_588 = arith.addf %parallel_loop3A_587, %parallel_loop3A_532 : vector<16xf32>
        %parallel_loop3A_589 = arith.constant 3 : i32
        %parallel_loop3A_590 = arith.constant 0 : i32
        %parallel_loop3A_591 = arith.index_cast %parallel_loop3A_589 : i32 to index
        %parallel_loop3A_592 = arith.index_cast %parallel_loop3A_590 : i32 to index
        %parallel_loop3A_593 = arith.index_cast %parallel_loop3A_527 : i32 to index
        %parallel_loop3A_594 = tpu.vector_load %arg6[%parallel_loop3A_591, %parallel_loop3A_592, %parallel_loop3A_593] {strides = array<i32>} : memref<4x8x512xf32, #tpu.memory_space<vmem>>, vector<1x1x16xf32>,
        %parallel_loop3A_595 = vector.shape_cast %parallel_loop3A_594 : vector<1x1x16xf32> to vector<16xf32>
        %parallel_loop3A_596 = vector.shape_cast %parallel_loop3A_588 : vector<16xf32> to vector<1x1x16xf32>
        tpu.vector_store %arg6[%parallel_loop3A_591, %parallel_loop3A_592, %parallel_loop3A_593], %parallel_loop3A_596 {strides = array<i32>} : memref<4x8x512xf32, #tpu.memory_space<vmem>>, vector<1x1x16xf32>,
        %parallel_loop3A_597 = arith.constant 1 : i32
        %parallel_loop3A_598 = arith.index_cast %parallel_loop3A_597 : i32 to index
        %parallel_loop3A_599 = arith.index_cast %parallel_loop3A_527 : i32 to index
        %parallel_loop3A_600 = tpu.vector_load %arg10[%parallel_loop3A_598, %parallel_loop3A_599] {strides = array<i32>} : memref<8x512xf32, #tpu.memory_space<vmem>>, vector<1x16xf32>,
        %parallel_loop3A_601 = vector.shape_cast %parallel_loop3A_600 : vector<1x16xf32> to vector<16xf32>
        %parallel_loop3A_602 = arith.constant 0 : i32
        %parallel_loop3A_603 = arith.constant 1 : i32
        %parallel_loop3A_604 = arith.index_cast %parallel_loop3A_602 : i32 to index
        %parallel_loop3A_605 = arith.index_cast %parallel_loop3A_603 : i32 to index
        %parallel_loop3A_606 = arith.index_cast %parallel_loop3A_527 : i32 to index
        %parallel_loop3A_607 = tpu.vector_load %arg6[%parallel_loop3A_604, %parallel_loop3A_605, %parallel_loop3A_606] {strides = array<i32>} : memref<4x8x512xf32, #tpu.memory_space<vmem>>, vector<1x1x16xf32>,
        %parallel_loop3A_608 = vector.shape_cast %parallel_loop3A_607 : vector<1x1x16xf32> to vector<16xf32>
        %parallel_loop3A_609 = arith.addf %parallel_loop3A_608, %parallel_loop3A_601 : vector<16xf32>
        %parallel_loop3A_610 = arith.constant 0 : i32
        %parallel_loop3A_611 = arith.constant 1 : i32
        %parallel_loop3A_612 = arith.index_cast %parallel_loop3A_610 : i32 to index
        %parallel_loop3A_613 = arith.index_cast %parallel_loop3A_611 : i32 to index
        %parallel_loop3A_614 = arith.index_cast %parallel_loop3A_527 : i32 to index
        %parallel_loop3A_615 = tpu.vector_load %arg6[%parallel_loop3A_612, %parallel_loop3A_613, %parallel_loop3A_614] {strides = array<i32>} : memref<4x8x512xf32, #tpu.memory_space<vmem>>, vector<1x1x16xf32>,
        %parallel_loop3A_616 = vector.shape_cast %parallel_loop3A_615 : vector<1x1x16xf32> to vector<16xf32>
        %parallel_loop3A_617 = vector.shape_cast %parallel_loop3A_609 : vector<16xf32> to vector<1x1x16xf32>
        tpu.vector_store %arg6[%parallel_loop3A_612, %parallel_loop3A_613, %parallel_loop3A_614], %parallel_loop3A_617 {strides = array<i32>} : memref<4x8x512xf32, #tpu.memory_space<vmem>>, vector<1x1x16xf32>,
        %parallel_loop3A_618 = arith.constant 1 : i32
        %parallel_loop3A_619 = arith.constant 1 : i32
        %parallel_loop3A_620 = arith.index_cast %parallel_loop3A_618 : i32 to index
        %parallel_loop3A_621 = arith.index_cast %parallel_loop3A_619 : i32 to index
        %parallel_loop3A_622 = arith.index_cast %parallel_loop3A_527 : i32 to index
        %parallel_loop3A_623 = tpu.vector_load %arg6[%parallel_loop3A_620, %parallel_loop3A_621, %parallel_loop3A_622] {strides = array<i32>} : memref<4x8x512xf32, #tpu.memory_space<vmem>>, vector<1x1x16xf32>,
        %parallel_loop3A_624 = vector.shape_cast %parallel_loop3A_623 : vector<1x1x16xf32> to vector<16xf32>
        %parallel_loop3A_625 = arith.addf %parallel_loop3A_624, %parallel_loop3A_601 : vector<16xf32>
        %parallel_loop3A_626 = arith.constant 1 : i32
        %parallel_loop3A_627 = arith.constant 1 : i32
        %parallel_loop3A_628 = arith.index_cast %parallel_loop3A_626 : i32 to index
        %parallel_loop3A_629 = arith.index_cast %parallel_loop3A_627 : i32 to index
        %parallel_loop3A_630 = arith.index_cast %parallel_loop3A_527 : i32 to index
        %parallel_loop3A_631 = tpu.vector_load %arg6[%parallel_loop3A_628, %parallel_loop3A_629, %parallel_loop3A_630] {strides = array<i32>} : memref<4x8x512xf32, #tpu.memory_space<vmem>>, vector<1x1x16xf32>,
        %parallel_loop3A_632 = vector.shape_cast %parallel_loop3A_631 : vector<1x1x16xf32> to vector<16xf32>
        %parallel_loop3A_633 = vector.shape_cast %parallel_loop3A_625 : vector<16xf32> to vector<1x1x16xf32>
        tpu.vector_store %arg6[%parallel_loop3A_628, %parallel_loop3A_629, %parallel_loop3A_630], %parallel_loop3A_633 {strides = array<i32>} : memref<4x8x512xf32, #tpu.memory_space<vmem>>, vector<1x1x16xf32>,
        %parallel_loop3A_634 = arith.constant 2 : i32
        %parallel_loop3A_635 = arith.constant 1 : i32
        %parallel_loop3A_636 = arith.index_cast %parallel_loop3A_634 : i32 to index
        %parallel_loop3A_637 = arith.index_cast %parallel_loop3A_635 : i32 to index
        %parallel_loop3A_638 = arith.index_cast %parallel_loop3A_527 : i32 to index
        %parallel_loop3A_639 = tpu.vector_load %arg6[%parallel_loop3A_636, %parallel_loop3A_637, %parallel_loop3A_638] {strides = array<i32>} : memref<4x8x512xf32, #tpu.memory_space<vmem>>, vector<1x1x16xf32>,
        %parallel_loop3A_640 = vector.shape_cast %parallel_loop3A_639 : vector<1x1x16xf32> to vector<16xf32>
        %parallel_loop3A_641 = arith.addf %parallel_loop3A_640, %parallel_loop3A_601 : vector<16xf32>
        %parallel_loop3A_642 = arith.constant 2 : i32
        %parallel_loop3A_643 = arith.constant 1 : i32
        %parallel_loop3A_644 = arith.index_cast %parallel_loop3A_642 : i32 to index
        %parallel_loop3A_645 = arith.index_cast %parallel_loop3A_643 : i32 to index
        %parallel_loop3A_646 = arith.index_cast %parallel_loop3A_527 : i32 to index
        %parallel_loop3A_647 = tpu.vector_load %arg6[%parallel_loop3A_644, %parallel_loop3A_645, %parallel_loop3A_646] {strides = array<i32>} : memref<4x8x512xf32, #tpu.memory_space<vmem>>, vector<1x1x16xf32>,
        %parallel_loop3A_648 = vector.shape_cast %parallel_loop3A_647 : vector<1x1x16xf32> to vector<16xf32>
        %parallel_loop3A_649 = vector.shape_cast %parallel_loop3A_641 : vector<16xf32> to vector<1x1x16xf32>
        tpu.vector_store %arg6[%parallel_loop3A_644, %parallel_loop3A_645, %parallel_loop3A_646], %parallel_loop3A_649 {strides = array<i32>} : memref<4x8x512xf32, #tpu.memory_space<vmem>>, vector<1x1x16xf32>,
        %parallel_loop3A_650 = arith.constant 3 : i32
        %parallel_loop3A_651 = arith.constant 1 : i32
        %parallel_loop3A_652 = arith.index_cast %parallel_loop3A_650 : i32 to index
        %parallel_loop3A_653 = arith.index_cast %parallel_loop3A_651 : i32 to index
        %parallel_loop3A_654 = arith.index_cast %parallel_loop3A_527 : i32 to index
        %parallel_loop3A_655 = tpu.vector_load %arg6[%parallel_loop3A_652, %parallel_loop3A_653, %parallel_loop3A_654] {strides = array<i32>} : memref<4x8x512xf32, #tpu.memory_space<vmem>>, vector<1x1x16xf32>,
        %parallel_loop3A_656 = vector.shape_cast %parallel_loop3A_655 : vector<1x1x16xf32> to vector<16xf32>
        %parallel_loop3A_657 = arith.addf %parallel_loop3A_656, %parallel_loop3A_601 : vector<16xf32>
        %parallel_loop3A_658 = arith.constant 3 : i32
        %parallel_loop3A_659 = arith.constant 1 : i32
        %parallel_loop3A_660 = arith.index_cast %parallel_loop3A_658 : i32 to index
        %parallel_loop3A_661 = arith.index_cast %parallel_loop3A_659 : i32 to index
        %parallel_loop3A_662 = arith.index_cast %parallel_loop3A_527 : i32 to index
        %parallel_loop3A_663 = tpu.vector_load %arg6[%parallel_loop3A_660, %parallel_loop3A_661, %parallel_loop3A_662] {strides = array<i32>} : memref<4x8x512xf32, #tpu.memory_space<vmem>>, vector<1x1x16xf32>,
        %parallel_loop3A_664 = vector.shape_cast %parallel_loop3A_663 : vector<1x1x16xf32> to vector<16xf32>
        %parallel_loop3A_665 = vector.shape_cast %parallel_loop3A_657 : vector<16xf32> to vector<1x1x16xf32>
        tpu.vector_store %arg6[%parallel_loop3A_660, %parallel_loop3A_661, %parallel_loop3A_662], %parallel_loop3A_665 {strides = array<i32>} : memref<4x8x512xf32, #tpu.memory_space<vmem>>, vector<1x1x16xf32>,
        %parallel_loop3A_666 = arith.constant 2 : i32
        %parallel_loop3A_667 = arith.index_cast %parallel_loop3A_666 : i32 to index
        %parallel_loop3A_668 = arith.index_cast %parallel_loop3A_527 : i32 to index
        %parallel_loop3A_669 = tpu.vector_load %arg10[%parallel_loop3A_667, %parallel_loop3A_668] {strides = array<i32>} : memref<8x512xf32, #tpu.memory_space<vmem>>, vector<1x16xf32>,
        %parallel_loop3A_670 = vector.shape_cast %parallel_loop3A_669 : vector<1x16xf32> to vector<16xf32>
        %parallel_loop3A_671 = arith.constant 0 : i32
        %parallel_loop3A_672 = arith.constant 2 : i32
        %parallel_loop3A_673 = arith.index_cast %parallel_loop3A_671 : i32 to index
        %parallel_loop3A_674 = arith.index_cast %parallel_loop3A_672 : i32 to index
        %parallel_loop3A_675 = arith.index_cast %parallel_loop3A_527 : i32 to index
        %parallel_loop3A_676 = tpu.vector_load %arg6[%parallel_loop3A_673, %parallel_loop3A_674, %parallel_loop3A_675] {strides = array<i32>} : memref<4x8x512xf32, #tpu.memory_space<vmem>>, vector<1x1x16xf32>,
        %parallel_loop3A_677 = vector.shape_cast %parallel_loop3A_676 : vector<1x1x16xf32> to vector<16xf32>
        %parallel_loop3A_678 = arith.addf %parallel_loop3A_677, %parallel_loop3A_670 : vector<16xf32>
        %parallel_loop3A_679 = arith.constant 0 : i32
        %parallel_loop3A_680 = arith.constant 2 : i32
        %parallel_loop3A_681 = arith.index_cast %parallel_loop3A_679 : i32 to index
        %parallel_loop3A_682 = arith.index_cast %parallel_loop3A_680 : i32 to index
        %parallel_loop3A_683 = arith.index_cast %parallel_loop3A_527 : i32 to index
        %parallel_loop3A_684 = tpu.vector_load %arg6[%parallel_loop3A_681, %parallel_loop3A_682, %parallel_loop3A_683] {strides = array<i32>} : memref<4x8x512xf32, #tpu.memory_space<vmem>>, vector<1x1x16xf32>,
        %parallel_loop3A_685 = vector.shape_cast %parallel_loop3A_684 : vector<1x1x16xf32> to vector<16xf32>
        %parallel_loop3A_686 = vector.shape_cast %parallel_loop3A_678 : vector<16xf32> to vector<1x1x16xf32>
        tpu.vector_store %arg6[%parallel_loop3A_681, %parallel_loop3A_682, %parallel_loop3A_683], %parallel_loop3A_686 {strides = array<i32>} : memref<4x8x512xf32, #tpu.memory_space<vmem>>, vector<1x1x16xf32>,
        %parallel_loop3A_687 = arith.constant 1 : i32
        %parallel_loop3A_688 = arith.constant 2 : i32
        %parallel_loop3A_689 = arith.index_cast %parallel_loop3A_687 : i32 to index
        %parallel_loop3A_690 = arith.index_cast %parallel_loop3A_688 : i32 to index
        %parallel_loop3A_691 = arith.index_cast %parallel_loop3A_527 : i32 to index
        %parallel_loop3A_692 = tpu.vector_load %arg6[%parallel_loop3A_689, %parallel_loop3A_690, %parallel_loop3A_691] {strides = array<i32>} : memref<4x8x512xf32, #tpu.memory_space<vmem>>, vector<1x1x16xf32>,
        %parallel_loop3A_693 = vector.shape_cast %parallel_loop3A_692 : vector<1x1x16xf32> to vector<16xf32>
        %parallel_loop3A_694 = arith.addf %parallel_loop3A_693, %parallel_loop3A_670 : vector<16xf32>
        %parallel_loop3A_695 = arith.constant 1 : i32
        %parallel_loop3A_696 = arith.constant 2 : i32
        %parallel_loop3A_697 = arith.index_cast %parallel_loop3A_695 : i32 to index
        %parallel_loop3A_698 = arith.index_cast %parallel_loop3A_696 : i32 to index
        %parallel_loop3A_699 = arith.index_cast %parallel_loop3A_527 : i32 to index
        %parallel_loop3A_700 = tpu.vector_load %arg6[%parallel_loop3A_697, %parallel_loop3A_698, %parallel_loop3A_699] {strides = array<i32>} : memref<4x8x512xf32, #tpu.memory_space<vmem>>, vector<1x1x16xf32>,
        %parallel_loop3A_701 = vector.shape_cast %parallel_loop3A_700 : vector<1x1x16xf32> to vector<16xf32>
        %parallel_loop3A_702 = vector.shape_cast %parallel_loop3A_694 : vector<16xf32> to vector<1x1x16xf32>
        tpu.vector_store %arg6[%parallel_loop3A_697, %parallel_loop3A_698, %parallel_loop3A_699], %parallel_loop3A_702 {strides = array<i32>} : memref<4x8x512xf32, #tpu.memory_space<vmem>>, vector<1x1x16xf32>,
        %parallel_loop3A_703 = arith.constant 2 : i32
        %parallel_loop3A_704 = arith.constant 2 : i32
        %parallel_loop3A_705 = arith.index_cast %parallel_loop3A_703 : i32 to index
        %parallel_loop3A_706 = arith.index_cast %parallel_loop3A_704 : i32 to index
        %parallel_loop3A_707 = arith.index_cast %parallel_loop3A_527 : i32 to index
        %parallel_loop3A_708 = tpu.vector_load %arg6[%parallel_loop3A_705, %parallel_loop3A_706, %parallel_loop3A_707] {strides = array<i32>} : memref<4x8x512xf32, #tpu.memory_space<vmem>>, vector<1x1x16xf32>,
        %parallel_loop3A_709 = vector.shape_cast %parallel_loop3A_708 : vector<1x1x16xf32> to vector<16xf32>
        %parallel_loop3A_710 = arith.addf %parallel_loop3A_709, %parallel_loop3A_670 : vector<16xf32>
        %parallel_loop3A_711 = arith.constant 2 : i32
        %parallel_loop3A_712 = arith.constant 2 : i32
        %parallel_loop3A_713 = arith.index_cast %parallel_loop3A_711 : i32 to index
        %parallel_loop3A_714 = arith.index_cast %parallel_loop3A_712 : i32 to index
        %parallel_loop3A_715 = arith.index_cast %parallel_loop3A_527 : i32 to index
        %parallel_loop3A_716 = tpu.vector_load %arg6[%parallel_loop3A_713, %parallel_loop3A_714, %parallel_loop3A_715] {strides = array<i32>} : memref<4x8x512xf32, #tpu.memory_space<vmem>>, vector<1x1x16xf32>,
        %parallel_loop3A_717 = vector.shape_cast %parallel_loop3A_716 : vector<1x1x16xf32> to vector<16xf32>
        %parallel_loop3A_718 = vector.shape_cast %parallel_loop3A_710 : vector<16xf32> to vector<1x1x16xf32>
        tpu.vector_store %arg6[%parallel_loop3A_713, %parallel_loop3A_714, %parallel_loop3A_715], %parallel_loop3A_718 {strides = array<i32>} : memref<4x8x512xf32, #tpu.memory_space<vmem>>, vector<1x1x16xf32>,
        %parallel_loop3A_719 = arith.constant 3 : i32
        %parallel_loop3A_720 = arith.constant 2 : i32
        %parallel_loop3A_721 = arith.index_cast %parallel_loop3A_719 : i32 to index
        %parallel_loop3A_722 = arith.index_cast %parallel_loop3A_720 : i32 to index
        %parallel_loop3A_723 = arith.index_cast %parallel_loop3A_527 : i32 to index
        %parallel_loop3A_724 = tpu.vector_load %arg6[%parallel_loop3A_721, %parallel_loop3A_722, %parallel_loop3A_723] {strides = array<i32>} : memref<4x8x512xf32, #tpu.memory_space<vmem>>, vector<1x1x16xf32>,
        %parallel_loop3A_725 = vector.shape_cast %parallel_loop3A_724 : vector<1x1x16xf32> to vector<16xf32>
        %parallel_loop3A_726 = arith.addf %parallel_loop3A_725, %parallel_loop3A_670 : vector<16xf32>
        %parallel_loop3A_727 = arith.constant 3 : i32
        %parallel_loop3A_728 = arith.constant 2 : i32
        %parallel_loop3A_729 = arith.index_cast %parallel_loop3A_727 : i32 to index
        %parallel_loop3A_730 = arith.index_cast %parallel_loop3A_728 : i32 to index
        %parallel_loop3A_731 = arith.index_cast %parallel_loop3A_527 : i32 to index
        %parallel_loop3A_732 = tpu.vector_load %arg6[%parallel_loop3A_729, %parallel_loop3A_730, %parallel_loop3A_731] {strides = array<i32>} : memref<4x8x512xf32, #tpu.memory_space<vmem>>, vector<1x1x16xf32>,
        %parallel_loop3A_733 = vector.shape_cast %parallel_loop3A_732 : vector<1x1x16xf32> to vector<16xf32>
        %parallel_loop3A_734 = vector.shape_cast %parallel_loop3A_726 : vector<16xf32> to vector<1x1x16xf32>
        tpu.vector_store %arg6[%parallel_loop3A_729, %parallel_loop3A_730, %parallel_loop3A_731], %parallel_loop3A_734 {strides = array<i32>} : memref<4x8x512xf32, #tpu.memory_space<vmem>>, vector<1x1x16xf32>,
        %parallel_loop3A_735 = arith.constant 3 : i32
        %parallel_loop3A_736 = arith.index_cast %parallel_loop3A_735 : i32 to index
        %parallel_loop3A_737 = arith.index_cast %parallel_loop3A_527 : i32 to index
        %parallel_loop3A_738 = tpu.vector_load %arg10[%parallel_loop3A_736, %parallel_loop3A_737] {strides = array<i32>} : memref<8x512xf32, #tpu.memory_space<vmem>>, vector<1x16xf32>,
        %parallel_loop3A_739 = vector.shape_cast %parallel_loop3A_738 : vector<1x16xf32> to vector<16xf32>
        %parallel_loop3A_740 = arith.constant 0 : i32
        %parallel_loop3A_741 = arith.constant 3 : i32
        %parallel_loop3A_742 = arith.index_cast %parallel_loop3A_740 : i32 to index
        %parallel_loop3A_743 = arith.index_cast %parallel_loop3A_741 : i32 to index
        %parallel_loop3A_744 = arith.index_cast %parallel_loop3A_527 : i32 to index
        %parallel_loop3A_745 = tpu.vector_load %arg6[%parallel_loop3A_742, %parallel_loop3A_743, %parallel_loop3A_744] {strides = array<i32>} : memref<4x8x512xf32, #tpu.memory_space<vmem>>, vector<1x1x16xf32>,
        %parallel_loop3A_746 = vector.shape_cast %parallel_loop3A_745 : vector<1x1x16xf32> to vector<16xf32>
        %parallel_loop3A_747 = arith.addf %parallel_loop3A_746, %parallel_loop3A_739 : vector<16xf32>
        %parallel_loop3A_748 = arith.constant 0 : i32
        %parallel_loop3A_749 = arith.constant 3 : i32
        %parallel_loop3A_750 = arith.index_cast %parallel_loop3A_748 : i32 to index
        %parallel_loop3A_751 = arith.index_cast %parallel_loop3A_749 : i32 to index
        %parallel_loop3A_752 = arith.index_cast %parallel_loop3A_527 : i32 to index
        %parallel_loop3A_753 = tpu.vector_load %arg6[%parallel_loop3A_750, %parallel_loop3A_751, %parallel_loop3A_752] {strides = array<i32>} : memref<4x8x512xf32, #tpu.memory_space<vmem>>, vector<1x1x16xf32>,
        %parallel_loop3A_754 = vector.shape_cast %parallel_loop3A_753 : vector<1x1x16xf32> to vector<16xf32>
        %parallel_loop3A_755 = vector.shape_cast %parallel_loop3A_747 : vector<16xf32> to vector<1x1x16xf32>
        tpu.vector_store %arg6[%parallel_loop3A_750, %parallel_loop3A_751, %parallel_loop3A_752], %parallel_loop3A_755 {strides = array<i32>} : memref<4x8x512xf32, #tpu.memory_space<vmem>>, vector<1x1x16xf32>,
        %parallel_loop3A_756 = arith.constant 1 : i32
        %parallel_loop3A_757 = arith.constant 3 : i32
        %parallel_loop3A_758 = arith.index_cast %parallel_loop3A_756 : i32 to index
        %parallel_loop3A_759 = arith.index_cast %parallel_loop3A_757 : i32 to index
        %parallel_loop3A_760 = arith.index_cast %parallel_loop3A_527 : i32 to index
        %parallel_loop3A_761 = tpu.vector_load %arg6[%parallel_loop3A_758, %parallel_loop3A_759, %parallel_loop3A_760] {strides = array<i32>} : memref<4x8x512xf32, #tpu.memory_space<vmem>>, vector<1x1x16xf32>,
        %parallel_loop3A_762 = vector.shape_cast %parallel_loop3A_761 : vector<1x1x16xf32> to vector<16xf32>
        %parallel_loop3A_763 = arith.addf %parallel_loop3A_762, %parallel_loop3A_739 : vector<16xf32>
        %parallel_loop3A_764 = arith.constant 1 : i32
        %parallel_loop3A_765 = arith.constant 3 : i32
        %parallel_loop3A_766 = arith.index_cast %parallel_loop3A_764 : i32 to index
        %parallel_loop3A_767 = arith.index_cast %parallel_loop3A_765 : i32 to index
        %parallel_loop3A_768 = arith.index_cast %parallel_loop3A_527 : i32 to index
        %parallel_loop3A_769 = tpu.vector_load %arg6[%parallel_loop3A_766, %parallel_loop3A_767, %parallel_loop3A_768] {strides = array<i32>} : memref<4x8x512xf32, #tpu.memory_space<vmem>>, vector<1x1x16xf32>,
        %parallel_loop3A_770 = vector.shape_cast %parallel_loop3A_769 : vector<1x1x16xf32> to vector<16xf32>
        %parallel_loop3A_771 = vector.shape_cast %parallel_loop3A_763 : vector<16xf32> to vector<1x1x16xf32>
        tpu.vector_store %arg6[%parallel_loop3A_766, %parallel_loop3A_767, %parallel_loop3A_768], %parallel_loop3A_771 {strides = array<i32>} : memref<4x8x512xf32, #tpu.memory_space<vmem>>, vector<1x1x16xf32>,
        %parallel_loop3A_772 = arith.constant 2 : i32
        %parallel_loop3A_773 = arith.constant 3 : i32
        %parallel_loop3A_774 = arith.index_cast %parallel_loop3A_772 : i32 to index
        %parallel_loop3A_775 = arith.index_cast %parallel_loop3A_773 : i32 to index
        %parallel_loop3A_776 = arith.index_cast %parallel_loop3A_527 : i32 to index
        %parallel_loop3A_777 = tpu.vector_load %arg6[%parallel_loop3A_774, %parallel_loop3A_775, %parallel_loop3A_776] {strides = array<i32>} : memref<4x8x512xf32, #tpu.memory_space<vmem>>, vector<1x1x16xf32>,
        %parallel_loop3A_778 = vector.shape_cast %parallel_loop3A_777 : vector<1x1x16xf32> to vector<16xf32>
        %parallel_loop3A_779 = arith.addf %parallel_loop3A_778, %parallel_loop3A_739 : vector<16xf32>
        %parallel_loop3A_780 = arith.constant 2 : i32
        %parallel_loop3A_781 = arith.constant 3 : i32
        %parallel_loop3A_782 = arith.index_cast %parallel_loop3A_780 : i32 to index
        %parallel_loop3A_783 = arith.index_cast %parallel_loop3A_781 : i32 to index
        %parallel_loop3A_784 = arith.index_cast %parallel_loop3A_527 : i32 to index
        %parallel_loop3A_785 = tpu.vector_load %arg6[%parallel_loop3A_782, %parallel_loop3A_783, %parallel_loop3A_784] {strides = array<i32>} : memref<4x8x512xf32, #tpu.memory_space<vmem>>, vector<1x1x16xf32>,
        %parallel_loop3A_786 = vector.shape_cast %parallel_loop3A_785 : vector<1x1x16xf32> to vector<16xf32>
        %parallel_loop3A_787 = vector.shape_cast %parallel_loop3A_779 : vector<16xf32> to vector<1x1x16xf32>
        tpu.vector_store %arg6[%parallel_loop3A_782, %parallel_loop3A_783, %parallel_loop3A_784], %parallel_loop3A_787 {strides = array<i32>} : memref<4x8x512xf32, #tpu.memory_space<vmem>>, vector<1x1x16xf32>,
        %parallel_loop3A_788 = arith.constant 3 : i32
        %parallel_loop3A_789 = arith.constant 3 : i32
        %parallel_loop3A_790 = arith.index_cast %parallel_loop3A_788 : i32 to index
        %parallel_loop3A_791 = arith.index_cast %parallel_loop3A_789 : i32 to index
        %parallel_loop3A_792 = arith.index_cast %parallel_loop3A_527 : i32 to index
        %parallel_loop3A_793 = tpu.vector_load %arg6[%parallel_loop3A_790, %parallel_loop3A_791, %parallel_loop3A_792] {strides = array<i32>} : memref<4x8x512xf32, #tpu.memory_space<vmem>>, vector<1x1x16xf32>,
        %parallel_loop3A_794 = vector.shape_cast %parallel_loop3A_793 : vector<1x1x16xf32> to vector<16xf32>
        %parallel_loop3A_795 = arith.addf %parallel_loop3A_794, %parallel_loop3A_739 : vector<16xf32>
        %parallel_loop3A_796 = arith.constant 3 : i32
        %parallel_loop3A_797 = arith.constant 3 : i32
        %parallel_loop3A_798 = arith.index_cast %parallel_loop3A_796 : i32 to index
        %parallel_loop3A_799 = arith.index_cast %parallel_loop3A_797 : i32 to index
        %parallel_loop3A_800 = arith.index_cast %parallel_loop3A_527 : i32 to index
        %parallel_loop3A_801 = tpu.vector_load %arg6[%parallel_loop3A_798, %parallel_loop3A_799, %parallel_loop3A_800] {strides = array<i32>} : memref<4x8x512xf32, #tpu.memory_space<vmem>>, vector<1x1x16xf32>,
        %parallel_loop3A_802 = vector.shape_cast %parallel_loop3A_801 : vector<1x1x16xf32> to vector<16xf32>
        %parallel_loop3A_803 = vector.shape_cast %parallel_loop3A_795 : vector<16xf32> to vector<1x1x16xf32>
        tpu.vector_store %arg6[%parallel_loop3A_798, %parallel_loop3A_799, %parallel_loop3A_800], %parallel_loop3A_803 {strides = array<i32>} : memref<4x8x512xf32, #tpu.memory_space<vmem>>, vector<1x1x16xf32>,
        %parallel_loop3A_804 = arith.constant 4 : i32
        %parallel_loop3A_805 = arith.index_cast %parallel_loop3A_804 : i32 to index
        %parallel_loop3A_806 = arith.index_cast %parallel_loop3A_527 : i32 to index
        %parallel_loop3A_807 = tpu.vector_load %arg10[%parallel_loop3A_805, %parallel_loop3A_806] {strides = array<i32>} : memref<8x512xf32, #tpu.memory_space<vmem>>, vector<1x16xf32>,
        %parallel_loop3A_808 = vector.shape_cast %parallel_loop3A_807 : vector<1x16xf32> to vector<16xf32>
        %parallel_loop3A_809 = arith.constant 0 : i32
        %parallel_loop3A_810 = arith.constant 4 : i32
        %parallel_loop3A_811 = arith.index_cast %parallel_loop3A_809 : i32 to index
        %parallel_loop3A_812 = arith.index_cast %parallel_loop3A_810 : i32 to index
        %parallel_loop3A_813 = arith.index_cast %parallel_loop3A_527 : i32 to index
        %parallel_loop3A_814 = tpu.vector_load %arg6[%parallel_loop3A_811, %parallel_loop3A_812, %parallel_loop3A_813] {strides = array<i32>} : memref<4x8x512xf32, #tpu.memory_space<vmem>>, vector<1x1x16xf32>,
        %parallel_loop3A_815 = vector.shape_cast %parallel_loop3A_814 : vector<1x1x16xf32> to vector<16xf32>
        %parallel_loop3A_816 = arith.addf %parallel_loop3A_815, %parallel_loop3A_808 : vector<16xf32>
        %parallel_loop3A_817 = arith.constant 0 : i32
        %parallel_loop3A_818 = arith.constant 4 : i32
        %parallel_loop3A_819 = arith.index_cast %parallel_loop3A_817 : i32 to index
        %parallel_loop3A_820 = arith.index_cast %parallel_loop3A_818 : i32 to index
        %parallel_loop3A_821 = arith.index_cast %parallel_loop3A_527 : i32 to index
        %parallel_loop3A_822 = tpu.vector_load %arg6[%parallel_loop3A_819, %parallel_loop3A_820, %parallel_loop3A_821] {strides = array<i32>} : memref<4x8x512xf32, #tpu.memory_space<vmem>>, vector<1x1x16xf32>,
        %parallel_loop3A_823 = vector.shape_cast %parallel_loop3A_822 : vector<1x1x16xf32> to vector<16xf32>
        %parallel_loop3A_824 = vector.shape_cast %parallel_loop3A_816 : vector<16xf32> to vector<1x1x16xf32>
        tpu.vector_store %arg6[%parallel_loop3A_819, %parallel_loop3A_820, %parallel_loop3A_821], %parallel_loop3A_824 {strides = array<i32>} : memref<4x8x512xf32, #tpu.memory_space<vmem>>, vector<1x1x16xf32>,
        %parallel_loop3A_825 = arith.constant 1 : i32
        %parallel_loop3A_826 = arith.constant 4 : i32
        %parallel_loop3A_827 = arith.index_cast %parallel_loop3A_825 : i32 to index
        %parallel_loop3A_828 = arith.index_cast %parallel_loop3A_826 : i32 to index
        %parallel_loop3A_829 = arith.index_cast %parallel_loop3A_527 : i32 to index
        %parallel_loop3A_830 = tpu.vector_load %arg6[%parallel_loop3A_827, %parallel_loop3A_828, %parallel_loop3A_829] {strides = array<i32>} : memref<4x8x512xf32, #tpu.memory_space<vmem>>, vector<1x1x16xf32>,
        %parallel_loop3A_831 = vector.shape_cast %parallel_loop3A_830 : vector<1x1x16xf32> to vector<16xf32>
        %parallel_loop3A_832 = arith.addf %parallel_loop3A_831, %parallel_loop3A_808 : vector<16xf32>
        %parallel_loop3A_833 = arith.constant 1 : i32
        %parallel_loop3A_834 = arith.constant 4 : i32
        %parallel_loop3A_835 = arith.index_cast %parallel_loop3A_833 : i32 to index
        %parallel_loop3A_836 = arith.index_cast %parallel_loop3A_834 : i32 to index
        %parallel_loop3A_837 = arith.index_cast %parallel_loop3A_527 : i32 to index
        %parallel_loop3A_838 = tpu.vector_load %arg6[%parallel_loop3A_835, %parallel_loop3A_836, %parallel_loop3A_837] {strides = array<i32>} : memref<4x8x512xf32, #tpu.memory_space<vmem>>, vector<1x1x16xf32>,
        %parallel_loop3A_839 = vector.shape_cast %parallel_loop3A_838 : vector<1x1x16xf32> to vector<16xf32>
        %parallel_loop3A_840 = vector.shape_cast %parallel_loop3A_832 : vector<16xf32> to vector<1x1x16xf32>
        tpu.vector_store %arg6[%parallel_loop3A_835, %parallel_loop3A_836, %parallel_loop3A_837], %parallel_loop3A_840 {strides = array<i32>} : memref<4x8x512xf32, #tpu.memory_space<vmem>>, vector<1x1x16xf32>,
        %parallel_loop3A_841 = arith.constant 2 : i32
        %parallel_loop3A_842 = arith.constant 4 : i32
        %parallel_loop3A_843 = arith.index_cast %parallel_loop3A_841 : i32 to index
        %parallel_loop3A_844 = arith.index_cast %parallel_loop3A_842 : i32 to index
        %parallel_loop3A_845 = arith.index_cast %parallel_loop3A_527 : i32 to index
        %parallel_loop3A_846 = tpu.vector_load %arg6[%parallel_loop3A_843, %parallel_loop3A_844, %parallel_loop3A_845] {strides = array<i32>} : memref<4x8x512xf32, #tpu.memory_space<vmem>>, vector<1x1x16xf32>,
        %parallel_loop3A_847 = vector.shape_cast %parallel_loop3A_846 : vector<1x1x16xf32> to vector<16xf32>
        %parallel_loop3A_848 = arith.addf %parallel_loop3A_847, %parallel_loop3A_808 : vector<16xf32>
        %parallel_loop3A_849 = arith.constant 2 : i32
        %parallel_loop3A_850 = arith.constant 4 : i32
        %parallel_loop3A_851 = arith.index_cast %parallel_loop3A_849 : i32 to index
        %parallel_loop3A_852 = arith.index_cast %parallel_loop3A_850 : i32 to index
        %parallel_loop3A_853 = arith.index_cast %parallel_loop3A_527 : i32 to index
        %parallel_loop3A_854 = tpu.vector_load %arg6[%parallel_loop3A_851, %parallel_loop3A_852, %parallel_loop3A_853] {strides = array<i32>} : memref<4x8x512xf32, #tpu.memory_space<vmem>>, vector<1x1x16xf32>,
        %parallel_loop3A_855 = vector.shape_cast %parallel_loop3A_854 : vector<1x1x16xf32> to vector<16xf32>
        %parallel_loop3A_856 = vector.shape_cast %parallel_loop3A_848 : vector<16xf32> to vector<1x1x16xf32>
        tpu.vector_store %arg6[%parallel_loop3A_851, %parallel_loop3A_852, %parallel_loop3A_853], %parallel_loop3A_856 {strides = array<i32>} : memref<4x8x512xf32, #tpu.memory_space<vmem>>, vector<1x1x16xf32>,
        %parallel_loop3A_857 = arith.constant 3 : i32
        %parallel_loop3A_858 = arith.constant 4 : i32
        %parallel_loop3A_859 = arith.index_cast %parallel_loop3A_857 : i32 to index
        %parallel_loop3A_860 = arith.index_cast %parallel_loop3A_858 : i32 to index
        %parallel_loop3A_861 = arith.index_cast %parallel_loop3A_527 : i32 to index
        %parallel_loop3A_862 = tpu.vector_load %arg6[%parallel_loop3A_859, %parallel_loop3A_860, %parallel_loop3A_861] {strides = array<i32>} : memref<4x8x512xf32, #tpu.memory_space<vmem>>, vector<1x1x16xf32>,
        %parallel_loop3A_863 = vector.shape_cast %parallel_loop3A_862 : vector<1x1x16xf32> to vector<16xf32>
        %parallel_loop3A_864 = arith.addf %parallel_loop3A_863, %parallel_loop3A_808 : vector<16xf32>
        %parallel_loop3A_865 = arith.constant 3 : i32
        %parallel_loop3A_866 = arith.constant 4 : i32
        %parallel_loop3A_867 = arith.index_cast %parallel_loop3A_865 : i32 to index
        %parallel_loop3A_868 = arith.index_cast %parallel_loop3A_866 : i32 to index
        %parallel_loop3A_869 = arith.index_cast %parallel_loop3A_527 : i32 to index
        %parallel_loop3A_870 = tpu.vector_load %arg6[%parallel_loop3A_867, %parallel_loop3A_868, %parallel_loop3A_869] {strides = array<i32>} : memref<4x8x512xf32, #tpu.memory_space<vmem>>, vector<1x1x16xf32>,
        %parallel_loop3A_871 = vector.shape_cast %parallel_loop3A_870 : vector<1x1x16xf32> to vector<16xf32>
        %parallel_loop3A_872 = vector.shape_cast %parallel_loop3A_864 : vector<16xf32> to vector<1x1x16xf32>
        tpu.vector_store %arg6[%parallel_loop3A_867, %parallel_loop3A_868, %parallel_loop3A_869], %parallel_loop3A_872 {strides = array<i32>} : memref<4x8x512xf32, #tpu.memory_space<vmem>>, vector<1x1x16xf32>,
        %parallel_loop3A_873 = arith.constant 5 : i32
        %parallel_loop3A_874 = arith.index_cast %parallel_loop3A_873 : i32 to index
        %parallel_loop3A_875 = arith.index_cast %parallel_loop3A_527 : i32 to index
        %parallel_loop3A_876 = tpu.vector_load %arg10[%parallel_loop3A_874, %parallel_loop3A_875] {strides = array<i32>} : memref<8x512xf32, #tpu.memory_space<vmem>>, vector<1x16xf32>,
        %parallel_loop3A_877 = vector.shape_cast %parallel_loop3A_876 : vector<1x16xf32> to vector<16xf32>
        %parallel_loop3A_878 = arith.constant 0 : i32
        %parallel_loop3A_879 = arith.constant 5 : i32
        %parallel_loop3A_880 = arith.index_cast %parallel_loop3A_878 : i32 to index
        %parallel_loop3A_881 = arith.index_cast %parallel_loop3A_879 : i32 to index
        %parallel_loop3A_882 = arith.index_cast %parallel_loop3A_527 : i32 to index
        %parallel_loop3A_883 = tpu.vector_load %arg6[%parallel_loop3A_880, %parallel_loop3A_881, %parallel_loop3A_882] {strides = array<i32>} : memref<4x8x512xf32, #tpu.memory_space<vmem>>, vector<1x1x16xf32>,
        %parallel_loop3A_884 = vector.shape_cast %parallel_loop3A_883 : vector<1x1x16xf32> to vector<16xf32>
        %parallel_loop3A_885 = arith.addf %parallel_loop3A_884, %parallel_loop3A_877 : vector<16xf32>
        %parallel_loop3A_886 = arith.constant 0 : i32
        %parallel_loop3A_887 = arith.constant 5 : i32
        %parallel_loop3A_888 = arith.index_cast %parallel_loop3A_886 : i32 to index
        %parallel_loop3A_889 = arith.index_cast %parallel_loop3A_887 : i32 to index
        %parallel_loop3A_890 = arith.index_cast %parallel_loop3A_527 : i32 to index
        %parallel_loop3A_891 = tpu.vector_load %arg6[%parallel_loop3A_888, %parallel_loop3A_889, %parallel_loop3A_890] {strides = array<i32>} : memref<4x8x512xf32, #tpu.memory_space<vmem>>, vector<1x1x16xf32>,
        %parallel_loop3A_892 = vector.shape_cast %parallel_loop3A_891 : vector<1x1x16xf32> to vector<16xf32>
        %parallel_loop3A_893 = vector.shape_cast %parallel_loop3A_885 : vector<16xf32> to vector<1x1x16xf32>
        tpu.vector_store %arg6[%parallel_loop3A_888, %parallel_loop3A_889, %parallel_loop3A_890], %parallel_loop3A_893 {strides = array<i32>} : memref<4x8x512xf32, #tpu.memory_space<vmem>>, vector<1x1x16xf32>,
        %parallel_loop3A_894 = arith.constant 1 : i32
        %parallel_loop3A_895 = arith.constant 5 : i32
        %parallel_loop3A_896 = arith.index_cast %parallel_loop3A_894 : i32 to index
        %parallel_loop3A_897 = arith.index_cast %parallel_loop3A_895 : i32 to index
        %parallel_loop3A_898 = arith.index_cast %parallel_loop3A_527 : i32 to index
        %parallel_loop3A_899 = tpu.vector_load %arg6[%parallel_loop3A_896, %parallel_loop3A_897, %parallel_loop3A_898] {strides = array<i32>} : memref<4x8x512xf32, #tpu.memory_space<vmem>>, vector<1x1x16xf32>,
        %parallel_loop3A_900 = vector.shape_cast %parallel_loop3A_899 : vector<1x1x16xf32> to vector<16xf32>
        %parallel_loop3A_901 = arith.addf %parallel_loop3A_900, %parallel_loop3A_877 : vector<16xf32>
        %parallel_loop3A_902 = arith.constant 1 : i32
        %parallel_loop3A_903 = arith.constant 5 : i32
        %parallel_loop3A_904 = arith.index_cast %parallel_loop3A_902 : i32 to index
        %parallel_loop3A_905 = arith.index_cast %parallel_loop3A_903 : i32 to index
        %parallel_loop3A_906 = arith.index_cast %parallel_loop3A_527 : i32 to index
        %parallel_loop3A_907 = tpu.vector_load %arg6[%parallel_loop3A_904, %parallel_loop3A_905, %parallel_loop3A_906] {strides = array<i32>} : memref<4x8x512xf32, #tpu.memory_space<vmem>>, vector<1x1x16xf32>,
        %parallel_loop3A_908 = vector.shape_cast %parallel_loop3A_907 : vector<1x1x16xf32> to vector<16xf32>
        %parallel_loop3A_909 = vector.shape_cast %parallel_loop3A_901 : vector<16xf32> to vector<1x1x16xf32>
        tpu.vector_store %arg6[%parallel_loop3A_904, %parallel_loop3A_905, %parallel_loop3A_906], %parallel_loop3A_909 {strides = array<i32>} : memref<4x8x512xf32, #tpu.memory_space<vmem>>, vector<1x1x16xf32>,
        %parallel_loop3A_910 = arith.constant 2 : i32
        %parallel_loop3A_911 = arith.constant 5 : i32
        %parallel_loop3A_912 = arith.index_cast %parallel_loop3A_910 : i32 to index
        %parallel_loop3A_913 = arith.index_cast %parallel_loop3A_911 : i32 to index
        %parallel_loop3A_914 = arith.index_cast %parallel_loop3A_527 : i32 to index
        %parallel_loop3A_915 = tpu.vector_load %arg6[%parallel_loop3A_912, %parallel_loop3A_913, %parallel_loop3A_914] {strides = array<i32>} : memref<4x8x512xf32, #tpu.memory_space<vmem>>, vector<1x1x16xf32>,
        %parallel_loop3A_916 = vector.shape_cast %parallel_loop3A_915 : vector<1x1x16xf32> to vector<16xf32>
        %parallel_loop3A_917 = arith.addf %parallel_loop3A_916, %parallel_loop3A_877 : vector<16xf32>
        %parallel_loop3A_918 = arith.constant 2 : i32
        %parallel_loop3A_919 = arith.constant 5 : i32
        %parallel_loop3A_920 = arith.index_cast %parallel_loop3A_918 : i32 to index
        %parallel_loop3A_921 = arith.index_cast %parallel_loop3A_919 : i32 to index
        %parallel_loop3A_922 = arith.index_cast %parallel_loop3A_527 : i32 to index
        %parallel_loop3A_923 = tpu.vector_load %arg6[%parallel_loop3A_920, %parallel_loop3A_921, %parallel_loop3A_922] {strides = array<i32>} : memref<4x8x512xf32, #tpu.memory_space<vmem>>, vector<1x1x16xf32>,
        %parallel_loop3A_924 = vector.shape_cast %parallel_loop3A_923 : vector<1x1x16xf32> to vector<16xf32>
        %parallel_loop3A_925 = vector.shape_cast %parallel_loop3A_917 : vector<16xf32> to vector<1x1x16xf32>
        tpu.vector_store %arg6[%parallel_loop3A_920, %parallel_loop3A_921, %parallel_loop3A_922], %parallel_loop3A_925 {strides = array<i32>} : memref<4x8x512xf32, #tpu.memory_space<vmem>>, vector<1x1x16xf32>,
        %parallel_loop3A_926 = arith.constant 3 : i32
        %parallel_loop3A_927 = arith.constant 5 : i32
        %parallel_loop3A_928 = arith.index_cast %parallel_loop3A_926 : i32 to index
        %parallel_loop3A_929 = arith.index_cast %parallel_loop3A_927 : i32 to index
        %parallel_loop3A_930 = arith.index_cast %parallel_loop3A_527 : i32 to index
        %parallel_loop3A_931 = tpu.vector_load %arg6[%parallel_loop3A_928, %parallel_loop3A_929, %parallel_loop3A_930] {strides = array<i32>} : memref<4x8x512xf32, #tpu.memory_space<vmem>>, vector<1x1x16xf32>,
        %parallel_loop3A_932 = vector.shape_cast %parallel_loop3A_931 : vector<1x1x16xf32> to vector<16xf32>
        %parallel_loop3A_933 = arith.addf %parallel_loop3A_932, %parallel_loop3A_877 : vector<16xf32>
        %parallel_loop3A_934 = arith.constant 3 : i32
        %parallel_loop3A_935 = arith.constant 5 : i32
        %parallel_loop3A_936 = arith.index_cast %parallel_loop3A_934 : i32 to index
        %parallel_loop3A_937 = arith.index_cast %parallel_loop3A_935 : i32 to index
        %parallel_loop3A_938 = arith.index_cast %parallel_loop3A_527 : i32 to index
        %parallel_loop3A_939 = tpu.vector_load %arg6[%parallel_loop3A_936, %parallel_loop3A_937, %parallel_loop3A_938] {strides = array<i32>} : memref<4x8x512xf32, #tpu.memory_space<vmem>>, vector<1x1x16xf32>,
        %parallel_loop3A_940 = vector.shape_cast %parallel_loop3A_939 : vector<1x1x16xf32> to vector<16xf32>
        %parallel_loop3A_941 = vector.shape_cast %parallel_loop3A_933 : vector<16xf32> to vector<1x1x16xf32>
        tpu.vector_store %arg6[%parallel_loop3A_936, %parallel_loop3A_937, %parallel_loop3A_938], %parallel_loop3A_941 {strides = array<i32>} : memref<4x8x512xf32, #tpu.memory_space<vmem>>, vector<1x1x16xf32>,
        %parallel_loop3A_942 = arith.constant 6 : i32
        %parallel_loop3A_943 = arith.index_cast %parallel_loop3A_942 : i32 to index
        %parallel_loop3A_944 = arith.index_cast %parallel_loop3A_527 : i32 to index
        %parallel_loop3A_945 = tpu.vector_load %arg10[%parallel_loop3A_943, %parallel_loop3A_944] {strides = array<i32>} : memref<8x512xf32, #tpu.memory_space<vmem>>, vector<1x16xf32>,
        %parallel_loop3A_946 = vector.shape_cast %parallel_loop3A_945 : vector<1x16xf32> to vector<16xf32>
        %parallel_loop3A_947 = arith.constant 0 : i32
        %parallel_loop3A_948 = arith.constant 6 : i32
        %parallel_loop3A_949 = arith.index_cast %parallel_loop3A_947 : i32 to index
        %parallel_loop3A_950 = arith.index_cast %parallel_loop3A_948 : i32 to index
        %parallel_loop3A_951 = arith.index_cast %parallel_loop3A_527 : i32 to index
        %parallel_loop3A_952 = tpu.vector_load %arg6[%parallel_loop3A_949, %parallel_loop3A_950, %parallel_loop3A_951] {strides = array<i32>} : memref<4x8x512xf32, #tpu.memory_space<vmem>>, vector<1x1x16xf32>,
        %parallel_loop3A_953 = vector.shape_cast %parallel_loop3A_952 : vector<1x1x16xf32> to vector<16xf32>
        %parallel_loop3A_954 = arith.addf %parallel_loop3A_953, %parallel_loop3A_946 : vector<16xf32>
        %parallel_loop3A_955 = arith.constant 0 : i32
        %parallel_loop3A_956 = arith.constant 6 : i32
        %parallel_loop3A_957 = arith.index_cast %parallel_loop3A_955 : i32 to index
        %parallel_loop3A_958 = arith.index_cast %parallel_loop3A_956 : i32 to index
        %parallel_loop3A_959 = arith.index_cast %parallel_loop3A_527 : i32 to index
        %parallel_loop3A_960 = tpu.vector_load %arg6[%parallel_loop3A_957, %parallel_loop3A_958, %parallel_loop3A_959] {strides = array<i32>} : memref<4x8x512xf32, #tpu.memory_space<vmem>>, vector<1x1x16xf32>,
        %parallel_loop3A_961 = vector.shape_cast %parallel_loop3A_960 : vector<1x1x16xf32> to vector<16xf32>
        %parallel_loop3A_962 = vector.shape_cast %parallel_loop3A_954 : vector<16xf32> to vector<1x1x16xf32>
        tpu.vector_store %arg6[%parallel_loop3A_957, %parallel_loop3A_958, %parallel_loop3A_959], %parallel_loop3A_962 {strides = array<i32>} : memref<4x8x512xf32, #tpu.memory_space<vmem>>, vector<1x1x16xf32>,
        %parallel_loop3A_963 = arith.constant 1 : i32
        %parallel_loop3A_964 = arith.constant 6 : i32
        %parallel_loop3A_965 = arith.index_cast %parallel_loop3A_963 : i32 to index
        %parallel_loop3A_966 = arith.index_cast %parallel_loop3A_964 : i32 to index
        %parallel_loop3A_967 = arith.index_cast %parallel_loop3A_527 : i32 to index
        %parallel_loop3A_968 = tpu.vector_load %arg6[%parallel_loop3A_965, %parallel_loop3A_966, %parallel_loop3A_967] {strides = array<i32>} : memref<4x8x512xf32, #tpu.memory_space<vmem>>, vector<1x1x16xf32>,
        %parallel_loop3A_969 = vector.shape_cast %parallel_loop3A_968 : vector<1x1x16xf32> to vector<16xf32>
        %parallel_loop3A_970 = arith.addf %parallel_loop3A_969, %parallel_loop3A_946 : vector<16xf32>
        %parallel_loop3A_971 = arith.constant 1 : i32
        %parallel_loop3A_972 = arith.constant 6 : i32
        %parallel_loop3A_973 = arith.index_cast %parallel_loop3A_971 : i32 to index
        %parallel_loop3A_974 = arith.index_cast %parallel_loop3A_972 : i32 to index
        %parallel_loop3A_975 = arith.index_cast %parallel_loop3A_527 : i32 to index
        %parallel_loop3A_976 = tpu.vector_load %arg6[%parallel_loop3A_973, %parallel_loop3A_974, %parallel_loop3A_975] {strides = array<i32>} : memref<4x8x512xf32, #tpu.memory_space<vmem>>, vector<1x1x16xf32>,
        %parallel_loop3A_977 = vector.shape_cast %parallel_loop3A_976 : vector<1x1x16xf32> to vector<16xf32>
        %parallel_loop3A_978 = vector.shape_cast %parallel_loop3A_970 : vector<16xf32> to vector<1x1x16xf32>
        tpu.vector_store %arg6[%parallel_loop3A_973, %parallel_loop3A_974, %parallel_loop3A_975], %parallel_loop3A_978 {strides = array<i32>} : memref<4x8x512xf32, #tpu.memory_space<vmem>>, vector<1x1x16xf32>,
        %parallel_loop3A_979 = arith.constant 2 : i32
        %parallel_loop3A_980 = arith.constant 6 : i32
        %parallel_loop3A_981 = arith.index_cast %parallel_loop3A_979 : i32 to index
        %parallel_loop3A_982 = arith.index_cast %parallel_loop3A_980 : i32 to index
        %parallel_loop3A_983 = arith.index_cast %parallel_loop3A_527 : i32 to index
        %parallel_loop3A_984 = tpu.vector_load %arg6[%parallel_loop3A_981, %parallel_loop3A_982, %parallel_loop3A_983] {strides = array<i32>} : memref<4x8x512xf32, #tpu.memory_space<vmem>>, vector<1x1x16xf32>,
        %parallel_loop3A_985 = vector.shape_cast %parallel_loop3A_984 : vector<1x1x16xf32> to vector<16xf32>
        %parallel_loop3A_986 = arith.addf %parallel_loop3A_985, %parallel_loop3A_946 : vector<16xf32>
        %parallel_loop3A_987 = arith.constant 2 : i32
        %parallel_loop3A_988 = arith.constant 6 : i32
        %parallel_loop3A_989 = arith.index_cast %parallel_loop3A_987 : i32 to index
        %parallel_loop3A_990 = arith.index_cast %parallel_loop3A_988 : i32 to index
        %parallel_loop3A_991 = arith.index_cast %parallel_loop3A_527 : i32 to index
        %parallel_loop3A_992 = tpu.vector_load %arg6[%parallel_loop3A_989, %parallel_loop3A_990, %parallel_loop3A_991] {strides = array<i32>} : memref<4x8x512xf32, #tpu.memory_space<vmem>>, vector<1x1x16xf32>,
        %parallel_loop3A_993 = vector.shape_cast %parallel_loop3A_992 : vector<1x1x16xf32> to vector<16xf32>
        %parallel_loop3A_994 = vector.shape_cast %parallel_loop3A_986 : vector<16xf32> to vector<1x1x16xf32>
        tpu.vector_store %arg6[%parallel_loop3A_989, %parallel_loop3A_990, %parallel_loop3A_991], %parallel_loop3A_994 {strides = array<i32>} : memref<4x8x512xf32, #tpu.memory_space<vmem>>, vector<1x1x16xf32>,
        %parallel_loop3A_995 = arith.constant 3 : i32
        %parallel_loop3A_996 = arith.constant 6 : i32
        %parallel_loop3A_997 = arith.index_cast %parallel_loop3A_995 : i32 to index
        %parallel_loop3A_998 = arith.index_cast %parallel_loop3A_996 : i32 to index
        %parallel_loop3A_999 = arith.index_cast %parallel_loop3A_527 : i32 to index
        %parallel_loop3A_1000 = tpu.vector_load %arg6[%parallel_loop3A_997, %parallel_loop3A_998, %parallel_loop3A_999] {strides = array<i32>} : memref<4x8x512xf32, #tpu.memory_space<vmem>>, vector<1x1x16xf32>,
        %parallel_loop3A_1001 = vector.shape_cast %parallel_loop3A_1000 : vector<1x1x16xf32> to vector<16xf32>
        %parallel_loop3A_1002 = arith.addf %parallel_loop3A_1001, %parallel_loop3A_946 : vector<16xf32>
        %parallel_loop3A_1003 = arith.constant 3 : i32
        %parallel_loop3A_1004 = arith.constant 6 : i32
        %parallel_loop3A_1005 = arith.index_cast %parallel_loop3A_1003 : i32 to index
        %parallel_loop3A_1006 = arith.index_cast %parallel_loop3A_1004 : i32 to index
        %parallel_loop3A_1007 = arith.index_cast %parallel_loop3A_527 : i32 to index
        %parallel_loop3A_1008 = tpu.vector_load %arg6[%parallel_loop3A_1005, %parallel_loop3A_1006, %parallel_loop3A_1007] {strides = array<i32>} : memref<4x8x512xf32, #tpu.memory_space<vmem>>, vector<1x1x16xf32>,
        %parallel_loop3A_1009 = vector.shape_cast %parallel_loop3A_1008 : vector<1x1x16xf32> to vector<16xf32>
        %parallel_loop3A_1010 = vector.shape_cast %parallel_loop3A_1002 : vector<16xf32> to vector<1x1x16xf32>
        tpu.vector_store %arg6[%parallel_loop3A_1005, %parallel_loop3A_1006, %parallel_loop3A_1007], %parallel_loop3A_1010 {strides = array<i32>} : memref<4x8x512xf32, #tpu.memory_space<vmem>>, vector<1x1x16xf32>,
        %parallel_loop3A_1011 = arith.constant 7 : i32
        %parallel_loop3A_1012 = arith.index_cast %parallel_loop3A_1011 : i32 to index
        %parallel_loop3A_1013 = arith.index_cast %parallel_loop3A_527 : i32 to index
        %parallel_loop3A_1014 = tpu.vector_load %arg10[%parallel_loop3A_1012, %parallel_loop3A_1013] {strides = array<i32>} : memref<8x512xf32, #tpu.memory_space<vmem>>, vector<1x16xf32>,
        %parallel_loop3A_1015 = vector.shape_cast %parallel_loop3A_1014 : vector<1x16xf32> to vector<16xf32>
        %parallel_loop3A_1016 = arith.constant 0 : i32
        %parallel_loop3A_1017 = arith.constant 7 : i32
        %parallel_loop3A_1018 = arith.index_cast %parallel_loop3A_1016 : i32 to index
        %parallel_loop3A_1019 = arith.index_cast %parallel_loop3A_1017 : i32 to index
        %parallel_loop3A_1020 = arith.index_cast %parallel_loop3A_527 : i32 to index
        %parallel_loop3A_1021 = tpu.vector_load %arg6[%parallel_loop3A_1018, %parallel_loop3A_1019, %parallel_loop3A_1020] {strides = array<i32>} : memref<4x8x512xf32, #tpu.memory_space<vmem>>, vector<1x1x16xf32>,
        %parallel_loop3A_1022 = vector.shape_cast %parallel_loop3A_1021 : vector<1x1x16xf32> to vector<16xf32>
        %parallel_loop3A_1023 = arith.addf %parallel_loop3A_1022, %parallel_loop3A_1015 : vector<16xf32>
        %parallel_loop3A_1024 = arith.constant 0 : i32
        %parallel_loop3A_1025 = arith.constant 7 : i32
        %parallel_loop3A_1026 = arith.index_cast %parallel_loop3A_1024 : i32 to index
        %parallel_loop3A_1027 = arith.index_cast %parallel_loop3A_1025 : i32 to index
        %parallel_loop3A_1028 = arith.index_cast %parallel_loop3A_527 : i32 to index
        %parallel_loop3A_1029 = tpu.vector_load %arg6[%parallel_loop3A_1026, %parallel_loop3A_1027, %parallel_loop3A_1028] {strides = array<i32>} : memref<4x8x512xf32, #tpu.memory_space<vmem>>, vector<1x1x16xf32>,
        %parallel_loop3A_1030 = vector.shape_cast %parallel_loop3A_1029 : vector<1x1x16xf32> to vector<16xf32>
        %parallel_loop3A_1031 = vector.shape_cast %parallel_loop3A_1023 : vector<16xf32> to vector<1x1x16xf32>
        tpu.vector_store %arg6[%parallel_loop3A_1026, %parallel_loop3A_1027, %parallel_loop3A_1028], %parallel_loop3A_1031 {strides = array<i32>} : memref<4x8x512xf32, #tpu.memory_space<vmem>>, vector<1x1x16xf32>,
        %parallel_loop3A_1032 = arith.constant 1 : i32
        %parallel_loop3A_1033 = arith.constant 7 : i32
        %parallel_loop3A_1034 = arith.index_cast %parallel_loop3A_1032 : i32 to index
        %parallel_loop3A_1035 = arith.index_cast %parallel_loop3A_1033 : i32 to index
        %parallel_loop3A_1036 = arith.index_cast %parallel_loop3A_527 : i32 to index
        %parallel_loop3A_1037 = tpu.vector_load %arg6[%parallel_loop3A_1034, %parallel_loop3A_1035, %parallel_loop3A_1036] {strides = array<i32>} : memref<4x8x512xf32, #tpu.memory_space<vmem>>, vector<1x1x16xf32>,
        %parallel_loop3A_1038 = vector.shape_cast %parallel_loop3A_1037 : vector<1x1x16xf32> to vector<16xf32>
        %parallel_loop3A_1039 = arith.addf %parallel_loop3A_1038, %parallel_loop3A_1015 : vector<16xf32>
        %parallel_loop3A_1040 = arith.constant 1 : i32
        %parallel_loop3A_1041 = arith.constant 7 : i32
        %parallel_loop3A_1042 = arith.index_cast %parallel_loop3A_1040 : i32 to index
        %parallel_loop3A_1043 = arith.index_cast %parallel_loop3A_1041 : i32 to index
        %parallel_loop3A_1044 = arith.index_cast %parallel_loop3A_527 : i32 to index
        %parallel_loop3A_1045 = tpu.vector_load %arg6[%parallel_loop3A_1042, %parallel_loop3A_1043, %parallel_loop3A_1044] {strides = array<i32>} : memref<4x8x512xf32, #tpu.memory_space<vmem>>, vector<1x1x16xf32>,
        %parallel_loop3A_1046 = vector.shape_cast %parallel_loop3A_1045 : vector<1x1x16xf32> to vector<16xf32>
        %parallel_loop3A_1047 = vector.shape_cast %parallel_loop3A_1039 : vector<16xf32> to vector<1x1x16xf32>
        tpu.vector_store %arg6[%parallel_loop3A_1042, %parallel_loop3A_1043, %parallel_loop3A_1044], %parallel_loop3A_1047 {strides = array<i32>} : memref<4x8x512xf32, #tpu.memory_space<vmem>>, vector<1x1x16xf32>,
        %parallel_loop3A_1048 = arith.constant 2 : i32
        %parallel_loop3A_1049 = arith.constant 7 : i32
        %parallel_loop3A_1050 = arith.index_cast %parallel_loop3A_1048 : i32 to index
        %parallel_loop3A_1051 = arith.index_cast %parallel_loop3A_1049 : i32 to index
        %parallel_loop3A_1052 = arith.index_cast %parallel_loop3A_527 : i32 to index
        %parallel_loop3A_1053 = tpu.vector_load %arg6[%parallel_loop3A_1050, %parallel_loop3A_1051, %parallel_loop3A_1052] {strides = array<i32>} : memref<4x8x512xf32, #tpu.memory_space<vmem>>, vector<1x1x16xf32>,
        %parallel_loop3A_1054 = vector.shape_cast %parallel_loop3A_1053 : vector<1x1x16xf32> to vector<16xf32>
        %parallel_loop3A_1055 = arith.addf %parallel_loop3A_1054, %parallel_loop3A_1015 : vector<16xf32>
        %parallel_loop3A_1056 = arith.constant 2 : i32
        %parallel_loop3A_1057 = arith.constant 7 : i32
        %parallel_loop3A_1058 = arith.index_cast %parallel_loop3A_1056 : i32 to index
        %parallel_loop3A_1059 = arith.index_cast %parallel_loop3A_1057 : i32 to index
        %parallel_loop3A_1060 = arith.index_cast %parallel_loop3A_527 : i32 to index
        %parallel_loop3A_1061 = tpu.vector_load %arg6[%parallel_loop3A_1058, %parallel_loop3A_1059, %parallel_loop3A_1060] {strides = array<i32>} : memref<4x8x512xf32, #tpu.memory_space<vmem>>, vector<1x1x16xf32>,
        %parallel_loop3A_1062 = vector.shape_cast %parallel_loop3A_1061 : vector<1x1x16xf32> to vector<16xf32>
        %parallel_loop3A_1063 = vector.shape_cast %parallel_loop3A_1055 : vector<16xf32> to vector<1x1x16xf32>
        tpu.vector_store %arg6[%parallel_loop3A_1058, %parallel_loop3A_1059, %parallel_loop3A_1060], %parallel_loop3A_1063 {strides = array<i32>} : memref<4x8x512xf32, #tpu.memory_space<vmem>>, vector<1x1x16xf32>,
        %parallel_loop3A_1064 = arith.constant 3 : i32
        %parallel_loop3A_1065 = arith.constant 7 : i32
        %parallel_loop3A_1066 = arith.index_cast %parallel_loop3A_1064 : i32 to index
        %parallel_loop3A_1067 = arith.index_cast %parallel_loop3A_1065 : i32 to index
        %parallel_loop3A_1068 = arith.index_cast %parallel_loop3A_527 : i32 to index
        %parallel_loop3A_1069 = tpu.vector_load %arg6[%parallel_loop3A_1066, %parallel_loop3A_1067, %parallel_loop3A_1068] {strides = array<i32>} : memref<4x8x512xf32, #tpu.memory_space<vmem>>, vector<1x1x16xf32>,
        %parallel_loop3A_1070 = vector.shape_cast %parallel_loop3A_1069 : vector<1x1x16xf32> to vector<16xf32>
        %parallel_loop3A_1071 = arith.addf %parallel_loop3A_1070, %parallel_loop3A_1015 : vector<16xf32>
        %parallel_loop3A_1072 = arith.constant 3 : i32
        %parallel_loop3A_1073 = arith.constant 7 : i32
        %parallel_loop3A_1074 = arith.index_cast %parallel_loop3A_1072 : i32 to index
        %parallel_loop3A_1075 = arith.index_cast %parallel_loop3A_1073 : i32 to index
        %parallel_loop3A_1076 = arith.index_cast %parallel_loop3A_527 : i32 to index
        %parallel_loop3A_1077 = tpu.vector_load %arg6[%parallel_loop3A_1074, %parallel_loop3A_1075, %parallel_loop3A_1076] {strides = array<i32>} : memref<4x8x512xf32, #tpu.memory_space<vmem>>, vector<1x1x16xf32>,
        %parallel_loop3A_1078 = vector.shape_cast %parallel_loop3A_1077 : vector<1x1x16xf32> to vector<16xf32>
        %parallel_loop3A_1079 = vector.shape_cast %parallel_loop3A_1071 : vector<16xf32> to vector<1x1x16xf32>
        tpu.vector_store %arg6[%parallel_loop3A_1074, %parallel_loop3A_1075, %parallel_loop3A_1076], %parallel_loop3A_1079 {strides = array<i32>} : memref<4x8x512xf32, #tpu.memory_space<vmem>>, vector<1x1x16xf32>,
      } {sc.loop_unroll_factor = 1 : i64, sc.parallel_access}
      %ge3A_266 = arith.constant 2 : i32
      %ge3A_267 = arith.cmpi sge, %add3A_207, %ge3A_266 : i32
      %convert_element_type3A_268 = arith.extui %ge3A_267 : i1 to i32
      %cond3A_269 = arith.constant 0 : i32
      %cond3A_270 = arith.cmpi ne, %convert_element_type3A_268, %cond3A_269 : i32
      scf.if %cond3A_270 {
        %sub3A = arith.constant 2 : i32
        %sub3A_525 = arith.subi %add3A_207, %sub3A : i32
        %shift_right_arithmetic3A_526 = arith.constant 1 : i32
        %shift_right_arithmetic3A_527 = arith.shrsi %sub3A_525, %shift_right_arithmetic3A_526 : i32
        %mul3A_528 = arith.constant 8 : i32
        %mul3A_529 = arith.muli %shift_right_arithmetic3A_527, %mul3A_528 : i32
        %add3A_530 = arith.addi %mul3A_2, %mul3A_529 : i32
        %jit3A_531 = arith.constant 0 : i32
        %jit3A_532 = arith.constant 4088 : i32
        %max3A_533 = arith.maxsi %jit3A_531, %add3A_530 : i32
        %min3A_534 = arith.minsi %jit3A_532, %max3A_533 : i32
        %multiple_of3A_535 = tpu.assume_multiple %min3A_534, 8 : i32
        %and3A_536 = arith.constant 1 : i32
        %and3A_537 = arith.andi %sub3A_525, %and3A_536 : i32
        %mul3A_538 = arith.constant 512 : i32
        %mul3A_539 = arith.muli %and3A_537, %mul3A_538 : i32
        %multiple_of3A_540 = tpu.assume_multiple %mul3A_539, 512 : i32
        %dma_wait3A_541 = arith.constant 0 : i32
        %dma_wait3A_542 = tpu.memref_slice %arg4[%dma_wait3A_541, %multiple_of3A_535, %multiple_of3A_540] : memref<4x4096x1024xf32, #tpu.memory_space<hbm>> -> memref<4x8x512xf32, #tpu.memory_space<hbm>>
        %dma_wait3A_543 = arith.constant 0 : i32
        %dma_wait3A_544 = tpu.memref_slice %arg4[%dma_wait3A_543, %multiple_of3A_535, %multiple_of3A_540] : memref<4x4096x1024xf32, #tpu.memory_space<hbm>> -> memref<4x8x512xf32, #tpu.memory_space<hbm>>
        tpu.wait_dma2 semaphore(%arg18 : memref<!tpu.dma_semaphore, #tpu.memory_space<semaphore_mem>>) src(%arg8 : memref<4x8x512xf32, #tpu.memory_space<vmem>>) dst(%dma_wait3A_544 : memref<4x8x512xf32, #tpu.memory_space<hbm>>)
      } else {
      }
      %add3A_271 = arith.constant 2 : i32
      %add3A_272 = arith.addi %add3A_207, %add3A_271 : i32
      %shift_right_arithmetic3A_273 = arith.constant 1 : i32
      %shift_right_arithmetic3A_274 = arith.shrsi %add3A_272, %shift_right_arithmetic3A_273 : i32
      %mul3A_275 = arith.constant 8 : i32
      %mul3A_276 = arith.muli %shift_right_arithmetic3A_274, %mul3A_275 : i32
      %add3A_277 = arith.addi %mul3A_2, %mul3A_276 : i32
      %jit3A_278 = arith.constant 0 : i32
      %jit3A_279 = arith.constant 4088 : i32
      %max3A_280 = arith.maxsi %jit3A_278, %add3A_277 : i32
      %min3A_281 = arith.minsi %jit3A_279, %max3A_280 : i32
      %multiple_of3A_282 = tpu.assume_multiple %min3A_281, 8 : i32
      %and3A_283 = arith.constant 1 : i32
      %and3A_284 = arith.andi %add3A_272, %and3A_283 : i32
      %mul3A_285 = arith.constant 512 : i32
      %mul3A_286 = arith.muli %and3A_284, %mul3A_285 : i32
      %multiple_of3A_287 = tpu.assume_multiple %mul3A_286, 512 : i32
      %dma_start3A_288 = arith.constant 0 : i32
      %dma_start3A_289 = tpu.memref_slice %arg2[%dma_start3A_288, %multiple_of3A_282, %multiple_of3A_287] : memref<4x4096x1024xf32, #tpu.memory_space<hbm>> -> memref<4x8x512xf32, #tpu.memory_space<hbm>>
      %dma_start3A_290 = arith.constant 0 : i32
      %dma_start3A_291 = tpu.memref_slice %arg2[%dma_start3A_290, %multiple_of3A_282, %multiple_of3A_287] : memref<4x4096x1024xf32, #tpu.memory_space<hbm>> -> memref<4x8x512xf32, #tpu.memory_space<hbm>>
      tpu.enqueue_dma source(%dma_start3A_291 : memref<4x8x512xf32, #tpu.memory_space<hbm>>) target(%arg8 : memref<4x8x512xf32, #tpu.memory_space<vmem>>) target_semaphore(%arg14 : memref<!tpu.dma_semaphore, #tpu.memory_space<semaphore_mem>>)
      %shift_right_arithmetic3A_292 = arith.constant 1 : i32
      %shift_right_arithmetic3A_293 = arith.shrsi %add3A_207, %shift_right_arithmetic3A_292 : i32
      %mul3A_294 = arith.constant 8 : i32
      %mul3A_295 = arith.muli %shift_right_arithmetic3A_293, %mul3A_294 : i32
      %add3A_296 = arith.addi %mul3A_2, %mul3A_295 : i32
      %jit3A_297 = arith.constant 0 : i32
      %jit3A_298 = arith.constant 4088 : i32
      %max3A_299 = arith.maxsi %jit3A_297, %add3A_296 : i32
      %min3A_300 = arith.minsi %jit3A_298, %max3A_299 : i32
      %multiple_of3A_301 = tpu.assume_multiple %min3A_300, 8 : i32
      %and3A_302 = arith.constant 1 : i32
      %and3A_303 = arith.andi %add3A_207, %and3A_302 : i32
      %mul3A_304 = arith.constant 512 : i32
      %mul3A_305 = arith.muli %and3A_303, %mul3A_304 : i32
      %multiple_of3A_306 = tpu.assume_multiple %mul3A_305, 512 : i32
      %dma_start3A_307 = arith.constant 0 : i32
      %dma_start3A_308 = tpu.memref_slice %arg4[%dma_start3A_307, %multiple_of3A_301, %multiple_of3A_306] : memref<4x4096x1024xf32, #tpu.memory_space<hbm>> -> memref<4x8x512xf32, #tpu.memory_space<hbm>>
      %dma_start3A_309 = arith.constant 0 : i32
      %dma_start3A_310 = tpu.memref_slice %arg4[%dma_start3A_309, %multiple_of3A_301, %multiple_of3A_306] : memref<4x4096x1024xf32, #tpu.memory_space<hbm>> -> memref<4x8x512xf32, #tpu.memory_space<hbm>>
      tpu.enqueue_dma source(%arg6 : memref<4x8x512xf32, #tpu.memory_space<vmem>>) target(%dma_start3A_310 : memref<4x8x512xf32, #tpu.memory_space<hbm>>) target_semaphore(%arg16 : memref<!tpu.dma_semaphore, #tpu.memory_space<semaphore_mem>>)
      %mul3A_311 = arith.constant 4 : i32
      %mul3A_312 = arith.muli %scan3A_102, %mul3A_311 : i32
      %add3A_313 = arith.constant 2 : i32
      %add3A_314 = arith.addi %mul3A_312, %add3A_313 : i32
      %add3A_315 = arith.constant 1 : i32
      %add3A_316 = arith.addi %add3A_314, %add3A_315 : i32
      %shift_right_arithmetic3A_317 = arith.constant 1 : i32
      %shift_right_arithmetic3A_318 = arith.shrsi %add3A_316, %shift_right_arithmetic3A_317 : i32
      %mul3A_319 = arith.constant 8 : i32
      %mul3A_320 = arith.muli %shift_right_arithmetic3A_318, %mul3A_319 : i32
      %add3A_321 = arith.addi %mul3A_2, %mul3A_320 : i32
      %jit3A_322 = arith.constant 0 : i32
      %jit3A_323 = arith.constant 4088 : i32
      %max3A_324 = arith.maxsi %jit3A_322, %add3A_321 : i32
      %min3A_325 = arith.minsi %jit3A_323, %max3A_324 : i32
      %multiple_of3A_326 = tpu.assume_multiple %min3A_325, 8 : i32
      %and3A_327 = arith.constant 1 : i32
      %and3A_328 = arith.andi %add3A_316, %and3A_327 : i32
      %mul3A_329 = arith.constant 512 : i32
      %mul3A_330 = arith.muli %and3A_328, %mul3A_329 : i32
      %multiple_of3A_331 = tpu.assume_multiple %mul3A_330, 512 : i32
      %dma_start3A_332 = tpu.memref_slice %arg3[%multiple_of3A_326, %multiple_of3A_331] : memref<8192x1024xf32, #tpu.memory_space<hbm>> -> memref<8x512xf32, #tpu.memory_space<hbm>>
      %dma_start3A_333 = tpu.memref_slice %arg3[%multiple_of3A_326, %multiple_of3A_331] : memref<8192x1024xf32, #tpu.memory_space<hbm>> -> memref<8x512xf32, #tpu.memory_space<hbm>>
      tpu.enqueue_dma source(%dma_start3A_333 : memref<8x512xf32, #tpu.memory_space<hbm>>) target(%arg10 : memref<8x512xf32, #tpu.memory_space<vmem>>) target_semaphore(%arg20 : memref<!tpu.dma_semaphore, #tpu.memory_space<semaphore_mem>>)
      %shift_right_arithmetic3A_334 = arith.constant 1 : i32
      %shift_right_arithmetic3A_335 = arith.shrsi %add3A_314, %shift_right_arithmetic3A_334 : i32
      %mul3A_336 = arith.constant 8 : i32
      %mul3A_337 = arith.muli %shift_right_arithmetic3A_335, %mul3A_336 : i32
      %add3A_338 = arith.addi %mul3A_2, %mul3A_337 : i32
      %jit3A_339 = arith.constant 0 : i32
      %jit3A_340 = arith.constant 4088 : i32
      %max3A_341 = arith.maxsi %jit3A_339, %add3A_338 : i32
      %min3A_342 = arith.minsi %jit3A_340, %max3A_341 : i32
      %multiple_of3A_343 = tpu.assume_multiple %min3A_342, 8 : i32
      %and3A_344 = arith.constant 1 : i32
      %and3A_345 = arith.andi %add3A_314, %and3A_344 : i32
      %mul3A_346 = arith.constant 512 : i32
      %mul3A_347 = arith.muli %and3A_345, %mul3A_346 : i32
      %multiple_of3A_348 = tpu.assume_multiple %mul3A_347, 512 : i32
      %dma_wait3A_349 = arith.constant 0 : i32
      %dma_wait3A_350 = tpu.memref_slice %arg2[%dma_wait3A_349, %multiple_of3A_343, %multiple_of3A_348] : memref<4x4096x1024xf32, #tpu.memory_space<hbm>> -> memref<4x8x512xf32, #tpu.memory_space<hbm>>
      %dma_wait3A_351 = arith.constant 0 : i32
      %dma_wait3A_352 = tpu.memref_slice %arg2[%dma_wait3A_351, %multiple_of3A_343, %multiple_of3A_348] : memref<4x4096x1024xf32, #tpu.memory_space<hbm>> -> memref<4x8x512xf32, #tpu.memory_space<hbm>>
      tpu.wait_dma2 semaphore(%arg13 : memref<!tpu.dma_semaphore, #tpu.memory_space<semaphore_mem>>) src(%dma_wait3A_352 : memref<4x8x512xf32, #tpu.memory_space<hbm>>) dst(%arg7 : memref<4x8x512xf32, #tpu.memory_space<vmem>>)
      %shift_right_arithmetic3A_353 = arith.constant 1 : i32
      %shift_right_arithmetic3A_354 = arith.shrsi %add3A_314, %shift_right_arithmetic3A_353 : i32
      %mul3A_355 = arith.constant 8 : i32
      %mul3A_356 = arith.muli %shift_right_arithmetic3A_354, %mul3A_355 : i32
      %add3A_357 = arith.addi %mul3A_2, %mul3A_356 : i32
      %jit3A_358 = arith.constant 0 : i32
      %jit3A_359 = arith.constant 4088 : i32
      %max3A_360 = arith.maxsi %jit3A_358, %add3A_357 : i32
      %min3A_361 = arith.minsi %jit3A_359, %max3A_360 : i32
      %multiple_of3A_362 = tpu.assume_multiple %min3A_361, 8 : i32
      %and3A_363 = arith.constant 1 : i32
      %and3A_364 = arith.andi %add3A_314, %and3A_363 : i32
      %mul3A_365 = arith.constant 512 : i32
      %mul3A_366 = arith.muli %and3A_364, %mul3A_365 : i32
      %multiple_of3A_367 = tpu.assume_multiple %mul3A_366, 512 : i32
      %dma_wait3A_368 = tpu.memref_slice %arg3[%multiple_of3A_362, %multiple_of3A_367] : memref<8192x1024xf32, #tpu.memory_space<hbm>> -> memref<8x512xf32, #tpu.memory_space<hbm>>
      %dma_wait3A_369 = tpu.memref_slice %arg3[%multiple_of3A_362, %multiple_of3A_367] : memref<8192x1024xf32, #tpu.memory_space<hbm>> -> memref<8x512xf32, #tpu.memory_space<hbm>>
      tpu.wait_dma2 semaphore(%arg19 : memref<!tpu.dma_semaphore, #tpu.memory_space<semaphore_mem>>) src(%dma_wait3A_369 : memref<8x512xf32, #tpu.memory_space<hbm>>) dst(%arg9 : memref<8x512xf32, #tpu.memory_space<vmem>>)
      %parallel_loop3A_370 = arith.constant 0 : i32
      %parallel_loop3A_371 = arith.constant 32 : i32
      %parallel_loop3A_372 = arith.constant 1 : i32
      scf.for %parallel_loop3A_525 = %parallel_loop3A_370 to %parallel_loop3A_371 step %parallel_loop3A_372  : i32 {
        %parallel_loop3A_526 = arith.constant 16 : i32
        %parallel_loop3A_527 = arith.muli %parallel_loop3A_525, %parallel_loop3A_526 : i32
        %parallel_loop3A_528 = arith.constant 0 : i32
        %parallel_loop3A_529 = arith.index_cast %parallel_loop3A_528 : i32 to index
        %parallel_loop3A_530 = arith.index_cast %parallel_loop3A_527 : i32 to index
        %parallel_loop3A_531 = tpu.vector_load %arg9[%parallel_loop3A_529, %parallel_loop3A_530] {strides = array<i32>} : memref<8x512xf32, #tpu.memory_space<vmem>>, vector<1x16xf32>,
        %parallel_loop3A_532 = vector.shape_cast %parallel_loop3A_531 : vector<1x16xf32> to vector<16xf32>
        %parallel_loop3A_533 = arith.constant 0 : i32
        %parallel_loop3A_534 = arith.constant 0 : i32
        %parallel_loop3A_535 = arith.index_cast %parallel_loop3A_533 : i32 to index
        %parallel_loop3A_536 = arith.index_cast %parallel_loop3A_534 : i32 to index
        %parallel_loop3A_537 = arith.index_cast %parallel_loop3A_527 : i32 to index
        %parallel_loop3A_538 = tpu.vector_load %arg7[%parallel_loop3A_535, %parallel_loop3A_536, %parallel_loop3A_537] {strides = array<i32>} : memref<4x8x512xf32, #tpu.memory_space<vmem>>, vector<1x1x16xf32>,
        %parallel_loop3A_539 = vector.shape_cast %parallel_loop3A_538 : vector<1x1x16xf32> to vector<16xf32>
        %parallel_loop3A_540 = arith.addf %parallel_loop3A_539, %parallel_loop3A_532 : vector<16xf32>
        %parallel_loop3A_541 = arith.constant 0 : i32
        %parallel_loop3A_542 = arith.constant 0 : i32
        %parallel_loop3A_543 = arith.index_cast %parallel_loop3A_541 : i32 to index
        %parallel_loop3A_544 = arith.index_cast %parallel_loop3A_542 : i32 to index
        %parallel_loop3A_545 = arith.index_cast %parallel_loop3A_527 : i32 to index
        %parallel_loop3A_546 = tpu.vector_load %arg7[%parallel_loop3A_543, %parallel_loop3A_544, %parallel_loop3A_545] {strides = array<i32>} : memref<4x8x512xf32, #tpu.memory_space<vmem>>, vector<1x1x16xf32>,
        %parallel_loop3A_547 = vector.shape_cast %parallel_loop3A_546 : vector<1x1x16xf32> to vector<16xf32>
        %parallel_loop3A_548 = vector.shape_cast %parallel_loop3A_540 : vector<16xf32> to vector<1x1x16xf32>
        tpu.vector_store %arg7[%parallel_loop3A_543, %parallel_loop3A_544, %parallel_loop3A_545], %parallel_loop3A_548 {strides = array<i32>} : memref<4x8x512xf32, #tpu.memory_space<vmem>>, vector<1x1x16xf32>,
        %parallel_loop3A_549 = arith.constant 1 : i32
        %parallel_loop3A_550 = arith.constant 0 : i32
        %parallel_loop3A_551 = arith.index_cast %parallel_loop3A_549 : i32 to index
        %parallel_loop3A_552 = arith.index_cast %parallel_loop3A_550 : i32 to index
        %parallel_loop3A_553 = arith.index_cast %parallel_loop3A_527 : i32 to index
        %parallel_loop3A_554 = tpu.vector_load %arg7[%parallel_loop3A_551, %parallel_loop3A_552, %parallel_loop3A_553] {strides = array<i32>} : memref<4x8x512xf32, #tpu.memory_space<vmem>>, vector<1x1x16xf32>,
        %parallel_loop3A_555 = vector.shape_cast %parallel_loop3A_554 : vector<1x1x16xf32> to vector<16xf32>
        %parallel_loop3A_556 = arith.addf %parallel_loop3A_555, %parallel_loop3A_532 : vector<16xf32>
        %parallel_loop3A_557 = arith.constant 1 : i32
        %parallel_loop3A_558 = arith.constant 0 : i32
        %parallel_loop3A_559 = arith.index_cast %parallel_loop3A_557 : i32 to index
        %parallel_loop3A_560 = arith.index_cast %parallel_loop3A_558 : i32 to index
        %parallel_loop3A_561 = arith.index_cast %parallel_loop3A_527 : i32 to index
        %parallel_loop3A_562 = tpu.vector_load %arg7[%parallel_loop3A_559, %parallel_loop3A_560, %parallel_loop3A_561] {strides = array<i32>} : memref<4x8x512xf32, #tpu.memory_space<vmem>>, vector<1x1x16xf32>,
        %parallel_loop3A_563 = vector.shape_cast %parallel_loop3A_562 : vector<1x1x16xf32> to vector<16xf32>
        %parallel_loop3A_564 = vector.shape_cast %parallel_loop3A_556 : vector<16xf32> to vector<1x1x16xf32>
        tpu.vector_store %arg7[%parallel_loop3A_559, %parallel_loop3A_560, %parallel_loop3A_561], %parallel_loop3A_564 {strides = array<i32>} : memref<4x8x512xf32, #tpu.memory_space<vmem>>, vector<1x1x16xf32>,
        %parallel_loop3A_565 = arith.constant 2 : i32
        %parallel_loop3A_566 = arith.constant 0 : i32
        %parallel_loop3A_567 = arith.index_cast %parallel_loop3A_565 : i32 to index
        %parallel_loop3A_568 = arith.index_cast %parallel_loop3A_566 : i32 to index
        %parallel_loop3A_569 = arith.index_cast %parallel_loop3A_527 : i32 to index
        %parallel_loop3A_570 = tpu.vector_load %arg7[%parallel_loop3A_567, %parallel_loop3A_568, %parallel_loop3A_569] {strides = array<i32>} : memref<4x8x512xf32, #tpu.memory_space<vmem>>, vector<1x1x16xf32>,
        %parallel_loop3A_571 = vector.shape_cast %parallel_loop3A_570 : vector<1x1x16xf32> to vector<16xf32>
        %parallel_loop3A_572 = arith.addf %parallel_loop3A_571, %parallel_loop3A_532 : vector<16xf32>
        %parallel_loop3A_573 = arith.constant 2 : i32
        %parallel_loop3A_574 = arith.constant 0 : i32
        %parallel_loop3A_575 = arith.index_cast %parallel_loop3A_573 : i32 to index
        %parallel_loop3A_576 = arith.index_cast %parallel_loop3A_574 : i32 to index
        %parallel_loop3A_577 = arith.index_cast %parallel_loop3A_527 : i32 to index
        %parallel_loop3A_578 = tpu.vector_load %arg7[%parallel_loop3A_575, %parallel_loop3A_576, %parallel_loop3A_577] {strides = array<i32>} : memref<4x8x512xf32, #tpu.memory_space<vmem>>, vector<1x1x16xf32>,
        %parallel_loop3A_579 = vector.shape_cast %parallel_loop3A_578 : vector<1x1x16xf32> to vector<16xf32>
        %parallel_loop3A_580 = vector.shape_cast %parallel_loop3A_572 : vector<16xf32> to vector<1x1x16xf32>
        tpu.vector_store %arg7[%parallel_loop3A_575, %parallel_loop3A_576, %parallel_loop3A_577], %parallel_loop3A_580 {strides = array<i32>} : memref<4x8x512xf32, #tpu.memory_space<vmem>>, vector<1x1x16xf32>,
        %parallel_loop3A_581 = arith.constant 3 : i32
        %parallel_loop3A_582 = arith.constant 0 : i32
        %parallel_loop3A_583 = arith.index_cast %parallel_loop3A_581 : i32 to index
        %parallel_loop3A_584 = arith.index_cast %parallel_loop3A_582 : i32 to index
        %parallel_loop3A_585 = arith.index_cast %parallel_loop3A_527 : i32 to index
        %parallel_loop3A_586 = tpu.vector_load %arg7[%parallel_loop3A_583, %parallel_loop3A_584, %parallel_loop3A_585] {strides = array<i32>} : memref<4x8x512xf32, #tpu.memory_space<vmem>>, vector<1x1x16xf32>,
        %parallel_loop3A_587 = vector.shape_cast %parallel_loop3A_586 : vector<1x1x16xf32> to vector<16xf32>
        %parallel_loop3A_588 = arith.addf %parallel_loop3A_587, %parallel_loop3A_532 : vector<16xf32>
        %parallel_loop3A_589 = arith.constant 3 : i32
        %parallel_loop3A_590 = arith.constant 0 : i32
        %parallel_loop3A_591 = arith.index_cast %parallel_loop3A_589 : i32 to index
        %parallel_loop3A_592 = arith.index_cast %parallel_loop3A_590 : i32 to index
        %parallel_loop3A_593 = arith.index_cast %parallel_loop3A_527 : i32 to index
        %parallel_loop3A_594 = tpu.vector_load %arg7[%parallel_loop3A_591, %parallel_loop3A_592, %parallel_loop3A_593] {strides = array<i32>} : memref<4x8x512xf32, #tpu.memory_space<vmem>>, vector<1x1x16xf32>,
        %parallel_loop3A_595 = vector.shape_cast %parallel_loop3A_594 : vector<1x1x16xf32> to vector<16xf32>
        %parallel_loop3A_596 = vector.shape_cast %parallel_loop3A_588 : vector<16xf32> to vector<1x1x16xf32>
        tpu.vector_store %arg7[%parallel_loop3A_591, %parallel_loop3A_592, %parallel_loop3A_593], %parallel_loop3A_596 {strides = array<i32>} : memref<4x8x512xf32, #tpu.memory_space<vmem>>, vector<1x1x16xf32>,
        %parallel_loop3A_597 = arith.constant 1 : i32
        %parallel_loop3A_598 = arith.index_cast %parallel_loop3A_597 : i32 to index
        %parallel_loop3A_599 = arith.index_cast %parallel_loop3A_527 : i32 to index
        %parallel_loop3A_600 = tpu.vector_load %arg9[%parallel_loop3A_598, %parallel_loop3A_599] {strides = array<i32>} : memref<8x512xf32, #tpu.memory_space<vmem>>, vector<1x16xf32>,
        %parallel_loop3A_601 = vector.shape_cast %parallel_loop3A_600 : vector<1x16xf32> to vector<16xf32>
        %parallel_loop3A_602 = arith.constant 0 : i32
        %parallel_loop3A_603 = arith.constant 1 : i32
        %parallel_loop3A_604 = arith.index_cast %parallel_loop3A_602 : i32 to index
        %parallel_loop3A_605 = arith.index_cast %parallel_loop3A_603 : i32 to index
        %parallel_loop3A_606 = arith.index_cast %parallel_loop3A_527 : i32 to index
        %parallel_loop3A_607 = tpu.vector_load %arg7[%parallel_loop3A_604, %parallel_loop3A_605, %parallel_loop3A_606] {strides = array<i32>} : memref<4x8x512xf32, #tpu.memory_space<vmem>>, vector<1x1x16xf32>,
        %parallel_loop3A_608 = vector.shape_cast %parallel_loop3A_607 : vector<1x1x16xf32> to vector<16xf32>
        %parallel_loop3A_609 = arith.addf %parallel_loop3A_608, %parallel_loop3A_601 : vector<16xf32>
        %parallel_loop3A_610 = arith.constant 0 : i32
        %parallel_loop3A_611 = arith.constant 1 : i32
        %parallel_loop3A_612 = arith.index_cast %parallel_loop3A_610 : i32 to index
        %parallel_loop3A_613 = arith.index_cast %parallel_loop3A_611 : i32 to index
        %parallel_loop3A_614 = arith.index_cast %parallel_loop3A_527 : i32 to index
        %parallel_loop3A_615 = tpu.vector_load %arg7[%parallel_loop3A_612, %parallel_loop3A_613, %parallel_loop3A_614] {strides = array<i32>} : memref<4x8x512xf32, #tpu.memory_space<vmem>>, vector<1x1x16xf32>,
        %parallel_loop3A_616 = vector.shape_cast %parallel_loop3A_615 : vector<1x1x16xf32> to vector<16xf32>
        %parallel_loop3A_617 = vector.shape_cast %parallel_loop3A_609 : vector<16xf32> to vector<1x1x16xf32>
        tpu.vector_store %arg7[%parallel_loop3A_612, %parallel_loop3A_613, %parallel_loop3A_614], %parallel_loop3A_617 {strides = array<i32>} : memref<4x8x512xf32, #tpu.memory_space<vmem>>, vector<1x1x16xf32>,
        %parallel_loop3A_618 = arith.constant 1 : i32
        %parallel_loop3A_619 = arith.constant 1 : i32
        %parallel_loop3A_620 = arith.index_cast %parallel_loop3A_618 : i32 to index
        %parallel_loop3A_621 = arith.index_cast %parallel_loop3A_619 : i32 to index
        %parallel_loop3A_622 = arith.index_cast %parallel_loop3A_527 : i32 to index
        %parallel_loop3A_623 = tpu.vector_load %arg7[%parallel_loop3A_620, %parallel_loop3A_621, %parallel_loop3A_622] {strides = array<i32>} : memref<4x8x512xf32, #tpu.memory_space<vmem>>, vector<1x1x16xf32>,
        %parallel_loop3A_624 = vector.shape_cast %parallel_loop3A_623 : vector<1x1x16xf32> to vector<16xf32>
        %parallel_loop3A_625 = arith.addf %parallel_loop3A_624, %parallel_loop3A_601 : vector<16xf32>
        %parallel_loop3A_626 = arith.constant 1 : i32
        %parallel_loop3A_627 = arith.constant 1 : i32
        %parallel_loop3A_628 = arith.index_cast %parallel_loop3A_626 : i32 to index
        %parallel_loop3A_629 = arith.index_cast %parallel_loop3A_627 : i32 to index
        %parallel_loop3A_630 = arith.index_cast %parallel_loop3A_527 : i32 to index
        %parallel_loop3A_631 = tpu.vector_load %arg7[%parallel_loop3A_628, %parallel_loop3A_629, %parallel_loop3A_630] {strides = array<i32>} : memref<4x8x512xf32, #tpu.memory_space<vmem>>, vector<1x1x16xf32>,
        %parallel_loop3A_632 = vector.shape_cast %parallel_loop3A_631 : vector<1x1x16xf32> to vector<16xf32>
        %parallel_loop3A_633 = vector.shape_cast %parallel_loop3A_625 : vector<16xf32> to vector<1x1x16xf32>
        tpu.vector_store %arg7[%parallel_loop3A_628, %parallel_loop3A_629, %parallel_loop3A_630], %parallel_loop3A_633 {strides = array<i32>} : memref<4x8x512xf32, #tpu.memory_space<vmem>>, vector<1x1x16xf32>,
        %parallel_loop3A_634 = arith.constant 2 : i32
        %parallel_loop3A_635 = arith.constant 1 : i32
        %parallel_loop3A_636 = arith.index_cast %parallel_loop3A_634 : i32 to index
        %parallel_loop3A_637 = arith.index_cast %parallel_loop3A_635 : i32 to index
        %parallel_loop3A_638 = arith.index_cast %parallel_loop3A_527 : i32 to index
        %parallel_loop3A_639 = tpu.vector_load %arg7[%parallel_loop3A_636, %parallel_loop3A_637, %parallel_loop3A_638] {strides = array<i32>} : memref<4x8x512xf32, #tpu.memory_space<vmem>>, vector<1x1x16xf32>,
        %parallel_loop3A_640 = vector.shape_cast %parallel_loop3A_639 : vector<1x1x16xf32> to vector<16xf32>
        %parallel_loop3A_641 = arith.addf %parallel_loop3A_640, %parallel_loop3A_601 : vector<16xf32>
        %parallel_loop3A_642 = arith.constant 2 : i32
        %parallel_loop3A_643 = arith.constant 1 : i32
        %parallel_loop3A_644 = arith.index_cast %parallel_loop3A_642 : i32 to index
        %parallel_loop3A_645 = arith.index_cast %parallel_loop3A_643 : i32 to index
        %parallel_loop3A_646 = arith.index_cast %parallel_loop3A_527 : i32 to index
        %parallel_loop3A_647 = tpu.vector_load %arg7[%parallel_loop3A_644, %parallel_loop3A_645, %parallel_loop3A_646] {strides = array<i32>} : memref<4x8x512xf32, #tpu.memory_space<vmem>>, vector<1x1x16xf32>,
        %parallel_loop3A_648 = vector.shape_cast %parallel_loop3A_647 : vector<1x1x16xf32> to vector<16xf32>
        %parallel_loop3A_649 = vector.shape_cast %parallel_loop3A_641 : vector<16xf32> to vector<1x1x16xf32>
        tpu.vector_store %arg7[%parallel_loop3A_644, %parallel_loop3A_645, %parallel_loop3A_646], %parallel_loop3A_649 {strides = array<i32>} : memref<4x8x512xf32, #tpu.memory_space<vmem>>, vector<1x1x16xf32>,
        %parallel_loop3A_650 = arith.constant 3 : i32
        %parallel_loop3A_651 = arith.constant 1 : i32
        %parallel_loop3A_652 = arith.index_cast %parallel_loop3A_650 : i32 to index
        %parallel_loop3A_653 = arith.index_cast %parallel_loop3A_651 : i32 to index
        %parallel_loop3A_654 = arith.index_cast %parallel_loop3A_527 : i32 to index
        %parallel_loop3A_655 = tpu.vector_load %arg7[%parallel_loop3A_652, %parallel_loop3A_653, %parallel_loop3A_654] {strides = array<i32>} : memref<4x8x512xf32, #tpu.memory_space<vmem>>, vector<1x1x16xf32>,
        %parallel_loop3A_656 = vector.shape_cast %parallel_loop3A_655 : vector<1x1x16xf32> to vector<16xf32>
        %parallel_loop3A_657 = arith.addf %parallel_loop3A_656, %parallel_loop3A_601 : vector<16xf32>
        %parallel_loop3A_658 = arith.constant 3 : i32
        %parallel_loop3A_659 = arith.constant 1 : i32
        %parallel_loop3A_660 = arith.index_cast %parallel_loop3A_658 : i32 to index
        %parallel_loop3A_661 = arith.index_cast %parallel_loop3A_659 : i32 to index
        %parallel_loop3A_662 = arith.index_cast %parallel_loop3A_527 : i32 to index
        %parallel_loop3A_663 = tpu.vector_load %arg7[%parallel_loop3A_660, %parallel_loop3A_661, %parallel_loop3A_662] {strides = array<i32>} : memref<4x8x512xf32, #tpu.memory_space<vmem>>, vector<1x1x16xf32>,
        %parallel_loop3A_664 = vector.shape_cast %parallel_loop3A_663 : vector<1x1x16xf32> to vector<16xf32>
        %parallel_loop3A_665 = vector.shape_cast %parallel_loop3A_657 : vector<16xf32> to vector<1x1x16xf32>
        tpu.vector_store %arg7[%parallel_loop3A_660, %parallel_loop3A_661, %parallel_loop3A_662], %parallel_loop3A_665 {strides = array<i32>} : memref<4x8x512xf32, #tpu.memory_space<vmem>>, vector<1x1x16xf32>,
        %parallel_loop3A_666 = arith.constant 2 : i32
        %parallel_loop3A_667 = arith.index_cast %parallel_loop3A_666 : i32 to index
        %parallel_loop3A_668 = arith.index_cast %parallel_loop3A_527 : i32 to index
        %parallel_loop3A_669 = tpu.vector_load %arg9[%parallel_loop3A_667, %parallel_loop3A_668] {strides = array<i32>} : memref<8x512xf32, #tpu.memory_space<vmem>>, vector<1x16xf32>,
        %parallel_loop3A_670 = vector.shape_cast %parallel_loop3A_669 : vector<1x16xf32> to vector<16xf32>
        %parallel_loop3A_671 = arith.constant 0 : i32
        %parallel_loop3A_672 = arith.constant 2 : i32
        %parallel_loop3A_673 = arith.index_cast %parallel_loop3A_671 : i32 to index
        %parallel_loop3A_674 = arith.index_cast %parallel_loop3A_672 : i32 to index
        %parallel_loop3A_675 = arith.index_cast %parallel_loop3A_527 : i32 to index
        %parallel_loop3A_676 = tpu.vector_load %arg7[%parallel_loop3A_673, %parallel_loop3A_674, %parallel_loop3A_675] {strides = array<i32>} : memref<4x8x512xf32, #tpu.memory_space<vmem>>, vector<1x1x16xf32>,
        %parallel_loop3A_677 = vector.shape_cast %parallel_loop3A_676 : vector<1x1x16xf32> to vector<16xf32>
        %parallel_loop3A_678 = arith.addf %parallel_loop3A_677, %parallel_loop3A_670 : vector<16xf32>
        %parallel_loop3A_679 = arith.constant 0 : i32
        %parallel_loop3A_680 = arith.constant 2 : i32
        %parallel_loop3A_681 = arith.index_cast %parallel_loop3A_679 : i32 to index
        %parallel_loop3A_682 = arith.index_cast %parallel_loop3A_680 : i32 to index
        %parallel_loop3A_683 = arith.index_cast %parallel_loop3A_527 : i32 to index
        %parallel_loop3A_684 = tpu.vector_load %arg7[%parallel_loop3A_681, %parallel_loop3A_682, %parallel_loop3A_683] {strides = array<i32>} : memref<4x8x512xf32, #tpu.memory_space<vmem>>, vector<1x1x16xf32>,
        %parallel_loop3A_685 = vector.shape_cast %parallel_loop3A_684 : vector<1x1x16xf32> to vector<16xf32>
        %parallel_loop3A_686 = vector.shape_cast %parallel_loop3A_678 : vector<16xf32> to vector<1x1x16xf32>
        tpu.vector_store %arg7[%parallel_loop3A_681, %parallel_loop3A_682, %parallel_loop3A_683], %parallel_loop3A_686 {strides = array<i32>} : memref<4x8x512xf32, #tpu.memory_space<vmem>>, vector<1x1x16xf32>,
        %parallel_loop3A_687 = arith.constant 1 : i32
        %parallel_loop3A_688 = arith.constant 2 : i32
        %parallel_loop3A_689 = arith.index_cast %parallel_loop3A_687 : i32 to index
        %parallel_loop3A_690 = arith.index_cast %parallel_loop3A_688 : i32 to index
        %parallel_loop3A_691 = arith.index_cast %parallel_loop3A_527 : i32 to index
        %parallel_loop3A_692 = tpu.vector_load %arg7[%parallel_loop3A_689, %parallel_loop3A_690, %parallel_loop3A_691] {strides = array<i32>} : memref<4x8x512xf32, #tpu.memory_space<vmem>>, vector<1x1x16xf32>,
        %parallel_loop3A_693 = vector.shape_cast %parallel_loop3A_692 : vector<1x1x16xf32> to vector<16xf32>
        %parallel_loop3A_694 = arith.addf %parallel_loop3A_693, %parallel_loop3A_670 : vector<16xf32>
        %parallel_loop3A_695 = arith.constant 1 : i32
        %parallel_loop3A_696 = arith.constant 2 : i32
        %parallel_loop3A_697 = arith.index_cast %parallel_loop3A_695 : i32 to index
        %parallel_loop3A_698 = arith.index_cast %parallel_loop3A_696 : i32 to index
        %parallel_loop3A_699 = arith.index_cast %parallel_loop3A_527 : i32 to index
        %parallel_loop3A_700 = tpu.vector_load %arg7[%parallel_loop3A_697, %parallel_loop3A_698, %parallel_loop3A_699] {strides = array<i32>} : memref<4x8x512xf32, #tpu.memory_space<vmem>>, vector<1x1x16xf32>,
        %parallel_loop3A_701 = vector.shape_cast %parallel_loop3A_700 : vector<1x1x16xf32> to vector<16xf32>
        %parallel_loop3A_702 = vector.shape_cast %parallel_loop3A_694 : vector<16xf32> to vector<1x1x16xf32>
        tpu.vector_store %arg7[%parallel_loop3A_697, %parallel_loop3A_698, %parallel_loop3A_699], %parallel_loop3A_702 {strides = array<i32>} : memref<4x8x512xf32, #tpu.memory_space<vmem>>, vector<1x1x16xf32>,
        %parallel_loop3A_703 = arith.constant 2 : i32
        %parallel_loop3A_704 = arith.constant 2 : i32
        %parallel_loop3A_705 = arith.index_cast %parallel_loop3A_703 : i32 to index
        %parallel_loop3A_706 = arith.index_cast %parallel_loop3A_704 : i32 to index
        %parallel_loop3A_707 = arith.index_cast %parallel_loop3A_527 : i32 to index
        %parallel_loop3A_708 = tpu.vector_load %arg7[%parallel_loop3A_705, %parallel_loop3A_706, %parallel_loop3A_707] {strides = array<i32>} : memref<4x8x512xf32, #tpu.memory_space<vmem>>, vector<1x1x16xf32>,
        %parallel_loop3A_709 = vector.shape_cast %parallel_loop3A_708 : vector<1x1x16xf32> to vector<16xf32>
        %parallel_loop3A_710 = arith.addf %parallel_loop3A_709, %parallel_loop3A_670 : vector<16xf32>
        %parallel_loop3A_711 = arith.constant 2 : i32
        %parallel_loop3A_712 = arith.constant 2 : i32
        %parallel_loop3A_713 = arith.index_cast %parallel_loop3A_711 : i32 to index
        %parallel_loop3A_714 = arith.index_cast %parallel_loop3A_712 : i32 to index
        %parallel_loop3A_715 = arith.index_cast %parallel_loop3A_527 : i32 to index
        %parallel_loop3A_716 = tpu.vector_load %arg7[%parallel_loop3A_713, %parallel_loop3A_714, %parallel_loop3A_715] {strides = array<i32>} : memref<4x8x512xf32, #tpu.memory_space<vmem>>, vector<1x1x16xf32>,
        %parallel_loop3A_717 = vector.shape_cast %parallel_loop3A_716 : vector<1x1x16xf32> to vector<16xf32>
        %parallel_loop3A_718 = vector.shape_cast %parallel_loop3A_710 : vector<16xf32> to vector<1x1x16xf32>
        tpu.vector_store %arg7[%parallel_loop3A_713, %parallel_loop3A_714, %parallel_loop3A_715], %parallel_loop3A_718 {strides = array<i32>} : memref<4x8x512xf32, #tpu.memory_space<vmem>>, vector<1x1x16xf32>,
        %parallel_loop3A_719 = arith.constant 3 : i32
        %parallel_loop3A_720 = arith.constant 2 : i32
        %parallel_loop3A_721 = arith.index_cast %parallel_loop3A_719 : i32 to index
        %parallel_loop3A_722 = arith.index_cast %parallel_loop3A_720 : i32 to index
        %parallel_loop3A_723 = arith.index_cast %parallel_loop3A_527 : i32 to index
        %parallel_loop3A_724 = tpu.vector_load %arg7[%parallel_loop3A_721, %parallel_loop3A_722, %parallel_loop3A_723] {strides = array<i32>} : memref<4x8x512xf32, #tpu.memory_space<vmem>>, vector<1x1x16xf32>,
        %parallel_loop3A_725 = vector.shape_cast %parallel_loop3A_724 : vector<1x1x16xf32> to vector<16xf32>
        %parallel_loop3A_726 = arith.addf %parallel_loop3A_725, %parallel_loop3A_670 : vector<16xf32>
        %parallel_loop3A_727 = arith.constant 3 : i32
        %parallel_loop3A_728 = arith.constant 2 : i32
        %parallel_loop3A_729 = arith.index_cast %parallel_loop3A_727 : i32 to index
        %parallel_loop3A_730 = arith.index_cast %parallel_loop3A_728 : i32 to index
        %parallel_loop3A_731 = arith.index_cast %parallel_loop3A_527 : i32 to index
        %parallel_loop3A_732 = tpu.vector_load %arg7[%parallel_loop3A_729, %parallel_loop3A_730, %parallel_loop3A_731] {strides = array<i32>} : memref<4x8x512xf32, #tpu.memory_space<vmem>>, vector<1x1x16xf32>,
        %parallel_loop3A_733 = vector.shape_cast %parallel_loop3A_732 : vector<1x1x16xf32> to vector<16xf32>
        %parallel_loop3A_734 = vector.shape_cast %parallel_loop3A_726 : vector<16xf32> to vector<1x1x16xf32>
        tpu.vector_store %arg7[%parallel_loop3A_729, %parallel_loop3A_730, %parallel_loop3A_731], %parallel_loop3A_734 {strides = array<i32>} : memref<4x8x512xf32, #tpu.memory_space<vmem>>, vector<1x1x16xf32>,
        %parallel_loop3A_735 = arith.constant 3 : i32
        %parallel_loop3A_736 = arith.index_cast %parallel_loop3A_735 : i32 to index
        %parallel_loop3A_737 = arith.index_cast %parallel_loop3A_527 : i32 to index
        %parallel_loop3A_738 = tpu.vector_load %arg9[%parallel_loop3A_736, %parallel_loop3A_737] {strides = array<i32>} : memref<8x512xf32, #tpu.memory_space<vmem>>, vector<1x16xf32>,
        %parallel_loop3A_739 = vector.shape_cast %parallel_loop3A_738 : vector<1x16xf32> to vector<16xf32>
        %parallel_loop3A_740 = arith.constant 0 : i32
        %parallel_loop3A_741 = arith.constant 3 : i32
        %parallel_loop3A_742 = arith.index_cast %parallel_loop3A_740 : i32 to index
        %parallel_loop3A_743 = arith.index_cast %parallel_loop3A_741 : i32 to index
        %parallel_loop3A_744 = arith.index_cast %parallel_loop3A_527 : i32 to index
        %parallel_loop3A_745 = tpu.vector_load %arg7[%parallel_loop3A_742, %parallel_loop3A_743, %parallel_loop3A_744] {strides = array<i32>} : memref<4x8x512xf32, #tpu.memory_space<vmem>>, vector<1x1x16xf32>,
        %parallel_loop3A_746 = vector.shape_cast %parallel_loop3A_745 : vector<1x1x16xf32> to vector<16xf32>
        %parallel_loop3A_747 = arith.addf %parallel_loop3A_746, %parallel_loop3A_739 : vector<16xf32>
        %parallel_loop3A_748 = arith.constant 0 : i32
        %parallel_loop3A_749 = arith.constant 3 : i32
        %parallel_loop3A_750 = arith.index_cast %parallel_loop3A_748 : i32 to index
        %parallel_loop3A_751 = arith.index_cast %parallel_loop3A_749 : i32 to index
        %parallel_loop3A_752 = arith.index_cast %parallel_loop3A_527 : i32 to index
        %parallel_loop3A_753 = tpu.vector_load %arg7[%parallel_loop3A_750, %parallel_loop3A_751, %parallel_loop3A_752] {strides = array<i32>} : memref<4x8x512xf32, #tpu.memory_space<vmem>>, vector<1x1x16xf32>,
        %parallel_loop3A_754 = vector.shape_cast %parallel_loop3A_753 : vector<1x1x16xf32> to vector<16xf32>
        %parallel_loop3A_755 = vector.shape_cast %parallel_loop3A_747 : vector<16xf32> to vector<1x1x16xf32>
        tpu.vector_store %arg7[%parallel_loop3A_750, %parallel_loop3A_751, %parallel_loop3A_752], %parallel_loop3A_755 {strides = array<i32>} : memref<4x8x512xf32, #tpu.memory_space<vmem>>, vector<1x1x16xf32>,
        %parallel_loop3A_756 = arith.constant 1 : i32
        %parallel_loop3A_757 = arith.constant 3 : i32
        %parallel_loop3A_758 = arith.index_cast %parallel_loop3A_756 : i32 to index
        %parallel_loop3A_759 = arith.index_cast %parallel_loop3A_757 : i32 to index
        %parallel_loop3A_760 = arith.index_cast %parallel_loop3A_527 : i32 to index
        %parallel_loop3A_761 = tpu.vector_load %arg7[%parallel_loop3A_758, %parallel_loop3A_759, %parallel_loop3A_760] {strides = array<i32>} : memref<4x8x512xf32, #tpu.memory_space<vmem>>, vector<1x1x16xf32>,
        %parallel_loop3A_762 = vector.shape_cast %parallel_loop3A_761 : vector<1x1x16xf32> to vector<16xf32>
        %parallel_loop3A_763 = arith.addf %parallel_loop3A_762, %parallel_loop3A_739 : vector<16xf32>
        %parallel_loop3A_764 = arith.constant 1 : i32
        %parallel_loop3A_765 = arith.constant 3 : i32
        %parallel_loop3A_766 = arith.index_cast %parallel_loop3A_764 : i32 to index
        %parallel_loop3A_767 = arith.index_cast %parallel_loop3A_765 : i32 to index
        %parallel_loop3A_768 = arith.index_cast %parallel_loop3A_527 : i32 to index
        %parallel_loop3A_769 = tpu.vector_load %arg7[%parallel_loop3A_766, %parallel_loop3A_767, %parallel_loop3A_768] {strides = array<i32>} : memref<4x8x512xf32, #tpu.memory_space<vmem>>, vector<1x1x16xf32>,
        %parallel_loop3A_770 = vector.shape_cast %parallel_loop3A_769 : vector<1x1x16xf32> to vector<16xf32>
        %parallel_loop3A_771 = vector.shape_cast %parallel_loop3A_763 : vector<16xf32> to vector<1x1x16xf32>
        tpu.vector_store %arg7[%parallel_loop3A_766, %parallel_loop3A_767, %parallel_loop3A_768], %parallel_loop3A_771 {strides = array<i32>} : memref<4x8x512xf32, #tpu.memory_space<vmem>>, vector<1x1x16xf32>,
        %parallel_loop3A_772 = arith.constant 2 : i32
        %parallel_loop3A_773 = arith.constant 3 : i32
        %parallel_loop3A_774 = arith.index_cast %parallel_loop3A_772 : i32 to index
        %parallel_loop3A_775 = arith.index_cast %parallel_loop3A_773 : i32 to index
        %parallel_loop3A_776 = arith.index_cast %parallel_loop3A_527 : i32 to index
        %parallel_loop3A_777 = tpu.vector_load %arg7[%parallel_loop3A_774, %parallel_loop3A_775, %parallel_loop3A_776] {strides = array<i32>} : memref<4x8x512xf32, #tpu.memory_space<vmem>>, vector<1x1x16xf32>,
        %parallel_loop3A_778 = vector.shape_cast %parallel_loop3A_777 : vector<1x1x16xf32> to vector<16xf32>
        %parallel_loop3A_779 = arith.addf %parallel_loop3A_778, %parallel_loop3A_739 : vector<16xf32>
        %parallel_loop3A_780 = arith.constant 2 : i32
        %parallel_loop3A_781 = arith.constant 3 : i32
        %parallel_loop3A_782 = arith.index_cast %parallel_loop3A_780 : i32 to index
        %parallel_loop3A_783 = arith.index_cast %parallel_loop3A_781 : i32 to index
        %parallel_loop3A_784 = arith.index_cast %parallel_loop3A_527 : i32 to index
        %parallel_loop3A_785 = tpu.vector_load %arg7[%parallel_loop3A_782, %parallel_loop3A_783, %parallel_loop3A_784] {strides = array<i32>} : memref<4x8x512xf32, #tpu.memory_space<vmem>>, vector<1x1x16xf32>,
        %parallel_loop3A_786 = vector.shape_cast %parallel_loop3A_785 : vector<1x1x16xf32> to vector<16xf32>
        %parallel_loop3A_787 = vector.shape_cast %parallel_loop3A_779 : vector<16xf32> to vector<1x1x16xf32>
        tpu.vector_store %arg7[%parallel_loop3A_782, %parallel_loop3A_783, %parallel_loop3A_784], %parallel_loop3A_787 {strides = array<i32>} : memref<4x8x512xf32, #tpu.memory_space<vmem>>, vector<1x1x16xf32>,
        %parallel_loop3A_788 = arith.constant 3 : i32
        %parallel_loop3A_789 = arith.constant 3 : i32
        %parallel_loop3A_790 = arith.index_cast %parallel_loop3A_788 : i32 to index
        %parallel_loop3A_791 = arith.index_cast %parallel_loop3A_789 : i32 to index
        %parallel_loop3A_792 = arith.index_cast %parallel_loop3A_527 : i32 to index
        %parallel_loop3A_793 = tpu.vector_load %arg7[%parallel_loop3A_790, %parallel_loop3A_791, %parallel_loop3A_792] {strides = array<i32>} : memref<4x8x512xf32, #tpu.memory_space<vmem>>, vector<1x1x16xf32>,
        %parallel_loop3A_794 = vector.shape_cast %parallel_loop3A_793 : vector<1x1x16xf32> to vector<16xf32>
        %parallel_loop3A_795 = arith.addf %parallel_loop3A_794, %parallel_loop3A_739 : vector<16xf32>
        %parallel_loop3A_796 = arith.constant 3 : i32
        %parallel_loop3A_797 = arith.constant 3 : i32
        %parallel_loop3A_798 = arith.index_cast %parallel_loop3A_796 : i32 to index
        %parallel_loop3A_799 = arith.index_cast %parallel_loop3A_797 : i32 to index
        %parallel_loop3A_800 = arith.index_cast %parallel_loop3A_527 : i32 to index
        %parallel_loop3A_801 = tpu.vector_load %arg7[%parallel_loop3A_798, %parallel_loop3A_799, %parallel_loop3A_800] {strides = array<i32>} : memref<4x8x512xf32, #tpu.memory_space<vmem>>, vector<1x1x16xf32>,
        %parallel_loop3A_802 = vector.shape_cast %parallel_loop3A_801 : vector<1x1x16xf32> to vector<16xf32>
        %parallel_loop3A_803 = vector.shape_cast %parallel_loop3A_795 : vector<16xf32> to vector<1x1x16xf32>
        tpu.vector_store %arg7[%parallel_loop3A_798, %parallel_loop3A_799, %parallel_loop3A_800], %parallel_loop3A_803 {strides = array<i32>} : memref<4x8x512xf32, #tpu.memory_space<vmem>>, vector<1x1x16xf32>,
        %parallel_loop3A_804 = arith.constant 4 : i32
        %parallel_loop3A_805 = arith.index_cast %parallel_loop3A_804 : i32 to index
        %parallel_loop3A_806 = arith.index_cast %parallel_loop3A_527 : i32 to index
        %parallel_loop3A_807 = tpu.vector_load %arg9[%parallel_loop3A_805, %parallel_loop3A_806] {strides = array<i32>} : memref<8x512xf32, #tpu.memory_space<vmem>>, vector<1x16xf32>,
        %parallel_loop3A_808 = vector.shape_cast %parallel_loop3A_807 : vector<1x16xf32> to vector<16xf32>
        %parallel_loop3A_809 = arith.constant 0 : i32
        %parallel_loop3A_810 = arith.constant 4 : i32
        %parallel_loop3A_811 = arith.index_cast %parallel_loop3A_809 : i32 to index
        %parallel_loop3A_812 = arith.index_cast %parallel_loop3A_810 : i32 to index
        %parallel_loop3A_813 = arith.index_cast %parallel_loop3A_527 : i32 to index
        %parallel_loop3A_814 = tpu.vector_load %arg7[%parallel_loop3A_811, %parallel_loop3A_812, %parallel_loop3A_813] {strides = array<i32>} : memref<4x8x512xf32, #tpu.memory_space<vmem>>, vector<1x1x16xf32>,
        %parallel_loop3A_815 = vector.shape_cast %parallel_loop3A_814 : vector<1x1x16xf32> to vector<16xf32>
        %parallel_loop3A_816 = arith.addf %parallel_loop3A_815, %parallel_loop3A_808 : vector<16xf32>
        %parallel_loop3A_817 = arith.constant 0 : i32
        %parallel_loop3A_818 = arith.constant 4 : i32
        %parallel_loop3A_819 = arith.index_cast %parallel_loop3A_817 : i32 to index
        %parallel_loop3A_820 = arith.index_cast %parallel_loop3A_818 : i32 to index
        %parallel_loop3A_821 = arith.index_cast %parallel_loop3A_527 : i32 to index
        %parallel_loop3A_822 = tpu.vector_load %arg7[%parallel_loop3A_819, %parallel_loop3A_820, %parallel_loop3A_821] {strides = array<i32>} : memref<4x8x512xf32, #tpu.memory_space<vmem>>, vector<1x1x16xf32>,
        %parallel_loop3A_823 = vector.shape_cast %parallel_loop3A_822 : vector<1x1x16xf32> to vector<16xf32>
        %parallel_loop3A_824 = vector.shape_cast %parallel_loop3A_816 : vector<16xf32> to vector<1x1x16xf32>
        tpu.vector_store %arg7[%parallel_loop3A_819, %parallel_loop3A_820, %parallel_loop3A_821], %parallel_loop3A_824 {strides = array<i32>} : memref<4x8x512xf32, #tpu.memory_space<vmem>>, vector<1x1x16xf32>,
        %parallel_loop3A_825 = arith.constant 1 : i32
        %parallel_loop3A_826 = arith.constant 4 : i32
        %parallel_loop3A_827 = arith.index_cast %parallel_loop3A_825 : i32 to index
        %parallel_loop3A_828 = arith.index_cast %parallel_loop3A_826 : i32 to index
        %parallel_loop3A_829 = arith.index_cast %parallel_loop3A_527 : i32 to index
        %parallel_loop3A_830 = tpu.vector_load %arg7[%parallel_loop3A_827, %parallel_loop3A_828, %parallel_loop3A_829] {strides = array<i32>} : memref<4x8x512xf32, #tpu.memory_space<vmem>>, vector<1x1x16xf32>,
        %parallel_loop3A_831 = vector.shape_cast %parallel_loop3A_830 : vector<1x1x16xf32> to vector<16xf32>
        %parallel_loop3A_832 = arith.addf %parallel_loop3A_831, %parallel_loop3A_808 : vector<16xf32>
        %parallel_loop3A_833 = arith.constant 1 : i32
        %parallel_loop3A_834 = arith.constant 4 : i32
        %parallel_loop3A_835 = arith.index_cast %parallel_loop3A_833 : i32 to index
        %parallel_loop3A_836 = arith.index_cast %parallel_loop3A_834 : i32 to index
        %parallel_loop3A_837 = arith.index_cast %parallel_loop3A_527 : i32 to index
        %parallel_loop3A_838 = tpu.vector_load %arg7[%parallel_loop3A_835, %parallel_loop3A_836, %parallel_loop3A_837] {strides = array<i32>} : memref<4x8x512xf32, #tpu.memory_space<vmem>>, vector<1x1x16xf32>,
        %parallel_loop3A_839 = vector.shape_cast %parallel_loop3A_838 : vector<1x1x16xf32> to vector<16xf32>
        %parallel_loop3A_840 = vector.shape_cast %parallel_loop3A_832 : vector<16xf32> to vector<1x1x16xf32>
        tpu.vector_store %arg7[%parallel_loop3A_835, %parallel_loop3A_836, %parallel_loop3A_837], %parallel_loop3A_840 {strides = array<i32>} : memref<4x8x512xf32, #tpu.memory_space<vmem>>, vector<1x1x16xf32>,
        %parallel_loop3A_841 = arith.constant 2 : i32
        %parallel_loop3A_842 = arith.constant 4 : i32
        %parallel_loop3A_843 = arith.index_cast %parallel_loop3A_841 : i32 to index
        %parallel_loop3A_844 = arith.index_cast %parallel_loop3A_842 : i32 to index
        %parallel_loop3A_845 = arith.index_cast %parallel_loop3A_527 : i32 to index
        %parallel_loop3A_846 = tpu.vector_load %arg7[%parallel_loop3A_843, %parallel_loop3A_844, %parallel_loop3A_845] {strides = array<i32>} : memref<4x8x512xf32, #tpu.memory_space<vmem>>, vector<1x1x16xf32>,
        %parallel_loop3A_847 = vector.shape_cast %parallel_loop3A_846 : vector<1x1x16xf32> to vector<16xf32>
        %parallel_loop3A_848 = arith.addf %parallel_loop3A_847, %parallel_loop3A_808 : vector<16xf32>
        %parallel_loop3A_849 = arith.constant 2 : i32
        %parallel_loop3A_850 = arith.constant 4 : i32
        %parallel_loop3A_851 = arith.index_cast %parallel_loop3A_849 : i32 to index
        %parallel_loop3A_852 = arith.index_cast %parallel_loop3A_850 : i32 to index
        %parallel_loop3A_853 = arith.index_cast %parallel_loop3A_527 : i32 to index
        %parallel_loop3A_854 = tpu.vector_load %arg7[%parallel_loop3A_851, %parallel_loop3A_852, %parallel_loop3A_853] {strides = array<i32>} : memref<4x8x512xf32, #tpu.memory_space<vmem>>, vector<1x1x16xf32>,
        %parallel_loop3A_855 = vector.shape_cast %parallel_loop3A_854 : vector<1x1x16xf32> to vector<16xf32>
        %parallel_loop3A_856 = vector.shape_cast %parallel_loop3A_848 : vector<16xf32> to vector<1x1x16xf32>
        tpu.vector_store %arg7[%parallel_loop3A_851, %parallel_loop3A_852, %parallel_loop3A_853], %parallel_loop3A_856 {strides = array<i32>} : memref<4x8x512xf32, #tpu.memory_space<vmem>>, vector<1x1x16xf32>,
        %parallel_loop3A_857 = arith.constant 3 : i32
        %parallel_loop3A_858 = arith.constant 4 : i32
        %parallel_loop3A_859 = arith.index_cast %parallel_loop3A_857 : i32 to index
        %parallel_loop3A_860 = arith.index_cast %parallel_loop3A_858 : i32 to index
        %parallel_loop3A_861 = arith.index_cast %parallel_loop3A_527 : i32 to index
        %parallel_loop3A_862 = tpu.vector_load %arg7[%parallel_loop3A_859, %parallel_loop3A_860, %parallel_loop3A_861] {strides = array<i32>} : memref<4x8x512xf32, #tpu.memory_space<vmem>>, vector<1x1x16xf32>,
        %parallel_loop3A_863 = vector.shape_cast %parallel_loop3A_862 : vector<1x1x16xf32> to vector<16xf32>
        %parallel_loop3A_864 = arith.addf %parallel_loop3A_863, %parallel_loop3A_808 : vector<16xf32>
        %parallel_loop3A_865 = arith.constant 3 : i32
        %parallel_loop3A_866 = arith.constant 4 : i32
        %parallel_loop3A_867 = arith.index_cast %parallel_loop3A_865 : i32 to index
        %parallel_loop3A_868 = arith.index_cast %parallel_loop3A_866 : i32 to index
        %parallel_loop3A_869 = arith.index_cast %parallel_loop3A_527 : i32 to index
        %parallel_loop3A_870 = tpu.vector_load %arg7[%parallel_loop3A_867, %parallel_loop3A_868, %parallel_loop3A_869] {strides = array<i32>} : memref<4x8x512xf32, #tpu.memory_space<vmem>>, vector<1x1x16xf32>,
        %parallel_loop3A_871 = vector.shape_cast %parallel_loop3A_870 : vector<1x1x16xf32> to vector<16xf32>
        %parallel_loop3A_872 = vector.shape_cast %parallel_loop3A_864 : vector<16xf32> to vector<1x1x16xf32>
        tpu.vector_store %arg7[%parallel_loop3A_867, %parallel_loop3A_868, %parallel_loop3A_869], %parallel_loop3A_872 {strides = array<i32>} : memref<4x8x512xf32, #tpu.memory_space<vmem>>, vector<1x1x16xf32>,
        %parallel_loop3A_873 = arith.constant 5 : i32
        %parallel_loop3A_874 = arith.index_cast %parallel_loop3A_873 : i32 to index
        %parallel_loop3A_875 = arith.index_cast %parallel_loop3A_527 : i32 to index
        %parallel_loop3A_876 = tpu.vector_load %arg9[%parallel_loop3A_874, %parallel_loop3A_875] {strides = array<i32>} : memref<8x512xf32, #tpu.memory_space<vmem>>, vector<1x16xf32>,
        %parallel_loop3A_877 = vector.shape_cast %parallel_loop3A_876 : vector<1x16xf32> to vector<16xf32>
        %parallel_loop3A_878 = arith.constant 0 : i32
        %parallel_loop3A_879 = arith.constant 5 : i32
        %parallel_loop3A_880 = arith.index_cast %parallel_loop3A_878 : i32 to index
        %parallel_loop3A_881 = arith.index_cast %parallel_loop3A_879 : i32 to index
        %parallel_loop3A_882 = arith.index_cast %parallel_loop3A_527 : i32 to index
        %parallel_loop3A_883 = tpu.vector_load %arg7[%parallel_loop3A_880, %parallel_loop3A_881, %parallel_loop3A_882] {strides = array<i32>} : memref<4x8x512xf32, #tpu.memory_space<vmem>>, vector<1x1x16xf32>,
        %parallel_loop3A_884 = vector.shape_cast %parallel_loop3A_883 : vector<1x1x16xf32> to vector<16xf32>
        %parallel_loop3A_885 = arith.addf %parallel_loop3A_884, %parallel_loop3A_877 : vector<16xf32>
        %parallel_loop3A_886 = arith.constant 0 : i32
        %parallel_loop3A_887 = arith.constant 5 : i32
        %parallel_loop3A_888 = arith.index_cast %parallel_loop3A_886 : i32 to index
        %parallel_loop3A_889 = arith.index_cast %parallel_loop3A_887 : i32 to index
        %parallel_loop3A_890 = arith.index_cast %parallel_loop3A_527 : i32 to index
        %parallel_loop3A_891 = tpu.vector_load %arg7[%parallel_loop3A_888, %parallel_loop3A_889, %parallel_loop3A_890] {strides = array<i32>} : memref<4x8x512xf32, #tpu.memory_space<vmem>>, vector<1x1x16xf32>,
        %parallel_loop3A_892 = vector.shape_cast %parallel_loop3A_891 : vector<1x1x16xf32> to vector<16xf32>
        %parallel_loop3A_893 = vector.shape_cast %parallel_loop3A_885 : vector<16xf32> to vector<1x1x16xf32>
        tpu.vector_store %arg7[%parallel_loop3A_888, %parallel_loop3A_889, %parallel_loop3A_890], %parallel_loop3A_893 {strides = array<i32>} : memref<4x8x512xf32, #tpu.memory_space<vmem>>, vector<1x1x16xf32>,
        %parallel_loop3A_894 = arith.constant 1 : i32
        %parallel_loop3A_895 = arith.constant 5 : i32
        %parallel_loop3A_896 = arith.index_cast %parallel_loop3A_894 : i32 to index
        %parallel_loop3A_897 = arith.index_cast %parallel_loop3A_895 : i32 to index
        %parallel_loop3A_898 = arith.index_cast %parallel_loop3A_527 : i32 to index
        %parallel_loop3A_899 = tpu.vector_load %arg7[%parallel_loop3A_896, %parallel_loop3A_897, %parallel_loop3A_898] {strides = array<i32>} : memref<4x8x512xf32, #tpu.memory_space<vmem>>, vector<1x1x16xf32>,
        %parallel_loop3A_900 = vector.shape_cast %parallel_loop3A_899 : vector<1x1x16xf32> to vector<16xf32>
        %parallel_loop3A_901 = arith.addf %parallel_loop3A_900, %parallel_loop3A_877 : vector<16xf32>
        %parallel_loop3A_902 = arith.constant 1 : i32
        %parallel_loop3A_903 = arith.constant 5 : i32
        %parallel_loop3A_904 = arith.index_cast %parallel_loop3A_902 : i32 to index
        %parallel_loop3A_905 = arith.index_cast %parallel_loop3A_903 : i32 to index
        %parallel_loop3A_906 = arith.index_cast %parallel_loop3A_527 : i32 to index
        %parallel_loop3A_907 = tpu.vector_load %arg7[%parallel_loop3A_904, %parallel_loop3A_905, %parallel_loop3A_906] {strides = array<i32>} : memref<4x8x512xf32, #tpu.memory_space<vmem>>, vector<1x1x16xf32>,
        %parallel_loop3A_908 = vector.shape_cast %parallel_loop3A_907 : vector<1x1x16xf32> to vector<16xf32>
        %parallel_loop3A_909 = vector.shape_cast %parallel_loop3A_901 : vector<16xf32> to vector<1x1x16xf32>
        tpu.vector_store %arg7[%parallel_loop3A_904, %parallel_loop3A_905, %parallel_loop3A_906], %parallel_loop3A_909 {strides = array<i32>} : memref<4x8x512xf32, #tpu.memory_space<vmem>>, vector<1x1x16xf32>,
        %parallel_loop3A_910 = arith.constant 2 : i32
        %parallel_loop3A_911 = arith.constant 5 : i32
        %parallel_loop3A_912 = arith.index_cast %parallel_loop3A_910 : i32 to index
        %parallel_loop3A_913 = arith.index_cast %parallel_loop3A_911 : i32 to index
        %parallel_loop3A_914 = arith.index_cast %parallel_loop3A_527 : i32 to index
        %parallel_loop3A_915 = tpu.vector_load %arg7[%parallel_loop3A_912, %parallel_loop3A_913, %parallel_loop3A_914] {strides = array<i32>} : memref<4x8x512xf32, #tpu.memory_space<vmem>>, vector<1x1x16xf32>,
        %parallel_loop3A_916 = vector.shape_cast %parallel_loop3A_915 : vector<1x1x16xf32> to vector<16xf32>
        %parallel_loop3A_917 = arith.addf %parallel_loop3A_916, %parallel_loop3A_877 : vector<16xf32>
        %parallel_loop3A_918 = arith.constant 2 : i32
        %parallel_loop3A_919 = arith.constant 5 : i32
        %parallel_loop3A_920 = arith.index_cast %parallel_loop3A_918 : i32 to index
        %parallel_loop3A_921 = arith.index_cast %parallel_loop3A_919 : i32 to index
        %parallel_loop3A_922 = arith.index_cast %parallel_loop3A_527 : i32 to index
        %parallel_loop3A_923 = tpu.vector_load %arg7[%parallel_loop3A_920, %parallel_loop3A_921, %parallel_loop3A_922] {strides = array<i32>} : memref<4x8x512xf32, #tpu.memory_space<vmem>>, vector<1x1x16xf32>,
        %parallel_loop3A_924 = vector.shape_cast %parallel_loop3A_923 : vector<1x1x16xf32> to vector<16xf32>
        %parallel_loop3A_925 = vector.shape_cast %parallel_loop3A_917 : vector<16xf32> to vector<1x1x16xf32>
        tpu.vector_store %arg7[%parallel_loop3A_920, %parallel_loop3A_921, %parallel_loop3A_922], %parallel_loop3A_925 {strides = array<i32>} : memref<4x8x512xf32, #tpu.memory_space<vmem>>, vector<1x1x16xf32>,
        %parallel_loop3A_926 = arith.constant 3 : i32
        %parallel_loop3A_927 = arith.constant 5 : i32
        %parallel_loop3A_928 = arith.index_cast %parallel_loop3A_926 : i32 to index
        %parallel_loop3A_929 = arith.index_cast %parallel_loop3A_927 : i32 to index
        %parallel_loop3A_930 = arith.index_cast %parallel_loop3A_527 : i32 to index
        %parallel_loop3A_931 = tpu.vector_load %arg7[%parallel_loop3A_928, %parallel_loop3A_929, %parallel_loop3A_930] {strides = array<i32>} : memref<4x8x512xf32, #tpu.memory_space<vmem>>, vector<1x1x16xf32>,
        %parallel_loop3A_932 = vector.shape_cast %parallel_loop3A_931 : vector<1x1x16xf32> to vector<16xf32>
        %parallel_loop3A_933 = arith.addf %parallel_loop3A_932, %parallel_loop3A_877 : vector<16xf32>
        %parallel_loop3A_934 = arith.constant 3 : i32
        %parallel_loop3A_935 = arith.constant 5 : i32
        %parallel_loop3A_936 = arith.index_cast %parallel_loop3A_934 : i32 to index
        %parallel_loop3A_937 = arith.index_cast %parallel_loop3A_935 : i32 to index
        %parallel_loop3A_938 = arith.index_cast %parallel_loop3A_527 : i32 to index
        %parallel_loop3A_939 = tpu.vector_load %arg7[%parallel_loop3A_936, %parallel_loop3A_937, %parallel_loop3A_938] {strides = array<i32>} : memref<4x8x512xf32, #tpu.memory_space<vmem>>, vector<1x1x16xf32>,
        %parallel_loop3A_940 = vector.shape_cast %parallel_loop3A_939 : vector<1x1x16xf32> to vector<16xf32>
        %parallel_loop3A_941 = vector.shape_cast %parallel_loop3A_933 : vector<16xf32> to vector<1x1x16xf32>
        tpu.vector_store %arg7[%parallel_loop3A_936, %parallel_loop3A_937, %parallel_loop3A_938], %parallel_loop3A_941 {strides = array<i32>} : memref<4x8x512xf32, #tpu.memory_space<vmem>>, vector<1x1x16xf32>,
        %parallel_loop3A_942 = arith.constant 6 : i32
        %parallel_loop3A_943 = arith.index_cast %parallel_loop3A_942 : i32 to index
        %parallel_loop3A_944 = arith.index_cast %parallel_loop3A_527 : i32 to index
        %parallel_loop3A_945 = tpu.vector_load %arg9[%parallel_loop3A_943, %parallel_loop3A_944] {strides = array<i32>} : memref<8x512xf32, #tpu.memory_space<vmem>>, vector<1x16xf32>,
        %parallel_loop3A_946 = vector.shape_cast %parallel_loop3A_945 : vector<1x16xf32> to vector<16xf32>
        %parallel_loop3A_947 = arith.constant 0 : i32
        %parallel_loop3A_948 = arith.constant 6 : i32
        %parallel_loop3A_949 = arith.index_cast %parallel_loop3A_947 : i32 to index
        %parallel_loop3A_950 = arith.index_cast %parallel_loop3A_948 : i32 to index
        %parallel_loop3A_951 = arith.index_cast %parallel_loop3A_527 : i32 to index
        %parallel_loop3A_952 = tpu.vector_load %arg7[%parallel_loop3A_949, %parallel_loop3A_950, %parallel_loop3A_951] {strides = array<i32>} : memref<4x8x512xf32, #tpu.memory_space<vmem>>, vector<1x1x16xf32>,
        %parallel_loop3A_953 = vector.shape_cast %parallel_loop3A_952 : vector<1x1x16xf32> to vector<16xf32>
        %parallel_loop3A_954 = arith.addf %parallel_loop3A_953, %parallel_loop3A_946 : vector<16xf32>
        %parallel_loop3A_955 = arith.constant 0 : i32
        %parallel_loop3A_956 = arith.constant 6 : i32
        %parallel_loop3A_957 = arith.index_cast %parallel_loop3A_955 : i32 to index
        %parallel_loop3A_958 = arith.index_cast %parallel_loop3A_956 : i32 to index
        %parallel_loop3A_959 = arith.index_cast %parallel_loop3A_527 : i32 to index
        %parallel_loop3A_960 = tpu.vector_load %arg7[%parallel_loop3A_957, %parallel_loop3A_958, %parallel_loop3A_959] {strides = array<i32>} : memref<4x8x512xf32, #tpu.memory_space<vmem>>, vector<1x1x16xf32>,
        %parallel_loop3A_961 = vector.shape_cast %parallel_loop3A_960 : vector<1x1x16xf32> to vector<16xf32>
        %parallel_loop3A_962 = vector.shape_cast %parallel_loop3A_954 : vector<16xf32> to vector<1x1x16xf32>
        tpu.vector_store %arg7[%parallel_loop3A_957, %parallel_loop3A_958, %parallel_loop3A_959], %parallel_loop3A_962 {strides = array<i32>} : memref<4x8x512xf32, #tpu.memory_space<vmem>>, vector<1x1x16xf32>,
        %parallel_loop3A_963 = arith.constant 1 : i32
        %parallel_loop3A_964 = arith.constant 6 : i32
        %parallel_loop3A_965 = arith.index_cast %parallel_loop3A_963 : i32 to index
        %parallel_loop3A_966 = arith.index_cast %parallel_loop3A_964 : i32 to index
        %parallel_loop3A_967 = arith.index_cast %parallel_loop3A_527 : i32 to index
        %parallel_loop3A_968 = tpu.vector_load %arg7[%parallel_loop3A_965, %parallel_loop3A_966, %parallel_loop3A_967] {strides = array<i32>} : memref<4x8x512xf32, #tpu.memory_space<vmem>>, vector<1x1x16xf32>,
        %parallel_loop3A_969 = vector.shape_cast %parallel_loop3A_968 : vector<1x1x16xf32> to vector<16xf32>
        %parallel_loop3A_970 = arith.addf %parallel_loop3A_969, %parallel_loop3A_946 : vector<16xf32>
        %parallel_loop3A_971 = arith.constant 1 : i32
        %parallel_loop3A_972 = arith.constant 6 : i32
        %parallel_loop3A_973 = arith.index_cast %parallel_loop3A_971 : i32 to index
        %parallel_loop3A_974 = arith.index_cast %parallel_loop3A_972 : i32 to index
        %parallel_loop3A_975 = arith.index_cast %parallel_loop3A_527 : i32 to index
        %parallel_loop3A_976 = tpu.vector_load %arg7[%parallel_loop3A_973, %parallel_loop3A_974, %parallel_loop3A_975] {strides = array<i32>} : memref<4x8x512xf32, #tpu.memory_space<vmem>>, vector<1x1x16xf32>,
        %parallel_loop3A_977 = vector.shape_cast %parallel_loop3A_976 : vector<1x1x16xf32> to vector<16xf32>
        %parallel_loop3A_978 = vector.shape_cast %parallel_loop3A_970 : vector<16xf32> to vector<1x1x16xf32>
        tpu.vector_store %arg7[%parallel_loop3A_973, %parallel_loop3A_974, %parallel_loop3A_975], %parallel_loop3A_978 {strides = array<i32>} : memref<4x8x512xf32, #tpu.memory_space<vmem>>, vector<1x1x16xf32>,
        %parallel_loop3A_979 = arith.constant 2 : i32
        %parallel_loop3A_980 = arith.constant 6 : i32
        %parallel_loop3A_981 = arith.index_cast %parallel_loop3A_979 : i32 to index
        %parallel_loop3A_982 = arith.index_cast %parallel_loop3A_980 : i32 to index
        %parallel_loop3A_983 = arith.index_cast %parallel_loop3A_527 : i32 to index
        %parallel_loop3A_984 = tpu.vector_load %arg7[%parallel_loop3A_981, %parallel_loop3A_982, %parallel_loop3A_983] {strides = array<i32>} : memref<4x8x512xf32, #tpu.memory_space<vmem>>, vector<1x1x16xf32>,
        %parallel_loop3A_985 = vector.shape_cast %parallel_loop3A_984 : vector<1x1x16xf32> to vector<16xf32>
        %parallel_loop3A_986 = arith.addf %parallel_loop3A_985, %parallel_loop3A_946 : vector<16xf32>
        %parallel_loop3A_987 = arith.constant 2 : i32
        %parallel_loop3A_988 = arith.constant 6 : i32
        %parallel_loop3A_989 = arith.index_cast %parallel_loop3A_987 : i32 to index
        %parallel_loop3A_990 = arith.index_cast %parallel_loop3A_988 : i32 to index
        %parallel_loop3A_991 = arith.index_cast %parallel_loop3A_527 : i32 to index
        %parallel_loop3A_992 = tpu.vector_load %arg7[%parallel_loop3A_989, %parallel_loop3A_990, %parallel_loop3A_991] {strides = array<i32>} : memref<4x8x512xf32, #tpu.memory_space<vmem>>, vector<1x1x16xf32>,
        %parallel_loop3A_993 = vector.shape_cast %parallel_loop3A_992 : vector<1x1x16xf32> to vector<16xf32>
        %parallel_loop3A_994 = vector.shape_cast %parallel_loop3A_986 : vector<16xf32> to vector<1x1x16xf32>
        tpu.vector_store %arg7[%parallel_loop3A_989, %parallel_loop3A_990, %parallel_loop3A_991], %parallel_loop3A_994 {strides = array<i32>} : memref<4x8x512xf32, #tpu.memory_space<vmem>>, vector<1x1x16xf32>,
        %parallel_loop3A_995 = arith.constant 3 : i32
        %parallel_loop3A_996 = arith.constant 6 : i32
        %parallel_loop3A_997 = arith.index_cast %parallel_loop3A_995 : i32 to index
        %parallel_loop3A_998 = arith.index_cast %parallel_loop3A_996 : i32 to index
        %parallel_loop3A_999 = arith.index_cast %parallel_loop3A_527 : i32 to index
        %parallel_loop3A_1000 = tpu.vector_load %arg7[%parallel_loop3A_997, %parallel_loop3A_998, %parallel_loop3A_999] {strides = array<i32>} : memref<4x8x512xf32, #tpu.memory_space<vmem>>, vector<1x1x16xf32>,
        %parallel_loop3A_1001 = vector.shape_cast %parallel_loop3A_1000 : vector<1x1x16xf32> to vector<16xf32>
        %parallel_loop3A_1002 = arith.addf %parallel_loop3A_1001, %parallel_loop3A_946 : vector<16xf32>
        %parallel_loop3A_1003 = arith.constant 3 : i32
        %parallel_loop3A_1004 = arith.constant 6 : i32
        %parallel_loop3A_1005 = arith.index_cast %parallel_loop3A_1003 : i32 to index
        %parallel_loop3A_1006 = arith.index_cast %parallel_loop3A_1004 : i32 to index
        %parallel_loop3A_1007 = arith.index_cast %parallel_loop3A_527 : i32 to index
        %parallel_loop3A_1008 = tpu.vector_load %arg7[%parallel_loop3A_1005, %parallel_loop3A_1006, %parallel_loop3A_1007] {strides = array<i32>} : memref<4x8x512xf32, #tpu.memory_space<vmem>>, vector<1x1x16xf32>,
        %parallel_loop3A_1009 = vector.shape_cast %parallel_loop3A_1008 : vector<1x1x16xf32> to vector<16xf32>
        %parallel_loop3A_1010 = vector.shape_cast %parallel_loop3A_1002 : vector<16xf32> to vector<1x1x16xf32>
        tpu.vector_store %arg7[%parallel_loop3A_1005, %parallel_loop3A_1006, %parallel_loop3A_1007], %parallel_loop3A_1010 {strides = array<i32>} : memref<4x8x512xf32, #tpu.memory_space<vmem>>, vector<1x1x16xf32>,
        %parallel_loop3A_1011 = arith.constant 7 : i32
        %parallel_loop3A_1012 = arith.index_cast %parallel_loop3A_1011 : i32 to index
        %parallel_loop3A_1013 = arith.index_cast %parallel_loop3A_527 : i32 to index
        %parallel_loop3A_1014 = tpu.vector_load %arg9[%parallel_loop3A_1012, %parallel_loop3A_1013] {strides = array<i32>} : memref<8x512xf32, #tpu.memory_space<vmem>>, vector<1x16xf32>,
        %parallel_loop3A_1015 = vector.shape_cast %parallel_loop3A_1014 : vector<1x16xf32> to vector<16xf32>
        %parallel_loop3A_1016 = arith.constant 0 : i32
        %parallel_loop3A_1017 = arith.constant 7 : i32
        %parallel_loop3A_1018 = arith.index_cast %parallel_loop3A_1016 : i32 to index
        %parallel_loop3A_1019 = arith.index_cast %parallel_loop3A_1017 : i32 to index
        %parallel_loop3A_1020 = arith.index_cast %parallel_loop3A_527 : i32 to index
        %parallel_loop3A_1021 = tpu.vector_load %arg7[%parallel_loop3A_1018, %parallel_loop3A_1019, %parallel_loop3A_1020] {strides = array<i32>} : memref<4x8x512xf32, #tpu.memory_space<vmem>>, vector<1x1x16xf32>,
        %parallel_loop3A_1022 = vector.shape_cast %parallel_loop3A_1021 : vector<1x1x16xf32> to vector<16xf32>
        %parallel_loop3A_1023 = arith.addf %parallel_loop3A_1022, %parallel_loop3A_1015 : vector<16xf32>
        %parallel_loop3A_1024 = arith.constant 0 : i32
        %parallel_loop3A_1025 = arith.constant 7 : i32
        %parallel_loop3A_1026 = arith.index_cast %parallel_loop3A_1024 : i32 to index
        %parallel_loop3A_1027 = arith.index_cast %parallel_loop3A_1025 : i32 to index
        %parallel_loop3A_1028 = arith.index_cast %parallel_loop3A_527 : i32 to index
        %parallel_loop3A_1029 = tpu.vector_load %arg7[%parallel_loop3A_1026, %parallel_loop3A_1027, %parallel_loop3A_1028] {strides = array<i32>} : memref<4x8x512xf32, #tpu.memory_space<vmem>>, vector<1x1x16xf32>,
        %parallel_loop3A_1030 = vector.shape_cast %parallel_loop3A_1029 : vector<1x1x16xf32> to vector<16xf32>
        %parallel_loop3A_1031 = vector.shape_cast %parallel_loop3A_1023 : vector<16xf32> to vector<1x1x16xf32>
        tpu.vector_store %arg7[%parallel_loop3A_1026, %parallel_loop3A_1027, %parallel_loop3A_1028], %parallel_loop3A_1031 {strides = array<i32>} : memref<4x8x512xf32, #tpu.memory_space<vmem>>, vector<1x1x16xf32>,
        %parallel_loop3A_1032 = arith.constant 1 : i32
        %parallel_loop3A_1033 = arith.constant 7 : i32
        %parallel_loop3A_1034 = arith.index_cast %parallel_loop3A_1032 : i32 to index
        %parallel_loop3A_1035 = arith.index_cast %parallel_loop3A_1033 : i32 to index
        %parallel_loop3A_1036 = arith.index_cast %parallel_loop3A_527 : i32 to index
        %parallel_loop3A_1037 = tpu.vector_load %arg7[%parallel_loop3A_1034, %parallel_loop3A_1035, %parallel_loop3A_1036] {strides = array<i32>} : memref<4x8x512xf32, #tpu.memory_space<vmem>>, vector<1x1x16xf32>,
        %parallel_loop3A_1038 = vector.shape_cast %parallel_loop3A_1037 : vector<1x1x16xf32> to vector<16xf32>
        %parallel_loop3A_1039 = arith.addf %parallel_loop3A_1038, %parallel_loop3A_1015 : vector<16xf32>
        %parallel_loop3A_1040 = arith.constant 1 : i32
        %parallel_loop3A_1041 = arith.constant 7 : i32
        %parallel_loop3A_1042 = arith.index_cast %parallel_loop3A_1040 : i32 to index
        %parallel_loop3A_1043 = arith.index_cast %parallel_loop3A_1041 : i32 to index
        %parallel_loop3A_1044 = arith.index_cast %parallel_loop3A_527 : i32 to index
        %parallel_loop3A_1045 = tpu.vector_load %arg7[%parallel_loop3A_1042, %parallel_loop3A_1043, %parallel_loop3A_1044] {strides = array<i32>} : memref<4x8x512xf32, #tpu.memory_space<vmem>>, vector<1x1x16xf32>,
        %parallel_loop3A_1046 = vector.shape_cast %parallel_loop3A_1045 : vector<1x1x16xf32> to vector<16xf32>
        %parallel_loop3A_1047 = vector.shape_cast %parallel_loop3A_1039 : vector<16xf32> to vector<1x1x16xf32>
        tpu.vector_store %arg7[%parallel_loop3A_1042, %parallel_loop3A_1043, %parallel_loop3A_1044], %parallel_loop3A_1047 {strides = array<i32>} : memref<4x8x512xf32, #tpu.memory_space<vmem>>, vector<1x1x16xf32>,
        %parallel_loop3A_1048 = arith.constant 2 : i32
        %parallel_loop3A_1049 = arith.constant 7 : i32
        %parallel_loop3A_1050 = arith.index_cast %parallel_loop3A_1048 : i32 to index
        %parallel_loop3A_1051 = arith.index_cast %parallel_loop3A_1049 : i32 to index
        %parallel_loop3A_1052 = arith.index_cast %parallel_loop3A_527 : i32 to index
        %parallel_loop3A_1053 = tpu.vector_load %arg7[%parallel_loop3A_1050, %parallel_loop3A_1051, %parallel_loop3A_1052] {strides = array<i32>} : memref<4x8x512xf32, #tpu.memory_space<vmem>>, vector<1x1x16xf32>,
        %parallel_loop3A_1054 = vector.shape_cast %parallel_loop3A_1053 : vector<1x1x16xf32> to vector<16xf32>
        %parallel_loop3A_1055 = arith.addf %parallel_loop3A_1054, %parallel_loop3A_1015 : vector<16xf32>
        %parallel_loop3A_1056 = arith.constant 2 : i32
        %parallel_loop3A_1057 = arith.constant 7 : i32
        %parallel_loop3A_1058 = arith.index_cast %parallel_loop3A_1056 : i32 to index
        %parallel_loop3A_1059 = arith.index_cast %parallel_loop3A_1057 : i32 to index
        %parallel_loop3A_1060 = arith.index_cast %parallel_loop3A_527 : i32 to index
        %parallel_loop3A_1061 = tpu.vector_load %arg7[%parallel_loop3A_1058, %parallel_loop3A_1059, %parallel_loop3A_1060] {strides = array<i32>} : memref<4x8x512xf32, #tpu.memory_space<vmem>>, vector<1x1x16xf32>,
        %parallel_loop3A_1062 = vector.shape_cast %parallel_loop3A_1061 : vector<1x1x16xf32> to vector<16xf32>
        %parallel_loop3A_1063 = vector.shape_cast %parallel_loop3A_1055 : vector<16xf32> to vector<1x1x16xf32>
        tpu.vector_store %arg7[%parallel_loop3A_1058, %parallel_loop3A_1059, %parallel_loop3A_1060], %parallel_loop3A_1063 {strides = array<i32>} : memref<4x8x512xf32, #tpu.memory_space<vmem>>, vector<1x1x16xf32>,
        %parallel_loop3A_1064 = arith.constant 3 : i32
        %parallel_loop3A_1065 = arith.constant 7 : i32
        %parallel_loop3A_1066 = arith.index_cast %parallel_loop3A_1064 : i32 to index
        %parallel_loop3A_1067 = arith.index_cast %parallel_loop3A_1065 : i32 to index
        %parallel_loop3A_1068 = arith.index_cast %parallel_loop3A_527 : i32 to index
        %parallel_loop3A_1069 = tpu.vector_load %arg7[%parallel_loop3A_1066, %parallel_loop3A_1067, %parallel_loop3A_1068] {strides = array<i32>} : memref<4x8x512xf32, #tpu.memory_space<vmem>>, vector<1x1x16xf32>,
        %parallel_loop3A_1070 = vector.shape_cast %parallel_loop3A_1069 : vector<1x1x16xf32> to vector<16xf32>
        %parallel_loop3A_1071 = arith.addf %parallel_loop3A_1070, %parallel_loop3A_1015 : vector<16xf32>
        %parallel_loop3A_1072 = arith.constant 3 : i32
        %parallel_loop3A_1073 = arith.constant 7 : i32
        %parallel_loop3A_1074 = arith.index_cast %parallel_loop3A_1072 : i32 to index
        %parallel_loop3A_1075 = arith.index_cast %parallel_loop3A_1073 : i32 to index
        %parallel_loop3A_1076 = arith.index_cast %parallel_loop3A_527 : i32 to index
        %parallel_loop3A_1077 = tpu.vector_load %arg7[%parallel_loop3A_1074, %parallel_loop3A_1075, %parallel_loop3A_1076] {strides = array<i32>} : memref<4x8x512xf32, #tpu.memory_space<vmem>>, vector<1x1x16xf32>,
        %parallel_loop3A_1078 = vector.shape_cast %parallel_loop3A_1077 : vector<1x1x16xf32> to vector<16xf32>
        %parallel_loop3A_1079 = vector.shape_cast %parallel_loop3A_1071 : vector<16xf32> to vector<1x1x16xf32>
        tpu.vector_store %arg7[%parallel_loop3A_1074, %parallel_loop3A_1075, %parallel_loop3A_1076], %parallel_loop3A_1079 {strides = array<i32>} : memref<4x8x512xf32, #tpu.memory_space<vmem>>, vector<1x1x16xf32>,
      } {sc.loop_unroll_factor = 1 : i64, sc.parallel_access}
      %ge3A_373 = arith.constant 2 : i32
      %ge3A_374 = arith.cmpi sge, %add3A_314, %ge3A_373 : i32
      %convert_element_type3A_375 = arith.extui %ge3A_374 : i1 to i32
      %cond3A_376 = arith.constant 0 : i32
      %cond3A_377 = arith.cmpi ne, %convert_element_type3A_375, %cond3A_376 : i32
      scf.if %cond3A_377 {
        %sub3A = arith.constant 2 : i32
        %sub3A_525 = arith.subi %add3A_314, %sub3A : i32
        %shift_right_arithmetic3A_526 = arith.constant 1 : i32
        %shift_right_arithmetic3A_527 = arith.shrsi %sub3A_525, %shift_right_arithmetic3A_526 : i32
        %mul3A_528 = arith.constant 8 : i32
        %mul3A_529 = arith.muli %shift_right_arithmetic3A_527, %mul3A_528 : i32
        %add3A_530 = arith.addi %mul3A_2, %mul3A_529 : i32
        %jit3A_531 = arith.constant 0 : i32
        %jit3A_532 = arith.constant 4088 : i32
        %max3A_533 = arith.maxsi %jit3A_531, %add3A_530 : i32
        %min3A_534 = arith.minsi %jit3A_532, %max3A_533 : i32
        %multiple_of3A_535 = tpu.assume_multiple %min3A_534, 8 : i32
        %and3A_536 = arith.constant 1 : i32
        %and3A_537 = arith.andi %sub3A_525, %and3A_536 : i32
        %mul3A_538 = arith.constant 512 : i32
        %mul3A_539 = arith.muli %and3A_537, %mul3A_538 : i32
        %multiple_of3A_540 = tpu.assume_multiple %mul3A_539, 512 : i32
        %dma_wait3A_541 = arith.constant 0 : i32
        %dma_wait3A_542 = tpu.memref_slice %arg4[%dma_wait3A_541, %multiple_of3A_535, %multiple_of3A_540] : memref<4x4096x1024xf32, #tpu.memory_space<hbm>> -> memref<4x8x512xf32, #tpu.memory_space<hbm>>
        %dma_wait3A_543 = arith.constant 0 : i32
        %dma_wait3A_544 = tpu.memref_slice %arg4[%dma_wait3A_543, %multiple_of3A_535, %multiple_of3A_540] : memref<4x4096x1024xf32, #tpu.memory_space<hbm>> -> memref<4x8x512xf32, #tpu.memory_space<hbm>>
        tpu.wait_dma2 semaphore(%arg15 : memref<!tpu.dma_semaphore, #tpu.memory_space<semaphore_mem>>) src(%arg5 : memref<4x8x512xf32, #tpu.memory_space<vmem>>) dst(%dma_wait3A_544 : memref<4x8x512xf32, #tpu.memory_space<hbm>>)
      } else {
      }
      %add3A_378 = arith.constant 2 : i32
      %add3A_379 = arith.addi %add3A_314, %add3A_378 : i32
      %shift_right_arithmetic3A_380 = arith.constant 1 : i32
      %shift_right_arithmetic3A_381 = arith.shrsi %add3A_379, %shift_right_arithmetic3A_380 : i32
      %mul3A_382 = arith.constant 8 : i32
      %mul3A_383 = arith.muli %shift_right_arithmetic3A_381, %mul3A_382 : i32
      %add3A_384 = arith.addi %mul3A_2, %mul3A_383 : i32
      %jit3A_385 = arith.constant 0 : i32
      %jit3A_386 = arith.constant 4088 : i32
      %max3A_387 = arith.maxsi %jit3A_385, %add3A_384 : i32
      %min3A_388 = arith.minsi %jit3A_386, %max3A_387 : i32
      %multiple_of3A_389 = tpu.assume_multiple %min3A_388, 8 : i32
      %and3A_390 = arith.constant 1 : i32
      %and3A_391 = arith.andi %add3A_379, %and3A_390 : i32
      %mul3A_392 = arith.constant 512 : i32
      %mul3A_393 = arith.muli %and3A_391, %mul3A_392 : i32
      %multiple_of3A_394 = tpu.assume_multiple %mul3A_393, 512 : i32
      %dma_start3A_395 = arith.constant 0 : i32
      %dma_start3A_396 = tpu.memref_slice %arg2[%dma_start3A_395, %multiple_of3A_389, %multiple_of3A_394] : memref<4x4096x1024xf32, #tpu.memory_space<hbm>> -> memref<4x8x512xf32, #tpu.memory_space<hbm>>
      %dma_start3A_397 = arith.constant 0 : i32
      %dma_start3A_398 = tpu.memref_slice %arg2[%dma_start3A_397, %multiple_of3A_389, %multiple_of3A_394] : memref<4x4096x1024xf32, #tpu.memory_space<hbm>> -> memref<4x8x512xf32, #tpu.memory_space<hbm>>
      tpu.enqueue_dma source(%dma_start3A_398 : memref<4x8x512xf32, #tpu.memory_space<hbm>>) target(%arg5 : memref<4x8x512xf32, #tpu.memory_space<vmem>>) target_semaphore(%arg11 : memref<!tpu.dma_semaphore, #tpu.memory_space<semaphore_mem>>)
      %shift_right_arithmetic3A_399 = arith.constant 1 : i32
      %shift_right_arithmetic3A_400 = arith.shrsi %add3A_314, %shift_right_arithmetic3A_399 : i32
      %mul3A_401 = arith.constant 8 : i32
      %mul3A_402 = arith.muli %shift_right_arithmetic3A_400, %mul3A_401 : i32
      %add3A_403 = arith.addi %mul3A_2, %mul3A_402 : i32
      %jit3A_404 = arith.constant 0 : i32
      %jit3A_405 = arith.constant 4088 : i32
      %max3A_406 = arith.maxsi %jit3A_404, %add3A_403 : i32
      %min3A_407 = arith.minsi %jit3A_405, %max3A_406 : i32
      %multiple_of3A_408 = tpu.assume_multiple %min3A_407, 8 : i32
      %and3A_409 = arith.constant 1 : i32
      %and3A_410 = arith.andi %add3A_314, %and3A_409 : i32
      %mul3A_411 = arith.constant 512 : i32
      %mul3A_412 = arith.muli %and3A_410, %mul3A_411 : i32
      %multiple_of3A_413 = tpu.assume_multiple %mul3A_412, 512 : i32
      %dma_start3A_414 = arith.constant 0 : i32
      %dma_start3A_415 = tpu.memref_slice %arg4[%dma_start3A_414, %multiple_of3A_408, %multiple_of3A_413] : memref<4x4096x1024xf32, #tpu.memory_space<hbm>> -> memref<4x8x512xf32, #tpu.memory_space<hbm>>
      %dma_start3A_416 = arith.constant 0 : i32
      %dma_start3A_417 = tpu.memref_slice %arg4[%dma_start3A_416, %multiple_of3A_408, %multiple_of3A_413] : memref<4x4096x1024xf32, #tpu.memory_space<hbm>> -> memref<4x8x512xf32, #tpu.memory_space<hbm>>
      tpu.enqueue_dma source(%arg7 : memref<4x8x512xf32, #tpu.memory_space<vmem>>) target(%dma_start3A_417 : memref<4x8x512xf32, #tpu.memory_space<hbm>>) target_semaphore(%arg17 : memref<!tpu.dma_semaphore, #tpu.memory_space<semaphore_mem>>)
      %mul3A_418 = arith.constant 4 : i32
      %mul3A_419 = arith.muli %scan3A_102, %mul3A_418 : i32
      %add3A_420 = arith.constant 3 : i32
      %add3A_421 = arith.addi %mul3A_419, %add3A_420 : i32
      %add3A_422 = arith.constant 1 : i32
      %add3A_423 = arith.addi %add3A_421, %add3A_422 : i32
      %shift_right_arithmetic3A_424 = arith.constant 1 : i32
      %shift_right_arithmetic3A_425 = arith.shrsi %add3A_423, %shift_right_arithmetic3A_424 : i32
      %mul3A_426 = arith.constant 8 : i32
      %mul3A_427 = arith.muli %shift_right_arithmetic3A_425, %mul3A_426 : i32
      %add3A_428 = arith.addi %mul3A_2, %mul3A_427 : i32
      %jit3A_429 = arith.constant 0 : i32
      %jit3A_430 = arith.constant 4088 : i32
      %max3A_431 = arith.maxsi %jit3A_429, %add3A_428 : i32
      %min3A_432 = arith.minsi %jit3A_430, %max3A_431 : i32
      %multiple_of3A_433 = tpu.assume_multiple %min3A_432, 8 : i32
      %and3A_434 = arith.constant 1 : i32
      %and3A_435 = arith.andi %add3A_423, %and3A_434 : i32
      %mul3A_436 = arith.constant 512 : i32
      %mul3A_437 = arith.muli %and3A_435, %mul3A_436 : i32
      %multiple_of3A_438 = tpu.assume_multiple %mul3A_437, 512 : i32
      %dma_start3A_439 = tpu.memref_slice %arg3[%multiple_of3A_433, %multiple_of3A_438] : memref<8192x1024xf32, #tpu.memory_space<hbm>> -> memref<8x512xf32, #tpu.memory_space<hbm>>
      %dma_start3A_440 = tpu.memref_slice %arg3[%multiple_of3A_433, %multiple_of3A_438] : memref<8192x1024xf32, #tpu.memory_space<hbm>> -> memref<8x512xf32, #tpu.memory_space<hbm>>
      tpu.enqueue_dma source(%dma_start3A_440 : memref<8x512xf32, #tpu.memory_space<hbm>>) target(%arg9 : memref<8x512xf32, #tpu.memory_space<vmem>>) target_semaphore(%arg19 : memref<!tpu.dma_semaphore, #tpu.memory_space<semaphore_mem>>)
      %shift_right_arithmetic3A_441 = arith.constant 1 : i32
      %shift_right_arithmetic3A_442 = arith.shrsi %add3A_421, %shift_right_arithmetic3A_441 : i32
      %mul3A_443 = arith.constant 8 : i32
      %mul3A_444 = arith.muli %shift_right_arithmetic3A_442, %mul3A_443 : i32
      %add3A_445 = arith.addi %mul3A_2, %mul3A_444 : i32
      %jit3A_446 = arith.constant 0 : i32
      %jit3A_447 = arith.constant 4088 : i32
      %max3A_448 = arith.maxsi %jit3A_446, %add3A_445 : i32
      %min3A_449 = arith.minsi %jit3A_447, %max3A_448 : i32
      %multiple_of3A_450 = tpu.assume_multiple %min3A_449, 8 : i32
      %and3A_451 = arith.constant 1 : i32
      %and3A_452 = arith.andi %add3A_421, %and3A_451 : i32
      %mul3A_453 = arith.constant 512 : i32
      %mul3A_454 = arith.muli %and3A_452, %mul3A_453 : i32
      %multiple_of3A_455 = tpu.assume_multiple %mul3A_454, 512 : i32
      %dma_wait3A_456 = arith.constant 0 : i32
      %dma_wait3A_457 = tpu.memref_slice %arg2[%dma_wait3A_456, %multiple_of3A_450, %multiple_of3A_455] : memref<4x4096x1024xf32, #tpu.memory_space<hbm>> -> memref<4x8x512xf32, #tpu.memory_space<hbm>>
      %dma_wait3A_458 = arith.constant 0 : i32
      %dma_wait3A_459 = tpu.memref_slice %arg2[%dma_wait3A_458, %multiple_of3A_450, %multiple_of3A_455] : memref<4x4096x1024xf32, #tpu.memory_space<hbm>> -> memref<4x8x512xf32, #tpu.memory_space<hbm>>
      tpu.wait_dma2 semaphore(%arg14 : memref<!tpu.dma_semaphore, #tpu.memory_space<semaphore_mem>>) src(%dma_wait3A_459 : memref<4x8x512xf32, #tpu.memory_space<hbm>>) dst(%arg8 : memref<4x8x512xf32, #tpu.memory_space<vmem>>)
      %shift_right_arithmetic3A_460 = arith.constant 1 : i32
      %shift_right_arithmetic3A_461 = arith.shrsi %add3A_421, %shift_right_arithmetic3A_460 : i32
      %mul3A_462 = arith.constant 8 : i32
      %mul3A_463 = arith.muli %shift_right_arithmetic3A_461, %mul3A_462 : i32
      %add3A_464 = arith.addi %mul3A_2, %mul3A_463 : i32
      %jit3A_465 = arith.constant 0 : i32
      %jit3A_466 = arith.constant 4088 : i32
      %max3A_467 = arith.maxsi %jit3A_465, %add3A_464 : i32
      %min3A_468 = arith.minsi %jit3A_466, %max3A_467 : i32
      %multiple_of3A_469 = tpu.assume_multiple %min3A_468, 8 : i32
      %and3A_470 = arith.constant 1 : i32
      %and3A_471 = arith.andi %add3A_421, %and3A_470 : i32
      %mul3A_472 = arith.constant 512 : i32
      %mul3A_473 = arith.muli %and3A_471, %mul3A_472 : i32
      %multiple_of3A_474 = tpu.assume_multiple %mul3A_473, 512 : i32
      %dma_wait3A_475 = tpu.memref_slice %arg3[%multiple_of3A_469, %multiple_of3A_474] : memref<8192x1024xf32, #tpu.memory_space<hbm>> -> memref<8x512xf32, #tpu.memory_space<hbm>>
      %dma_wait3A_476 = tpu.memref_slice %arg3[%multiple_of3A_469, %multiple_of3A_474] : memref<8192x1024xf32, #tpu.memory_space<hbm>> -> memref<8x512xf32, #tpu.memory_space<hbm>>
      tpu.wait_dma2 semaphore(%arg20 : memref<!tpu.dma_semaphore, #tpu.memory_space<semaphore_mem>>) src(%dma_wait3A_476 : memref<8x512xf32, #tpu.memory_space<hbm>>) dst(%arg10 : memref<8x512xf32, #tpu.memory_space<vmem>>)
      %parallel_loop3A_477 = arith.constant 0 : i32
      %parallel_loop3A_478 = arith.constant 32 : i32
      %parallel_loop3A_479 = arith.constant 1 : i32
      scf.for %parallel_loop3A_525 = %parallel_loop3A_477 to %parallel_loop3A_478 step %parallel_loop3A_479  : i32 {
        %parallel_loop3A_526 = arith.constant 16 : i32
        %parallel_loop3A_527 = arith.muli %parallel_loop3A_525, %parallel_loop3A_526 : i32
        %parallel_loop3A_528 = arith.constant 0 : i32
        %parallel_loop3A_529 = arith.index_cast %parallel_loop3A_528 : i32 to index
        %parallel_loop3A_530 = arith.index_cast %parallel_loop3A_527 : i32 to index
        %parallel_loop3A_531 = tpu.vector_load %arg10[%parallel_loop3A_529, %parallel_loop3A_530] {strides = array<i32>} : memref<8x512xf32, #tpu.memory_space<vmem>>, vector<1x16xf32>,
        %parallel_loop3A_532 = vector.shape_cast %parallel_loop3A_531 : vector<1x16xf32> to vector<16xf32>
        %parallel_loop3A_533 = arith.constant 0 : i32
        %parallel_loop3A_534 = arith.constant 0 : i32
        %parallel_loop3A_535 = arith.index_cast %parallel_loop3A_533 : i32 to index
        %parallel_loop3A_536 = arith.index_cast %parallel_loop3A_534 : i32 to index
        %parallel_loop3A_537 = arith.index_cast %parallel_loop3A_527 : i32 to index
        %parallel_loop3A_538 = tpu.vector_load %arg8[%parallel_loop3A_535, %parallel_loop3A_536, %parallel_loop3A_537] {strides = array<i32>} : memref<4x8x512xf32, #tpu.memory_space<vmem>>, vector<1x1x16xf32>,
        %parallel_loop3A_539 = vector.shape_cast %parallel_loop3A_538 : vector<1x1x16xf32> to vector<16xf32>
        %parallel_loop3A_540 = arith.addf %parallel_loop3A_539, %parallel_loop3A_532 : vector<16xf32>
        %parallel_loop3A_541 = arith.constant 0 : i32
        %parallel_loop3A_542 = arith.constant 0 : i32
        %parallel_loop3A_543 = arith.index_cast %parallel_loop3A_541 : i32 to index
        %parallel_loop3A_544 = arith.index_cast %parallel_loop3A_542 : i32 to index
        %parallel_loop3A_545 = arith.index_cast %parallel_loop3A_527 : i32 to index
        %parallel_loop3A_546 = tpu.vector_load %arg8[%parallel_loop3A_543, %parallel_loop3A_544, %parallel_loop3A_545] {strides = array<i32>} : memref<4x8x512xf32, #tpu.memory_space<vmem>>, vector<1x1x16xf32>,
        %parallel_loop3A_547 = vector.shape_cast %parallel_loop3A_546 : vector<1x1x16xf32> to vector<16xf32>
        %parallel_loop3A_548 = vector.shape_cast %parallel_loop3A_540 : vector<16xf32> to vector<1x1x16xf32>
        tpu.vector_store %arg8[%parallel_loop3A_543, %parallel_loop3A_544, %parallel_loop3A_545], %parallel_loop3A_548 {strides = array<i32>} : memref<4x8x512xf32, #tpu.memory_space<vmem>>, vector<1x1x16xf32>,
        %parallel_loop3A_549 = arith.constant 1 : i32
        %parallel_loop3A_550 = arith.constant 0 : i32
        %parallel_loop3A_551 = arith.index_cast %parallel_loop3A_549 : i32 to index
        %parallel_loop3A_552 = arith.index_cast %parallel_loop3A_550 : i32 to index
        %parallel_loop3A_553 = arith.index_cast %parallel_loop3A_527 : i32 to index
        %parallel_loop3A_554 = tpu.vector_load %arg8[%parallel_loop3A_551, %parallel_loop3A_552, %parallel_loop3A_553] {strides = array<i32>} : memref<4x8x512xf32, #tpu.memory_space<vmem>>, vector<1x1x16xf32>,
        %parallel_loop3A_555 = vector.shape_cast %parallel_loop3A_554 : vector<1x1x16xf32> to vector<16xf32>
        %parallel_loop3A_556 = arith.addf %parallel_loop3A_555, %parallel_loop3A_532 : vector<16xf32>
        %parallel_loop3A_557 = arith.constant 1 : i32
        %parallel_loop3A_558 = arith.constant 0 : i32
        %parallel_loop3A_559 = arith.index_cast %parallel_loop3A_557 : i32 to index
        %parallel_loop3A_560 = arith.index_cast %parallel_loop3A_558 : i32 to index
        %parallel_loop3A_561 = arith.index_cast %parallel_loop3A_527 : i32 to index
        %parallel_loop3A_562 = tpu.vector_load %arg8[%parallel_loop3A_559, %parallel_loop3A_560, %parallel_loop3A_561] {strides = array<i32>} : memref<4x8x512xf32, #tpu.memory_space<vmem>>, vector<1x1x16xf32>,
        %parallel_loop3A_563 = vector.shape_cast %parallel_loop3A_562 : vector<1x1x16xf32> to vector<16xf32>
        %parallel_loop3A_564 = vector.shape_cast %parallel_loop3A_556 : vector<16xf32> to vector<1x1x16xf32>
        tpu.vector_store %arg8[%parallel_loop3A_559, %parallel_loop3A_560, %parallel_loop3A_561], %parallel_loop3A_564 {strides = array<i32>} : memref<4x8x512xf32, #tpu.memory_space<vmem>>, vector<1x1x16xf32>,
        %parallel_loop3A_565 = arith.constant 2 : i32
        %parallel_loop3A_566 = arith.constant 0 : i32
        %parallel_loop3A_567 = arith.index_cast %parallel_loop3A_565 : i32 to index
        %parallel_loop3A_568 = arith.index_cast %parallel_loop3A_566 : i32 to index
        %parallel_loop3A_569 = arith.index_cast %parallel_loop3A_527 : i32 to index
        %parallel_loop3A_570 = tpu.vector_load %arg8[%parallel_loop3A_567, %parallel_loop3A_568, %parallel_loop3A_569] {strides = array<i32>} : memref<4x8x512xf32, #tpu.memory_space<vmem>>, vector<1x1x16xf32>,
        %parallel_loop3A_571 = vector.shape_cast %parallel_loop3A_570 : vector<1x1x16xf32> to vector<16xf32>
        %parallel_loop3A_572 = arith.addf %parallel_loop3A_571, %parallel_loop3A_532 : vector<16xf32>
        %parallel_loop3A_573 = arith.constant 2 : i32
        %parallel_loop3A_574 = arith.constant 0 : i32
        %parallel_loop3A_575 = arith.index_cast %parallel_loop3A_573 : i32 to index
        %parallel_loop3A_576 = arith.index_cast %parallel_loop3A_574 : i32 to index
        %parallel_loop3A_577 = arith.index_cast %parallel_loop3A_527 : i32 to index
        %parallel_loop3A_578 = tpu.vector_load %arg8[%parallel_loop3A_575, %parallel_loop3A_576, %parallel_loop3A_577] {strides = array<i32>} : memref<4x8x512xf32, #tpu.memory_space<vmem>>, vector<1x1x16xf32>,
        %parallel_loop3A_579 = vector.shape_cast %parallel_loop3A_578 : vector<1x1x16xf32> to vector<16xf32>
        %parallel_loop3A_580 = vector.shape_cast %parallel_loop3A_572 : vector<16xf32> to vector<1x1x16xf32>
        tpu.vector_store %arg8[%parallel_loop3A_575, %parallel_loop3A_576, %parallel_loop3A_577], %parallel_loop3A_580 {strides = array<i32>} : memref<4x8x512xf32, #tpu.memory_space<vmem>>, vector<1x1x16xf32>,
        %parallel_loop3A_581 = arith.constant 3 : i32
        %parallel_loop3A_582 = arith.constant 0 : i32
        %parallel_loop3A_583 = arith.index_cast %parallel_loop3A_581 : i32 to index
        %parallel_loop3A_584 = arith.index_cast %parallel_loop3A_582 : i32 to index
        %parallel_loop3A_585 = arith.index_cast %parallel_loop3A_527 : i32 to index
        %parallel_loop3A_586 = tpu.vector_load %arg8[%parallel_loop3A_583, %parallel_loop3A_584, %parallel_loop3A_585] {strides = array<i32>} : memref<4x8x512xf32, #tpu.memory_space<vmem>>, vector<1x1x16xf32>,
        %parallel_loop3A_587 = vector.shape_cast %parallel_loop3A_586 : vector<1x1x16xf32> to vector<16xf32>
        %parallel_loop3A_588 = arith.addf %parallel_loop3A_587, %parallel_loop3A_532 : vector<16xf32>
        %parallel_loop3A_589 = arith.constant 3 : i32
        %parallel_loop3A_590 = arith.constant 0 : i32
        %parallel_loop3A_591 = arith.index_cast %parallel_loop3A_589 : i32 to index
        %parallel_loop3A_592 = arith.index_cast %parallel_loop3A_590 : i32 to index
        %parallel_loop3A_593 = arith.index_cast %parallel_loop3A_527 : i32 to index
        %parallel_loop3A_594 = tpu.vector_load %arg8[%parallel_loop3A_591, %parallel_loop3A_592, %parallel_loop3A_593] {strides = array<i32>} : memref<4x8x512xf32, #tpu.memory_space<vmem>>, vector<1x1x16xf32>,
        %parallel_loop3A_595 = vector.shape_cast %parallel_loop3A_594 : vector<1x1x16xf32> to vector<16xf32>
        %parallel_loop3A_596 = vector.shape_cast %parallel_loop3A_588 : vector<16xf32> to vector<1x1x16xf32>
        tpu.vector_store %arg8[%parallel_loop3A_591, %parallel_loop3A_592, %parallel_loop3A_593], %parallel_loop3A_596 {strides = array<i32>} : memref<4x8x512xf32, #tpu.memory_space<vmem>>, vector<1x1x16xf32>,
        %parallel_loop3A_597 = arith.constant 1 : i32
        %parallel_loop3A_598 = arith.index_cast %parallel_loop3A_597 : i32 to index
        %parallel_loop3A_599 = arith.index_cast %parallel_loop3A_527 : i32 to index
        %parallel_loop3A_600 = tpu.vector_load %arg10[%parallel_loop3A_598, %parallel_loop3A_599] {strides = array<i32>} : memref<8x512xf32, #tpu.memory_space<vmem>>, vector<1x16xf32>,
        %parallel_loop3A_601 = vector.shape_cast %parallel_loop3A_600 : vector<1x16xf32> to vector<16xf32>
        %parallel_loop3A_602 = arith.constant 0 : i32
        %parallel_loop3A_603 = arith.constant 1 : i32
        %parallel_loop3A_604 = arith.index_cast %parallel_loop3A_602 : i32 to index
        %parallel_loop3A_605 = arith.index_cast %parallel_loop3A_603 : i32 to index
        %parallel_loop3A_606 = arith.index_cast %parallel_loop3A_527 : i32 to index
        %parallel_loop3A_607 = tpu.vector_load %arg8[%parallel_loop3A_604, %parallel_loop3A_605, %parallel_loop3A_606] {strides = array<i32>} : memref<4x8x512xf32, #tpu.memory_space<vmem>>, vector<1x1x16xf32>,
        %parallel_loop3A_608 = vector.shape_cast %parallel_loop3A_607 : vector<1x1x16xf32> to vector<16xf32>
        %parallel_loop3A_609 = arith.addf %parallel_loop3A_608, %parallel_loop3A_601 : vector<16xf32>
        %parallel_loop3A_610 = arith.constant 0 : i32
        %parallel_loop3A_611 = arith.constant 1 : i32
        %parallel_loop3A_612 = arith.index_cast %parallel_loop3A_610 : i32 to index
        %parallel_loop3A_613 = arith.index_cast %parallel_loop3A_611 : i32 to index
        %parallel_loop3A_614 = arith.index_cast %parallel_loop3A_527 : i32 to index
        %parallel_loop3A_615 = tpu.vector_load %arg8[%parallel_loop3A_612, %parallel_loop3A_613, %parallel_loop3A_614] {strides = array<i32>} : memref<4x8x512xf32, #tpu.memory_space<vmem>>, vector<1x1x16xf32>,
        %parallel_loop3A_616 = vector.shape_cast %parallel_loop3A_615 : vector<1x1x16xf32> to vector<16xf32>
        %parallel_loop3A_617 = vector.shape_cast %parallel_loop3A_609 : vector<16xf32> to vector<1x1x16xf32>
        tpu.vector_store %arg8[%parallel_loop3A_612, %parallel_loop3A_613, %parallel_loop3A_614], %parallel_loop3A_617 {strides = array<i32>} : memref<4x8x512xf32, #tpu.memory_space<vmem>>, vector<1x1x16xf32>,
        %parallel_loop3A_618 = arith.constant 1 : i32
        %parallel_loop3A_619 = arith.constant 1 : i32
        %parallel_loop3A_620 = arith.index_cast %parallel_loop3A_618 : i32 to index
        %parallel_loop3A_621 = arith.index_cast %parallel_loop3A_619 : i32 to index
        %parallel_loop3A_622 = arith.index_cast %parallel_loop3A_527 : i32 to index
        %parallel_loop3A_623 = tpu.vector_load %arg8[%parallel_loop3A_620, %parallel_loop3A_621, %parallel_loop3A_622] {strides = array<i32>} : memref<4x8x512xf32, #tpu.memory_space<vmem>>, vector<1x1x16xf32>,
        %parallel_loop3A_624 = vector.shape_cast %parallel_loop3A_623 : vector<1x1x16xf32> to vector<16xf32>
        %parallel_loop3A_625 = arith.addf %parallel_loop3A_624, %parallel_loop3A_601 : vector<16xf32>
        %parallel_loop3A_626 = arith.constant 1 : i32
        %parallel_loop3A_627 = arith.constant 1 : i32
        %parallel_loop3A_628 = arith.index_cast %parallel_loop3A_626 : i32 to index
        %parallel_loop3A_629 = arith.index_cast %parallel_loop3A_627 : i32 to index
        %parallel_loop3A_630 = arith.index_cast %parallel_loop3A_527 : i32 to index
        %parallel_loop3A_631 = tpu.vector_load %arg8[%parallel_loop3A_628, %parallel_loop3A_629, %parallel_loop3A_630] {strides = array<i32>} : memref<4x8x512xf32, #tpu.memory_space<vmem>>, vector<1x1x16xf32>,
        %parallel_loop3A_632 = vector.shape_cast %parallel_loop3A_631 : vector<1x1x16xf32> to vector<16xf32>
        %parallel_loop3A_633 = vector.shape_cast %parallel_loop3A_625 : vector<16xf32> to vector<1x1x16xf32>
        tpu.vector_store %arg8[%parallel_loop3A_628, %parallel_loop3A_629, %parallel_loop3A_630], %parallel_loop3A_633 {strides = array<i32>} : memref<4x8x512xf32, #tpu.memory_space<vmem>>, vector<1x1x16xf32>,
        %parallel_loop3A_634 = arith.constant 2 : i32
        %parallel_loop3A_635 = arith.constant 1 : i32
        %parallel_loop3A_636 = arith.index_cast %parallel_loop3A_634 : i32 to index
        %parallel_loop3A_637 = arith.index_cast %parallel_loop3A_635 : i32 to index
        %parallel_loop3A_638 = arith.index_cast %parallel_loop3A_527 : i32 to index
        %parallel_loop3A_639 = tpu.vector_load %arg8[%parallel_loop3A_636, %parallel_loop3A_637, %parallel_loop3A_638] {strides = array<i32>} : memref<4x8x512xf32, #tpu.memory_space<vmem>>, vector<1x1x16xf32>,
        %parallel_loop3A_640 = vector.shape_cast %parallel_loop3A_639 : vector<1x1x16xf32> to vector<16xf32>
        %parallel_loop3A_641 = arith.addf %parallel_loop3A_640, %parallel_loop3A_601 : vector<16xf32>
        %parallel_loop3A_642 = arith.constant 2 : i32
        %parallel_loop3A_643 = arith.constant 1 : i32
        %parallel_loop3A_644 = arith.index_cast %parallel_loop3A_642 : i32 to index
        %parallel_loop3A_645 = arith.index_cast %parallel_loop3A_643 : i32 to index
        %parallel_loop3A_646 = arith.index_cast %parallel_loop3A_527 : i32 to index
        %parallel_loop3A_647 = tpu.vector_load %arg8[%parallel_loop3A_644, %parallel_loop3A_645, %parallel_loop3A_646] {strides = array<i32>} : memref<4x8x512xf32, #tpu.memory_space<vmem>>, vector<1x1x16xf32>,
        %parallel_loop3A_648 = vector.shape_cast %parallel_loop3A_647 : vector<1x1x16xf32> to vector<16xf32>
        %parallel_loop3A_649 = vector.shape_cast %parallel_loop3A_641 : vector<16xf32> to vector<1x1x16xf32>
        tpu.vector_store %arg8[%parallel_loop3A_644, %parallel_loop3A_645, %parallel_loop3A_646], %parallel_loop3A_649 {strides = array<i32>} : memref<4x8x512xf32, #tpu.memory_space<vmem>>, vector<1x1x16xf32>,
        %parallel_loop3A_650 = arith.constant 3 : i32
        %parallel_loop3A_651 = arith.constant 1 : i32
        %parallel_loop3A_652 = arith.index_cast %parallel_loop3A_650 : i32 to index
        %parallel_loop3A_653 = arith.index_cast %parallel_loop3A_651 : i32 to index
        %parallel_loop3A_654 = arith.index_cast %parallel_loop3A_527 : i32 to index
        %parallel_loop3A_655 = tpu.vector_load %arg8[%parallel_loop3A_652, %parallel_loop3A_653, %parallel_loop3A_654] {strides = array<i32>} : memref<4x8x512xf32, #tpu.memory_space<vmem>>, vector<1x1x16xf32>,
        %parallel_loop3A_656 = vector.shape_cast %parallel_loop3A_655 : vector<1x1x16xf32> to vector<16xf32>
        %parallel_loop3A_657 = arith.addf %parallel_loop3A_656, %parallel_loop3A_601 : vector<16xf32>
        %parallel_loop3A_658 = arith.constant 3 : i32
        %parallel_loop3A_659 = arith.constant 1 : i32
        %parallel_loop3A_660 = arith.index_cast %parallel_loop3A_658 : i32 to index
        %parallel_loop3A_661 = arith.index_cast %parallel_loop3A_659 : i32 to index
        %parallel_loop3A_662 = arith.index_cast %parallel_loop3A_527 : i32 to index
        %parallel_loop3A_663 = tpu.vector_load %arg8[%parallel_loop3A_660, %parallel_loop3A_661, %parallel_loop3A_662] {strides = array<i32>} : memref<4x8x512xf32, #tpu.memory_space<vmem>>, vector<1x1x16xf32>,
        %parallel_loop3A_664 = vector.shape_cast %parallel_loop3A_663 : vector<1x1x16xf32> to vector<16xf32>
        %parallel_loop3A_665 = vector.shape_cast %parallel_loop3A_657 : vector<16xf32> to vector<1x1x16xf32>
        tpu.vector_store %arg8[%parallel_loop3A_660, %parallel_loop3A_661, %parallel_loop3A_662], %parallel_loop3A_665 {strides = array<i32>} : memref<4x8x512xf32, #tpu.memory_space<vmem>>, vector<1x1x16xf32>,
        %parallel_loop3A_666 = arith.constant 2 : i32
        %parallel_loop3A_667 = arith.index_cast %parallel_loop3A_666 : i32 to index
        %parallel_loop3A_668 = arith.index_cast %parallel_loop3A_527 : i32 to index
        %parallel_loop3A_669 = tpu.vector_load %arg10[%parallel_loop3A_667, %parallel_loop3A_668] {strides = array<i32>} : memref<8x512xf32, #tpu.memory_space<vmem>>, vector<1x16xf32>,
        %parallel_loop3A_670 = vector.shape_cast %parallel_loop3A_669 : vector<1x16xf32> to vector<16xf32>
        %parallel_loop3A_671 = arith.constant 0 : i32
        %parallel_loop3A_672 = arith.constant 2 : i32
        %parallel_loop3A_673 = arith.index_cast %parallel_loop3A_671 : i32 to index
        %parallel_loop3A_674 = arith.index_cast %parallel_loop3A_672 : i32 to index
        %parallel_loop3A_675 = arith.index_cast %parallel_loop3A_527 : i32 to index
        %parallel_loop3A_676 = tpu.vector_load %arg8[%parallel_loop3A_673, %parallel_loop3A_674, %parallel_loop3A_675] {strides = array<i32>} : memref<4x8x512xf32, #tpu.memory_space<vmem>>, vector<1x1x16xf32>,
        %parallel_loop3A_677 = vector.shape_cast %parallel_loop3A_676 : vector<1x1x16xf32> to vector<16xf32>
        %parallel_loop3A_678 = arith.addf %parallel_loop3A_677, %parallel_loop3A_670 : vector<16xf32>
        %parallel_loop3A_679 = arith.constant 0 : i32
        %parallel_loop3A_680 = arith.constant 2 : i32
        %parallel_loop3A_681 = arith.index_cast %parallel_loop3A_679 : i32 to index
        %parallel_loop3A_682 = arith.index_cast %parallel_loop3A_680 : i32 to index
        %parallel_loop3A_683 = arith.index_cast %parallel_loop3A_527 : i32 to index
        %parallel_loop3A_684 = tpu.vector_load %arg8[%parallel_loop3A_681, %parallel_loop3A_682, %parallel_loop3A_683] {strides = array<i32>} : memref<4x8x512xf32, #tpu.memory_space<vmem>>, vector<1x1x16xf32>,
        %parallel_loop3A_685 = vector.shape_cast %parallel_loop3A_684 : vector<1x1x16xf32> to vector<16xf32>
        %parallel_loop3A_686 = vector.shape_cast %parallel_loop3A_678 : vector<16xf32> to vector<1x1x16xf32>
        tpu.vector_store %arg8[%parallel_loop3A_681, %parallel_loop3A_682, %parallel_loop3A_683], %parallel_loop3A_686 {strides = array<i32>} : memref<4x8x512xf32, #tpu.memory_space<vmem>>, vector<1x1x16xf32>,
        %parallel_loop3A_687 = arith.constant 1 : i32
        %parallel_loop3A_688 = arith.constant 2 : i32
        %parallel_loop3A_689 = arith.index_cast %parallel_loop3A_687 : i32 to index
        %parallel_loop3A_690 = arith.index_cast %parallel_loop3A_688 : i32 to index
        %parallel_loop3A_691 = arith.index_cast %parallel_loop3A_527 : i32 to index
        %parallel_loop3A_692 = tpu.vector_load %arg8[%parallel_loop3A_689, %parallel_loop3A_690, %parallel_loop3A_691] {strides = array<i32>} : memref<4x8x512xf32, #tpu.memory_space<vmem>>, vector<1x1x16xf32>,
        %parallel_loop3A_693 = vector.shape_cast %parallel_loop3A_692 : vector<1x1x16xf32> to vector<16xf32>
        %parallel_loop3A_694 = arith.addf %parallel_loop3A_693, %parallel_loop3A_670 : vector<16xf32>
        %parallel_loop3A_695 = arith.constant 1 : i32
        %parallel_loop3A_696 = arith.constant 2 : i32
        %parallel_loop3A_697 = arith.index_cast %parallel_loop3A_695 : i32 to index
        %parallel_loop3A_698 = arith.index_cast %parallel_loop3A_696 : i32 to index
        %parallel_loop3A_699 = arith.index_cast %parallel_loop3A_527 : i32 to index
        %parallel_loop3A_700 = tpu.vector_load %arg8[%parallel_loop3A_697, %parallel_loop3A_698, %parallel_loop3A_699] {strides = array<i32>} : memref<4x8x512xf32, #tpu.memory_space<vmem>>, vector<1x1x16xf32>,
        %parallel_loop3A_701 = vector.shape_cast %parallel_loop3A_700 : vector<1x1x16xf32> to vector<16xf32>
        %parallel_loop3A_702 = vector.shape_cast %parallel_loop3A_694 : vector<16xf32> to vector<1x1x16xf32>
        tpu.vector_store %arg8[%parallel_loop3A_697, %parallel_loop3A_698, %parallel_loop3A_699], %parallel_loop3A_702 {strides = array<i32>} : memref<4x8x512xf32, #tpu.memory_space<vmem>>, vector<1x1x16xf32>,
        %parallel_loop3A_703 = arith.constant 2 : i32
        %parallel_loop3A_704 = arith.constant 2 : i32
        %parallel_loop3A_705 = arith.index_cast %parallel_loop3A_703 : i32 to index
        %parallel_loop3A_706 = arith.index_cast %parallel_loop3A_704 : i32 to index
        %parallel_loop3A_707 = arith.index_cast %parallel_loop3A_527 : i32 to index
        %parallel_loop3A_708 = tpu.vector_load %arg8[%parallel_loop3A_705, %parallel_loop3A_706, %parallel_loop3A_707] {strides = array<i32>} : memref<4x8x512xf32, #tpu.memory_space<vmem>>, vector<1x1x16xf32>,
        %parallel_loop3A_709 = vector.shape_cast %parallel_loop3A_708 : vector<1x1x16xf32> to vector<16xf32>
        %parallel_loop3A_710 = arith.addf %parallel_loop3A_709, %parallel_loop3A_670 : vector<16xf32>
        %parallel_loop3A_711 = arith.constant 2 : i32
        %parallel_loop3A_712 = arith.constant 2 : i32
        %parallel_loop3A_713 = arith.index_cast %parallel_loop3A_711 : i32 to index
        %parallel_loop3A_714 = arith.index_cast %parallel_loop3A_712 : i32 to index
        %parallel_loop3A_715 = arith.index_cast %parallel_loop3A_527 : i32 to index
        %parallel_loop3A_716 = tpu.vector_load %arg8[%parallel_loop3A_713, %parallel_loop3A_714, %parallel_loop3A_715] {strides = array<i32>} : memref<4x8x512xf32, #tpu.memory_space<vmem>>, vector<1x1x16xf32>,
        %parallel_loop3A_717 = vector.shape_cast %parallel_loop3A_716 : vector<1x1x16xf32> to vector<16xf32>
        %parallel_loop3A_718 = vector.shape_cast %parallel_loop3A_710 : vector<16xf32> to vector<1x1x16xf32>
        tpu.vector_store %arg8[%parallel_loop3A_713, %parallel_loop3A_714, %parallel_loop3A_715], %parallel_loop3A_718 {strides = array<i32>} : memref<4x8x512xf32, #tpu.memory_space<vmem>>, vector<1x1x16xf32>,
        %parallel_loop3A_719 = arith.constant 3 : i32
        %parallel_loop3A_720 = arith.constant 2 : i32
        %parallel_loop3A_721 = arith.index_cast %parallel_loop3A_719 : i32 to index
        %parallel_loop3A_722 = arith.index_cast %parallel_loop3A_720 : i32 to index
        %parallel_loop3A_723 = arith.index_cast %parallel_loop3A_527 : i32 to index
        %parallel_loop3A_724 = tpu.vector_load %arg8[%parallel_loop3A_721, %parallel_loop3A_722, %parallel_loop3A_723] {strides = array<i32>} : memref<4x8x512xf32, #tpu.memory_space<vmem>>, vector<1x1x16xf32>,
        %parallel_loop3A_725 = vector.shape_cast %parallel_loop3A_724 : vector<1x1x16xf32> to vector<16xf32>
        %parallel_loop3A_726 = arith.addf %parallel_loop3A_725, %parallel_loop3A_670 : vector<16xf32>
        %parallel_loop3A_727 = arith.constant 3 : i32
        %parallel_loop3A_728 = arith.constant 2 : i32
        %parallel_loop3A_729 = arith.index_cast %parallel_loop3A_727 : i32 to index
        %parallel_loop3A_730 = arith.index_cast %parallel_loop3A_728 : i32 to index
        %parallel_loop3A_731 = arith.index_cast %parallel_loop3A_527 : i32 to index
        %parallel_loop3A_732 = tpu.vector_load %arg8[%parallel_loop3A_729, %parallel_loop3A_730, %parallel_loop3A_731] {strides = array<i32>} : memref<4x8x512xf32, #tpu.memory_space<vmem>>, vector<1x1x16xf32>,
        %parallel_loop3A_733 = vector.shape_cast %parallel_loop3A_732 : vector<1x1x16xf32> to vector<16xf32>
        %parallel_loop3A_734 = vector.shape_cast %parallel_loop3A_726 : vector<16xf32> to vector<1x1x16xf32>
        tpu.vector_store %arg8[%parallel_loop3A_729, %parallel_loop3A_730, %parallel_loop3A_731], %parallel_loop3A_734 {strides = array<i32>} : memref<4x8x512xf32, #tpu.memory_space<vmem>>, vector<1x1x16xf32>,
        %parallel_loop3A_735 = arith.constant 3 : i32
        %parallel_loop3A_736 = arith.index_cast %parallel_loop3A_735 : i32 to index
        %parallel_loop3A_737 = arith.index_cast %parallel_loop3A_527 : i32 to index
        %parallel_loop3A_738 = tpu.vector_load %arg10[%parallel_loop3A_736, %parallel_loop3A_737] {strides = array<i32>} : memref<8x512xf32, #tpu.memory_space<vmem>>, vector<1x16xf32>,
        %parallel_loop3A_739 = vector.shape_cast %parallel_loop3A_738 : vector<1x16xf32> to vector<16xf32>
        %parallel_loop3A_740 = arith.constant 0 : i32
        %parallel_loop3A_741 = arith.constant 3 : i32
        %parallel_loop3A_742 = arith.index_cast %parallel_loop3A_740 : i32 to index
        %parallel_loop3A_743 = arith.index_cast %parallel_loop3A_741 : i32 to index
        %parallel_loop3A_744 = arith.index_cast %parallel_loop3A_527 : i32 to index
        %parallel_loop3A_745 = tpu.vector_load %arg8[%parallel_loop3A_742, %parallel_loop3A_743, %parallel_loop3A_744] {strides = array<i32>} : memref<4x8x512xf32, #tpu.memory_space<vmem>>, vector<1x1x16xf32>,
        %parallel_loop3A_746 = vector.shape_cast %parallel_loop3A_745 : vector<1x1x16xf32> to vector<16xf32>
        %parallel_loop3A_747 = arith.addf %parallel_loop3A_746, %parallel_loop3A_739 : vector<16xf32>
        %parallel_loop3A_748 = arith.constant 0 : i32
        %parallel_loop3A_749 = arith.constant 3 : i32
        %parallel_loop3A_750 = arith.index_cast %parallel_loop3A_748 : i32 to index
        %parallel_loop3A_751 = arith.index_cast %parallel_loop3A_749 : i32 to index
        %parallel_loop3A_752 = arith.index_cast %parallel_loop3A_527 : i32 to index
        %parallel_loop3A_753 = tpu.vector_load %arg8[%parallel_loop3A_750, %parallel_loop3A_751, %parallel_loop3A_752] {strides = array<i32>} : memref<4x8x512xf32, #tpu.memory_space<vmem>>, vector<1x1x16xf32>,
        %parallel_loop3A_754 = vector.shape_cast %parallel_loop3A_753 : vector<1x1x16xf32> to vector<16xf32>
        %parallel_loop3A_755 = vector.shape_cast %parallel_loop3A_747 : vector<16xf32> to vector<1x1x16xf32>
        tpu.vector_store %arg8[%parallel_loop3A_750, %parallel_loop3A_751, %parallel_loop3A_752], %parallel_loop3A_755 {strides = array<i32>} : memref<4x8x512xf32, #tpu.memory_space<vmem>>, vector<1x1x16xf32>,
        %parallel_loop3A_756 = arith.constant 1 : i32
        %parallel_loop3A_757 = arith.constant 3 : i32
        %parallel_loop3A_758 = arith.index_cast %parallel_loop3A_756 : i32 to index
        %parallel_loop3A_759 = arith.index_cast %parallel_loop3A_757 : i32 to index
        %parallel_loop3A_760 = arith.index_cast %parallel_loop3A_527 : i32 to index
        %parallel_loop3A_761 = tpu.vector_load %arg8[%parallel_loop3A_758, %parallel_loop3A_759, %parallel_loop3A_760] {strides = array<i32>} : memref<4x8x512xf32, #tpu.memory_space<vmem>>, vector<1x1x16xf32>,
        %parallel_loop3A_762 = vector.shape_cast %parallel_loop3A_761 : vector<1x1x16xf32> to vector<16xf32>
        %parallel_loop3A_763 = arith.addf %parallel_loop3A_762, %parallel_loop3A_739 : vector<16xf32>
        %parallel_loop3A_764 = arith.constant 1 : i32
        %parallel_loop3A_765 = arith.constant 3 : i32
        %parallel_loop3A_766 = arith.index_cast %parallel_loop3A_764 : i32 to index
        %parallel_loop3A_767 = arith.index_cast %parallel_loop3A_765 : i32 to index
        %parallel_loop3A_768 = arith.index_cast %parallel_loop3A_527 : i32 to index
        %parallel_loop3A_769 = tpu.vector_load %arg8[%parallel_loop3A_766, %parallel_loop3A_767, %parallel_loop3A_768] {strides = array<i32>} : memref<4x8x512xf32, #tpu.memory_space<vmem>>, vector<1x1x16xf32>,
        %parallel_loop3A_770 = vector.shape_cast %parallel_loop3A_769 : vector<1x1x16xf32> to vector<16xf32>
        %parallel_loop3A_771 = vector.shape_cast %parallel_loop3A_763 : vector<16xf32> to vector<1x1x16xf32>
        tpu.vector_store %arg8[%parallel_loop3A_766, %parallel_loop3A_767, %parallel_loop3A_768], %parallel_loop3A_771 {strides = array<i32>} : memref<4x8x512xf32, #tpu.memory_space<vmem>>, vector<1x1x16xf32>,
        %parallel_loop3A_772 = arith.constant 2 : i32
        %parallel_loop3A_773 = arith.constant 3 : i32
        %parallel_loop3A_774 = arith.index_cast %parallel_loop3A_772 : i32 to index
        %parallel_loop3A_775 = arith.index_cast %parallel_loop3A_773 : i32 to index
        %parallel_loop3A_776 = arith.index_cast %parallel_loop3A_527 : i32 to index
        %parallel_loop3A_777 = tpu.vector_load %arg8[%parallel_loop3A_774, %parallel_loop3A_775, %parallel_loop3A_776] {strides = array<i32>} : memref<4x8x512xf32, #tpu.memory_space<vmem>>, vector<1x1x16xf32>,
        %parallel_loop3A_778 = vector.shape_cast %parallel_loop3A_777 : vector<1x1x16xf32> to vector<16xf32>
        %parallel_loop3A_779 = arith.addf %parallel_loop3A_778, %parallel_loop3A_739 : vector<16xf32>
        %parallel_loop3A_780 = arith.constant 2 : i32
        %parallel_loop3A_781 = arith.constant 3 : i32
        %parallel_loop3A_782 = arith.index_cast %parallel_loop3A_780 : i32 to index
        %parallel_loop3A_783 = arith.index_cast %parallel_loop3A_781 : i32 to index
        %parallel_loop3A_784 = arith.index_cast %parallel_loop3A_527 : i32 to index
        %parallel_loop3A_785 = tpu.vector_load %arg8[%parallel_loop3A_782, %parallel_loop3A_783, %parallel_loop3A_784] {strides = array<i32>} : memref<4x8x512xf32, #tpu.memory_space<vmem>>, vector<1x1x16xf32>,
        %parallel_loop3A_786 = vector.shape_cast %parallel_loop3A_785 : vector<1x1x16xf32> to vector<16xf32>
        %parallel_loop3A_787 = vector.shape_cast %parallel_loop3A_779 : vector<16xf32> to vector<1x1x16xf32>
        tpu.vector_store %arg8[%parallel_loop3A_782, %parallel_loop3A_783, %parallel_loop3A_784], %parallel_loop3A_787 {strides = array<i32>} : memref<4x8x512xf32, #tpu.memory_space<vmem>>, vector<1x1x16xf32>,
        %parallel_loop3A_788 = arith.constant 3 : i32
        %parallel_loop3A_789 = arith.constant 3 : i32
        %parallel_loop3A_790 = arith.index_cast %parallel_loop3A_788 : i32 to index
        %parallel_loop3A_791 = arith.index_cast %parallel_loop3A_789 : i32 to index
        %parallel_loop3A_792 = arith.index_cast %parallel_loop3A_527 : i32 to index
        %parallel_loop3A_793 = tpu.vector_load %arg8[%parallel_loop3A_790, %parallel_loop3A_791, %parallel_loop3A_792] {strides = array<i32>} : memref<4x8x512xf32, #tpu.memory_space<vmem>>, vector<1x1x16xf32>,
        %parallel_loop3A_794 = vector.shape_cast %parallel_loop3A_793 : vector<1x1x16xf32> to vector<16xf32>
        %parallel_loop3A_795 = arith.addf %parallel_loop3A_794, %parallel_loop3A_739 : vector<16xf32>
        %parallel_loop3A_796 = arith.constant 3 : i32
        %parallel_loop3A_797 = arith.constant 3 : i32
        %parallel_loop3A_798 = arith.index_cast %parallel_loop3A_796 : i32 to index
        %parallel_loop3A_799 = arith.index_cast %parallel_loop3A_797 : i32 to index
        %parallel_loop3A_800 = arith.index_cast %parallel_loop3A_527 : i32 to index
        %parallel_loop3A_801 = tpu.vector_load %arg8[%parallel_loop3A_798, %parallel_loop3A_799, %parallel_loop3A_800] {strides = array<i32>} : memref<4x8x512xf32, #tpu.memory_space<vmem>>, vector<1x1x16xf32>,
        %parallel_loop3A_802 = vector.shape_cast %parallel_loop3A_801 : vector<1x1x16xf32> to vector<16xf32>
        %parallel_loop3A_803 = vector.shape_cast %parallel_loop3A_795 : vector<16xf32> to vector<1x1x16xf32>
        tpu.vector_store %arg8[%parallel_loop3A_798, %parallel_loop3A_799, %parallel_loop3A_800], %parallel_loop3A_803 {strides = array<i32>} : memref<4x8x512xf32, #tpu.memory_space<vmem>>, vector<1x1x16xf32>,
        %parallel_loop3A_804 = arith.constant 4 : i32
        %parallel_loop3A_805 = arith.index_cast %parallel_loop3A_804 : i32 to index
        %parallel_loop3A_806 = arith.index_cast %parallel_loop3A_527 : i32 to index
        %parallel_loop3A_807 = tpu.vector_load %arg10[%parallel_loop3A_805, %parallel_loop3A_806] {strides = array<i32>} : memref<8x512xf32, #tpu.memory_space<vmem>>, vector<1x16xf32>,
        %parallel_loop3A_808 = vector.shape_cast %parallel_loop3A_807 : vector<1x16xf32> to vector<16xf32>
        %parallel_loop3A_809 = arith.constant 0 : i32
        %parallel_loop3A_810 = arith.constant 4 : i32
        %parallel_loop3A_811 = arith.index_cast %parallel_loop3A_809 : i32 to index
        %parallel_loop3A_812 = arith.index_cast %parallel_loop3A_810 : i32 to index
        %parallel_loop3A_813 = arith.index_cast %parallel_loop3A_527 : i32 to index
        %parallel_loop3A_814 = tpu.vector_load %arg8[%parallel_loop3A_811, %parallel_loop3A_812, %parallel_loop3A_813] {strides = array<i32>} : memref<4x8x512xf32, #tpu.memory_space<vmem>>, vector<1x1x16xf32>,
        %parallel_loop3A_815 = vector.shape_cast %parallel_loop3A_814 : vector<1x1x16xf32> to vector<16xf32>
        %parallel_loop3A_816 = arith.addf %parallel_loop3A_815, %parallel_loop3A_808 : vector<16xf32>
        %parallel_loop3A_817 = arith.constant 0 : i32
        %parallel_loop3A_818 = arith.constant 4 : i32
        %parallel_loop3A_819 = arith.index_cast %parallel_loop3A_817 : i32 to index
        %parallel_loop3A_820 = arith.index_cast %parallel_loop3A_818 : i32 to index
        %parallel_loop3A_821 = arith.index_cast %parallel_loop3A_527 : i32 to index
        %parallel_loop3A_822 = tpu.vector_load %arg8[%parallel_loop3A_819, %parallel_loop3A_820, %parallel_loop3A_821] {strides = array<i32>} : memref<4x8x512xf32, #tpu.memory_space<vmem>>, vector<1x1x16xf32>,
        %parallel_loop3A_823 = vector.shape_cast %parallel_loop3A_822 : vector<1x1x16xf32> to vector<16xf32>
        %parallel_loop3A_824 = vector.shape_cast %parallel_loop3A_816 : vector<16xf32> to vector<1x1x16xf32>
        tpu.vector_store %arg8[%parallel_loop3A_819, %parallel_loop3A_820, %parallel_loop3A_821], %parallel_loop3A_824 {strides = array<i32>} : memref<4x8x512xf32, #tpu.memory_space<vmem>>, vector<1x1x16xf32>,
        %parallel_loop3A_825 = arith.constant 1 : i32
        %parallel_loop3A_826 = arith.constant 4 : i32
        %parallel_loop3A_827 = arith.index_cast %parallel_loop3A_825 : i32 to index
        %parallel_loop3A_828 = arith.index_cast %parallel_loop3A_826 : i32 to index
        %parallel_loop3A_829 = arith.index_cast %parallel_loop3A_527 : i32 to index
        %parallel_loop3A_830 = tpu.vector_load %arg8[%parallel_loop3A_827, %parallel_loop3A_828, %parallel_loop3A_829] {strides = array<i32>} : memref<4x8x512xf32, #tpu.memory_space<vmem>>, vector<1x1x16xf32>,
        %parallel_loop3A_831 = vector.shape_cast %parallel_loop3A_830 : vector<1x1x16xf32> to vector<16xf32>
        %parallel_loop3A_832 = arith.addf %parallel_loop3A_831, %parallel_loop3A_808 : vector<16xf32>
        %parallel_loop3A_833 = arith.constant 1 : i32
        %parallel_loop3A_834 = arith.constant 4 : i32
        %parallel_loop3A_835 = arith.index_cast %parallel_loop3A_833 : i32 to index
        %parallel_loop3A_836 = arith.index_cast %parallel_loop3A_834 : i32 to index
        %parallel_loop3A_837 = arith.index_cast %parallel_loop3A_527 : i32 to index
        %parallel_loop3A_838 = tpu.vector_load %arg8[%parallel_loop3A_835, %parallel_loop3A_836, %parallel_loop3A_837] {strides = array<i32>} : memref<4x8x512xf32, #tpu.memory_space<vmem>>, vector<1x1x16xf32>,
        %parallel_loop3A_839 = vector.shape_cast %parallel_loop3A_838 : vector<1x1x16xf32> to vector<16xf32>
        %parallel_loop3A_840 = vector.shape_cast %parallel_loop3A_832 : vector<16xf32> to vector<1x1x16xf32>
        tpu.vector_store %arg8[%parallel_loop3A_835, %parallel_loop3A_836, %parallel_loop3A_837], %parallel_loop3A_840 {strides = array<i32>} : memref<4x8x512xf32, #tpu.memory_space<vmem>>, vector<1x1x16xf32>,
        %parallel_loop3A_841 = arith.constant 2 : i32
        %parallel_loop3A_842 = arith.constant 4 : i32
        %parallel_loop3A_843 = arith.index_cast %parallel_loop3A_841 : i32 to index
        %parallel_loop3A_844 = arith.index_cast %parallel_loop3A_842 : i32 to index
        %parallel_loop3A_845 = arith.index_cast %parallel_loop3A_527 : i32 to index
        %parallel_loop3A_846 = tpu.vector_load %arg8[%parallel_loop3A_843, %parallel_loop3A_844, %parallel_loop3A_845] {strides = array<i32>} : memref<4x8x512xf32, #tpu.memory_space<vmem>>, vector<1x1x16xf32>,
        %parallel_loop3A_847 = vector.shape_cast %parallel_loop3A_846 : vector<1x1x16xf32> to vector<16xf32>
        %parallel_loop3A_848 = arith.addf %parallel_loop3A_847, %parallel_loop3A_808 : vector<16xf32>
        %parallel_loop3A_849 = arith.constant 2 : i32
        %parallel_loop3A_850 = arith.constant 4 : i32
        %parallel_loop3A_851 = arith.index_cast %parallel_loop3A_849 : i32 to index
        %parallel_loop3A_852 = arith.index_cast %parallel_loop3A_850 : i32 to index
        %parallel_loop3A_853 = arith.index_cast %parallel_loop3A_527 : i32 to index
        %parallel_loop3A_854 = tpu.vector_load %arg8[%parallel_loop3A_851, %parallel_loop3A_852, %parallel_loop3A_853] {strides = array<i32>} : memref<4x8x512xf32, #tpu.memory_space<vmem>>, vector<1x1x16xf32>,
        %parallel_loop3A_855 = vector.shape_cast %parallel_loop3A_854 : vector<1x1x16xf32> to vector<16xf32>
        %parallel_loop3A_856 = vector.shape_cast %parallel_loop3A_848 : vector<16xf32> to vector<1x1x16xf32>
        tpu.vector_store %arg8[%parallel_loop3A_851, %parallel_loop3A_852, %parallel_loop3A_853], %parallel_loop3A_856 {strides = array<i32>} : memref<4x8x512xf32, #tpu.memory_space<vmem>>, vector<1x1x16xf32>,
        %parallel_loop3A_857 = arith.constant 3 : i32
        %parallel_loop3A_858 = arith.constant 4 : i32
        %parallel_loop3A_859 = arith.index_cast %parallel_loop3A_857 : i32 to index
        %parallel_loop3A_860 = arith.index_cast %parallel_loop3A_858 : i32 to index
        %parallel_loop3A_861 = arith.index_cast %parallel_loop3A_527 : i32 to index
        %parallel_loop3A_862 = tpu.vector_load %arg8[%parallel_loop3A_859, %parallel_loop3A_860, %parallel_loop3A_861] {strides = array<i32>} : memref<4x8x512xf32, #tpu.memory_space<vmem>>, vector<1x1x16xf32>,
        %parallel_loop3A_863 = vector.shape_cast %parallel_loop3A_862 : vector<1x1x16xf32> to vector<16xf32>
        %parallel_loop3A_864 = arith.addf %parallel_loop3A_863, %parallel_loop3A_808 : vector<16xf32>
        %parallel_loop3A_865 = arith.constant 3 : i32
        %parallel_loop3A_866 = arith.constant 4 : i32
        %parallel_loop3A_867 = arith.index_cast %parallel_loop3A_865 : i32 to index
        %parallel_loop3A_868 = arith.index_cast %parallel_loop3A_866 : i32 to index
        %parallel_loop3A_869 = arith.index_cast %parallel_loop3A_527 : i32 to index
        %parallel_loop3A_870 = tpu.vector_load %arg8[%parallel_loop3A_867, %parallel_loop3A_868, %parallel_loop3A_869] {strides = array<i32>} : memref<4x8x512xf32, #tpu.memory_space<vmem>>, vector<1x1x16xf32>,
        %parallel_loop3A_871 = vector.shape_cast %parallel_loop3A_870 : vector<1x1x16xf32> to vector<16xf32>
        %parallel_loop3A_872 = vector.shape_cast %parallel_loop3A_864 : vector<16xf32> to vector<1x1x16xf32>
        tpu.vector_store %arg8[%parallel_loop3A_867, %parallel_loop3A_868, %parallel_loop3A_869], %parallel_loop3A_872 {strides = array<i32>} : memref<4x8x512xf32, #tpu.memory_space<vmem>>, vector<1x1x16xf32>,
        %parallel_loop3A_873 = arith.constant 5 : i32
        %parallel_loop3A_874 = arith.index_cast %parallel_loop3A_873 : i32 to index
        %parallel_loop3A_875 = arith.index_cast %parallel_loop3A_527 : i32 to index
        %parallel_loop3A_876 = tpu.vector_load %arg10[%parallel_loop3A_874, %parallel_loop3A_875] {strides = array<i32>} : memref<8x512xf32, #tpu.memory_space<vmem>>, vector<1x16xf32>,
        %parallel_loop3A_877 = vector.shape_cast %parallel_loop3A_876 : vector<1x16xf32> to vector<16xf32>
        %parallel_loop3A_878 = arith.constant 0 : i32
        %parallel_loop3A_879 = arith.constant 5 : i32
        %parallel_loop3A_880 = arith.index_cast %parallel_loop3A_878 : i32 to index
        %parallel_loop3A_881 = arith.index_cast %parallel_loop3A_879 : i32 to index
        %parallel_loop3A_882 = arith.index_cast %parallel_loop3A_527 : i32 to index
        %parallel_loop3A_883 = tpu.vector_load %arg8[%parallel_loop3A_880, %parallel_loop3A_881, %parallel_loop3A_882] {strides = array<i32>} : memref<4x8x512xf32, #tpu.memory_space<vmem>>, vector<1x1x16xf32>,
        %parallel_loop3A_884 = vector.shape_cast %parallel_loop3A_883 : vector<1x1x16xf32> to vector<16xf32>
        %parallel_loop3A_885 = arith.addf %parallel_loop3A_884, %parallel_loop3A_877 : vector<16xf32>
        %parallel_loop3A_886 = arith.constant 0 : i32
        %parallel_loop3A_887 = arith.constant 5 : i32
        %parallel_loop3A_888 = arith.index_cast %parallel_loop3A_886 : i32 to index
        %parallel_loop3A_889 = arith.index_cast %parallel_loop3A_887 : i32 to index
        %parallel_loop3A_890 = arith.index_cast %parallel_loop3A_527 : i32 to index
        %parallel_loop3A_891 = tpu.vector_load %arg8[%parallel_loop3A_888, %parallel_loop3A_889, %parallel_loop3A_890] {strides = array<i32>} : memref<4x8x512xf32, #tpu.memory_space<vmem>>, vector<1x1x16xf32>,
        %parallel_loop3A_892 = vector.shape_cast %parallel_loop3A_891 : vector<1x1x16xf32> to vector<16xf32>
        %parallel_loop3A_893 = vector.shape_cast %parallel_loop3A_885 : vector<16xf32> to vector<1x1x16xf32>
        tpu.vector_store %arg8[%parallel_loop3A_888, %parallel_loop3A_889, %parallel_loop3A_890], %parallel_loop3A_893 {strides = array<i32>} : memref<4x8x512xf32, #tpu.memory_space<vmem>>, vector<1x1x16xf32>,
        %parallel_loop3A_894 = arith.constant 1 : i32
        %parallel_loop3A_895 = arith.constant 5 : i32
        %parallel_loop3A_896 = arith.index_cast %parallel_loop3A_894 : i32 to index
        %parallel_loop3A_897 = arith.index_cast %parallel_loop3A_895 : i32 to index
        %parallel_loop3A_898 = arith.index_cast %parallel_loop3A_527 : i32 to index
        %parallel_loop3A_899 = tpu.vector_load %arg8[%parallel_loop3A_896, %parallel_loop3A_897, %parallel_loop3A_898] {strides = array<i32>} : memref<4x8x512xf32, #tpu.memory_space<vmem>>, vector<1x1x16xf32>,
        %parallel_loop3A_900 = vector.shape_cast %parallel_loop3A_899 : vector<1x1x16xf32> to vector<16xf32>
        %parallel_loop3A_901 = arith.addf %parallel_loop3A_900, %parallel_loop3A_877 : vector<16xf32>
        %parallel_loop3A_902 = arith.constant 1 : i32
        %parallel_loop3A_903 = arith.constant 5 : i32
        %parallel_loop3A_904 = arith.index_cast %parallel_loop3A_902 : i32 to index
        %parallel_loop3A_905 = arith.index_cast %parallel_loop3A_903 : i32 to index
        %parallel_loop3A_906 = arith.index_cast %parallel_loop3A_527 : i32 to index
        %parallel_loop3A_907 = tpu.vector_load %arg8[%parallel_loop3A_904, %parallel_loop3A_905, %parallel_loop3A_906] {strides = array<i32>} : memref<4x8x512xf32, #tpu.memory_space<vmem>>, vector<1x1x16xf32>,
        %parallel_loop3A_908 = vector.shape_cast %parallel_loop3A_907 : vector<1x1x16xf32> to vector<16xf32>
        %parallel_loop3A_909 = vector.shape_cast %parallel_loop3A_901 : vector<16xf32> to vector<1x1x16xf32>
        tpu.vector_store %arg8[%parallel_loop3A_904, %parallel_loop3A_905, %parallel_loop3A_906], %parallel_loop3A_909 {strides = array<i32>} : memref<4x8x512xf32, #tpu.memory_space<vmem>>, vector<1x1x16xf32>,
        %parallel_loop3A_910 = arith.constant 2 : i32
        %parallel_loop3A_911 = arith.constant 5 : i32
        %parallel_loop3A_912 = arith.index_cast %parallel_loop3A_910 : i32 to index
        %parallel_loop3A_913 = arith.index_cast %parallel_loop3A_911 : i32 to index
        %parallel_loop3A_914 = arith.index_cast %parallel_loop3A_527 : i32 to index
        %parallel_loop3A_915 = tpu.vector_load %arg8[%parallel_loop3A_912, %parallel_loop3A_913, %parallel_loop3A_914] {strides = array<i32>} : memref<4x8x512xf32, #tpu.memory_space<vmem>>, vector<1x1x16xf32>,
        %parallel_loop3A_916 = vector.shape_cast %parallel_loop3A_915 : vector<1x1x16xf32> to vector<16xf32>
        %parallel_loop3A_917 = arith.addf %parallel_loop3A_916, %parallel_loop3A_877 : vector<16xf32>
        %parallel_loop3A_918 = arith.constant 2 : i32
        %parallel_loop3A_919 = arith.constant 5 : i32
        %parallel_loop3A_920 = arith.index_cast %parallel_loop3A_918 : i32 to index
        %parallel_loop3A_921 = arith.index_cast %parallel_loop3A_919 : i32 to index
        %parallel_loop3A_922 = arith.index_cast %parallel_loop3A_527 : i32 to index
        %parallel_loop3A_923 = tpu.vector_load %arg8[%parallel_loop3A_920, %parallel_loop3A_921, %parallel_loop3A_922] {strides = array<i32>} : memref<4x8x512xf32, #tpu.memory_space<vmem>>, vector<1x1x16xf32>,
        %parallel_loop3A_924 = vector.shape_cast %parallel_loop3A_923 : vector<1x1x16xf32> to vector<16xf32>
        %parallel_loop3A_925 = vector.shape_cast %parallel_loop3A_917 : vector<16xf32> to vector<1x1x16xf32>
        tpu.vector_store %arg8[%parallel_loop3A_920, %parallel_loop3A_921, %parallel_loop3A_922], %parallel_loop3A_925 {strides = array<i32>} : memref<4x8x512xf32, #tpu.memory_space<vmem>>, vector<1x1x16xf32>,
        %parallel_loop3A_926 = arith.constant 3 : i32
        %parallel_loop3A_927 = arith.constant 5 : i32
        %parallel_loop3A_928 = arith.index_cast %parallel_loop3A_926 : i32 to index
        %parallel_loop3A_929 = arith.index_cast %parallel_loop3A_927 : i32 to index
        %parallel_loop3A_930 = arith.index_cast %parallel_loop3A_527 : i32 to index
        %parallel_loop3A_931 = tpu.vector_load %arg8[%parallel_loop3A_928, %parallel_loop3A_929, %parallel_loop3A_930] {strides = array<i32>} : memref<4x8x512xf32, #tpu.memory_space<vmem>>, vector<1x1x16xf32>,
        %parallel_loop3A_932 = vector.shape_cast %parallel_loop3A_931 : vector<1x1x16xf32> to vector<16xf32>
        %parallel_loop3A_933 = arith.addf %parallel_loop3A_932, %parallel_loop3A_877 : vector<16xf32>
        %parallel_loop3A_934 = arith.constant 3 : i32
        %parallel_loop3A_935 = arith.constant 5 : i32
        %parallel_loop3A_936 = arith.index_cast %parallel_loop3A_934 : i32 to index
        %parallel_loop3A_937 = arith.index_cast %parallel_loop3A_935 : i32 to index
        %parallel_loop3A_938 = arith.index_cast %parallel_loop3A_527 : i32 to index
        %parallel_loop3A_939 = tpu.vector_load %arg8[%parallel_loop3A_936, %parallel_loop3A_937, %parallel_loop3A_938] {strides = array<i32>} : memref<4x8x512xf32, #tpu.memory_space<vmem>>, vector<1x1x16xf32>,
        %parallel_loop3A_940 = vector.shape_cast %parallel_loop3A_939 : vector<1x1x16xf32> to vector<16xf32>
        %parallel_loop3A_941 = vector.shape_cast %parallel_loop3A_933 : vector<16xf32> to vector<1x1x16xf32>
        tpu.vector_store %arg8[%parallel_loop3A_936, %parallel_loop3A_937, %parallel_loop3A_938], %parallel_loop3A_941 {strides = array<i32>} : memref<4x8x512xf32, #tpu.memory_space<vmem>>, vector<1x1x16xf32>,
        %parallel_loop3A_942 = arith.constant 6 : i32
        %parallel_loop3A_943 = arith.index_cast %parallel_loop3A_942 : i32 to index
        %parallel_loop3A_944 = arith.index_cast %parallel_loop3A_527 : i32 to index
        %parallel_loop3A_945 = tpu.vector_load %arg10[%parallel_loop3A_943, %parallel_loop3A_944] {strides = array<i32>} : memref<8x512xf32, #tpu.memory_space<vmem>>, vector<1x16xf32>,
        %parallel_loop3A_946 = vector.shape_cast %parallel_loop3A_945 : vector<1x16xf32> to vector<16xf32>
        %parallel_loop3A_947 = arith.constant 0 : i32
        %parallel_loop3A_948 = arith.constant 6 : i32
        %parallel_loop3A_949 = arith.index_cast %parallel_loop3A_947 : i32 to index
        %parallel_loop3A_950 = arith.index_cast %parallel_loop3A_948 : i32 to index
        %parallel_loop3A_951 = arith.index_cast %parallel_loop3A_527 : i32 to index
        %parallel_loop3A_952 = tpu.vector_load %arg8[%parallel_loop3A_949, %parallel_loop3A_950, %parallel_loop3A_951] {strides = array<i32>} : memref<4x8x512xf32, #tpu.memory_space<vmem>>, vector<1x1x16xf32>,
        %parallel_loop3A_953 = vector.shape_cast %parallel_loop3A_952 : vector<1x1x16xf32> to vector<16xf32>
        %parallel_loop3A_954 = arith.addf %parallel_loop3A_953, %parallel_loop3A_946 : vector<16xf32>
        %parallel_loop3A_955 = arith.constant 0 : i32
        %parallel_loop3A_956 = arith.constant 6 : i32
        %parallel_loop3A_957 = arith.index_cast %parallel_loop3A_955 : i32 to index
        %parallel_loop3A_958 = arith.index_cast %parallel_loop3A_956 : i32 to index
        %parallel_loop3A_959 = arith.index_cast %parallel_loop3A_527 : i32 to index
        %parallel_loop3A_960 = tpu.vector_load %arg8[%parallel_loop3A_957, %parallel_loop3A_958, %parallel_loop3A_959] {strides = array<i32>} : memref<4x8x512xf32, #tpu.memory_space<vmem>>, vector<1x1x16xf32>,
        %parallel_loop3A_961 = vector.shape_cast %parallel_loop3A_960 : vector<1x1x16xf32> to vector<16xf32>
        %parallel_loop3A_962 = vector.shape_cast %parallel_loop3A_954 : vector<16xf32> to vector<1x1x16xf32>
        tpu.vector_store %arg8[%parallel_loop3A_957, %parallel_loop3A_958, %parallel_loop3A_959], %parallel_loop3A_962 {strides = array<i32>} : memref<4x8x512xf32, #tpu.memory_space<vmem>>, vector<1x1x16xf32>,
        %parallel_loop3A_963 = arith.constant 1 : i32
        %parallel_loop3A_964 = arith.constant 6 : i32
        %parallel_loop3A_965 = arith.index_cast %parallel_loop3A_963 : i32 to index
        %parallel_loop3A_966 = arith.index_cast %parallel_loop3A_964 : i32 to index
        %parallel_loop3A_967 = arith.index_cast %parallel_loop3A_527 : i32 to index
        %parallel_loop3A_968 = tpu.vector_load %arg8[%parallel_loop3A_965, %parallel_loop3A_966, %parallel_loop3A_967] {strides = array<i32>} : memref<4x8x512xf32, #tpu.memory_space<vmem>>, vector<1x1x16xf32>,
        %parallel_loop3A_969 = vector.shape_cast %parallel_loop3A_968 : vector<1x1x16xf32> to vector<16xf32>
        %parallel_loop3A_970 = arith.addf %parallel_loop3A_969, %parallel_loop3A_946 : vector<16xf32>
        %parallel_loop3A_971 = arith.constant 1 : i32
        %parallel_loop3A_972 = arith.constant 6 : i32
        %parallel_loop3A_973 = arith.index_cast %parallel_loop3A_971 : i32 to index
        %parallel_loop3A_974 = arith.index_cast %parallel_loop3A_972 : i32 to index
        %parallel_loop3A_975 = arith.index_cast %parallel_loop3A_527 : i32 to index
        %parallel_loop3A_976 = tpu.vector_load %arg8[%parallel_loop3A_973, %parallel_loop3A_974, %parallel_loop3A_975] {strides = array<i32>} : memref<4x8x512xf32, #tpu.memory_space<vmem>>, vector<1x1x16xf32>,
        %parallel_loop3A_977 = vector.shape_cast %parallel_loop3A_976 : vector<1x1x16xf32> to vector<16xf32>
        %parallel_loop3A_978 = vector.shape_cast %parallel_loop3A_970 : vector<16xf32> to vector<1x1x16xf32>
        tpu.vector_store %arg8[%parallel_loop3A_973, %parallel_loop3A_974, %parallel_loop3A_975], %parallel_loop3A_978 {strides = array<i32>} : memref<4x8x512xf32, #tpu.memory_space<vmem>>, vector<1x1x16xf32>,
        %parallel_loop3A_979 = arith.constant 2 : i32
        %parallel_loop3A_980 = arith.constant 6 : i32
        %parallel_loop3A_981 = arith.index_cast %parallel_loop3A_979 : i32 to index
        %parallel_loop3A_982 = arith.index_cast %parallel_loop3A_980 : i32 to index
        %parallel_loop3A_983 = arith.index_cast %parallel_loop3A_527 : i32 to index
        %parallel_loop3A_984 = tpu.vector_load %arg8[%parallel_loop3A_981, %parallel_loop3A_982, %parallel_loop3A_983] {strides = array<i32>} : memref<4x8x512xf32, #tpu.memory_space<vmem>>, vector<1x1x16xf32>,
        %parallel_loop3A_985 = vector.shape_cast %parallel_loop3A_984 : vector<1x1x16xf32> to vector<16xf32>
        %parallel_loop3A_986 = arith.addf %parallel_loop3A_985, %parallel_loop3A_946 : vector<16xf32>
        %parallel_loop3A_987 = arith.constant 2 : i32
        %parallel_loop3A_988 = arith.constant 6 : i32
        %parallel_loop3A_989 = arith.index_cast %parallel_loop3A_987 : i32 to index
        %parallel_loop3A_990 = arith.index_cast %parallel_loop3A_988 : i32 to index
        %parallel_loop3A_991 = arith.index_cast %parallel_loop3A_527 : i32 to index
        %parallel_loop3A_992 = tpu.vector_load %arg8[%parallel_loop3A_989, %parallel_loop3A_990, %parallel_loop3A_991] {strides = array<i32>} : memref<4x8x512xf32, #tpu.memory_space<vmem>>, vector<1x1x16xf32>,
        %parallel_loop3A_993 = vector.shape_cast %parallel_loop3A_992 : vector<1x1x16xf32> to vector<16xf32>
        %parallel_loop3A_994 = vector.shape_cast %parallel_loop3A_986 : vector<16xf32> to vector<1x1x16xf32>
        tpu.vector_store %arg8[%parallel_loop3A_989, %parallel_loop3A_990, %parallel_loop3A_991], %parallel_loop3A_994 {strides = array<i32>} : memref<4x8x512xf32, #tpu.memory_space<vmem>>, vector<1x1x16xf32>,
        %parallel_loop3A_995 = arith.constant 3 : i32
        %parallel_loop3A_996 = arith.constant 6 : i32
        %parallel_loop3A_997 = arith.index_cast %parallel_loop3A_995 : i32 to index
        %parallel_loop3A_998 = arith.index_cast %parallel_loop3A_996 : i32 to index
        %parallel_loop3A_999 = arith.index_cast %parallel_loop3A_527 : i32 to index
        %parallel_loop3A_1000 = tpu.vector_load %arg8[%parallel_loop3A_997, %parallel_loop3A_998, %parallel_loop3A_999] {strides = array<i32>} : memref<4x8x512xf32, #tpu.memory_space<vmem>>, vector<1x1x16xf32>,
        %parallel_loop3A_1001 = vector.shape_cast %parallel_loop3A_1000 : vector<1x1x16xf32> to vector<16xf32>
        %parallel_loop3A_1002 = arith.addf %parallel_loop3A_1001, %parallel_loop3A_946 : vector<16xf32>
        %parallel_loop3A_1003 = arith.constant 3 : i32
        %parallel_loop3A_1004 = arith.constant 6 : i32
        %parallel_loop3A_1005 = arith.index_cast %parallel_loop3A_1003 : i32 to index
        %parallel_loop3A_1006 = arith.index_cast %parallel_loop3A_1004 : i32 to index
        %parallel_loop3A_1007 = arith.index_cast %parallel_loop3A_527 : i32 to index
        %parallel_loop3A_1008 = tpu.vector_load %arg8[%parallel_loop3A_1005, %parallel_loop3A_1006, %parallel_loop3A_1007] {strides = array<i32>} : memref<4x8x512xf32, #tpu.memory_space<vmem>>, vector<1x1x16xf32>,
        %parallel_loop3A_1009 = vector.shape_cast %parallel_loop3A_1008 : vector<1x1x16xf32> to vector<16xf32>
        %parallel_loop3A_1010 = vector.shape_cast %parallel_loop3A_1002 : vector<16xf32> to vector<1x1x16xf32>
        tpu.vector_store %arg8[%parallel_loop3A_1005, %parallel_loop3A_1006, %parallel_loop3A_1007], %parallel_loop3A_1010 {strides = array<i32>} : memref<4x8x512xf32, #tpu.memory_space<vmem>>, vector<1x1x16xf32>,
        %parallel_loop3A_1011 = arith.constant 7 : i32
        %parallel_loop3A_1012 = arith.index_cast %parallel_loop3A_1011 : i32 to index
        %parallel_loop3A_1013 = arith.index_cast %parallel_loop3A_527 : i32 to index
        %parallel_loop3A_1014 = tpu.vector_load %arg10[%parallel_loop3A_1012, %parallel_loop3A_1013] {strides = array<i32>} : memref<8x512xf32, #tpu.memory_space<vmem>>, vector<1x16xf32>,
        %parallel_loop3A_1015 = vector.shape_cast %parallel_loop3A_1014 : vector<1x16xf32> to vector<16xf32>
        %parallel_loop3A_1016 = arith.constant 0 : i32
        %parallel_loop3A_1017 = arith.constant 7 : i32
        %parallel_loop3A_1018 = arith.index_cast %parallel_loop3A_1016 : i32 to index
        %parallel_loop3A_1019 = arith.index_cast %parallel_loop3A_1017 : i32 to index
        %parallel_loop3A_1020 = arith.index_cast %parallel_loop3A_527 : i32 to index
        %parallel_loop3A_1021 = tpu.vector_load %arg8[%parallel_loop3A_1018, %parallel_loop3A_1019, %parallel_loop3A_1020] {strides = array<i32>} : memref<4x8x512xf32, #tpu.memory_space<vmem>>, vector<1x1x16xf32>,
        %parallel_loop3A_1022 = vector.shape_cast %parallel_loop3A_1021 : vector<1x1x16xf32> to vector<16xf32>
        %parallel_loop3A_1023 = arith.addf %parallel_loop3A_1022, %parallel_loop3A_1015 : vector<16xf32>
        %parallel_loop3A_1024 = arith.constant 0 : i32
        %parallel_loop3A_1025 = arith.constant 7 : i32
        %parallel_loop3A_1026 = arith.index_cast %parallel_loop3A_1024 : i32 to index
        %parallel_loop3A_1027 = arith.index_cast %parallel_loop3A_1025 : i32 to index
        %parallel_loop3A_1028 = arith.index_cast %parallel_loop3A_527 : i32 to index
        %parallel_loop3A_1029 = tpu.vector_load %arg8[%parallel_loop3A_1026, %parallel_loop3A_1027, %parallel_loop3A_1028] {strides = array<i32>} : memref<4x8x512xf32, #tpu.memory_space<vmem>>, vector<1x1x16xf32>,
        %parallel_loop3A_1030 = vector.shape_cast %parallel_loop3A_1029 : vector<1x1x16xf32> to vector<16xf32>
        %parallel_loop3A_1031 = vector.shape_cast %parallel_loop3A_1023 : vector<16xf32> to vector<1x1x16xf32>
        tpu.vector_store %arg8[%parallel_loop3A_1026, %parallel_loop3A_1027, %parallel_loop3A_1028], %parallel_loop3A_1031 {strides = array<i32>} : memref<4x8x512xf32, #tpu.memory_space<vmem>>, vector<1x1x16xf32>,
        %parallel_loop3A_1032 = arith.constant 1 : i32
        %parallel_loop3A_1033 = arith.constant 7 : i32
        %parallel_loop3A_1034 = arith.index_cast %parallel_loop3A_1032 : i32 to index
        %parallel_loop3A_1035 = arith.index_cast %parallel_loop3A_1033 : i32 to index
        %parallel_loop3A_1036 = arith.index_cast %parallel_loop3A_527 : i32 to index
        %parallel_loop3A_1037 = tpu.vector_load %arg8[%parallel_loop3A_1034, %parallel_loop3A_1035, %parallel_loop3A_1036] {strides = array<i32>} : memref<4x8x512xf32, #tpu.memory_space<vmem>>, vector<1x1x16xf32>,
        %parallel_loop3A_1038 = vector.shape_cast %parallel_loop3A_1037 : vector<1x1x16xf32> to vector<16xf32>
        %parallel_loop3A_1039 = arith.addf %parallel_loop3A_1038, %parallel_loop3A_1015 : vector<16xf32>
        %parallel_loop3A_1040 = arith.constant 1 : i32
        %parallel_loop3A_1041 = arith.constant 7 : i32
        %parallel_loop3A_1042 = arith.index_cast %parallel_loop3A_1040 : i32 to index
        %parallel_loop3A_1043 = arith.index_cast %parallel_loop3A_1041 : i32 to index
        %parallel_loop3A_1044 = arith.index_cast %parallel_loop3A_527 : i32 to index
        %parallel_loop3A_1045 = tpu.vector_load %arg8[%parallel_loop3A_1042, %parallel_loop3A_1043, %parallel_loop3A_1044] {strides = array<i32>} : memref<4x8x512xf32, #tpu.memory_space<vmem>>, vector<1x1x16xf32>,
        %parallel_loop3A_1046 = vector.shape_cast %parallel_loop3A_1045 : vector<1x1x16xf32> to vector<16xf32>
        %parallel_loop3A_1047 = vector.shape_cast %parallel_loop3A_1039 : vector<16xf32> to vector<1x1x16xf32>
        tpu.vector_store %arg8[%parallel_loop3A_1042, %parallel_loop3A_1043, %parallel_loop3A_1044], %parallel_loop3A_1047 {strides = array<i32>} : memref<4x8x512xf32, #tpu.memory_space<vmem>>, vector<1x1x16xf32>,
        %parallel_loop3A_1048 = arith.constant 2 : i32
        %parallel_loop3A_1049 = arith.constant 7 : i32
        %parallel_loop3A_1050 = arith.index_cast %parallel_loop3A_1048 : i32 to index
        %parallel_loop3A_1051 = arith.index_cast %parallel_loop3A_1049 : i32 to index
        %parallel_loop3A_1052 = arith.index_cast %parallel_loop3A_527 : i32 to index
        %parallel_loop3A_1053 = tpu.vector_load %arg8[%parallel_loop3A_1050, %parallel_loop3A_1051, %parallel_loop3A_1052] {strides = array<i32>} : memref<4x8x512xf32, #tpu.memory_space<vmem>>, vector<1x1x16xf32>,
        %parallel_loop3A_1054 = vector.shape_cast %parallel_loop3A_1053 : vector<1x1x16xf32> to vector<16xf32>
        %parallel_loop3A_1055 = arith.addf %parallel_loop3A_1054, %parallel_loop3A_1015 : vector<16xf32>
        %parallel_loop3A_1056 = arith.constant 2 : i32
        %parallel_loop3A_1057 = arith.constant 7 : i32
        %parallel_loop3A_1058 = arith.index_cast %parallel_loop3A_1056 : i32 to index
        %parallel_loop3A_1059 = arith.index_cast %parallel_loop3A_1057 : i32 to index
        %parallel_loop3A_1060 = arith.index_cast %parallel_loop3A_527 : i32 to index
        %parallel_loop3A_1061 = tpu.vector_load %arg8[%parallel_loop3A_1058, %parallel_loop3A_1059, %parallel_loop3A_1060] {strides = array<i32>} : memref<4x8x512xf32, #tpu.memory_space<vmem>>, vector<1x1x16xf32>,
        %parallel_loop3A_1062 = vector.shape_cast %parallel_loop3A_1061 : vector<1x1x16xf32> to vector<16xf32>
        %parallel_loop3A_1063 = vector.shape_cast %parallel_loop3A_1055 : vector<16xf32> to vector<1x1x16xf32>
        tpu.vector_store %arg8[%parallel_loop3A_1058, %parallel_loop3A_1059, %parallel_loop3A_1060], %parallel_loop3A_1063 {strides = array<i32>} : memref<4x8x512xf32, #tpu.memory_space<vmem>>, vector<1x1x16xf32>,
        %parallel_loop3A_1064 = arith.constant 3 : i32
        %parallel_loop3A_1065 = arith.constant 7 : i32
        %parallel_loop3A_1066 = arith.index_cast %parallel_loop3A_1064 : i32 to index
        %parallel_loop3A_1067 = arith.index_cast %parallel_loop3A_1065 : i32 to index
        %parallel_loop3A_1068 = arith.index_cast %parallel_loop3A_527 : i32 to index
        %parallel_loop3A_1069 = tpu.vector_load %arg8[%parallel_loop3A_1066, %parallel_loop3A_1067, %parallel_loop3A_1068] {strides = array<i32>} : memref<4x8x512xf32, #tpu.memory_space<vmem>>, vector<1x1x16xf32>,
        %parallel_loop3A_1070 = vector.shape_cast %parallel_loop3A_1069 : vector<1x1x16xf32> to vector<16xf32>
        %parallel_loop3A_1071 = arith.addf %parallel_loop3A_1070, %parallel_loop3A_1015 : vector<16xf32>
        %parallel_loop3A_1072 = arith.constant 3 : i32
        %parallel_loop3A_1073 = arith.constant 7 : i32
        %parallel_loop3A_1074 = arith.index_cast %parallel_loop3A_1072 : i32 to index
        %parallel_loop3A_1075 = arith.index_cast %parallel_loop3A_1073 : i32 to index
        %parallel_loop3A_1076 = arith.index_cast %parallel_loop3A_527 : i32 to index
        %parallel_loop3A_1077 = tpu.vector_load %arg8[%parallel_loop3A_1074, %parallel_loop3A_1075, %parallel_loop3A_1076] {strides = array<i32>} : memref<4x8x512xf32, #tpu.memory_space<vmem>>, vector<1x1x16xf32>,
        %parallel_loop3A_1078 = vector.shape_cast %parallel_loop3A_1077 : vector<1x1x16xf32> to vector<16xf32>
        %parallel_loop3A_1079 = vector.shape_cast %parallel_loop3A_1071 : vector<16xf32> to vector<1x1x16xf32>
        tpu.vector_store %arg8[%parallel_loop3A_1074, %parallel_loop3A_1075, %parallel_loop3A_1076], %parallel_loop3A_1079 {strides = array<i32>} : memref<4x8x512xf32, #tpu.memory_space<vmem>>, vector<1x1x16xf32>,
      } {sc.loop_unroll_factor = 1 : i64, sc.parallel_access}
      %ge3A_480 = arith.constant 2 : i32
      %ge3A_481 = arith.cmpi sge, %add3A_421, %ge3A_480 : i32
      %convert_element_type3A_482 = arith.extui %ge3A_481 : i1 to i32
      %cond3A_483 = arith.constant 0 : i32
      %cond3A_484 = arith.cmpi ne, %convert_element_type3A_482, %cond3A_483 : i32
      scf.if %cond3A_484 {
        %sub3A = arith.constant 2 : i32
        %sub3A_525 = arith.subi %add3A_421, %sub3A : i32
        %shift_right_arithmetic3A_526 = arith.constant 1 : i32
        %shift_right_arithmetic3A_527 = arith.shrsi %sub3A_525, %shift_right_arithmetic3A_526 : i32
        %mul3A_528 = arith.constant 8 : i32
        %mul3A_529 = arith.muli %shift_right_arithmetic3A_527, %mul3A_528 : i32
        %add3A_530 = arith.addi %mul3A_2, %mul3A_529 : i32
        %jit3A_531 = arith.constant 0 : i32
        %jit3A_532 = arith.constant 4088 : i32
        %max3A_533 = arith.maxsi %jit3A_531, %add3A_530 : i32
        %min3A_534 = arith.minsi %jit3A_532, %max3A_533 : i32
        %multiple_of3A_535 = tpu.assume_multiple %min3A_534, 8 : i32
        %and3A_536 = arith.constant 1 : i32
        %and3A_537 = arith.andi %sub3A_525, %and3A_536 : i32
        %mul3A_538 = arith.constant 512 : i32
        %mul3A_539 = arith.muli %and3A_537, %mul3A_538 : i32
        %multiple_of3A_540 = tpu.assume_multiple %mul3A_539, 512 : i32
        %dma_wait3A_541 = arith.constant 0 : i32
        %dma_wait3A_542 = tpu.memref_slice %arg4[%dma_wait3A_541, %multiple_of3A_535, %multiple_of3A_540] : memref<4x4096x1024xf32, #tpu.memory_space<hbm>> -> memref<4x8x512xf32, #tpu.memory_space<hbm>>
        %dma_wait3A_543 = arith.constant 0 : i32
        %dma_wait3A_544 = tpu.memref_slice %arg4[%dma_wait3A_543, %multiple_of3A_535, %multiple_of3A_540] : memref<4x4096x1024xf32, #tpu.memory_space<hbm>> -> memref<4x8x512xf32, #tpu.memory_space<hbm>>
        tpu.wait_dma2 semaphore(%arg16 : memref<!tpu.dma_semaphore, #tpu.memory_space<semaphore_mem>>) src(%arg6 : memref<4x8x512xf32, #tpu.memory_space<vmem>>) dst(%dma_wait3A_544 : memref<4x8x512xf32, #tpu.memory_space<hbm>>)
      } else {
      }
      %add3A_485 = arith.constant 2 : i32
      %add3A_486 = arith.addi %add3A_421, %add3A_485 : i32
      %shift_right_arithmetic3A_487 = arith.constant 1 : i32
      %shift_right_arithmetic3A_488 = arith.shrsi %add3A_486, %shift_right_arithmetic3A_487 : i32
      %mul3A_489 = arith.constant 8 : i32
      %mul3A_490 = arith.muli %shift_right_arithmetic3A_488, %mul3A_489 : i32
      %add3A_491 = arith.addi %mul3A_2, %mul3A_490 : i32
      %jit3A_492 = arith.constant 0 : i32
      %jit3A_493 = arith.constant 4088 : i32
      %max3A_494 = arith.maxsi %jit3A_492, %add3A_491 : i32
      %min3A_495 = arith.minsi %jit3A_493, %max3A_494 : i32
      %multiple_of3A_496 = tpu.assume_multiple %min3A_495, 8 : i32
      %and3A_497 = arith.constant 1 : i32
      %and3A_498 = arith.andi %add3A_486, %and3A_497 : i32
      %mul3A_499 = arith.constant 512 : i32
      %mul3A_500 = arith.muli %and3A_498, %mul3A_499 : i32
      %multiple_of3A_501 = tpu.assume_multiple %mul3A_500, 512 : i32
      %dma_start3A_502 = arith.constant 0 : i32
      %dma_start3A_503 = tpu.memref_slice %arg2[%dma_start3A_502, %multiple_of3A_496, %multiple_of3A_501] : memref<4x4096x1024xf32, #tpu.memory_space<hbm>> -> memref<4x8x512xf32, #tpu.memory_space<hbm>>
      %dma_start3A_504 = arith.constant 0 : i32
      %dma_start3A_505 = tpu.memref_slice %arg2[%dma_start3A_504, %multiple_of3A_496, %multiple_of3A_501] : memref<4x4096x1024xf32, #tpu.memory_space<hbm>> -> memref<4x8x512xf32, #tpu.memory_space<hbm>>
      tpu.enqueue_dma source(%dma_start3A_505 : memref<4x8x512xf32, #tpu.memory_space<hbm>>) target(%arg6 : memref<4x8x512xf32, #tpu.memory_space<vmem>>) target_semaphore(%arg12 : memref<!tpu.dma_semaphore, #tpu.memory_space<semaphore_mem>>)
      %shift_right_arithmetic3A_506 = arith.constant 1 : i32
      %shift_right_arithmetic3A_507 = arith.shrsi %add3A_421, %shift_right_arithmetic3A_506 : i32
      %mul3A_508 = arith.constant 8 : i32
      %mul3A_509 = arith.muli %shift_right_arithmetic3A_507, %mul3A_508 : i32
      %add3A_510 = arith.addi %mul3A_2, %mul3A_509 : i32
      %jit3A_511 = arith.constant 0 : i32
      %jit3A_512 = arith.constant 4088 : i32
      %max3A_513 = arith.maxsi %jit3A_511, %add3A_510 : i32
      %min3A_514 = arith.minsi %jit3A_512, %max3A_513 : i32
      %multiple_of3A_515 = tpu.assume_multiple %min3A_514, 8 : i32
      %and3A_516 = arith.constant 1 : i32
      %and3A_517 = arith.andi %add3A_421, %and3A_516 : i32
      %mul3A_518 = arith.constant 512 : i32
      %mul3A_519 = arith.muli %and3A_517, %mul3A_518 : i32
      %multiple_of3A_520 = tpu.assume_multiple %mul3A_519, 512 : i32
      %dma_start3A_521 = arith.constant 0 : i32
      %dma_start3A_522 = tpu.memref_slice %arg4[%dma_start3A_521, %multiple_of3A_515, %multiple_of3A_520] : memref<4x4096x1024xf32, #tpu.memory_space<hbm>> -> memref<4x8x512xf32, #tpu.memory_space<hbm>>
      %dma_start3A_523 = arith.constant 0 : i32
      %dma_start3A_524 = tpu.memref_slice %arg4[%dma_start3A_523, %multiple_of3A_515, %multiple_of3A_520] : memref<4x4096x1024xf32, #tpu.memory_space<hbm>> -> memref<4x8x512xf32, #tpu.memory_space<hbm>>
      tpu.enqueue_dma source(%arg8 : memref<4x8x512xf32, #tpu.memory_space<vmem>>) target(%dma_start3A_524 : memref<4x8x512xf32, #tpu.memory_space<hbm>>) target_semaphore(%arg18 : memref<!tpu.dma_semaphore, #tpu.memory_space<semaphore_mem>>)
    }
    %scan3A_39 = arith.constant 8 : i32
    %add3A_40 = arith.constant 120 : i32
    %add3A_41 = arith.addi %mul3A_2, %add3A_40 : i32
    %jit3A_42 = arith.constant 0 : i32
    %jit3A_43 = arith.constant 4088 : i32
    %max3A_44 = arith.maxsi %jit3A_42, %add3A_41 : i32
    %min3A_45 = arith.minsi %jit3A_43, %max3A_44 : i32
    %multiple_of3A_46 = tpu.assume_multiple %min3A_45, 8 : i32
    %multiple_of3A_47 = arith.constant 0 : i32
    %multiple_of3A_48 = tpu.assume_multiple %multiple_of3A_47, 512 : i32
    %dma_wait3A = arith.constant 0 : i32
    %dma_wait3A_49 = tpu.memref_slice %arg4[%dma_wait3A, %multiple_of3A_46, %multiple_of3A_48] : memref<4x4096x1024xf32, #tpu.memory_space<hbm>> -> memref<4x8x512xf32, #tpu.memory_space<hbm>>
    %dma_wait3A_50 = arith.constant 0 : i32
    %dma_wait3A_51 = tpu.memref_slice %arg4[%dma_wait3A_50, %multiple_of3A_46, %multiple_of3A_48] : memref<4x4096x1024xf32, #tpu.memory_space<hbm>> -> memref<4x8x512xf32, #tpu.memory_space<hbm>>
    tpu.wait_dma2 semaphore(%arg17 : memref<!tpu.dma_semaphore, #tpu.memory_space<semaphore_mem>>) src(%arg7 : memref<4x8x512xf32, #tpu.memory_space<vmem>>) dst(%dma_wait3A_51 : memref<4x8x512xf32, #tpu.memory_space<hbm>>)
    %add3A_52 = arith.constant 120 : i32
    %add3A_53 = arith.addi %mul3A_2, %add3A_52 : i32
    %jit3A_54 = arith.constant 0 : i32
    %jit3A_55 = arith.constant 4088 : i32
    %max3A_56 = arith.maxsi %jit3A_54, %add3A_53 : i32
    %min3A_57 = arith.minsi %jit3A_55, %max3A_56 : i32
    %multiple_of3A_58 = tpu.assume_multiple %min3A_57, 8 : i32
    %multiple_of3A_59 = arith.constant 512 : i32
    %multiple_of3A_60 = tpu.assume_multiple %multiple_of3A_59, 512 : i32
    %dma_wait3A_61 = arith.constant 0 : i32
    %dma_wait3A_62 = tpu.memref_slice %arg4[%dma_wait3A_61, %multiple_of3A_58, %multiple_of3A_60] : memref<4x4096x1024xf32, #tpu.memory_space<hbm>> -> memref<4x8x512xf32, #tpu.memory_space<hbm>>
    %dma_wait3A_63 = arith.constant 0 : i32
    %dma_wait3A_64 = tpu.memref_slice %arg4[%dma_wait3A_63, %multiple_of3A_58, %multiple_of3A_60] : memref<4x4096x1024xf32, #tpu.memory_space<hbm>> -> memref<4x8x512xf32, #tpu.memory_space<hbm>>
    tpu.wait_dma2 semaphore(%arg18 : memref<!tpu.dma_semaphore, #tpu.memory_space<semaphore_mem>>) src(%arg8 : memref<4x8x512xf32, #tpu.memory_space<vmem>>) dst(%dma_wait3A_64 : memref<4x8x512xf32, #tpu.memory_space<hbm>>)
    %add3A_65 = arith.constant 128 : i32
    %add3A_66 = arith.addi %mul3A_2, %add3A_65 : i32
    %jit3A_67 = arith.constant 0 : i32
    %jit3A_68 = arith.constant 4088 : i32
    %max3A_69 = arith.maxsi %jit3A_67, %add3A_66 : i32
    %min3A_70 = arith.minsi %jit3A_68, %max3A_69 : i32
    %multiple_of3A_71 = tpu.assume_multiple %min3A_70, 8 : i32
    %multiple_of3A_72 = arith.constant 0 : i32
    %multiple_of3A_73 = tpu.assume_multiple %multiple_of3A_72, 512 : i32
    %dma_wait3A_74 = arith.constant 0 : i32
    %dma_wait3A_75 = tpu.memref_slice %arg2[%dma_wait3A_74, %multiple_of3A_71, %multiple_of3A_73] : memref<4x4096x1024xf32, #tpu.memory_space<hbm>> -> memref<4x8x512xf32, #tpu.memory_space<hbm>>
    %dma_wait3A_76 = arith.constant 0 : i32
    %dma_wait3A_77 = tpu.memref_slice %arg2[%dma_wait3A_76, %multiple_of3A_71, %multiple_of3A_73] : memref<4x4096x1024xf32, #tpu.memory_space<hbm>> -> memref<4x8x512xf32, #tpu.memory_space<hbm>>
    tpu.wait_dma2 semaphore(%arg11 : memref<!tpu.dma_semaphore, #tpu.memory_space<semaphore_mem>>) src(%dma_wait3A_77 : memref<4x8x512xf32, #tpu.memory_space<hbm>>) dst(%arg5 : memref<4x8x512xf32, #tpu.memory_space<vmem>>)
    %add3A_78 = arith.constant 128 : i32
    %add3A_79 = arith.addi %mul3A_2, %add3A_78 : i32
    %jit3A_80 = arith.constant 0 : i32
    %jit3A_81 = arith.constant 4088 : i32
    %max3A_82 = arith.maxsi %jit3A_80, %add3A_79 : i32
    %min3A_83 = arith.minsi %jit3A_81, %max3A_82 : i32
    %multiple_of3A_84 = tpu.assume_multiple %min3A_83, 8 : i32
    %multiple_of3A_85 = arith.constant 512 : i32
    %multiple_of3A_86 = tpu.assume_multiple %multiple_of3A_85, 512 : i32
    %dma_wait3A_87 = arith.constant 0 : i32
    %dma_wait3A_88 = tpu.memref_slice %arg2[%dma_wait3A_87, %multiple_of3A_84, %multiple_of3A_86] : memref<4x4096x1024xf32, #tpu.memory_space<hbm>> -> memref<4x8x512xf32, #tpu.memory_space<hbm>>
    %dma_wait3A_89 = arith.constant 0 : i32
    %dma_wait3A_90 = tpu.memref_slice %arg2[%dma_wait3A_89, %multiple_of3A_84, %multiple_of3A_86] : memref<4x4096x1024xf32, #tpu.memory_space<hbm>> -> memref<4x8x512xf32, #tpu.memory_space<hbm>>
    tpu.wait_dma2 semaphore(%arg12 : memref<!tpu.dma_semaphore, #tpu.memory_space<semaphore_mem>>) src(%dma_wait3A_90 : memref<4x8x512xf32, #tpu.memory_space<hbm>>) dst(%arg6 : memref<4x8x512xf32, #tpu.memory_space<vmem>>)
    %add3A_91 = arith.constant 128 : i32
    %add3A_92 = arith.addi %mul3A_2, %add3A_91 : i32
    %jit3A_93 = arith.constant 0 : i32
    %jit3A_94 = arith.constant 4088 : i32
    %max3A_95 = arith.maxsi %jit3A_93, %add3A_92 : i32
    %min3A_96 = arith.minsi %jit3A_94, %max3A_95 : i32
    %multiple_of3A_97 = tpu.assume_multiple %min3A_96, 8 : i32
    %multiple_of3A_98 = arith.constant 0 : i32
    %multiple_of3A_99 = tpu.assume_multiple %multiple_of3A_98, 512 : i32
    %dma_wait3A_100 = tpu.memref_slice %arg3[%multiple_of3A_97, %multiple_of3A_99] : memref<8192x1024xf32, #tpu.memory_space<hbm>> -> memref<8x512xf32, #tpu.memory_space<hbm>>
    %dma_wait3A_101 = tpu.memref_slice %arg3[%multiple_of3A_97, %multiple_of3A_99] : memref<8192x1024xf32, #tpu.memory_space<hbm>> -> memref<8x512xf32, #tpu.memory_space<hbm>>
    tpu.wait_dma2 semaphore(%arg19 : memref<!tpu.dma_semaphore, #tpu.memory_space<semaphore_mem>>) src(%dma_wait3A_101 : memref<8x512xf32, #tpu.memory_space<hbm>>) dst(%arg9 : memref<8x512xf32, #tpu.memory_space<vmem>>)
    return
  }
}

</mosaic_0001>

<sc_bundles>
// kernel: kernel.3.cloned.1.call-start
scs
__scs_entry_jumppad:
0x0: {  	(pc) =	sbr.rel $0x88, $3  }
0x1: {  	(tag) =	ssettag $0x0;
	lr =	simm.s32 $0x1  }
0x2: {  	[smem:$0x3F9F] =	sst lr;
	_ =	strace $0xD0000000  }
0x3: {  	_ = 	snop  }
0x4: {  	_ = 	snop  }
0x5: {  	_ = 	snop  }
0x6: {  	_ = 	snop  }
0x7: {  	_ = 	snop  }
__scs_overlays_trampoline_lowered:
0x8: {  	[smem:$0x3FAE] =	sst s0  }
0x9: {  	[smem:$0x3FAF] =	sst s1  }
0xa: {  	[smem:$0x3FB0] =	sst s2  }
0xb: {  	[smem:$0x3FB1] =	sst s3  }
0xc: {  	[smem:$0x3FB2] =	sst s4  }
0xd: {  	[smem:$0x3FB3] =	sst s5  }
0xe: {  	[smem:$0x3FB4] =	sst s6  }
0xf: {  	[smem:$0x3FB5] =	sst s7  }
0x10: {  	[smem:$0x3FB6] =	sst s8  }
0x11: {  	[smem:$0x3FB7] =	sst s9;
	s0 =	simm.s32 @!p0 $0x0  }
0x12: {  	s1 =	sld [smem:$0x3F9D];
	s0 =	simm.s32 @p0 $0x1  }
0x13: {  	[smem:$0x3FB8] =	sst s0;
	s0 =	simm.s32 @!p1 $0x0  }
0x14: {  	s2 =	sld [smem:$0x3F9C];
	s0 =	simm.s32 @p1 $0x1  }
0x15: {  	[smem:$0x3FB9] =	sst s0;
	s0 =	simm.s32 @!p2 $0x0  }
0x16: {  	s3 =	sld [smem:$0x3FDB];
	s0 =	simm.s32 @p2 $0x1  }
0x17: {  	s4 =	simm.s32 $0x1BF5;
	[smem:$0x3FBB] =	sst s0  }
0x18: {  	s0 =	sld [smem:$0x3F9E];
	_ =	swait.ge [sflag:s4], $0x0  }
0x19: {  	s7 =	sld [smem:$0x3F9F]  }
0x1a: {  	s8 =	sadd.s32 $0xFFFFE003, lr  }
0x1b: {  	s9 =	sadd.s32 $0xFFFFFEF7, lr;
	s5 =	simm.s32 $0xFFFFFFFF;
	p2 =	slt.u32 s8, $0xFFFFF086  }
0x1c: {  	p1 =	slt.u32 s9, $0xF7A;
	s5 =	simm.s32 @!p2 $0x0  }
0x1d: {  	s5 =	simm.s32 @p1 $0x1;
	p0 =	seq.s32 s7, s2  }
0x1e: {  	s7 =	smul.u32 @!p0 $0xF7A, s2;
	p2 =	seq.s32 @!p0 s5, $0x0  }
0x1f: {  	s9 =	smul.u32 $0xF7A, s1;
	s8 =	simm.s32 @!p0 $0x1BF5;
	p2 =	por !p2, p0  }
0x20: {  	[sflag:s8] =	ssyncset.s32 @!p0 $0xFFFFF086;
	s6 =	sadd.s32 @!p0 s3, s7;
	s7 =	simm.s32 @!p0 $0x108  }
0x21: {  	s3 =	sadd.s32 s3, s9;
	s6 =	sadd.s32 @!p0 $0x88, s6;
	s7 =	simm.s32 @p2 $0x1082  }
0x22: {  	[simem:s7], [sflag:s8] =	dma.local @!p0 [hbm:s6], $0xF7A  }
0x23: {  	s9 =	sor.u32 $0xD0000000, s2;
	s6 =	simm.s32 $0x108;
	_ =	swait.ge @!p0 [sflag:s8], $0x0  }
0x24: {  	s3 =	sadd.s32 $0x88, s3;
	s6 =	simm.s32 @!p1 $0x1082;
	[sflag:s4] =	ssyncset.s32 $0xFFFFF086  }
0x25: {  	[simem:s6], [sflag:s4] =	dma.local [hbm:s3], $0xF7A  }
0x26: {  	[smem:$0x3F9F] =	sst s1;
	(tag) =	ssettag s2;
	_ =	strace s9  }
0x27: {  	s1 =	sld [smem:$0x3FAF]  }
0x28: {  	s2 =	sld [smem:$0x3FB0]  }
0x29: {  	s4 =	sld [smem:$0x3FB2]  }
0x2a: {  	p0 =	seq.s32 s5, $0x0;
	s5 =	sld [smem:$0x3FB3]  }
0x2b: {  	s6 =	sld [smem:$0x3FB4]  }
0x2c: {  	s7 =	sld [smem:$0x3FB5]  }
0x2d: {  	s3 =	simm.s32 $0x108;
	s8 =	sld [smem:$0x3FB6]  }
0x2e: {  	s3 =	simm.s32 @!p0 $0x1082;
	s9 =	sld [smem:$0x3FB7]  }
0x2f: {  	lr =	sadd.s32 s0, s3;
	s0 =	sld [smem:$0x3FAE]  }
0x30: {  	s3 =	sld [smem:$0x3FB1]  }
0x31: {  	[smem:$0x3FBA] =	sst s10  }
0x32: {  	s10 =	sld [smem:$0x3FB8];
	_ =	sdelay $0x3  }
0x33: {  	p0 =	seq.s32 s10, $0x1;
	s10 =	sld [smem:$0x3FBA];
	_ =	sdelay $0x3  }
0x34: {  	[smem:$0x3FBA] =	sst s10  }
0x35: {  	s10 =	sld [smem:$0x3FB9];
	_ =	sdelay $0x3  }
0x36: {  	p1 =	seq.s32 s10, $0x1;
	s10 =	sld [smem:$0x3FBA];
	_ =	sdelay $0x3  }
0x37: {  	[smem:$0x3FBA] =	sst s10  }
0x38: {  	s10 =	sld [smem:$0x3FBB]  }
0x39: {  	_ = 	snop;
	(pc) =	sbr.ind lr, $3  }
0x3a: {  	_ = 	snop  }
0x3b: {  	_ = 	snop  }
0x3c: {  	p2 =	seq.s32 s10, $0x1;
	s10 =	sld [smem:$0x3FBA]  }
0x3d: {  	_ =	shalt  }
0x3e: {  	_ =	shalt  }
0x3f: {  	_ =	shalt  }
0x40: {  	_ =	shalt  }
0x41: {  	_ =	shalt  }
0x42: {  	_ =	shalt  }
0x43: {  	_ =	shalt  }
0x44: {  	_ =	shalt  }
0x45: {  	_ =	shalt  }
0x46: {  	_ =	shalt  }
0x47: {  	_ =	shalt  }
0x48: {  	_ =	shalt  }
0x49: {  	_ =	shalt  }
0x4a: {  	_ =	shalt  }
0x4b: {  	_ =	shalt  }
0x4c: {  	_ =	shalt  }
0x4d: {  	_ =	shalt  }
0x4e: {  	_ =	shalt  }
0x4f: {  	_ =	shalt  }
0x50: {  	_ =	shalt  }
0x51: {  	_ =	shalt  }
0x52: {  	_ =	shalt  }
0x53: {  	_ =	shalt  }
0x54: {  	_ =	shalt  }
0x55: {  	_ =	shalt  }
0x56: {  	_ =	shalt  }
0x57: {  	_ =	shalt  }
0x58: {  	_ =	shalt  }
0x59: {  	_ =	shalt  }
0x5a: {  	_ =	shalt  }
0x5b: {  	_ =	shalt  }
0x5c: {  	_ =	shalt  }
0x5d: {  	_ =	shalt  }
0x5e: {  	_ =	shalt  }
0x5f: {  	_ =	shalt  }
0x60: {  	_ =	shalt  }
0x61: {  	_ =	shalt  }
0x62: {  	_ =	shalt  }
0x63: {  	_ =	shalt  }
0x64: {  	_ =	shalt  }
0x65: {  	_ =	shalt  }
0x66: {  	_ =	shalt  }
0x67: {  	_ =	shalt  }
0x68: {  	_ =	shalt  }
0x69: {  	_ =	shalt  }
0x6a: {  	_ =	shalt  }
0x6b: {  	_ =	shalt  }
0x6c: {  	_ =	shalt  }
0x6d: {  	_ =	shalt  }
0x6e: {  	_ =	shalt  }
0x6f: {  	_ =	shalt  }
0x70: {  	_ =	shalt  }
0x71: {  	_ =	shalt  }
0x72: {  	_ =	shalt  }
0x73: {  	_ =	shalt  }
0x74: {  	_ =	shalt  }
0x75: {  	_ =	shalt  }
0x76: {  	_ =	shalt  }
0x77: {  	_ =	shalt  }
0x78: {  	_ =	shalt  }
0x79: {  	_ =	shalt  }
0x7a: {  	_ =	shalt  }
0x7b: {  	_ =	shalt  }
0x7c: {  	_ =	shalt  }
0x7d: {  	_ =	shalt  }
0x7e: {  	_ =	shalt  }
0x7f: {  	_ =	shalt  }
0x80: {  	_ =	shalt  }
0x81: {  	_ =	shalt  }
0x82: {  	_ =	shalt  }
0x83: {  	_ =	shalt  }
0x84: {  	_ =	shalt  }
0x85: {  	_ =	shalt  }
0x86: {  	_ =	shalt  }
0x87: {  	_ =	shalt  }
.Lfunc_end0:
.L_simem_size_0:
called_computation_lowered:
.L_overlay_start_0:
0x88: {  	s2 =	sld [smem:$0x3FD9]  }
0x89: {  	s3 =	sld [smem:$0x3FFE];
	_ =	sdelay $0x1  }
0x8a: {  	s1 =	srdreg.scid  }
0x8b: {  	s0 =	sand.u32 $0x1, s1  }
0x8c: {  	s18 =	sshll.u32 s0, $0xA;
	s2 =	sadd.s32 s3, s2  }
0x8d: {  	s2 =	sadd.s32 s2, s18  }
0x8e: {  	[smem:$0x3FC6] =	sst s2  }
0x8f: {  	_ = 	snop  }
0x90: {  	s2 =	sld [smem:$0x3FC9]  }
0x91: {  	s19 =	sld [smem:$0x3FC8]  }
0x92: {  	s4 =	sld [smem:$0x3FD0];
	(tm) =	ssettm $0x1  }
0x93: {  	s5 =	sld [smem:$0x3FFB];
	_ =	sdelay $0x3  }
0x94: {  	_ =	strace s5  }
0x95: {  	s5 =	sld [smem:$0x3FFC];
	_ =	sdelay $0x3  }
0x96: {  	_ =	strace s5  }
0x97: {  	s5 =	sld [smem:$0x3FFD];
	_ =	sdelay $0x3  }
0x98: {  	_ =	strace s5  }
0x99: {  	_ =	strace $0x8FFFFFFF  }
0x9a: {  	s20 =	sld [smem:$0x3FDB];
	_ =	sdelay $0x1  }
0x9b: {  	s6 =	simm.s32 $_scs_section_size  }
0x9c: {  	s7 =	simm.s32 $_size__tile_overlayer_lowered;
	s8 =	simm.s32 $_tile_overlayer_lowered  }
0x9d: {  	s23 =	simm.s32 $0x1BFF;
	s22 =	sshll.u32 s8, $0x1;
	s5 =	sadd.s32 s6, s20  }
0x9e: {  	s9 =	simm.s32 $0x0;
	s21 =	sshll.u32 s7, $0x1;
	s7 =	sadd.s32 s22, s5  }
0x9f: {  	[timem:s9], [sflag:s23] =	dma.local [hbm:s7], s21  }
0xa0: {  	_ =	swait.ge [sflag:s23], s21  }
0xa1: {  	s6 =	ssub.s32 $0x0, s21;
	[sflag:s23] =	ssyncset.done $0x0  }
0xa2: {  	[sflag:s23] =	ssyncadd.s32 s6;
	_ =	sdelay $0x1  }
0xa3: {  	s24 =	simm.s32 $0x1B8B  }
0xa4: {  	_ =	swait.ge [sflag:s24], $0x1  }
0xa5: {  	[sflag:s24] =	ssyncset.done $0x0  }
0xa6: {  	s25 =	simm.s32 $0x1B8E;
	[sflag:s24] =	ssyncadd.s32 $0xFFFFFFFF  }
0xa7: {  	s26 =	simm.s32 $execute0_lowered;
	[smem:$0x3FD2] =	sst s25  }
0xa8: {  	s6 =	sshll.u32 s26, $0x1;
	_ =	strace $0x80000046;
	[dreg:$0x1] =	wrdreg $0xFFFFFFFF  }
0xa9: {  	s28 =	simm.s32 $_size_execute0_lowered;
	s5 =	sadd.s32 s5, s6;
	[dreg:$0x0] =	wrdreg $0x0  }
0xaa: {  	s6 =	sshll.u32 s28, $0x1;
	[dreg:$0x2] =	wrdreg s5  }
0xab: {  	[dreg:$0x3] =	wrdreg s6  }
0xac: {  	[dreg:$0x4] =	wrdreg $0xC0  }
0xad: {  	_ =	task [dreg:s9], $0x5FFFF  }
0xae: {  	[dreg:$0x1] =	wrdreg $0xFFFFFFFF  }
0xaf: {  	[dreg:$0x0] =	wrdreg $0x60  }
0xb0: {  	[dreg:$0x2] =	wrdreg s2  }
0xb1: {  	[dreg:$0x3] =	wrdreg s19  }
0xb2: {  	[dreg:$0x4] =	wrdreg s4  }
0xb3: {  	[dreg:$0x5] =	wrdreg $0x9  }
0xb4: {  	_ =	task.clear_ibuf [dreg:s9], $0x6FFFF;
	_ =	strace $0x90000046  }
0xb5: {  	s29 =	simm.s32 $0x9;
	_ =	strace $0x80000048  }
0xb6: {  	_ =	swait.ge [sflag:s29], $0x1  }
0xb7: {  	[sflag:s29] =	ssyncadd.s32 $0xFFFFFFFF  }
0xb8: {  	_ =	strace $0x90000048  }
0xb9: {  	_ =	sfence  }
0xba: {  	s30 =	sld [smem:$0x0];
	_ =	sdelay $0x2  }
0xbb: {  	s31 =	sshll.u32 s1, $0xD;
	s1 =	sshrl.u32 s1, $0x2  }
0xbc: {  	s3 =	sand.u32 $0x4000, s31;
	s1 =	sadd.s32 s1, s30  }
0xbd: {  	s0 =	sor.u32 s3, s0;
	s1 =	sshll.u32 s1, $0x11  }
0xbe: {  	s0 =	sor.u32 s1, s0  }
0xbf: {  	s0 =	sadd.s32 $0x8F2B, s0  }
0xc0: {  	[sflag:s0] =	ssyncadd.remote.s32 $0x1  }
0xc1: {  	_ =	sfence.sel $0xFFFF  }
0xc2: {  	[dreg:$0x0] =	wrdreg $0xFFFFFFFF;
	(pc) =	sbr.abs _section_cstart, $3  }
0xc3: {  	[dreg:$0x1] =	wrdreg $0xFFFFFFFF  }
0xc4: {  	_ =	task.clear_ibuf [dreg:s9], $0x2FFFF;
	_ =	strace $0x9FFFFFFF  }
0xc5: {  	(tm) =	ssettm $0x7FFFFFFF  }
tec
execute0_lowered:
.L_overlay_start_1:
0x0: {  	(tag) =	ssettag $0x1  }
0x1: {  	s5 =	rddreg [dreg:$0x0]  }
0x2: {  	s2 =	rddreg [dreg:$0x1]  }
0x3: {  	s4 =	rddreg [dreg:$0x2]  }
0x4: {  	s0 =	srdreg.scid;
	s3 =	simm.s32 $0x0;
	s1 =	stileid.u32  }
0x5: {  	s14 =	simm.s32 $0x1000;
	s15 =	simm.s32 $0x400000;
	s31 =	simm.s32 $0x4000  }
0x6: {  	s19 =	simm.s32 $0x1;
	s0 =	sand.u32 $0x1, s0;
	[smem:$0x7FF] =	sst s3  }
0x7: {  	s1 =	sshll.u32 s1, $0x8;
	s7 =	sadd.s32 $0x200, s5;
	s23 =	sshll.u32 s0, $0x7  }
0x8: {  	_ =	strace $0x80000047;
	[dreg:$0x6] =	wrdreg s7;
	s3 =	sor.u32 s23, s1  }
0x9: {  	s20 =	simm.s32 $0x9;
	s6 =	sshll.u32 s3, $0x7;
	[dreg:$0x4] =	wrdreg s3  }
0xa: {  	s22 =	simm.s32 $0x2;
	s30 =	sor.u32 $0x10, s3;
	[dreg:$0x5] =	wrdreg s6  }
0xb: {  	s0 =	ssub.s32 $0x2, s0;
	s25 =	sadd.s32 s5, s6;
	[dreg:$0xa] =	wrdreg s30  }
0xc: {  	s24 =	sshrl.u32 s0, $0x1;
	s26 =	sadd.s32 s6, s7;
	[dreg:$0x7] =	wrdreg s25  }
0xd: {  	s0 =	ssub.s32 s0, s24;
	s28 =	sadd.s32 s2, s6;
	[dreg:$0x8] =	wrdreg s26  }
0xe: {  	s29 =	smov.u32 s5;
	s0 =	smax.u32 s0, $0x1;
	[dreg:$0x9] =	wrdreg s28  }
0xf: {  	s23 =	simm.s32 $0xA;
	s1 =	simm.s32 $0x0;
	[dreg:$0xb] =	wrdreg s0  }
.LBB2_1:
0x10: {  	s0 =	simm.s32 $0x0;
	s28 =	rddreg [dreg:$0x7]  }
0x11: {  	[tilespmem:s0], [sflag:$0x1] =	stream.strided.gather [hbm4b:s28+s14], $0x4000, s15, s14, $0x38;
	[tilespmem:$0x12000] =	vst v63  }
0x12: {  	s30 =	rddreg [dreg:$0x8]  }
0x13: {  	[tilespmem:s31], [sflag:$0x2] =	stream.strided.gather [hbm4b:s30+s14], $0x4000, s15, s14, $0x38;
	[tilespmem:$0x12000] =	vst v63  }
0x14: {  	s3 =	simm.s32 $0x10000;
	s31 =	rddreg [dreg:$0x9]  }
0x15: {  	[tilespmem:s3], [sflag:$0x9] =	stream.linear.gather [hbm4b:s31+s0], $0x1000, $0x38;
	[tilespmem:$0x12000] =	vst v63  }
0x16: {  	[dreg:$0xc] =	wrdreg s1;
	s3 =	simm.s32 $0x0  }
.LBB2_2:
0x17: {  	s0 =	sshll.u32 s3, $0xB;
	s1 =	rddreg [dreg:$0x5]  }
0x18: {  	s11 =	sadd.s32 s1, s0  }
0x19: {  	s10 =	sor.u32 $0x200, s11  }
0x1a: {  	s13 =	simm.s32 $0x0;
	s24 =	simm.s32 $0x11000;
	s21 =	sadd.s32 s2, s10  }
0x1b: {  	[tilespmem:s24], [sflag:$0xA] =	stream.linear.gather [hbm4b:s21+s13], $0x1000, $0x38;
	[tilespmem:$0x12000] =	vst v63  }
0x1c: {  	_ =	swait.ge [sflag:s19], $0x4000  }
0x1d: {  	[sflag:s19] =	ssyncset.done $0x0  }
0x1e: {  	[sflag:s19] =	ssyncadd.s32 $0xFFFFC000  }
0x1f: {  	_ =	swait.ge [sflag:s20], $0x1000  }
0x20: {  	s25 =	sand.u32 $0x70, s13;
	s26 =	sand.u32 $0xC00, s13;
	[sflag:s20] =	ssyncset.done $0x0  }
0x21: {  	s5 =	sor.u32 s25, s26;
	[sflag:s20] =	ssyncadd.s32 $0xFFFFF000  }
0x22: {  	v0 =	vld [tilespmem:s5+$0x10000]  }
0x23: {  	v1 =	vld [tilespmem:s5+$0x80]  }
0x24: {  	v2 =	vld [tilespmem:s5+$0x1100]  }
0x25: {  	v3 =	vld [tilespmem:s5+$0x3100]  }
0x26: {  	v4 =	vld [tilespmem:s5+$0x2100]  }
0x27: {  	v5 =	vld [tilespmem:s5+$0x10100]  }
0x28: {  	v6 =	vld [tilespmem:s5+$0x3080]  }
0x29: {  	v7 =	vld [tilespmem:s5+$0x10080]  }
0x2a: {  	v8 =	vld [tilespmem:s5+$0x2000]  }
0x2b: {  	v9 =	vld [tilespmem:s5+$0x0]  }
0x2c: {  	v10 =	vld [tilespmem:s5+$0x2080]  }
0x2d: {  	v11 =	vld [tilespmem:s5+$0x1080]  }
0x2e: {  	s30 =	simm.s32 $0x10;
	s0 =	simm.s32 $0x80;
	v12 =	vld [tilespmem:s5+$0x100]  }
0x2f: {  	s6 =	sand.u32 $0x70, s30;
	s7 =	sand.u32 $0xC00, s0;
	v13 =	vld [tilespmem:s5+$0x1000]  }
0x30: {  	s9 =	sor.u32 s6, s7;
	v14 =	vld [tilespmem:s5+$0x3000]  }
0x31: {  	v15 =	vld [tilespmem:s9+$0x10000]  }
0x32: {  	s8 =	simm.s32 $0x20;
	s6 =	simm.s32 $0x100;
	v16 =	vld [tilespmem:s9+$0x80]  }
0x33: {  	s16 =	sand.u32 $0x70, s8;
	s28 =	sand.u32 $0xC00, s6;
	v17 =	vld [tilespmem:s9+$0x1100]  }
0x34: {  	s31 =	sor.u32 s16, s28;
	v18 =	vld [tilespmem:s9+$0x3100]  }
0x35: {  	v19 =	vld [tilespmem:s31+$0x10000]  }
0x36: {  	v20 =	vld [tilespmem:s31+$0x1100]  }
0x37: {  	v21 =	vld [tilespmem:s31+$0x3100]  }
0x38: {  	v22 =	vld [tilespmem:s31+$0x2100]  }
0x39: {  	v23 =	vld [tilespmem:s31+$0x10100]  }
0x3a: {  	v24 =	vld [tilespmem:s31+$0x3080];
	v4 =	vadd.f32 v4, v5  }
0x3b: {  	v25 =	vld [tilespmem:s31+$0x10080];
	v10 =	vadd.f32 v10, v7  }
0x3c: {  	v26 =	vld [tilespmem:s31+$0x2000];
	v6 =	vadd.f32 v6, v7;
	[tilespmem:s5+$0x2100] =	vst v4  }
0x3d: {  	v27 =	vld [tilespmem:s31+$0x0];
	v3 =	vadd.f32 v3, v5;
	[tilespmem:s5+$0x2080] =	vst v10  }
0x3e: {  	v28 =	vld [tilespmem:s31+$0x2080];
	v2 =	vadd.f32 v2, v5;
	[tilespmem:s5+$0x3080] =	vst v6  }
0x3f: {  	v29 =	vld [tilespmem:s31+$0x1080];
	v1 =	vadd.f32 v1, v7;
	[tilespmem:s5+$0x3100] =	vst v3  }
0x40: {  	v30 =	vld [tilespmem:s31+$0x100];
	v10 =	vadd.f32 v11, v7;
	[tilespmem:s5+$0x1100] =	vst v2  }
0x41: {  	v31 =	vld [tilespmem:s31+$0x1000];
	v3 =	vadd.f32 v13, v0;
	[tilespmem:s5+$0x80] =	vst v1  }
0x42: {  	v4 =	vld [tilespmem:s9+$0x2100];
	v2 =	vadd.f32 v12, v5;
	[tilespmem:s5+$0x1080] =	vst v10  }
0x43: {  	v11 =	vld [tilespmem:s9+$0x10100];
	v1 =	vadd.f32 v14, v0;
	[tilespmem:s5+$0x1000] =	vst v3  }
0x44: {  	v6 =	vld [tilespmem:s9+$0x3080];
	v3 =	vadd.f32 v9, v0;
	[tilespmem:s5+$0x100] =	vst v2  }
0x45: {  	v7 =	vld [tilespmem:s9+$0x10080];
	v0 =	vadd.f32 v8, v0;
	[tilespmem:s5+$0x3000] =	vst v1  }
0x46: {  	s1 =	sor.u32 s26, s13;
	v12 =	vld [tilespmem:s9+$0x2080];
	[tilespmem:s5+$0x0] =	vst v3  }
0x47: {  	s12 =	sor.u32 $0x180, s1;
	v9 =	vld [tilespmem:s9+$0x1080];
	[tilespmem:s5+$0x2000] =	vst v0  }
0x48: {  	v0 =	vld [tilespmem:s12+$0x0]  }
0x49: {  	v13 =	vld [tilespmem:s12+$0x10000]  }
0x4a: {  	v5 =	vld [tilespmem:s9+$0x0]  }
0x4b: {  	v14 =	vld [tilespmem:s31+$0x80]  }
0x4c: {  	v10 =	vld [tilespmem:s9+$0x2000];
	v12 =	vadd.f32 v12, v7;
	v6 =	vadd.f32 v6, v7  }
0x4d: {  	v2 =	vld [tilespmem:s9+$0x100];
	v9 =	vadd.f32 v9, v7;
	v7 =	vadd.f32 v16, v7  }
0x4e: {  	v1 =	vld [tilespmem:s9+$0x1000];
	v0 =	vadd.f32 v0, v13  }
0x4f: {  	v8 =	vld [tilespmem:s9+$0x3000];
	[tilespmem:s9+$0x80] =	vst v7  }
0x50: {  	v4 =	vadd.f32 v4, v11;
	v7 =	vld [tilespmem:s31+$0x3000];
	[tilespmem:s12+$0x0] =	vst v0  }
0x51: {  	v0 =	vld [tilespmem:s5+$0x280]  }
0x52: {  	[tilespmem:s9+$0x2100] =	vst v4;
	v33 =	vld [tilespmem:s5+$0x2300]  }
0x53: {  	v18 =	vadd.f32 v18, v11;
	[tilespmem:s9+$0x2080] =	vst v12;
	v34 =	vld [tilespmem:s5+$0x10280]  }
0x54: {  	[tilespmem:s9+$0x3080] =	vst v6;
	v12 =	vadd.f32 v17, v11;
	v35 =	vld [tilespmem:s5+$0x300]  }
0x55: {  	[tilespmem:s9+$0x3100] =	vst v18;
	v16 =	vadd.f32 v2, v11;
	v1 =	vadd.f32 v1, v15;
	v4 =	vld [tilespmem:s5+$0x3180]  }
0x56: {  	v18 =	vadd.f32 v5, v15;
	v2 =	vadd.f32 v28, v25;
	[tilespmem:s9+$0x1080] =	vst v9;
	v6 =	vld [tilespmem:s5+$0x1280]  }
0x57: {  	v11 =	vadd.f32 v22, v23;
	v9 =	vadd.f32 v8, v15;
	[tilespmem:s9+$0x1100] =	vst v12;
	v17 =	vld [tilespmem:s5+$0x2280]  }
0x58: {  	v15 =	vadd.f32 v10, v15;
	[tilespmem:s9+$0x1000] =	vst v1;
	v12 =	vadd.f32 v21, v23;
	v37 =	vld [tilespmem:s5+$0x3280]  }
0x59: {  	[tilespmem:s9+$0x100] =	vst v16;
	v8 =	vadd.f32 v20, v23;
	v10 =	vadd.f32 v31, v19;
	v38 =	vld [tilespmem:s5+$0x10300]  }
0x5a: {  	[tilespmem:s9+$0x3000] =	vst v9;
	v9 =	vadd.f32 v26, v19;
	v39 =	vld [tilespmem:s5+$0x1300];
	v5 =	vadd.f32 v4, v13  }
0x5b: {  	[tilespmem:s9+$0x0] =	vst v18;
	v36 =	vld [tilespmem:s5+$0x1180];
	v4 =	vadd.f32 v24, v25;
	v1 =	vadd.f32 v0, v34  }
0x5c: {  	[tilespmem:s9+$0x2000] =	vst v15;
	v32 =	vld [tilespmem:s5+$0x3300];
	v0 =	vadd.f32 v14, v25;
	v6 =	vadd.f32 v6, v34  }
0x5d: {  	v63 =	vld [tilespmem:s5+$0x2180];
	v17 =	vadd.f32 v17, v34;
	v22 =	vadd.f32 v37, v34;
	[tilespmem:s5+$0x3180] =	vst v5  }
0x5e: {  	v3 =	vld [tilespmem:s5+$0x10200];
	v21 =	vadd.f32 v35, v38;
	v20 =	vadd.f32 v33, v38;
	[tilespmem:s5+$0x280] =	vst v1  }
0x5f: {  	v16 =	vld [tilespmem:s5+$0x3200];
	v15 =	vadd.f32 v39, v38;
	v5 =	vadd.f32 v29, v25;
	[tilespmem:s5+$0x1280] =	vst v6  }
0x60: {  	v18 =	vld [tilespmem:s5+$0x1200];
	v1 =	vadd.f32 v30, v23;
	[tilespmem:s5+$0x2280] =	vst v17;
	v23 =	vadd.f32 v36, v13  }
0x61: {  	s18 =	simm.s32 $0x180;
	s7 =	sor.u32 s7, s30;
	s24 =	simm.s32 $0x30;
	v14 =	vld [tilespmem:s5+$0x2200];
	v6 =	vadd.f32 v7, v19;
	v7 =	vadd.f32 v27, v19;
	[tilespmem:s5+$0x3280] =	vst v22  }
0x62: {  	s1 =	sor.u32 $0x180, s7;
	s7 =	simm.s32 $0x0;
	s12 =	sor.u32 s28, s8;
	v19 =	vld [tilespmem:s5+$0x200];
	v17 =	vadd.f32 v32, v38;
	v22 =	vadd.f32 v63, v13;
	[tilespmem:s5+$0x1180] =	vst v23  }
.LBB2_3:
0x63: {  	s16 =	sand.u32 $0x70, s24  }
0x64: {  	s25 =	sand.u32 $0xC00, s18;
	v23 =	vld [tilespmem:s1+$0x0];
	[tilespmem:s5+$0x300] =	vst v21;
	s26 =	smov.u32 s24;
	s21 =	sadd.s32 $0x10, s24  }
0x65: {  	p0 =	sne.s32 s24, $0x1F0;
	s17 =	sor.u32 s16, s25;
	s16 =	sor.u32 s25, s26;
	v13 =	vld [tilespmem:s1+$0x10000];
	[tilespmem:s5+$0x2180] =	vst v22;
	v16 =	vadd.f32 v16, v3  }
0x66: {  	v21 =	vld [tilespmem:s17+$0x10000];
	v18 =	vadd.f32 v18, v3;
	[tilespmem:s5+$0x2300] =	vst v20  }
0x67: {  	v20 =	vld [tilespmem:s17+$0x80];
	v19 =	vadd.f32 v19, v3;
	v3 =	vadd.f32 v14, v3;
	[tilespmem:s5+$0x3200] =	vst v16  }
0x68: {  	v14 =	vld [tilespmem:s17+$0x1100];
	[tilespmem:s5+$0x1200] =	vst v18  }
0x69: {  	v16 =	vld [tilespmem:s17+$0x3100];
	[tilespmem:s5+$0x200] =	vst v19  }
0x6a: {  	v18 =	vld [tilespmem:s17+$0x2100];
	[tilespmem:s5+$0x3300] =	vst v17  }
0x6b: {  	s7 =	sor.u32 s7, s13;
	s13 =	smov.u32 s30;
	s30 =	smov.u32 s8;
	v17 =	vld [tilespmem:s17+$0x10100];
	[tilespmem:s5+$0x2200] =	vst v3  }
0x6c: {  	s24 =	sor.u32 $0x380, s7;
	s8 =	smov.u32 s26;
	s7 =	smov.u32 s0;
	v3 =	vld [tilespmem:s17+$0x3080];
	[tilespmem:s5+$0x1300] =	vst v15  }
0x6d: {  	s0 =	smov.u32 s6;
	s6 =	smov.u32 s18;
	v15 =	vld [tilespmem:s24+$0x10000]  }
0x6e: {  	v19 =	vld [tilespmem:s24+$0x0]  }
0x6f: {  	v22 =	vld [tilespmem:s17+$0x10080]  }
0x70: {  	v24 =	vld [tilespmem:s17+$0x2000]  }
0x71: {  	v23 =	vadd.f32 v23, v13;
	v25 =	vld [tilespmem:s17+$0x0]  }
0x72: {  	v26 =	vld [tilespmem:s17+$0x2080]  }
0x73: {  	v27 =	vld [tilespmem:s17+$0x1080];
	v19 =	vadd.f32 v19, v15  }
0x74: {  	v28 =	vld [tilespmem:s17+$0x100];
	[tilespmem:s1+$0x0] =	vst v23  }
0x75: {  	v23 =	vld [tilespmem:s17+$0x1000];
	[tilespmem:s24+$0x0] =	vst v19  }
0x76: {  	v18 =	vadd.f32 v18, v17;
	v19 =	vld [tilespmem:s5+$0x1380]  }
0x77: {  	v29 =	vld [tilespmem:s5+$0x2380]  }
0x78: {  	v26 =	vadd.f32 v26, v22;
	v30 =	vld [tilespmem:s17+$0x3000];
	[tilespmem:s31+$0x2100] =	vst v11;
	v11 =	vmov v18  }
0x79: {  	v3 =	vadd.f32 v3, v22;
	[tilespmem:s31+$0x2080] =	vst v2;
	v18 =	vld [tilespmem:s5+$0x3380]  }
0x7a: {  	v16 =	vadd.f32 v16, v17;
	v2 =	vmov v26;
	[tilespmem:s31+$0x3080] =	vst v4;
	v31 =	vld [tilespmem:s9+$0x280]  }
0x7b: {  	v26 =	vadd.f32 v27, v22;
	v4 =	vmov v3;
	[tilespmem:s31+$0x3100] =	vst v12;
	v27 =	vld [tilespmem:s9+$0x3300];
	v19 =	vadd.f32 v19, v15  }
0x7c: {  	v12 =	vmov v16;
	[tilespmem:s31+$0x1080] =	vst v5;
	v32 =	vld [tilespmem:s9+$0x2300];
	v29 =	vadd.f32 v29, v15  }
0x7d: {  	v14 =	vadd.f32 v14, v17;
	v5 =	vmov v26;
	v33 =	vld [tilespmem:s9+$0x10280];
	[tilespmem:s5+$0x1380] =	vst v19  }
0x7e: {  	v16 =	vadd.f32 v20, v22;
	v3 =	vld [tilespmem:s9+$0x10200];
	[tilespmem:s5+$0x2380] =	vst v29;
	v15 =	vadd.f32 v18, v15  }
0x7f: {  	[tilespmem:s31+$0x1100] =	vst v8;
	v19 =	vld [tilespmem:s9+$0x300];
	v8 =	vmov v14  }
0x80: {  	v14 =	vadd.f32 v23, v21;
	v18 =	vld [tilespmem:s9+$0x3180];
	[tilespmem:s5+$0x3380] =	vst v15;
	s5 =	smov.u32 s9;
	s9 =	smov.u32 s31;
	s31 =	smov.u32 s17  }
0x81: {  	v15 =	vadd.f32 v28, v17;
	[tilespmem:s9+$0x80] =	vst v0;
	v17 =	vld [tilespmem:s5+$0x1180];
	v0 =	vmov v16  }
0x82: {  	v16 =	vadd.f32 v30, v21;
	[tilespmem:s9+$0x1000] =	vst v10;
	v20 =	vld [tilespmem:s5+$0x1280];
	v10 =	vmov v14  }
0x83: {  	v14 =	vadd.f32 v25, v21;
	[tilespmem:s9+$0x100] =	vst v1;
	v22 =	vld [tilespmem:s5+$0x2280];
	v1 =	vmov v15  }
0x84: {  	v15 =	vadd.f32 v24, v21;
	[tilespmem:s9+$0x3000] =	vst v6;
	v21 =	vld [tilespmem:s5+$0x3280];
	v6 =	vmov v16  }
0x85: {  	[tilespmem:s9+$0x0] =	vst v7;
	v16 =	vadd.f32 v18, v13;
	v23 =	vld [tilespmem:s5+$0x10300];
	v7 =	vmov v14  }
0x86: {  	[tilespmem:s9+$0x2000] =	vst v9;
	v24 =	vadd.f32 v17, v13;
	v17 =	vadd.f32 v31, v33;
	v25 =	vld [tilespmem:s5+$0x1300];
	v9 =	vmov v15  }
0x87: {  	v26 =	vld [tilespmem:s5+$0x2180];
	[tilespmem:s5+$0x3180] =	vst v16;
	v15 =	vadd.f32 v20, v33  }
.Ltmp0:
0x88: {  	v14 =	vld [tilespmem:s5+$0x2200];
	[tilespmem:s5+$0x280] =	vst v17;
	v17 =	vadd.f32 v22, v33;
	(pc) =	sbr.rel @p0 .LBB2_3-.Ltmp0, $4  }
0x89: {  	v16 =	vld [tilespmem:s5+$0x3200];
	[tilespmem:s5+$0x1280] =	vst v15;
	v15 =	vadd.f32 v21, v33  }
0x8a: {  	v18 =	vld [tilespmem:s5+$0x1200];
	[tilespmem:s5+$0x2280] =	vst v17;
	v21 =	vadd.f32 v19, v23;
	v20 =	vadd.f32 v32, v23  }
0x8b: {  	s18 =	sadd.s32 $0x80, s18;
	v17 =	vadd.f32 v27, v23;
	v19 =	vld [tilespmem:s5+$0x200];
	[tilespmem:s5+$0x3280] =	vst v15;
	v15 =	vadd.f32 v25, v23  }
0x8c: {  	s1 =	sor.u32 $0x180, s12;
	s12 =	smov.u32 s16;
	s24 =	smov.u32 s21;
	[tilespmem:s5+$0x1180] =	vst v24;
	v22 =	vadd.f32 v26, v13  }
0x8d: {  	[tilespmem:s31+$0x2100] =	vst v11  }
0x8e: {  	[tilespmem:s31+$0x2080] =	vst v2  }
0x8f: {  	[tilespmem:s31+$0x3080] =	vst v4  }
0x90: {  	[tilespmem:s31+$0x3100] =	vst v12  }
0x91: {  	v13 =	vld [tilespmem:s1+$0x0];
	[tilespmem:s31+$0x1080] =	vst v5  }
0x92: {  	v23 =	vld [tilespmem:s1+$0x10000];
	[tilespmem:s31+$0x1100] =	vst v8  }
0x93: {  	[tilespmem:s31+$0x80] =	vst v0  }
0x94: {  	[tilespmem:s31+$0x1000] =	vst v10  }
0x95: {  	[tilespmem:s31+$0x100] =	vst v1  }
0x96: {  	[tilespmem:s31+$0x3000] =	vst v6  }
0x97: {  	[tilespmem:s31+$0x0] =	vst v7;
	v13 =	vadd.f32 v13, v23  }
0x98: {  	[tilespmem:s31+$0x2000] =	vst v9;
	s26 =	sor.u32 $0x180, s12  }
0x99: {  	v25 =	vld [tilespmem:s26+$0x0];
	[tilespmem:s1+$0x0] =	vst v13  }
0x9a: {  	v13 =	vld [tilespmem:s9+$0x280]  }
0x9b: {  	v24 =	vld [tilespmem:s9+$0x3300]  }
0x9c: {  	v11 =	vld [tilespmem:s9+$0x2300]  }
0x9d: {  	v2 =	vld [tilespmem:s9+$0x10280]  }
0x9e: {  	[tilespmem:s5+$0x300] =	vst v21;
	v5 =	vld [tilespmem:s9+$0x3180]  }
0x9f: {  	[tilespmem:s5+$0x2300] =	vst v20;
	v12 =	vld [tilespmem:s9+$0x300]  }
0xa0: {  	[tilespmem:s5+$0x3300] =	vst v17;
	v0 =	vld [tilespmem:s9+$0x1280]  }
0xa1: {  	[tilespmem:s5+$0x1300] =	vst v15;
	v18 =	vadd.f32 v18, v3;
	v10 =	vld [tilespmem:s9+$0x2280]  }
0xa2: {  	[tilespmem:s5+$0x2180] =	vst v22;
	v19 =	vadd.f32 v19, v3;
	v1 =	vld [tilespmem:s9+$0x3280]  }
0xa3: {  	[tilespmem:s5+$0x1200] =	vst v18;
	v6 =	vld [tilespmem:s9+$0x10300];
	v5 =	vadd.f32 v5, v23  }
0xa4: {  	[tilespmem:s5+$0x200] =	vst v19;
	v4 =	vld [tilespmem:s9+$0x10200];
	v13 =	vadd.f32 v13, v2  }
0xa5: {  	v0 =	vadd.f32 v0, v2;
	[tilespmem:s9+$0x3180] =	vst v5;
	v5 =	vld [tilespmem:s26+$0x10000]  }
0xa6: {  	v8 =	vld [tilespmem:s9+$0x1180];
	v10 =	vadd.f32 v10, v2;
	[tilespmem:s9+$0x280] =	vst v13  }
0xa7: {  	v7 =	vld [tilespmem:s9+$0x1300];
	v1 =	vadd.f32 v1, v2;
	[tilespmem:s9+$0x1280] =	vst v0  }
0xa8: {  	v9 =	vld [tilespmem:s9+$0x2180];
	v12 =	vadd.f32 v12, v6;
	[tilespmem:s9+$0x2280] =	vst v10  }
0xa9: {  	v26 =	vld [tilespmem:s9+$0x2200];
	v10 =	vadd.f32 v16, v3;
	v3 =	vadd.f32 v14, v3;
	[tilespmem:s9+$0x3280] =	vst v1  }
0xaa: {  	v0 =	vld [tilespmem:s9+$0x1200];
	[tilespmem:s9+$0x300] =	vst v12;
	v21 =	vadd.f32 v25, v5  }
0xab: {  	v11 =	vadd.f32 v11, v6;
	v16 =	vld [tilespmem:s9+$0x200];
	[tilespmem:s5+$0x2200] =	vst v3  }
0xac: {  	v13 =	vld [tilespmem:s9+$0x3200];
	v3 =	vadd.f32 v8, v23;
	[tilespmem:s26+$0x0] =	vst v21  }
0xad: {  	[tilespmem:s9+$0x2300] =	vst v11;
	v20 =	vld [tilespmem:s31+$0x280]  }
0xae: {  	[tilespmem:s9+$0x1180] =	vst v3;
	v3 =	vadd.f32 v9, v23;
	v8 =	vld [tilespmem:s31+$0x3180]  }
0xaf: {  	[tilespmem:s5+$0x3200] =	vst v10;
	v0 =	vadd.f32 v0, v4;
	v14 =	vld [tilespmem:s31+$0x10280]  }
0xb0: {  	v15 =	vadd.f32 v16, v4;
	[tilespmem:s9+$0x2180] =	vst v3;
	v9 =	vld [tilespmem:s31+$0x1280]  }
0xb1: {  	v3 =	vadd.f32 v13, v4;
	[tilespmem:s9+$0x1200] =	vst v0;
	v12 =	vld [tilespmem:s31+$0x2280]  }
0xb2: {  	v4 =	vadd.f32 v26, v4;
	[tilespmem:s9+$0x200] =	vst v15;
	v1 =	vld [tilespmem:s31+$0x1180]  }
0xb3: {  	v2 =	vld [tilespmem:s31+$0x300];
	[tilespmem:s9+$0x3200] =	vst v3;
	v3 =	vadd.f32 v8, v5  }
0xb4: {  	v11 =	vld [tilespmem:s31+$0x10300];
	[tilespmem:s9+$0x2200] =	vst v4;
	v16 =	vadd.f32 v20, v14  }
0xb5: {  	v0 =	vld [tilespmem:s31+$0x2180];
	v9 =	vadd.f32 v9, v14;
	[tilespmem:s31+$0x3180] =	vst v3  }
0xb6: {  	v18 =	vld [tilespmem:s31+$0x2300];
	v12 =	vadd.f32 v12, v14;
	[tilespmem:s31+$0x280] =	vst v16  }
0xb7: {  	v13 =	vld [tilespmem:s31+$0x3280];
	v1 =	vadd.f32 v1, v5;
	[tilespmem:s31+$0x1280] =	vst v9  }
0xb8: {  	v17 =	vld [tilespmem:s31+$0x10200];
	v3 =	vadd.f32 v24, v6;
	[tilespmem:s31+$0x2280] =	vst v12  }
0xb9: {  	v4 =	vld [tilespmem:s31+$0x1200];
	v2 =	vadd.f32 v2, v11;
	[tilespmem:s31+$0x1180] =	vst v1  }
0xba: {  	v0 =	vadd.f32 v0, v5;
	[tilespmem:s9+$0x3300] =	vst v3;
	v3 =	vld [tilespmem:s31+$0x3200]  }
0xbb: {  	v10 =	vld [tilespmem:s31+$0x3300];
	v6 =	vadd.f32 v7, v6;
	[tilespmem:s31+$0x300] =	vst v2  }
0xbc: {  	v15 =	vld [tilespmem:s31+$0x2200];
	v7 =	vadd.f32 v13, v14;
	[tilespmem:s31+$0x2180] =	vst v0  }
0xbd: {  	v1 =	vadd.f32 v18, v11;
	[tilespmem:s9+$0x1300] =	vst v6;
	v6 =	vld [tilespmem:s31+$0x200]  }
0xbe: {  	s28 =	sor.u32 s7, s13;
	v8 =	vld [tilespmem:s31+$0x1300];
	v2 =	vadd.f32 v4, v17;
	[tilespmem:s31+$0x3280] =	vst v7  }
0xbf: {  	s1 =	sor.u32 $0x380, s28;
	[tilespmem:s31+$0x2300] =	vst v1;
	v0 =	vadd.f32 v3, v17  }
0xc0: {  	v4 =	vadd.f32 v10, v11;
	v1 =	vld [tilespmem:s1+$0x10000];
	[tilespmem:s31+$0x1200] =	vst v2  }
0xc1: {  	s0 =	sor.u32 s0, s30;
	v2 =	vadd.f32 v15, v17;
	[tilespmem:s31+$0x3200] =	vst v0;
	v0 =	vld [tilespmem:s1+$0x0]  }
0xc2: {  	s0 =	sor.u32 $0x380, s0;
	[tilespmem:s31+$0x3300] =	vst v4;
	v3 =	vadd.f32 v6, v17  }
0xc3: {  	v5 =	vadd.f32 v8, v11;
	v4 =	vld [tilespmem:s0+$0x0];
	[tilespmem:s31+$0x2200] =	vst v2  }
0xc4: {  	s6 =	sor.u32 s6, s8;
	[tilespmem:s31+$0x200] =	vst v3;
	v3 =	vld [tilespmem:s0+$0x10000]  }
0xc5: {  	s6 =	sor.u32 $0x380, s6;
	[tilespmem:s31+$0x1300] =	vst v5  }
0xc6: {  	v2 =	vld [tilespmem:s6+$0x10000];
	v0 =	vadd.f32 v0, v1  }
0xc7: {  	v5 =	vld [tilespmem:s6+$0x0]  }
0xc8: {  	[tilespmem:s1+$0x0] =	vst v0  }
0xc9: {  	v4 =	vadd.f32 v4, v3;
	v0 =	vld [tilespmem:s5+$0x1380]  }
0xca: {  	v6 =	vld [tilespmem:s5+$0x2380]  }
0xcb: {  	[tilespmem:s0+$0x0] =	vst v4;
	v7 =	vld [tilespmem:s5+$0x3380]  }
0xcc: {  	v5 =	vadd.f32 v5, v2;
	v4 =	vld [tilespmem:s9+$0x1380]  }
0xcd: {  	v8 =	vld [tilespmem:s9+$0x2380]  }
0xce: {  	v9 =	vld [tilespmem:s9+$0x3380];
	[tilespmem:s6+$0x0] =	vst v5;
	v0 =	vadd.f32 v0, v1  }
0xcf: {  	v5 =	vadd.f32 v6, v1;
	v6 =	vld [tilespmem:s31+$0x1380]  }
0xd0: {  	[tilespmem:s5+$0x1380] =	vst v0;
	v0 =	vadd.f32 v7, v1;
	v1 =	vld [tilespmem:s31+$0x2380]  }
0xd1: {  	v4 =	vadd.f32 v4, v3;
	[tilespmem:s5+$0x2380] =	vst v5;
	v5 =	vld [tilespmem:s31+$0x3380]  }
0xd2: {  	[tilespmem:s5+$0x3380] =	vst v0;
	v0 =	vadd.f32 v8, v3  }
0xd3: {  	[tilespmem:s9+$0x1380] =	vst v4;
	v3 =	vadd.f32 v9, v3  }
0xd4: {  	[tilespmem:s9+$0x2380] =	vst v0;
	v0 =	vadd.f32 v6, v2  }
0xd5: {  	[tilespmem:s9+$0x3380] =	vst v3;
	v1 =	vadd.f32 v1, v2  }
0xd6: {  	[tilespmem:s31+$0x1380] =	vst v0;
	v0 =	vadd.f32 v5, v2  }
0xd7: {  	[tilespmem:s31+$0x2380] =	vst v1  }
0xd8: {  	[tilespmem:s31+$0x3380] =	vst v0  }
0xd9: {  	p0 =	seq.s32 s3, $0x0;
	s9 =	sshll.u32 s3, $0x4;
	s1 =	rddreg [dreg:$0x4]  }
0xda: {  	s0 =	simm.s32 @!p0 $0x7;
	s1 =	sor.u32 s9, s1  }
0xdb: {  	_ =	swait.ge @!p0 [sflag:s0], $0x4000;
	s13 =	sshll.u32 s1, $0x7  }
0xdc: {  	[sflag:s0] =	ssyncset.done @!p0 $0x0;
	s5 =	sor.u32 $0x400, s13  }
0xdd: {  	s8 =	simm.s32 $0x8000;
	[sflag:s0] =	ssyncadd.s32 @!p0 $0xFFFFC000;
	s7 =	sadd.s32 s29, s5  }
0xde: {  	[tilespmem:s8], [sflag:$0x3] =	stream.strided.gather [hbm4b:s7+s14], $0x4000, s15, s14, $0x38;
	[tilespmem:$0x12000] =	vst v63  }
0xdf: {  	s12 =	sadd.s32 s4, s11;
	s31 =	simm.s32 $0x0  }
0xe0: {  	[hbm4b:s12+s14] =	stream.strided.scatter [tilespmem:s31], [sflag:$0x5], $0x4000, s15, s14, $0x38;
	[tilespmem:$0x12000] =	vst v63  }
0xe1: {  	s17 =	simm.s32 $0x10000;
	s16 =	sadd.s32 s2, s5  }
0xe2: {  	[tilespmem:s17], [sflag:$0x9] =	stream.linear.gather [hbm4b:s16+s31], $0x1000, $0x38;
	[tilespmem:$0x12000] =	vst v63  }
0xe3: {  	_ =	swait.ge [sflag:s22], $0x4000  }
0xe4: {  	[sflag:s22] =	ssyncset.done $0x0  }
0xe5: {  	[sflag:s22] =	ssyncadd.s32 $0xFFFFC000  }
0xe6: {  	_ =	swait.ge [sflag:s23], $0x1000  }
0xe7: {  	s18 =	sand.u32 $0x70, s31;
	s21 =	sand.u32 $0xC00, s31;
	[sflag:s23] =	ssyncset.done $0x0  }
0xe8: {  	s11 =	sor.u32 s18, s21;
	[sflag:s23] =	ssyncadd.s32 $0xFFFFF000  }
0xe9: {  	v0 =	vld [tilespmem:s11+$0x11000]  }
0xea: {  	v1 =	vld [tilespmem:s11+$0x4080]  }
0xeb: {  	v2 =	vld [tilespmem:s11+$0x5100]  }
0xec: {  	v3 =	vld [tilespmem:s11+$0x7100]  }
0xed: {  	v4 =	vld [tilespmem:s11+$0x6100]  }
0xee: {  	v5 =	vld [tilespmem:s11+$0x11100]  }
0xef: {  	v6 =	vld [tilespmem:s11+$0x7080]  }
0xf0: {  	v7 =	vld [tilespmem:s11+$0x11080]  }
0xf1: {  	v8 =	vld [tilespmem:s11+$0x6000]  }
0xf2: {  	v9 =	vld [tilespmem:s11+$0x4000]  }
0xf3: {  	v10 =	vld [tilespmem:s11+$0x6080]  }
0xf4: {  	v11 =	vld [tilespmem:s11+$0x5080]  }
0xf5: {  	s6 =	simm.s32 $0x80;
	s0 =	simm.s32 $0x10;
	v12 =	vld [tilespmem:s11+$0x4100]  }
0xf6: {  	s24 =	sand.u32 $0x70, s0;
	s16 =	sand.u32 $0xC00, s6;
	v13 =	vld [tilespmem:s11+$0x5000]  }
0xf7: {  	s30 =	sor.u32 s24, s16;
	v14 =	vld [tilespmem:s11+$0x7000]  }
0xf8: {  	v15 =	vld [tilespmem:s30+$0x11000]  }
0xf9: {  	s7 =	simm.s32 $0x20;
	s12 =	simm.s32 $0x100;
	v16 =	vld [tilespmem:s30+$0x4080]  }
0xfa: {  	s25 =	sand.u32 $0x70, s7;
	s26 =	sand.u32 $0xC00, s12;
	v17 =	vld [tilespmem:s30+$0x5100]  }
0xfb: {  	s8 =	sor.u32 s25, s26;
	v18 =	vld [tilespmem:s30+$0x7100]  }
0xfc: {  	v19 =	vld [tilespmem:s8+$0x11000]  }
0xfd: {  	v20 =	vld [tilespmem:s8+$0x5100]  }
0xfe: {  	v21 =	vld [tilespmem:s8+$0x7100]  }
0xff: {  	v22 =	vld [tilespmem:s8+$0x6100]  }
0x100: {  	v23 =	vld [tilespmem:s8+$0x11100]  }
0x101: {  	v60 =	vld [tilespmem:s8+$0x7080];
	v4 =	vadd.f32 v4, v5  }
0x102: {  	v61 =	vld [tilespmem:s8+$0x11080];
	v10 =	vadd.f32 v10, v7  }
0x103: {  	v62 =	vld [tilespmem:s8+$0x6000];
	v6 =	vadd.f32 v6, v7;
	[tilespmem:s11+$0x6100] =	vst v4  }
0x104: {  	v27 =	vld [tilespmem:s8+$0x4000];
	v3 =	vadd.f32 v3, v5;
	[tilespmem:s11+$0x6080] =	vst v10  }
0x105: {  	v28 =	vld [tilespmem:s8+$0x6080];
	v2 =	vadd.f32 v2, v5;
	[tilespmem:s11+$0x7080] =	vst v6  }
0x106: {  	v29 =	vld [tilespmem:s8+$0x5080];
	v1 =	vadd.f32 v1, v7;
	[tilespmem:s11+$0x7100] =	vst v3  }
0x107: {  	v30 =	vld [tilespmem:s8+$0x4100];
	v10 =	vadd.f32 v11, v7;
	[tilespmem:s11+$0x5100] =	vst v2  }
0x108: {  	v31 =	vld [tilespmem:s8+$0x5000];
	v3 =	vadd.f32 v13, v0;
	[tilespmem:s11+$0x4080] =	vst v1  }
0x109: {  	v4 =	vld [tilespmem:s30+$0x6100];
	v2 =	vadd.f32 v12, v5;
	[tilespmem:s11+$0x5080] =	vst v10  }
0x10a: {  	v11 =	vld [tilespmem:s30+$0x11100];
	v1 =	vadd.f32 v14, v0;
	[tilespmem:s11+$0x5000] =	vst v3  }
0x10b: {  	v6 =	vld [tilespmem:s30+$0x7080];
	v3 =	vadd.f32 v9, v0;
	[tilespmem:s11+$0x4100] =	vst v2  }
0x10c: {  	v7 =	vld [tilespmem:s30+$0x11080];
	v0 =	vadd.f32 v8, v0;
	[tilespmem:s11+$0x7000] =	vst v1  }
0x10d: {  	s1 =	sor.u32 s21, s31;
	v12 =	vld [tilespmem:s30+$0x6080];
	[tilespmem:s11+$0x4000] =	vst v3  }
0x10e: {  	s17 =	sor.u32 $0x180, s1;
	v9 =	vld [tilespmem:s30+$0x5080];
	[tilespmem:s11+$0x6000] =	vst v0  }
0x10f: {  	v0 =	vld [tilespmem:s17+$0x4000]  }
0x110: {  	v13 =	vld [tilespmem:s17+$0x11000]  }
0x111: {  	v5 =	vld [tilespmem:s30+$0x4000]  }
0x112: {  	v14 =	vld [tilespmem:s8+$0x4080]  }
0x113: {  	v10 =	vld [tilespmem:s30+$0x6000];
	v12 =	vadd.f32 v12, v7;
	v6 =	vadd.f32 v6, v7  }
0x114: {  	v2 =	vld [tilespmem:s30+$0x4100];
	v9 =	vadd.f32 v9, v7;
	v7 =	vadd.f32 v16, v7  }
0x115: {  	v1 =	vld [tilespmem:s30+$0x5000];
	v0 =	vadd.f32 v0, v13  }
0x116: {  	v8 =	vld [tilespmem:s30+$0x7000];
	[tilespmem:s30+$0x4080] =	vst v7  }
0x117: {  	v4 =	vadd.f32 v4, v11;
	v7 =	vld [tilespmem:s8+$0x7000];
	[tilespmem:s17+$0x4000] =	vst v0  }
0x118: {  	v0 =	vld [tilespmem:s11+$0x4280]  }
0x119: {  	[tilespmem:s30+$0x6100] =	vst v4;
	v33 =	vld [tilespmem:s11+$0x6300]  }
0x11a: {  	v18 =	vadd.f32 v18, v11;
	[tilespmem:s30+$0x6080] =	vst v12;
	v34 =	vld [tilespmem:s11+$0x11280]  }
0x11b: {  	[tilespmem:s30+$0x7080] =	vst v6;
	v12 =	vadd.f32 v17, v11;
	v35 =	vld [tilespmem:s11+$0x4300]  }
0x11c: {  	[tilespmem:s30+$0x7100] =	vst v18;
	v16 =	vadd.f32 v2, v11;
	v1 =	vadd.f32 v1, v15;
	v4 =	vld [tilespmem:s11+$0x7180]  }
0x11d: {  	v18 =	vadd.f32 v5, v15;
	v2 =	vadd.f32 v28, v61;
	[tilespmem:s30+$0x5080] =	vst v9;
	v6 =	vld [tilespmem:s11+$0x5280]  }
0x11e: {  	v11 =	vadd.f32 v22, v23;
	v9 =	vadd.f32 v8, v15;
	[tilespmem:s30+$0x5100] =	vst v12;
	v17 =	vld [tilespmem:s11+$0x6280]  }
0x11f: {  	v15 =	vadd.f32 v10, v15;
	[tilespmem:s30+$0x5000] =	vst v1;
	v12 =	vadd.f32 v21, v23;
	v37 =	vld [tilespmem:s11+$0x7280]  }
0x120: {  	[tilespmem:s30+$0x4100] =	vst v16;
	v8 =	vadd.f32 v20, v23;
	v10 =	vadd.f32 v31, v19;
	v38 =	vld [tilespmem:s11+$0x11300]  }
0x121: {  	[tilespmem:s30+$0x7000] =	vst v9;
	v9 =	vadd.f32 v62, v19;
	v39 =	vld [tilespmem:s11+$0x5300];
	v5 =	vadd.f32 v4, v13  }
0x122: {  	[tilespmem:s30+$0x4000] =	vst v18;
	v36 =	vld [tilespmem:s11+$0x5180];
	v4 =	vadd.f32 v60, v61;
	v1 =	vadd.f32 v0, v34  }
0x123: {  	[tilespmem:s30+$0x6000] =	vst v15;
	v32 =	vld [tilespmem:s11+$0x7300];
	v0 =	vadd.f32 v14, v61;
	v6 =	vadd.f32 v6, v34  }
0x124: {  	v63 =	vld [tilespmem:s11+$0x6180];
	v17 =	vadd.f32 v17, v34;
	v22 =	vadd.f32 v37, v34;
	[tilespmem:s11+$0x7180] =	vst v5  }
0x125: {  	v3 =	vld [tilespmem:s11+$0x11200];
	v21 =	vadd.f32 v35, v38;
	v20 =	vadd.f32 v33, v38;
	[tilespmem:s11+$0x4280] =	vst v1  }
0x126: {  	v16 =	vld [tilespmem:s11+$0x7200];
	v15 =	vadd.f32 v39, v38;
	v5 =	vadd.f32 v29, v61;
	[tilespmem:s11+$0x5280] =	vst v6  }
0x127: {  	v18 =	vld [tilespmem:s11+$0x5200];
	v1 =	vadd.f32 v30, v23;
	[tilespmem:s11+$0x6280] =	vst v17;
	v23 =	vadd.f32 v36, v13  }
0x128: {  	s18 =	simm.s32 $0x0;
	s21 =	sor.u32 s26, s7;
	s28 =	sor.u32 s16, s0;
	v14 =	vld [tilespmem:s11+$0x6200];
	v6 =	vadd.f32 v7, v19;
	v7 =	vadd.f32 v27, v19;
	[tilespmem:s11+$0x7280] =	vst v22  }
0x129: {  	s16 =	simm.s32 $0x30;
	s24 =	simm.s32 $0x180;
	s25 =	sor.u32 $0x180, s28;
	v19 =	vld [tilespmem:s11+$0x4200];
	v17 =	vadd.f32 v32, v38;
	v22 =	vadd.f32 v63, v13;
	[tilespmem:s11+$0x5180] =	vst v23  }
.LBB2_5:
0x12a: {  	s1 =	sand.u32 $0x70, s16  }
0x12b: {  	s17 =	sand.u32 $0xC00, s24;
	v23 =	vld [tilespmem:s25+$0x4000];
	[tilespmem:s11+$0x4300] =	vst v21;
	s28 =	smov.u32 s16;
	s26 =	sadd.s32 $0x10, s16  }
0x12c: {  	p1 =	sne.s32 s16, $0x1F0;
	s1 =	sor.u32 s1, s17;
	s17 =	sor.u32 s17, s28;
	v13 =	vld [tilespmem:s25+$0x11000];
	[tilespmem:s11+$0x6180] =	vst v22;
	v16 =	vadd.f32 v16, v3  }
0x12d: {  	v21 =	vld [tilespmem:s1+$0x11000];
	v18 =	vadd.f32 v18, v3;
	[tilespmem:s11+$0x6300] =	vst v20  }
0x12e: {  	v20 =	vld [tilespmem:s1+$0x4080];
	v19 =	vadd.f32 v19, v3;
	v3 =	vadd.f32 v14, v3;
	[tilespmem:s11+$0x7200] =	vst v16  }
0x12f: {  	v14 =	vld [tilespmem:s1+$0x5100];
	[tilespmem:s11+$0x5200] =	vst v18  }
0x130: {  	v16 =	vld [tilespmem:s1+$0x7100];
	[tilespmem:s11+$0x4200] =	vst v19  }
0x131: {  	v18 =	vld [tilespmem:s1+$0x6100];
	[tilespmem:s11+$0x7300] =	vst v17  }
0x132: {  	s16 =	sor.u32 s18, s31;
	s31 =	smov.u32 s0;
	s0 =	smov.u32 s7;
	v17 =	vld [tilespmem:s1+$0x11100];
	[tilespmem:s11+$0x6200] =	vst v3  }
0x133: {  	s18 =	smov.u32 s6;
	s16 =	sor.u32 $0x380, s16;
	s7 =	smov.u32 s28;
	v3 =	vld [tilespmem:s1+$0x7080];
	[tilespmem:s11+$0x5300] =	vst v15  }
0x134: {  	s6 =	smov.u32 s12;
	s12 =	smov.u32 s24;
	v15 =	vld [tilespmem:s16+$0x11000]  }
0x135: {  	v19 =	vld [tilespmem:s16+$0x4000]  }
0x136: {  	v22 =	vld [tilespmem:s1+$0x11080]  }
0x137: {  	v24 =	vld [tilespmem:s1+$0x6000]  }
0x138: {  	v23 =	vadd.f32 v23, v13;
	v25 =	vld [tilespmem:s1+$0x4000]  }
0x139: {  	v26 =	vld [tilespmem:s1+$0x6080]  }
0x13a: {  	v27 =	vld [tilespmem:s1+$0x5080];
	v19 =	vadd.f32 v19, v15  }
0x13b: {  	v28 =	vld [tilespmem:s1+$0x4100];
	[tilespmem:s25+$0x4000] =	vst v23  }
0x13c: {  	v23 =	vld [tilespmem:s1+$0x5000];
	[tilespmem:s16+$0x4000] =	vst v19  }
0x13d: {  	v18 =	vadd.f32 v18, v17;
	v19 =	vld [tilespmem:s11+$0x5380]  }
0x13e: {  	v29 =	vld [tilespmem:s11+$0x6380]  }
0x13f: {  	v26 =	vadd.f32 v26, v22;
	v30 =	vld [tilespmem:s1+$0x7000];
	[tilespmem:s8+$0x6100] =	vst v11;
	v11 =	vmov v18  }
0x140: {  	v3 =	vadd.f32 v3, v22;
	[tilespmem:s8+$0x6080] =	vst v2;
	v18 =	vld [tilespmem:s11+$0x7380]  }
0x141: {  	v16 =	vadd.f32 v16, v17;
	v2 =	vmov v26;
	[tilespmem:s8+$0x7080] =	vst v4;
	v31 =	vld [tilespmem:s30+$0x4280]  }
0x142: {  	v26 =	vadd.f32 v27, v22;
	v4 =	vmov v3;
	[tilespmem:s8+$0x7100] =	vst v12;
	v27 =	vld [tilespmem:s30+$0x7300];
	v19 =	vadd.f32 v19, v15  }
0x143: {  	v12 =	vmov v16;
	[tilespmem:s8+$0x5080] =	vst v5;
	v32 =	vld [tilespmem:s30+$0x6300];
	v29 =	vadd.f32 v29, v15  }
0x144: {  	v14 =	vadd.f32 v14, v17;
	v5 =	vmov v26;
	v33 =	vld [tilespmem:s30+$0x11280];
	[tilespmem:s11+$0x5380] =	vst v19  }
0x145: {  	v16 =	vadd.f32 v20, v22;
	v3 =	vld [tilespmem:s30+$0x11200];
	[tilespmem:s11+$0x6380] =	vst v29;
	v15 =	vadd.f32 v18, v15  }
0x146: {  	[tilespmem:s8+$0x5100] =	vst v8;
	v19 =	vld [tilespmem:s30+$0x4300];
	v8 =	vmov v14  }
0x147: {  	v14 =	vadd.f32 v23, v21;
	v18 =	vld [tilespmem:s30+$0x7180];
	[tilespmem:s11+$0x7380] =	vst v15;
	s11 =	smov.u32 s30;
	s30 =	smov.u32 s8;
	s8 =	smov.u32 s1  }
0x148: {  	v15 =	vadd.f32 v28, v17;
	[tilespmem:s30+$0x4080] =	vst v0;
	v17 =	vld [tilespmem:s11+$0x5180];
	v0 =	vmov v16  }
0x149: {  	v16 =	vadd.f32 v30, v21;
	[tilespmem:s30+$0x5000] =	vst v10;
	v20 =	vld [tilespmem:s11+$0x5280];
	v10 =	vmov v14  }
0x14a: {  	v14 =	vadd.f32 v25, v21;
	[tilespmem:s30+$0x4100] =	vst v1;
	v22 =	vld [tilespmem:s11+$0x6280];
	v1 =	vmov v15  }
0x14b: {  	v15 =	vadd.f32 v24, v21;
	[tilespmem:s30+$0x7000] =	vst v6;
	v21 =	vld [tilespmem:s11+$0x7280];
	v6 =	vmov v16  }
0x14c: {  	[tilespmem:s30+$0x4000] =	vst v7;
	v16 =	vadd.f32 v18, v13;
	v23 =	vld [tilespmem:s11+$0x11300];
	v7 =	vmov v14  }
0x14d: {  	[tilespmem:s30+$0x6000] =	vst v9;
	v24 =	vadd.f32 v17, v13;
	v17 =	vadd.f32 v31, v33;
	v25 =	vld [tilespmem:s11+$0x5300];
	v9 =	vmov v15  }
0x14e: {  	v26 =	vld [tilespmem:s11+$0x6180];
	[tilespmem:s11+$0x7180] =	vst v16;
	v15 =	vadd.f32 v20, v33  }
.Ltmp1:
0x14f: {  	v14 =	vld [tilespmem:s11+$0x6200];
	[tilespmem:s11+$0x4280] =	vst v17;
	v17 =	vadd.f32 v22, v33;
	(pc) =	sbr.rel @p1 .LBB2_5-.Ltmp1, $4  }
0x150: {  	v16 =	vld [tilespmem:s11+$0x7200];
	[tilespmem:s11+$0x5280] =	vst v15;
	v15 =	vadd.f32 v21, v33  }
0x151: {  	v18 =	vld [tilespmem:s11+$0x5200];
	[tilespmem:s11+$0x6280] =	vst v17;
	v21 =	vadd.f32 v19, v23;
	v20 =	vadd.f32 v32, v23  }
0x152: {  	s24 =	sadd.s32 $0x80, s24;
	v17 =	vadd.f32 v27, v23;
	v19 =	vld [tilespmem:s11+$0x4200];
	[tilespmem:s11+$0x7280] =	vst v15;
	v15 =	vadd.f32 v25, v23  }
0x153: {  	s25 =	sor.u32 $0x180, s21;
	s21 =	smov.u32 s17;
	s16 =	smov.u32 s26;
	[tilespmem:s11+$0x5180] =	vst v24;
	v22 =	vadd.f32 v26, v13  }
0x154: {  	[tilespmem:s8+$0x6100] =	vst v11  }
0x155: {  	[tilespmem:s8+$0x6080] =	vst v2  }
0x156: {  	[tilespmem:s8+$0x7080] =	vst v4  }
0x157: {  	[tilespmem:s8+$0x7100] =	vst v12  }
0x158: {  	v13 =	vld [tilespmem:s25+$0x4000];
	[tilespmem:s8+$0x5080] =	vst v5  }
0x159: {  	v23 =	vld [tilespmem:s25+$0x11000];
	[tilespmem:s8+$0x5100] =	vst v8  }
0x15a: {  	[tilespmem:s8+$0x4080] =	vst v0  }
0x15b: {  	[tilespmem:s8+$0x5000] =	vst v10  }
0x15c: {  	[tilespmem:s8+$0x4100] =	vst v1  }
0x15d: {  	[tilespmem:s8+$0x7000] =	vst v6  }
0x15e: {  	[tilespmem:s8+$0x4000] =	vst v7;
	v13 =	vadd.f32 v13, v23  }
0x15f: {  	[tilespmem:s8+$0x6000] =	vst v9;
	s1 =	sor.u32 $0x180, s21  }
0x160: {  	v25 =	vld [tilespmem:s1+$0x4000];
	[tilespmem:s25+$0x4000] =	vst v13  }
0x161: {  	v13 =	vld [tilespmem:s30+$0x4280]  }
0x162: {  	v24 =	vld [tilespmem:s30+$0x7300]  }
0x163: {  	v11 =	vld [tilespmem:s30+$0x6300]  }
0x164: {  	v2 =	vld [tilespmem:s30+$0x11280]  }
0x165: {  	[tilespmem:s11+$0x4300] =	vst v21;
	v5 =	vld [tilespmem:s30+$0x7180]  }
0x166: {  	[tilespmem:s11+$0x6300] =	vst v20;
	v12 =	vld [tilespmem:s30+$0x4300]  }
0x167: {  	[tilespmem:s11+$0x7300] =	vst v17;
	v0 =	vld [tilespmem:s30+$0x5280]  }
0x168: {  	[tilespmem:s11+$0x5300] =	vst v15;
	v18 =	vadd.f32 v18, v3;
	v10 =	vld [tilespmem:s30+$0x6280]  }
0x169: {  	[tilespmem:s11+$0x6180] =	vst v22;
	v19 =	vadd.f32 v19, v3;
	v1 =	vld [tilespmem:s30+$0x7280]  }
0x16a: {  	[tilespmem:s11+$0x5200] =	vst v18;
	v6 =	vld [tilespmem:s30+$0x11300];
	v5 =	vadd.f32 v5, v23  }
0x16b: {  	[tilespmem:s11+$0x4200] =	vst v19;
	v4 =	vld [tilespmem:s30+$0x11200];
	v13 =	vadd.f32 v13, v2  }
0x16c: {  	v0 =	vadd.f32 v0, v2;
	[tilespmem:s30+$0x7180] =	vst v5;
	v5 =	vld [tilespmem:s1+$0x11000]  }
0x16d: {  	v8 =	vld [tilespmem:s30+$0x5180];
	v10 =	vadd.f32 v10, v2;
	[tilespmem:s30+$0x4280] =	vst v13  }
0x16e: {  	v7 =	vld [tilespmem:s30+$0x5300];
	v1 =	vadd.f32 v1, v2;
	[tilespmem:s30+$0x5280] =	vst v0  }
0x16f: {  	v9 =	vld [tilespmem:s30+$0x6180];
	v12 =	vadd.f32 v12, v6;
	[tilespmem:s30+$0x6280] =	vst v10  }
0x170: {  	v26 =	vld [tilespmem:s30+$0x6200];
	v10 =	vadd.f32 v16, v3;
	v3 =	vadd.f32 v14, v3;
	[tilespmem:s30+$0x7280] =	vst v1  }
0x171: {  	v0 =	vld [tilespmem:s30+$0x5200];
	[tilespmem:s30+$0x4300] =	vst v12;
	v21 =	vadd.f32 v25, v5  }
0x172: {  	v11 =	vadd.f32 v11, v6;
	v16 =	vld [tilespmem:s30+$0x4200];
	[tilespmem:s11+$0x6200] =	vst v3  }
0x173: {  	v13 =	vld [tilespmem:s30+$0x7200];
	v3 =	vadd.f32 v8, v23;
	[tilespmem:s1+$0x4000] =	vst v21  }
0x174: {  	[tilespmem:s30+$0x6300] =	vst v11;
	v20 =	vld [tilespmem:s8+$0x4280]  }
0x175: {  	[tilespmem:s30+$0x5180] =	vst v3;
	v3 =	vadd.f32 v9, v23;
	v8 =	vld [tilespmem:s8+$0x7180]  }
0x176: {  	[tilespmem:s11+$0x7200] =	vst v10;
	v0 =	vadd.f32 v0, v4;
	v14 =	vld [tilespmem:s8+$0x11280]  }
0x177: {  	v15 =	vadd.f32 v16, v4;
	[tilespmem:s30+$0x6180] =	vst v3;
	v9 =	vld [tilespmem:s8+$0x5280]  }
0x178: {  	v3 =	vadd.f32 v13, v4;
	[tilespmem:s30+$0x5200] =	vst v0;
	v12 =	vld [tilespmem:s8+$0x6280]  }
0x179: {  	v4 =	vadd.f32 v26, v4;
	[tilespmem:s30+$0x4200] =	vst v15;
	v1 =	vld [tilespmem:s8+$0x5180]  }
0x17a: {  	v2 =	vld [tilespmem:s8+$0x4300];
	[tilespmem:s30+$0x7200] =	vst v3;
	v3 =	vadd.f32 v8, v5  }
0x17b: {  	v11 =	vld [tilespmem:s8+$0x11300];
	[tilespmem:s30+$0x6200] =	vst v4;
	v16 =	vadd.f32 v20, v14  }
0x17c: {  	v0 =	vld [tilespmem:s8+$0x6180];
	v9 =	vadd.f32 v9, v14;
	[tilespmem:s8+$0x7180] =	vst v3  }
0x17d: {  	v18 =	vld [tilespmem:s8+$0x6300];
	v12 =	vadd.f32 v12, v14;
	[tilespmem:s8+$0x4280] =	vst v16  }
0x17e: {  	v13 =	vld [tilespmem:s8+$0x7280];
	v1 =	vadd.f32 v1, v5;
	[tilespmem:s8+$0x5280] =	vst v9  }
0x17f: {  	v17 =	vld [tilespmem:s8+$0x11200];
	v3 =	vadd.f32 v24, v6;
	[tilespmem:s8+$0x6280] =	vst v12  }
0x180: {  	v4 =	vld [tilespmem:s8+$0x5200];
	v2 =	vadd.f32 v2, v11;
	[tilespmem:s8+$0x5180] =	vst v1  }
0x181: {  	v0 =	vadd.f32 v0, v5;
	[tilespmem:s30+$0x7300] =	vst v3;
	v3 =	vld [tilespmem:s8+$0x7200]  }
0x182: {  	v10 =	vld [tilespmem:s8+$0x7300];
	v6 =	vadd.f32 v7, v6;
	[tilespmem:s8+$0x4300] =	vst v2  }
0x183: {  	v15 =	vld [tilespmem:s8+$0x6200];
	v7 =	vadd.f32 v13, v14;
	[tilespmem:s8+$0x6180] =	vst v0  }
0x184: {  	v1 =	vadd.f32 v18, v11;
	[tilespmem:s30+$0x5300] =	vst v6;
	v6 =	vld [tilespmem:s8+$0x4200]  }
0x185: {  	s28 =	sor.u32 s18, s31;
	v8 =	vld [tilespmem:s8+$0x5300];
	v2 =	vadd.f32 v4, v17;
	[tilespmem:s8+$0x7280] =	vst v7  }
0x186: {  	s1 =	sor.u32 $0x380, s28;
	[tilespmem:s8+$0x6300] =	vst v1;
	v0 =	vadd.f32 v3, v17  }
0x187: {  	v4 =	vadd.f32 v10, v11;
	v1 =	vld [tilespmem:s1+$0x11000];
	[tilespmem:s8+$0x5200] =	vst v2  }
0x188: {  	s0 =	sor.u32 s6, s0;
	v2 =	vadd.f32 v15, v17;
	[tilespmem:s8+$0x7200] =	vst v0;
	v0 =	vld [tilespmem:s1+$0x4000]  }
0x189: {  	s0 =	sor.u32 $0x380, s0;
	[tilespmem:s8+$0x7300] =	vst v4;
	v3 =	vadd.f32 v6, v17  }
0x18a: {  	v5 =	vadd.f32 v8, v11;
	v4 =	vld [tilespmem:s0+$0x4000];
	[tilespmem:s8+$0x6200] =	vst v2  }
0x18b: {  	s7 =	sor.u32 s12, s7;
	[tilespmem:s8+$0x4200] =	vst v3;
	v3 =	vld [tilespmem:s0+$0x11000]  }
0x18c: {  	s6 =	sor.u32 $0x380, s7;
	[tilespmem:s8+$0x5300] =	vst v5  }
0x18d: {  	v2 =	vld [tilespmem:s6+$0x11000];
	v0 =	vadd.f32 v0, v1  }
0x18e: {  	v5 =	vld [tilespmem:s6+$0x4000]  }
0x18f: {  	[tilespmem:s1+$0x4000] =	vst v0  }
0x190: {  	v4 =	vadd.f32 v4, v3;
	v0 =	vld [tilespmem:s11+$0x5380]  }
0x191: {  	v6 =	vld [tilespmem:s11+$0x6380]  }
0x192: {  	[tilespmem:s0+$0x4000] =	vst v4;
	v7 =	vld [tilespmem:s11+$0x7380]  }
0x193: {  	v5 =	vadd.f32 v5, v2;
	v4 =	vld [tilespmem:s30+$0x5380]  }
0x194: {  	v8 =	vld [tilespmem:s30+$0x6380]  }
0x195: {  	v9 =	vld [tilespmem:s30+$0x7380];
	[tilespmem:s6+$0x4000] =	vst v5;
	v0 =	vadd.f32 v0, v1  }
0x196: {  	v5 =	vadd.f32 v6, v1;
	v6 =	vld [tilespmem:s8+$0x5380]  }
0x197: {  	[tilespmem:s11+$0x5380] =	vst v0;
	v0 =	vadd.f32 v7, v1;
	v1 =	vld [tilespmem:s8+$0x6380]  }
0x198: {  	v4 =	vadd.f32 v4, v3;
	[tilespmem:s11+$0x6380] =	vst v5;
	v5 =	vld [tilespmem:s8+$0x7380]  }
0x199: {  	[tilespmem:s11+$0x7380] =	vst v0;
	v0 =	vadd.f32 v8, v3  }
0x19a: {  	[tilespmem:s30+$0x5380] =	vst v4;
	v3 =	vadd.f32 v9, v3  }
0x19b: {  	[tilespmem:s30+$0x6380] =	vst v0;
	v0 =	vadd.f32 v6, v2  }
0x19c: {  	[tilespmem:s30+$0x7380] =	vst v3;
	v1 =	vadd.f32 v1, v2  }
0x19d: {  	[tilespmem:s8+$0x5380] =	vst v0;
	v0 =	vadd.f32 v5, v2  }
0x19e: {  	[tilespmem:s8+$0x6380] =	vst v1  }
0x19f: {  	s0 =	simm.s32 @!p0 $0x8;
	[tilespmem:s8+$0x7380] =	vst v0  }
0x1a0: {  	_ =	swait.ge @!p0 [sflag:s0], $0x4000  }
0x1a1: {  	s11 =	sor.u32 $0x600, s13;
	[sflag:s0] =	ssyncset.done @!p0 $0x0  }
0x1a2: {  	s12 =	simm.s32 $0xC000;
	s8 =	sadd.s32 s29, s11;
	[sflag:s0] =	ssyncadd.s32 @!p0 $0xFFFFC000  }
0x1a3: {  	[tilespmem:s12], [sflag:$0x4] =	stream.strided.gather [hbm4b:s8+s14], $0x4000, s15, s14, $0x38;
	[tilespmem:$0x12000] =	vst v63  }
0x1a4: {  	s31 =	simm.s32 $0x4000;
	s17 =	simm.s32 $0x11000;
	s13 =	sadd.s32 s4, s10  }
0x1a5: {  	[hbm4b:s13+s14] =	stream.strided.scatter [tilespmem:s31], [sflag:$0x6], $0x4000, s15, s14, $0x38;
	[tilespmem:$0x12000] =	vst v63  }
0x1a6: {  	s18 =	simm.s32 $0x3;
	s16 =	sadd.s32 s2, s11;
	s30 =	simm.s32 $0x0  }
0x1a7: {  	[tilespmem:s17], [sflag:$0xA] =	stream.linear.gather [hbm4b:s16+s30], $0x1000, $0x38;
	[tilespmem:$0x12000] =	vst v63  }
0x1a8: {  	_ =	swait.ge [sflag:s18], $0x4000  }
0x1a9: {  	[sflag:s18] =	ssyncset.done $0x0  }
0x1aa: {  	[sflag:s18] =	ssyncadd.s32 $0xFFFFC000  }
0x1ab: {  	_ =	swait.ge [sflag:s20], $0x1000  }
0x1ac: {  	s21 =	sand.u32 $0x70, s30;
	s24 =	sand.u32 $0xC00, s30;
	[sflag:s20] =	ssyncset.done $0x0  }
0x1ad: {  	s10 =	sor.u32 s21, s24;
	[sflag:s20] =	ssyncadd.s32 $0xFFFFF000  }
0x1ae: {  	v0 =	vld [tilespmem:s10+$0x10000]  }
0x1af: {  	v1 =	vld [tilespmem:s10+$0x8080]  }
0x1b0: {  	v2 =	vld [tilespmem:s10+$0x9100]  }
0x1b1: {  	v3 =	vld [tilespmem:s10+$0xB100]  }
0x1b2: {  	v4 =	vld [tilespmem:s10+$0xA100]  }
0x1b3: {  	v5 =	vld [tilespmem:s10+$0x10100]  }
0x1b4: {  	v6 =	vld [tilespmem:s10+$0xB080]  }
0x1b5: {  	v7 =	vld [tilespmem:s10+$0x10080]  }
0x1b6: {  	v8 =	vld [tilespmem:s10+$0xA000]  }
0x1b7: {  	v9 =	vld [tilespmem:s10+$0x8000]  }
0x1b8: {  	v10 =	vld [tilespmem:s10+$0xA080]  }
0x1b9: {  	v11 =	vld [tilespmem:s10+$0x9080]  }
0x1ba: {  	s6 =	simm.s32 $0x80;
	s0 =	simm.s32 $0x10;
	v12 =	vld [tilespmem:s10+$0x8100]  }
0x1bb: {  	s25 =	sand.u32 $0x70, s0;
	s16 =	sand.u32 $0xC00, s6;
	v13 =	vld [tilespmem:s10+$0x9000]  }
0x1bc: {  	s13 =	sor.u32 s25, s16;
	v14 =	vld [tilespmem:s10+$0xB000]  }
0x1bd: {  	v15 =	vld [tilespmem:s13+$0x10000]  }
0x1be: {  	s7 =	simm.s32 $0x20;
	s12 =	simm.s32 $0x100;
	v16 =	vld [tilespmem:s13+$0x8080]  }
0x1bf: {  	s26 =	sand.u32 $0x70, s7;
	s28 =	sand.u32 $0xC00, s12;
	v17 =	vld [tilespmem:s13+$0x9100]  }
0x1c0: {  	s8 =	sor.u32 s26, s28;
	v18 =	vld [tilespmem:s13+$0xB100]  }
0x1c1: {  	v19 =	vld [tilespmem:s8+$0x10000]  }
0x1c2: {  	v20 =	vld [tilespmem:s8+$0x9100]  }
0x1c3: {  	v21 =	vld [tilespmem:s8+$0xB100]  }
0x1c4: {  	v22 =	vld [tilespmem:s8+$0xA100]  }
0x1c5: {  	v23 =	vld [tilespmem:s8+$0x10100]  }
0x1c6: {  	v60 =	vld [tilespmem:s8+$0xB080];
	v4 =	vadd.f32 v4, v5  }
0x1c7: {  	v61 =	vld [tilespmem:s8+$0x10080];
	v10 =	vadd.f32 v10, v7  }
0x1c8: {  	v62 =	vld [tilespmem:s8+$0xA000];
	v6 =	vadd.f32 v6, v7;
	[tilespmem:s10+$0xA100] =	vst v4  }
0x1c9: {  	v27 =	vld [tilespmem:s8+$0x8000];
	v3 =	vadd.f32 v3, v5;
	[tilespmem:s10+$0xA080] =	vst v10  }
0x1ca: {  	v28 =	vld [tilespmem:s8+$0xA080];
	v2 =	vadd.f32 v2, v5;
	[tilespmem:s10+$0xB080] =	vst v6  }
0x1cb: {  	v29 =	vld [tilespmem:s8+$0x9080];
	v1 =	vadd.f32 v1, v7;
	[tilespmem:s10+$0xB100] =	vst v3  }
0x1cc: {  	v30 =	vld [tilespmem:s8+$0x8100];
	v10 =	vadd.f32 v11, v7;
	[tilespmem:s10+$0x9100] =	vst v2  }
0x1cd: {  	v31 =	vld [tilespmem:s8+$0x9000];
	v3 =	vadd.f32 v13, v0;
	[tilespmem:s10+$0x8080] =	vst v1  }
0x1ce: {  	v4 =	vld [tilespmem:s13+$0xA100];
	v2 =	vadd.f32 v12, v5;
	[tilespmem:s10+$0x9080] =	vst v10  }
0x1cf: {  	v11 =	vld [tilespmem:s13+$0x10100];
	v1 =	vadd.f32 v14, v0;
	[tilespmem:s10+$0x9000] =	vst v3  }
0x1d0: {  	v6 =	vld [tilespmem:s13+$0xB080];
	v3 =	vadd.f32 v9, v0;
	[tilespmem:s10+$0x8100] =	vst v2  }
0x1d1: {  	v7 =	vld [tilespmem:s13+$0x10080];
	v0 =	vadd.f32 v8, v0;
	[tilespmem:s10+$0xB000] =	vst v1  }
0x1d2: {  	s1 =	sor.u32 s24, s30;
	v12 =	vld [tilespmem:s13+$0xA080];
	[tilespmem:s10+$0x8000] =	vst v3  }
0x1d3: {  	s17 =	sor.u32 $0x180, s1;
	v9 =	vld [tilespmem:s13+$0x9080];
	[tilespmem:s10+$0xA000] =	vst v0  }
0x1d4: {  	v0 =	vld [tilespmem:s17+$0x8000]  }
0x1d5: {  	v13 =	vld [tilespmem:s17+$0x10000]  }
0x1d6: {  	v5 =	vld [tilespmem:s13+$0x8000]  }
0x1d7: {  	v14 =	vld [tilespmem:s8+$0x8080]  }
0x1d8: {  	v10 =	vld [tilespmem:s13+$0xA000];
	v12 =	vadd.f32 v12, v7;
	v6 =	vadd.f32 v6, v7  }
0x1d9: {  	v2 =	vld [tilespmem:s13+$0x8100];
	v9 =	vadd.f32 v9, v7;
	v7 =	vadd.f32 v16, v7  }
0x1da: {  	v1 =	vld [tilespmem:s13+$0x9000];
	v0 =	vadd.f32 v0, v13  }
0x1db: {  	v8 =	vld [tilespmem:s13+$0xB000];
	[tilespmem:s13+$0x8080] =	vst v7  }
0x1dc: {  	v4 =	vadd.f32 v4, v11;
	v7 =	vld [tilespmem:s8+$0xB000];
	[tilespmem:s17+$0x8000] =	vst v0  }
0x1dd: {  	v0 =	vld [tilespmem:s10+$0x8280]  }
0x1de: {  	[tilespmem:s13+$0xA100] =	vst v4;
	v33 =	vld [tilespmem:s10+$0xA300]  }
0x1df: {  	v18 =	vadd.f32 v18, v11;
	[tilespmem:s13+$0xA080] =	vst v12;
	v34 =	vld [tilespmem:s10+$0x10280]  }
0x1e0: {  	[tilespmem:s13+$0xB080] =	vst v6;
	v12 =	vadd.f32 v17, v11;
	v35 =	vld [tilespmem:s10+$0x8300]  }
0x1e1: {  	[tilespmem:s13+$0xB100] =	vst v18;
	v16 =	vadd.f32 v2, v11;
	v1 =	vadd.f32 v1, v15;
	v4 =	vld [tilespmem:s10+$0xB180]  }
0x1e2: {  	v18 =	vadd.f32 v5, v15;
	v2 =	vadd.f32 v28, v61;
	[tilespmem:s13+$0x9080] =	vst v9;
	v6 =	vld [tilespmem:s10+$0x9280]  }
0x1e3: {  	v11 =	vadd.f32 v22, v23;
	v9 =	vadd.f32 v8, v15;
	[tilespmem:s13+$0x9100] =	vst v12;
	v17 =	vld [tilespmem:s10+$0xA280]  }
0x1e4: {  	v15 =	vadd.f32 v10, v15;
	[tilespmem:s13+$0x9000] =	vst v1;
	v12 =	vadd.f32 v21, v23;
	v37 =	vld [tilespmem:s10+$0xB280]  }
0x1e5: {  	[tilespmem:s13+$0x8100] =	vst v16;
	v8 =	vadd.f32 v20, v23;
	v10 =	vadd.f32 v31, v19;
	v38 =	vld [tilespmem:s10+$0x10300]  }
0x1e6: {  	[tilespmem:s13+$0xB000] =	vst v9;
	v9 =	vadd.f32 v62, v19;
	v39 =	vld [tilespmem:s10+$0x9300];
	v5 =	vadd.f32 v4, v13  }
0x1e7: {  	[tilespmem:s13+$0x8000] =	vst v18;
	v36 =	vld [tilespmem:s10+$0x9180];
	v4 =	vadd.f32 v60, v61;
	v1 =	vadd.f32 v0, v34  }
0x1e8: {  	[tilespmem:s13+$0xA000] =	vst v15;
	v32 =	vld [tilespmem:s10+$0xB300];
	v0 =	vadd.f32 v14, v61;
	v6 =	vadd.f32 v6, v34  }
0x1e9: {  	v63 =	vld [tilespmem:s10+$0xA180];
	v17 =	vadd.f32 v17, v34;
	v22 =	vadd.f32 v37, v34;
	[tilespmem:s10+$0xB180] =	vst v5  }
0x1ea: {  	v3 =	vld [tilespmem:s10+$0x10200];
	v21 =	vadd.f32 v35, v38;
	v20 =	vadd.f32 v33, v38;
	[tilespmem:s10+$0x8280] =	vst v1  }
0x1eb: {  	v16 =	vld [tilespmem:s10+$0xB200];
	v15 =	vadd.f32 v39, v38;
	v5 =	vadd.f32 v29, v61;
	[tilespmem:s10+$0x9280] =	vst v6  }
0x1ec: {  	v18 =	vld [tilespmem:s10+$0x9200];
	v1 =	vadd.f32 v30, v23;
	[tilespmem:s10+$0xA280] =	vst v17;
	v23 =	vadd.f32 v36, v13  }
0x1ed: {  	s24 =	simm.s32 $0x180;
	s26 =	simm.s32 $0x30;
	s16 =	sor.u32 s16, s0;
	v14 =	vld [tilespmem:s10+$0xA200];
	v6 =	vadd.f32 v7, v19;
	v7 =	vadd.f32 v27, v19;
	[tilespmem:s10+$0xB280] =	vst v22  }
0x1ee: {  	s21 =	sor.u32 s28, s7;
	s25 =	sor.u32 $0x180, s16;
	s18 =	simm.s32 $0x0;
	v19 =	vld [tilespmem:s10+$0x8200];
	v17 =	vadd.f32 v32, v38;
	v22 =	vadd.f32 v63, v13;
	[tilespmem:s10+$0x9180] =	vst v23  }
.LBB2_7:
0x1ef: {  	s1 =	sand.u32 $0x70, s26  }
0x1f0: {  	s17 =	sand.u32 $0xC00, s24;
	v23 =	vld [tilespmem:s25+$0x8000];
	[tilespmem:s10+$0x8300] =	vst v21;
	s28 =	smov.u32 s26;
	s16 =	sadd.s32 $0x10, s26  }
0x1f1: {  	p0 =	sne.s32 s26, $0x1F0;
	s1 =	sor.u32 s1, s17;
	s17 =	sor.u32 s17, s28;
	v13 =	vld [tilespmem:s25+$0x10000];
	[tilespmem:s10+$0xA180] =	vst v22;
	v16 =	vadd.f32 v16, v3  }
0x1f2: {  	v21 =	vld [tilespmem:s1+$0x10000];
	v18 =	vadd.f32 v18, v3;
	[tilespmem:s10+$0xA300] =	vst v20  }
0x1f3: {  	v20 =	vld [tilespmem:s1+$0x8080];
	v19 =	vadd.f32 v19, v3;
	v3 =	vadd.f32 v14, v3;
	[tilespmem:s10+$0xB200] =	vst v16  }
0x1f4: {  	v14 =	vld [tilespmem:s1+$0x9100];
	[tilespmem:s10+$0x9200] =	vst v18  }
0x1f5: {  	v16 =	vld [tilespmem:s1+$0xB100];
	[tilespmem:s10+$0x8200] =	vst v19  }
0x1f6: {  	v18 =	vld [tilespmem:s1+$0xA100];
	[tilespmem:s10+$0xB300] =	vst v17  }
0x1f7: {  	s18 =	sor.u32 s18, s30;
	s30 =	smov.u32 s0;
	s0 =	smov.u32 s7;
	v17 =	vld [tilespmem:s1+$0x10100];
	[tilespmem:s10+$0xA200] =	vst v3  }
0x1f8: {  	s26 =	sor.u32 $0x380, s18;
	s7 =	smov.u32 s28;
	s18 =	smov.u32 s6;
	v3 =	vld [tilespmem:s1+$0xB080];
	[tilespmem:s10+$0x9300] =	vst v15  }
0x1f9: {  	s6 =	smov.u32 s12;
	s12 =	smov.u32 s24;
	v15 =	vld [tilespmem:s26+$0x10000]  }
0x1fa: {  	v19 =	vld [tilespmem:s26+$0x8000]  }
0x1fb: {  	v22 =	vld [tilespmem:s1+$0x10080]  }
0x1fc: {  	v24 =	vld [tilespmem:s1+$0xA000]  }
0x1fd: {  	v23 =	vadd.f32 v23, v13;
	v25 =	vld [tilespmem:s1+$0x8000]  }
0x1fe: {  	v26 =	vld [tilespmem:s1+$0xA080]  }
0x1ff: {  	v27 =	vld [tilespmem:s1+$0x9080];
	v19 =	vadd.f32 v19, v15  }
0x200: {  	v28 =	vld [tilespmem:s1+$0x8100];
	[tilespmem:s25+$0x8000] =	vst v23  }
0x201: {  	v23 =	vld [tilespmem:s1+$0x9000];
	[tilespmem:s26+$0x8000] =	vst v19  }
0x202: {  	v18 =	vadd.f32 v18, v17;
	v19 =	vld [tilespmem:s10+$0x9380]  }
0x203: {  	v29 =	vld [tilespmem:s10+$0xA380]  }
0x204: {  	v26 =	vadd.f32 v26, v22;
	v30 =	vld [tilespmem:s1+$0xB000];
	[tilespmem:s8+$0xA100] =	vst v11;
	v11 =	vmov v18  }
0x205: {  	v3 =	vadd.f32 v3, v22;
	[tilespmem:s8+$0xA080] =	vst v2;
	v18 =	vld [tilespmem:s10+$0xB380]  }
0x206: {  	v16 =	vadd.f32 v16, v17;
	v2 =	vmov v26;
	[tilespmem:s8+$0xB080] =	vst v4;
	v31 =	vld [tilespmem:s13+$0x8280]  }
0x207: {  	v26 =	vadd.f32 v27, v22;
	v4 =	vmov v3;
	[tilespmem:s8+$0xB100] =	vst v12;
	v27 =	vld [tilespmem:s13+$0xB300];
	v19 =	vadd.f32 v19, v15  }
0x208: {  	v12 =	vmov v16;
	[tilespmem:s8+$0x9080] =	vst v5;
	v32 =	vld [tilespmem:s13+$0xA300];
	v29 =	vadd.f32 v29, v15  }
0x209: {  	v14 =	vadd.f32 v14, v17;
	v5 =	vmov v26;
	v33 =	vld [tilespmem:s13+$0x10280];
	[tilespmem:s10+$0x9380] =	vst v19  }
0x20a: {  	v16 =	vadd.f32 v20, v22;
	v3 =	vld [tilespmem:s13+$0x10200];
	[tilespmem:s10+$0xA380] =	vst v29;
	v15 =	vadd.f32 v18, v15  }
0x20b: {  	[tilespmem:s8+$0x9100] =	vst v8;
	v19 =	vld [tilespmem:s13+$0x8300];
	v8 =	vmov v14  }
0x20c: {  	v14 =	vadd.f32 v23, v21;
	v18 =	vld [tilespmem:s13+$0xB180];
	[tilespmem:s10+$0xB380] =	vst v15;
	s10 =	smov.u32 s13;
	s13 =	smov.u32 s8;
	s8 =	smov.u32 s1  }
0x20d: {  	v15 =	vadd.f32 v28, v17;
	[tilespmem:s13+$0x8080] =	vst v0;
	v17 =	vld [tilespmem:s10+$0x9180];
	v0 =	vmov v16  }
0x20e: {  	v16 =	vadd.f32 v30, v21;
	[tilespmem:s13+$0x9000] =	vst v10;
	v20 =	vld [tilespmem:s10+$0x9280];
	v10 =	vmov v14  }
0x20f: {  	v14 =	vadd.f32 v25, v21;
	[tilespmem:s13+$0x8100] =	vst v1;
	v22 =	vld [tilespmem:s10+$0xA280];
	v1 =	vmov v15  }
0x210: {  	v15 =	vadd.f32 v24, v21;
	[tilespmem:s13+$0xB000] =	vst v6;
	v21 =	vld [tilespmem:s10+$0xB280];
	v6 =	vmov v16  }
0x211: {  	[tilespmem:s13+$0x8000] =	vst v7;
	v16 =	vadd.f32 v18, v13;
	v23 =	vld [tilespmem:s10+$0x10300];
	v7 =	vmov v14  }
0x212: {  	[tilespmem:s13+$0xA000] =	vst v9;
	v24 =	vadd.f32 v17, v13;
	v17 =	vadd.f32 v31, v33;
	v25 =	vld [tilespmem:s10+$0x9300];
	v9 =	vmov v15  }
0x213: {  	v26 =	vld [tilespmem:s10+$0xA180];
	[tilespmem:s10+$0xB180] =	vst v16;
	v15 =	vadd.f32 v20, v33  }
.Ltmp2:
0x214: {  	v14 =	vld [tilespmem:s10+$0xA200];
	[tilespmem:s10+$0x8280] =	vst v17;
	v17 =	vadd.f32 v22, v33;
	(pc) =	sbr.rel @p0 .LBB2_7-.Ltmp2, $4  }
0x215: {  	v16 =	vld [tilespmem:s10+$0xB200];
	[tilespmem:s10+$0x9280] =	vst v15;
	v15 =	vadd.f32 v21, v33  }
0x216: {  	v18 =	vld [tilespmem:s10+$0x9200];
	[tilespmem:s10+$0xA280] =	vst v17;
	v21 =	vadd.f32 v19, v23;
	v20 =	vadd.f32 v32, v23  }
0x217: {  	s24 =	sadd.s32 $0x80, s24;
	v17 =	vadd.f32 v27, v23;
	v19 =	vld [tilespmem:s10+$0x8200];
	[tilespmem:s10+$0xB280] =	vst v15;
	v15 =	vadd.f32 v25, v23  }
0x218: {  	s25 =	sor.u32 $0x180, s21;
	s21 =	smov.u32 s17;
	s26 =	smov.u32 s16;
	[tilespmem:s10+$0x9180] =	vst v24;
	v22 =	vadd.f32 v26, v13  }
0x219: {  	[tilespmem:s8+$0xA100] =	vst v11  }
0x21a: {  	[tilespmem:s8+$0xA080] =	vst v2  }
0x21b: {  	[tilespmem:s8+$0xB080] =	vst v4  }
0x21c: {  	[tilespmem:s8+$0xB100] =	vst v12  }
0x21d: {  	v13 =	vld [tilespmem:s25+$0x8000];
	[tilespmem:s8+$0x9080] =	vst v5  }
0x21e: {  	v23 =	vld [tilespmem:s25+$0x10000];
	[tilespmem:s8+$0x9100] =	vst v8  }
0x21f: {  	[tilespmem:s8+$0x8080] =	vst v0  }
0x220: {  	[tilespmem:s8+$0x9000] =	vst v10  }
0x221: {  	[tilespmem:s8+$0x8100] =	vst v1  }
0x222: {  	[tilespmem:s8+$0xB000] =	vst v6  }
0x223: {  	[tilespmem:s8+$0x8000] =	vst v7;
	v13 =	vadd.f32 v13, v23  }
0x224: {  	[tilespmem:s8+$0xA000] =	vst v9;
	s1 =	sor.u32 $0x180, s21  }
0x225: {  	v25 =	vld [tilespmem:s1+$0x8000];
	[tilespmem:s25+$0x8000] =	vst v13  }
0x226: {  	v13 =	vld [tilespmem:s13+$0x8280]  }
0x227: {  	v24 =	vld [tilespmem:s13+$0xB300]  }
0x228: {  	v11 =	vld [tilespmem:s13+$0xA300]  }
0x229: {  	v2 =	vld [tilespmem:s13+$0x10280]  }
0x22a: {  	[tilespmem:s10+$0x8300] =	vst v21;
	v5 =	vld [tilespmem:s13+$0xB180]  }
0x22b: {  	[tilespmem:s10+$0xA300] =	vst v20;
	v12 =	vld [tilespmem:s13+$0x8300]  }
0x22c: {  	[tilespmem:s10+$0xB300] =	vst v17;
	v0 =	vld [tilespmem:s13+$0x9280]  }
0x22d: {  	[tilespmem:s10+$0x9300] =	vst v15;
	v18 =	vadd.f32 v18, v3;
	v10 =	vld [tilespmem:s13+$0xA280]  }
0x22e: {  	[tilespmem:s10+$0xA180] =	vst v22;
	v19 =	vadd.f32 v19, v3;
	v1 =	vld [tilespmem:s13+$0xB280]  }
0x22f: {  	[tilespmem:s10+$0x9200] =	vst v18;
	v6 =	vld [tilespmem:s13+$0x10300];
	v5 =	vadd.f32 v5, v23  }
0x230: {  	[tilespmem:s10+$0x8200] =	vst v19;
	v4 =	vld [tilespmem:s13+$0x10200];
	v13 =	vadd.f32 v13, v2  }
0x231: {  	v0 =	vadd.f32 v0, v2;
	[tilespmem:s13+$0xB180] =	vst v5;
	v5 =	vld [tilespmem:s1+$0x10000]  }
0x232: {  	v8 =	vld [tilespmem:s13+$0x9180];
	v10 =	vadd.f32 v10, v2;
	[tilespmem:s13+$0x8280] =	vst v13  }
0x233: {  	v7 =	vld [tilespmem:s13+$0x9300];
	v1 =	vadd.f32 v1, v2;
	[tilespmem:s13+$0x9280] =	vst v0  }
0x234: {  	v9 =	vld [tilespmem:s13+$0xA180];
	v12 =	vadd.f32 v12, v6;
	[tilespmem:s13+$0xA280] =	vst v10  }
0x235: {  	v26 =	vld [tilespmem:s13+$0xA200];
	v10 =	vadd.f32 v16, v3;
	v3 =	vadd.f32 v14, v3;
	[tilespmem:s13+$0xB280] =	vst v1  }
0x236: {  	v0 =	vld [tilespmem:s13+$0x9200];
	[tilespmem:s13+$0x8300] =	vst v12;
	v21 =	vadd.f32 v25, v5  }
0x237: {  	v11 =	vadd.f32 v11, v6;
	v16 =	vld [tilespmem:s13+$0x8200];
	[tilespmem:s10+$0xA200] =	vst v3  }
0x238: {  	v13 =	vld [tilespmem:s13+$0xB200];
	v3 =	vadd.f32 v8, v23;
	[tilespmem:s1+$0x8000] =	vst v21  }
0x239: {  	[tilespmem:s13+$0xA300] =	vst v11;
	v20 =	vld [tilespmem:s8+$0x8280]  }
0x23a: {  	[tilespmem:s13+$0x9180] =	vst v3;
	v3 =	vadd.f32 v9, v23;
	v8 =	vld [tilespmem:s8+$0xB180]  }
0x23b: {  	[tilespmem:s10+$0xB200] =	vst v10;
	v0 =	vadd.f32 v0, v4;
	v14 =	vld [tilespmem:s8+$0x10280]  }
0x23c: {  	v15 =	vadd.f32 v16, v4;
	[tilespmem:s13+$0xA180] =	vst v3;
	v9 =	vld [tilespmem:s8+$0x9280]  }
0x23d: {  	v3 =	vadd.f32 v13, v4;
	[tilespmem:s13+$0x9200] =	vst v0;
	v12 =	vld [tilespmem:s8+$0xA280]  }
0x23e: {  	v4 =	vadd.f32 v26, v4;
	[tilespmem:s13+$0x8200] =	vst v15;
	v1 =	vld [tilespmem:s8+$0x9180]  }
0x23f: {  	v2 =	vld [tilespmem:s8+$0x8300];
	[tilespmem:s13+$0xB200] =	vst v3;
	v3 =	vadd.f32 v8, v5  }
0x240: {  	v11 =	vld [tilespmem:s8+$0x10300];
	[tilespmem:s13+$0xA200] =	vst v4;
	v16 =	vadd.f32 v20, v14  }
0x241: {  	v0 =	vld [tilespmem:s8+$0xA180];
	v9 =	vadd.f32 v9, v14;
	[tilespmem:s8+$0xB180] =	vst v3  }
0x242: {  	v18 =	vld [tilespmem:s8+$0xA300];
	v12 =	vadd.f32 v12, v14;
	[tilespmem:s8+$0x8280] =	vst v16  }
0x243: {  	v13 =	vld [tilespmem:s8+$0xB280];
	v1 =	vadd.f32 v1, v5;
	[tilespmem:s8+$0x9280] =	vst v9  }
0x244: {  	v17 =	vld [tilespmem:s8+$0x10200];
	v3 =	vadd.f32 v24, v6;
	[tilespmem:s8+$0xA280] =	vst v12  }
0x245: {  	v4 =	vld [tilespmem:s8+$0x9200];
	v2 =	vadd.f32 v2, v11;
	[tilespmem:s8+$0x9180] =	vst v1  }
0x246: {  	v0 =	vadd.f32 v0, v5;
	[tilespmem:s13+$0xB300] =	vst v3;
	v3 =	vld [tilespmem:s8+$0xB200]  }
0x247: {  	v10 =	vld [tilespmem:s8+$0xB300];
	v6 =	vadd.f32 v7, v6;
	[tilespmem:s8+$0x8300] =	vst v2  }
0x248: {  	v15 =	vld [tilespmem:s8+$0xA200];
	v7 =	vadd.f32 v13, v14;
	[tilespmem:s8+$0xA180] =	vst v0  }
0x249: {  	v1 =	vadd.f32 v18, v11;
	[tilespmem:s13+$0x9300] =	vst v6;
	v6 =	vld [tilespmem:s8+$0x8200]  }
0x24a: {  	s30 =	sor.u32 s18, s30;
	v8 =	vld [tilespmem:s8+$0x9300];
	v2 =	vadd.f32 v4, v17;
	[tilespmem:s8+$0xB280] =	vst v7  }
0x24b: {  	s1 =	sor.u32 $0x380, s30;
	[tilespmem:s8+$0xA300] =	vst v1;
	v0 =	vadd.f32 v3, v17  }
0x24c: {  	v4 =	vadd.f32 v10, v11;
	v1 =	vld [tilespmem:s1+$0x10000];
	[tilespmem:s8+$0x9200] =	vst v2  }
0x24d: {  	s0 =	sor.u32 s6, s0;
	v2 =	vadd.f32 v15, v17;
	[tilespmem:s8+$0xB200] =	vst v0;
	v0 =	vld [tilespmem:s1+$0x8000]  }
0x24e: {  	s0 =	sor.u32 $0x380, s0;
	[tilespmem:s8+$0xB300] =	vst v4;
	v3 =	vadd.f32 v6, v17  }
0x24f: {  	v5 =	vadd.f32 v8, v11;
	v4 =	vld [tilespmem:s0+$0x8000];
	[tilespmem:s8+$0xA200] =	vst v2  }
0x250: {  	s7 =	sor.u32 s12, s7;
	[tilespmem:s8+$0x8200] =	vst v3;
	v3 =	vld [tilespmem:s0+$0x10000]  }
0x251: {  	s6 =	sor.u32 $0x380, s7;
	[tilespmem:s8+$0x9300] =	vst v5  }
0x252: {  	v2 =	vld [tilespmem:s6+$0x10000];
	v0 =	vadd.f32 v0, v1  }
0x253: {  	v5 =	vld [tilespmem:s6+$0x8000]  }
0x254: {  	[tilespmem:s1+$0x8000] =	vst v0  }
0x255: {  	v4 =	vadd.f32 v4, v3;
	v0 =	vld [tilespmem:s10+$0x9380]  }
0x256: {  	v6 =	vld [tilespmem:s10+$0xA380]  }
0x257: {  	[tilespmem:s0+$0x8000] =	vst v4;
	v7 =	vld [tilespmem:s10+$0xB380]  }
0x258: {  	v5 =	vadd.f32 v5, v2;
	v4 =	vld [tilespmem:s13+$0x9380]  }
0x259: {  	v8 =	vld [tilespmem:s13+$0xA380]  }
0x25a: {  	v9 =	vld [tilespmem:s13+$0xB380];
	[tilespmem:s6+$0x8000] =	vst v5;
	v0 =	vadd.f32 v0, v1  }
0x25b: {  	v5 =	vadd.f32 v6, v1;
	v6 =	vld [tilespmem:s8+$0x9380]  }
0x25c: {  	[tilespmem:s10+$0x9380] =	vst v0;
	v0 =	vadd.f32 v7, v1;
	v1 =	vld [tilespmem:s8+$0xA380]  }
0x25d: {  	v4 =	vadd.f32 v4, v3;
	[tilespmem:s10+$0xA380] =	vst v5;
	v5 =	vld [tilespmem:s8+$0xB380]  }
0x25e: {  	[tilespmem:s10+$0xB380] =	vst v0;
	v0 =	vadd.f32 v8, v3  }
0x25f: {  	[tilespmem:s13+$0x9380] =	vst v4;
	v3 =	vadd.f32 v9, v3  }
0x260: {  	[tilespmem:s13+$0xA380] =	vst v0;
	v0 =	vadd.f32 v6, v2  }
0x261: {  	[tilespmem:s13+$0xB380] =	vst v3;
	v1 =	vadd.f32 v1, v2  }
0x262: {  	[tilespmem:s8+$0x9380] =	vst v0;
	v0 =	vadd.f32 v5, v2  }
0x263: {  	[tilespmem:s8+$0xA380] =	vst v1  }
0x264: {  	[tilespmem:s8+$0xB380] =	vst v0  }
0x265: {  	s0 =	rddreg [dreg:$0xa]  }
0x266: {  	s10 =	simm.s32 $0x5;
	s0 =	sadd.s32 s9, s0  }
0x267: {  	_ =	swait.ge [sflag:s10], $0x4000;
	s0 =	smin.u32 s0, $0xFF8  }
0x268: {  	[sflag:s10] =	ssyncset.done $0x0;
	s9 =	sshll.u32 s0, $0x7  }
0x269: {  	s13 =	simm.s32 $0x0;
	[sflag:s10] =	ssyncadd.s32 $0xFFFFC000;
	s0 =	sadd.s32 s29, s9  }
0x26a: {  	[tilespmem:s13], [sflag:$0x1] =	stream.strided.gather [hbm4b:s0+s14], $0x4000, s15, s14, $0x38;
	[tilespmem:$0x12000] =	vst v63  }
0x26b: {  	s12 =	sadd.s32 s4, s5;
	s16 =	simm.s32 $0x8000  }
0x26c: {  	[hbm4b:s12+s14] =	stream.strided.scatter [tilespmem:s16], [sflag:$0x7], $0x4000, s15, s14, $0x38;
	[tilespmem:$0x12000] =	vst v63  }
0x26d: {  	s18 =	simm.s32 $0x10000;
	s21 =	simm.s32 $0x4;
	s17 =	sadd.s32 s2, s9  }
0x26e: {  	[tilespmem:s18], [sflag:$0x9] =	stream.linear.gather [hbm4b:s17+s13], $0x1000, $0x38;
	[tilespmem:$0x12000] =	vst v63  }
0x26f: {  	_ =	swait.ge [sflag:s21], $0x4000  }
0x270: {  	[sflag:s21] =	ssyncset.done $0x0  }
0x271: {  	[sflag:s21] =	ssyncadd.s32 $0xFFFFC000  }
0x272: {  	_ =	swait.ge [sflag:s23], $0x1000  }
0x273: {  	s24 =	sand.u32 $0x70, s13;
	s25 =	sand.u32 $0xC00, s13;
	[sflag:s23] =	ssyncset.done $0x0  }
0x274: {  	s5 =	sor.u32 s24, s25;
	[sflag:s23] =	ssyncadd.s32 $0xFFFFF000  }
0x275: {  	v0 =	vld [tilespmem:s5+$0x11000]  }
0x276: {  	v1 =	vld [tilespmem:s5+$0xC080]  }
0x277: {  	v2 =	vld [tilespmem:s5+$0xD100]  }
0x278: {  	v3 =	vld [tilespmem:s5+$0xF100]  }
0x279: {  	v4 =	vld [tilespmem:s5+$0xE100]  }
0x27a: {  	v5 =	vld [tilespmem:s5+$0x11100]  }
0x27b: {  	v6 =	vld [tilespmem:s5+$0xF080]  }
0x27c: {  	v7 =	vld [tilespmem:s5+$0x11080]  }
0x27d: {  	v8 =	vld [tilespmem:s5+$0xE000]  }
0x27e: {  	v9 =	vld [tilespmem:s5+$0xC000]  }
0x27f: {  	v10 =	vld [tilespmem:s5+$0xE080]  }
0x280: {  	v11 =	vld [tilespmem:s5+$0xD080]  }
0x281: {  	s6 =	simm.s32 $0x80;
	s0 =	simm.s32 $0x10;
	v12 =	vld [tilespmem:s5+$0xC100]  }
0x282: {  	s26 =	sand.u32 $0x70, s0;
	s16 =	sand.u32 $0xC00, s6;
	v13 =	vld [tilespmem:s5+$0xD000]  }
0x283: {  	s10 =	sor.u32 s26, s16;
	v14 =	vld [tilespmem:s5+$0xF000]  }
0x284: {  	v15 =	vld [tilespmem:s10+$0x11000]  }
0x285: {  	s7 =	simm.s32 $0x20;
	s12 =	simm.s32 $0x100;
	v16 =	vld [tilespmem:s10+$0xC080]  }
0x286: {  	s28 =	sand.u32 $0x70, s7;
	s30 =	sand.u32 $0xC00, s12;
	v17 =	vld [tilespmem:s10+$0xD100]  }
0x287: {  	s8 =	sor.u32 s28, s30;
	v18 =	vld [tilespmem:s10+$0xF100]  }
0x288: {  	v19 =	vld [tilespmem:s8+$0x11000]  }
0x289: {  	v20 =	vld [tilespmem:s8+$0xD100]  }
0x28a: {  	v21 =	vld [tilespmem:s8+$0xF100]  }
0x28b: {  	v22 =	vld [tilespmem:s8+$0xE100]  }
0x28c: {  	v23 =	vld [tilespmem:s8+$0x11100]  }
0x28d: {  	v60 =	vld [tilespmem:s8+$0xF080];
	v4 =	vadd.f32 v4, v5  }
0x28e: {  	v61 =	vld [tilespmem:s8+$0x11080];
	v10 =	vadd.f32 v10, v7  }
0x28f: {  	v62 =	vld [tilespmem:s8+$0xE000];
	v6 =	vadd.f32 v6, v7;
	[tilespmem:s5+$0xE100] =	vst v4  }
0x290: {  	v27 =	vld [tilespmem:s8+$0xC000];
	v3 =	vadd.f32 v3, v5;
	[tilespmem:s5+$0xE080] =	vst v10  }
0x291: {  	v28 =	vld [tilespmem:s8+$0xE080];
	v2 =	vadd.f32 v2, v5;
	[tilespmem:s5+$0xF080] =	vst v6  }
0x292: {  	v29 =	vld [tilespmem:s8+$0xD080];
	v1 =	vadd.f32 v1, v7;
	[tilespmem:s5+$0xF100] =	vst v3  }
0x293: {  	v30 =	vld [tilespmem:s8+$0xC100];
	v10 =	vadd.f32 v11, v7;
	[tilespmem:s5+$0xD100] =	vst v2  }
0x294: {  	v31 =	vld [tilespmem:s8+$0xD000];
	v3 =	vadd.f32 v13, v0;
	[tilespmem:s5+$0xC080] =	vst v1  }
0x295: {  	v4 =	vld [tilespmem:s10+$0xE100];
	v2 =	vadd.f32 v12, v5;
	[tilespmem:s5+$0xD080] =	vst v10  }
0x296: {  	v11 =	vld [tilespmem:s10+$0x11100];
	v1 =	vadd.f32 v14, v0;
	[tilespmem:s5+$0xD000] =	vst v3  }
0x297: {  	v6 =	vld [tilespmem:s10+$0xF080];
	v3 =	vadd.f32 v9, v0;
	[tilespmem:s5+$0xC100] =	vst v2  }
0x298: {  	v7 =	vld [tilespmem:s10+$0x11080];
	v0 =	vadd.f32 v8, v0;
	[tilespmem:s5+$0xF000] =	vst v1  }
0x299: {  	s1 =	sor.u32 s25, s13;
	v12 =	vld [tilespmem:s10+$0xE080];
	[tilespmem:s5+$0xC000] =	vst v3  }
0x29a: {  	s17 =	sor.u32 $0x180, s1;
	v9 =	vld [tilespmem:s10+$0xD080];
	[tilespmem:s5+$0xE000] =	vst v0  }
0x29b: {  	v0 =	vld [tilespmem:s17+$0xC000]  }
0x29c: {  	v13 =	vld [tilespmem:s17+$0x11000]  }
0x29d: {  	v5 =	vld [tilespmem:s10+$0xC000]  }
0x29e: {  	v14 =	vld [tilespmem:s8+$0xC080]  }
0x29f: {  	v10 =	vld [tilespmem:s10+$0xE000];
	v12 =	vadd.f32 v12, v7;
	v6 =	vadd.f32 v6, v7  }
0x2a0: {  	v2 =	vld [tilespmem:s10+$0xC100];
	v9 =	vadd.f32 v9, v7;
	v7 =	vadd.f32 v16, v7  }
0x2a1: {  	v1 =	vld [tilespmem:s10+$0xD000];
	v0 =	vadd.f32 v0, v13  }
0x2a2: {  	v8 =	vld [tilespmem:s10+$0xF000];
	[tilespmem:s10+$0xC080] =	vst v7  }
0x2a3: {  	v4 =	vadd.f32 v4, v11;
	v7 =	vld [tilespmem:s8+$0xF000];
	[tilespmem:s17+$0xC000] =	vst v0  }
0x2a4: {  	v0 =	vld [tilespmem:s5+$0xC280]  }
0x2a5: {  	[tilespmem:s10+$0xE100] =	vst v4;
	v33 =	vld [tilespmem:s5+$0xE300]  }
0x2a6: {  	v18 =	vadd.f32 v18, v11;
	[tilespmem:s10+$0xE080] =	vst v12;
	v34 =	vld [tilespmem:s5+$0x11280]  }
0x2a7: {  	[tilespmem:s10+$0xF080] =	vst v6;
	v12 =	vadd.f32 v17, v11;
	v35 =	vld [tilespmem:s5+$0xC300]  }
0x2a8: {  	[tilespmem:s10+$0xF100] =	vst v18;
	v16 =	vadd.f32 v2, v11;
	v1 =	vadd.f32 v1, v15;
	v4 =	vld [tilespmem:s5+$0xF180]  }
0x2a9: {  	v18 =	vadd.f32 v5, v15;
	v2 =	vadd.f32 v28, v61;
	[tilespmem:s10+$0xD080] =	vst v9;
	v6 =	vld [tilespmem:s5+$0xD280]  }
0x2aa: {  	v11 =	vadd.f32 v22, v23;
	v9 =	vadd.f32 v8, v15;
	[tilespmem:s10+$0xD100] =	vst v12;
	v17 =	vld [tilespmem:s5+$0xE280]  }
0x2ab: {  	v15 =	vadd.f32 v10, v15;
	[tilespmem:s10+$0xD000] =	vst v1;
	v12 =	vadd.f32 v21, v23;
	v37 =	vld [tilespmem:s5+$0xF280]  }
0x2ac: {  	[tilespmem:s10+$0xC100] =	vst v16;
	v8 =	vadd.f32 v20, v23;
	v10 =	vadd.f32 v31, v19;
	v38 =	vld [tilespmem:s5+$0x11300]  }
0x2ad: {  	[tilespmem:s10+$0xF000] =	vst v9;
	v9 =	vadd.f32 v62, v19;
	v39 =	vld [tilespmem:s5+$0xD300];
	v5 =	vadd.f32 v4, v13  }
0x2ae: {  	[tilespmem:s10+$0xC000] =	vst v18;
	v36 =	vld [tilespmem:s5+$0xD180];
	v4 =	vadd.f32 v60, v61;
	v1 =	vadd.f32 v0, v34  }
0x2af: {  	[tilespmem:s10+$0xE000] =	vst v15;
	v32 =	vld [tilespmem:s5+$0xF300];
	v0 =	vadd.f32 v14, v61;
	v6 =	vadd.f32 v6, v34  }
0x2b0: {  	v63 =	vld [tilespmem:s5+$0xE180];
	v17 =	vadd.f32 v17, v34;
	v22 =	vadd.f32 v37, v34;
	[tilespmem:s5+$0xF180] =	vst v5  }
0x2b1: {  	v3 =	vld [tilespmem:s5+$0x11200];
	v21 =	vadd.f32 v35, v38;
	v20 =	vadd.f32 v33, v38;
	[tilespmem:s5+$0xC280] =	vst v1  }
0x2b2: {  	v16 =	vld [tilespmem:s5+$0xF200];
	v15 =	vadd.f32 v39, v38;
	v5 =	vadd.f32 v29, v61;
	[tilespmem:s5+$0xD280] =	vst v6  }
0x2b3: {  	v18 =	vld [tilespmem:s5+$0xD200];
	v1 =	vadd.f32 v30, v23;
	[tilespmem:s5+$0xE280] =	vst v17;
	v23 =	vadd.f32 v36, v13  }
0x2b4: {  	s24 =	simm.s32 $0x180;
	s16 =	sor.u32 s16, s0;
	s26 =	simm.s32 $0x30;
	v14 =	vld [tilespmem:s5+$0xE200];
	v6 =	vadd.f32 v7, v19;
	v7 =	vadd.f32 v27, v19;
	[tilespmem:s5+$0xF280] =	vst v22  }
0x2b5: {  	s25 =	sor.u32 $0x180, s16;
	s18 =	simm.s32 $0x0;
	s21 =	sor.u32 s30, s7;
	v19 =	vld [tilespmem:s5+$0xC200];
	v17 =	vadd.f32 v32, v38;
	v22 =	vadd.f32 v63, v13;
	[tilespmem:s5+$0xD180] =	vst v23  }
.LBB2_9:
0x2b6: {  	s1 =	sand.u32 $0x70, s26  }
0x2b7: {  	s17 =	sand.u32 $0xC00, s24;
	v23 =	vld [tilespmem:s25+$0xC000];
	[tilespmem:s5+$0xC300] =	vst v21;
	s28 =	smov.u32 s26;
	s16 =	sadd.s32 $0x10, s26  }
0x2b8: {  	p0 =	sne.s32 s26, $0x1F0;
	s1 =	sor.u32 s1, s17;
	s17 =	sor.u32 s17, s28;
	v13 =	vld [tilespmem:s25+$0x11000];
	[tilespmem:s5+$0xE180] =	vst v22;
	v16 =	vadd.f32 v16, v3  }
0x2b9: {  	v21 =	vld [tilespmem:s1+$0x11000];
	v18 =	vadd.f32 v18, v3;
	[tilespmem:s5+$0xE300] =	vst v20  }
0x2ba: {  	v20 =	vld [tilespmem:s1+$0xC080];
	v19 =	vadd.f32 v19, v3;
	v3 =	vadd.f32 v14, v3;
	[tilespmem:s5+$0xF200] =	vst v16  }
0x2bb: {  	v14 =	vld [tilespmem:s1+$0xD100];
	[tilespmem:s5+$0xD200] =	vst v18  }
0x2bc: {  	v16 =	vld [tilespmem:s1+$0xF100];
	[tilespmem:s5+$0xC200] =	vst v19  }
0x2bd: {  	v18 =	vld [tilespmem:s1+$0xE100];
	[tilespmem:s5+$0xF300] =	vst v17  }
0x2be: {  	s18 =	sor.u32 s18, s13;
	s13 =	smov.u32 s0;
	s0 =	smov.u32 s7;
	v17 =	vld [tilespmem:s1+$0x11100];
	[tilespmem:s5+$0xE200] =	vst v3  }
0x2bf: {  	s26 =	sor.u32 $0x380, s18;
	s7 =	smov.u32 s28;
	s18 =	smov.u32 s6;
	v3 =	vld [tilespmem:s1+$0xF080];
	[tilespmem:s5+$0xD300] =	vst v15  }
0x2c0: {  	s6 =	smov.u32 s12;
	s12 =	smov.u32 s24;
	v15 =	vld [tilespmem:s26+$0x11000]  }
0x2c1: {  	v19 =	vld [tilespmem:s26+$0xC000]  }
0x2c2: {  	v22 =	vld [tilespmem:s1+$0x11080]  }
0x2c3: {  	v24 =	vld [tilespmem:s1+$0xE000]  }
0x2c4: {  	v23 =	vadd.f32 v23, v13;
	v25 =	vld [tilespmem:s1+$0xC000]  }
0x2c5: {  	v26 =	vld [tilespmem:s1+$0xE080]  }
0x2c6: {  	v27 =	vld [tilespmem:s1+$0xD080];
	v19 =	vadd.f32 v19, v15  }
0x2c7: {  	v28 =	vld [tilespmem:s1+$0xC100];
	[tilespmem:s25+$0xC000] =	vst v23  }
0x2c8: {  	v23 =	vld [tilespmem:s1+$0xD000];
	[tilespmem:s26+$0xC000] =	vst v19  }
0x2c9: {  	v18 =	vadd.f32 v18, v17;
	v19 =	vld [tilespmem:s5+$0xD380]  }
0x2ca: {  	v29 =	vld [tilespmem:s5+$0xE380]  }
0x2cb: {  	v26 =	vadd.f32 v26, v22;
	v30 =	vld [tilespmem:s1+$0xF000];
	[tilespmem:s8+$0xE100] =	vst v11;
	v11 =	vmov v18  }
0x2cc: {  	v3 =	vadd.f32 v3, v22;
	[tilespmem:s8+$0xE080] =	vst v2;
	v18 =	vld [tilespmem:s5+$0xF380]  }
0x2cd: {  	v16 =	vadd.f32 v16, v17;
	v2 =	vmov v26;
	[tilespmem:s8+$0xF080] =	vst v4;
	v31 =	vld [tilespmem:s10+$0xC280]  }
0x2ce: {  	v26 =	vadd.f32 v27, v22;
	v4 =	vmov v3;
	[tilespmem:s8+$0xF100] =	vst v12;
	v27 =	vld [tilespmem:s10+$0xF300];
	v19 =	vadd.f32 v19, v15  }
0x2cf: {  	v12 =	vmov v16;
	[tilespmem:s8+$0xD080] =	vst v5;
	v32 =	vld [tilespmem:s10+$0xE300];
	v29 =	vadd.f32 v29, v15  }
0x2d0: {  	v14 =	vadd.f32 v14, v17;
	v5 =	vmov v26;
	v33 =	vld [tilespmem:s10+$0x11280];
	[tilespmem:s5+$0xD380] =	vst v19  }
0x2d1: {  	v16 =	vadd.f32 v20, v22;
	v3 =	vld [tilespmem:s10+$0x11200];
	[tilespmem:s5+$0xE380] =	vst v29;
	v15 =	vadd.f32 v18, v15  }
0x2d2: {  	[tilespmem:s8+$0xD100] =	vst v8;
	v19 =	vld [tilespmem:s10+$0xC300];
	v8 =	vmov v14  }
0x2d3: {  	v14 =	vadd.f32 v23, v21;
	v18 =	vld [tilespmem:s10+$0xF180];
	[tilespmem:s5+$0xF380] =	vst v15;
	s5 =	smov.u32 s10;
	s10 =	smov.u32 s8;
	s8 =	smov.u32 s1  }
0x2d4: {  	v15 =	vadd.f32 v28, v17;
	[tilespmem:s10+$0xC080] =	vst v0;
	v17 =	vld [tilespmem:s5+$0xD180];
	v0 =	vmov v16  }
0x2d5: {  	v16 =	vadd.f32 v30, v21;
	[tilespmem:s10+$0xD000] =	vst v10;
	v20 =	vld [tilespmem:s5+$0xD280];
	v10 =	vmov v14  }
0x2d6: {  	v14 =	vadd.f32 v25, v21;
	[tilespmem:s10+$0xC100] =	vst v1;
	v22 =	vld [tilespmem:s5+$0xE280];
	v1 =	vmov v15  }
0x2d7: {  	v15 =	vadd.f32 v24, v21;
	[tilespmem:s10+$0xF000] =	vst v6;
	v21 =	vld [tilespmem:s5+$0xF280];
	v6 =	vmov v16  }
0x2d8: {  	[tilespmem:s10+$0xC000] =	vst v7;
	v16 =	vadd.f32 v18, v13;
	v23 =	vld [tilespmem:s5+$0x11300];
	v7 =	vmov v14  }
0x2d9: {  	[tilespmem:s10+$0xE000] =	vst v9;
	v24 =	vadd.f32 v17, v13;
	v17 =	vadd.f32 v31, v33;
	v25 =	vld [tilespmem:s5+$0xD300];
	v9 =	vmov v15  }
0x2da: {  	v26 =	vld [tilespmem:s5+$0xE180];
	[tilespmem:s5+$0xF180] =	vst v16;
	v15 =	vadd.f32 v20, v33  }
.Ltmp3:
0x2db: {  	v14 =	vld [tilespmem:s5+$0xE200];
	[tilespmem:s5+$0xC280] =	vst v17;
	v17 =	vadd.f32 v22, v33;
	(pc) =	sbr.rel @p0 .LBB2_9-.Ltmp3, $4  }
0x2dc: {  	v16 =	vld [tilespmem:s5+$0xF200];
	[tilespmem:s5+$0xD280] =	vst v15;
	v15 =	vadd.f32 v21, v33  }
0x2dd: {  	v18 =	vld [tilespmem:s5+$0xD200];
	[tilespmem:s5+$0xE280] =	vst v17;
	v21 =	vadd.f32 v19, v23;
	v20 =	vadd.f32 v32, v23  }
0x2de: {  	s24 =	sadd.s32 $0x80, s24;
	v17 =	vadd.f32 v27, v23;
	v19 =	vld [tilespmem:s5+$0xC200];
	[tilespmem:s5+$0xF280] =	vst v15;
	v15 =	vadd.f32 v25, v23  }
0x2df: {  	s25 =	sor.u32 $0x180, s21;
	s21 =	smov.u32 s17;
	s26 =	smov.u32 s16;
	[tilespmem:s5+$0xD180] =	vst v24;
	v22 =	vadd.f32 v26, v13  }
0x2e0: {  	[tilespmem:s8+$0xE100] =	vst v11  }
0x2e1: {  	[tilespmem:s8+$0xE080] =	vst v2  }
0x2e2: {  	[tilespmem:s8+$0xF080] =	vst v4  }
0x2e3: {  	[tilespmem:s8+$0xF100] =	vst v12  }
0x2e4: {  	[tilespmem:s8+$0xD080] =	vst v5  }
0x2e5: {  	v13 =	vld [tilespmem:s25+$0xC000];
	[tilespmem:s8+$0xD100] =	vst v8  }
0x2e6: {  	v23 =	vld [tilespmem:s25+$0x11000];
	[tilespmem:s8+$0xC080] =	vst v0  }
0x2e7: {  	[tilespmem:s8+$0xD000] =	vst v10  }
0x2e8: {  	[tilespmem:s8+$0xC100] =	vst v1  }
0x2e9: {  	[tilespmem:s8+$0xF000] =	vst v6  }
0x2ea: {  	[tilespmem:s8+$0xC000] =	vst v7  }
0x2eb: {  	[tilespmem:s8+$0xE000] =	vst v9;
	s1 =	sor.u32 $0x180, s21;
	v13 =	vadd.f32 v13, v23  }
0x2ec: {  	v25 =	vld [tilespmem:s1+$0xC000]  }
0x2ed: {  	v47 =	vld [tilespmem:s1+$0x11000];
	[tilespmem:s25+$0xC000] =	vst v13  }
0x2ee: {  	v13 =	vld [tilespmem:s10+$0xC280]  }
0x2ef: {  	v24 =	vld [tilespmem:s10+$0xF300]  }
0x2f0: {  	v35 =	vld [tilespmem:s10+$0xE300]  }
0x2f1: {  	[tilespmem:s5+$0xC300] =	vst v21;
	v36 =	vld [tilespmem:s10+$0x11280]  }
0x2f2: {  	[tilespmem:s5+$0xE300] =	vst v20;
	v37 =	vld [tilespmem:s10+$0x11200]  }
0x2f3: {  	[tilespmem:s5+$0xF300] =	vst v17;
	v38 =	vld [tilespmem:s10+$0xC300]  }
0x2f4: {  	v57 =	vadd.f32 v14, v3;
	[tilespmem:s5+$0xD300] =	vst v15;
	v39 =	vld [tilespmem:s10+$0xF180]  }
0x2f5: {  	[tilespmem:s5+$0xE180] =	vst v22;
	v52 =	vadd.f32 v16, v3;
	v40 =	vld [tilespmem:s10+$0xD180]  }
0x2f6: {  	v18 =	vadd.f32 v18, v3;
	[tilespmem:s5+$0xE200] =	vst v57;
	v41 =	vld [tilespmem:s10+$0xD280]  }
0x2f7: {  	v19 =	vadd.f32 v19, v3;
	[tilespmem:s5+$0xF200] =	vst v52;
	v42 =	vld [tilespmem:s10+$0xE280]  }
0x2f8: {  	[tilespmem:s5+$0xD200] =	vst v18;
	v51 =	vadd.f32 v25, v47;
	v43 =	vld [tilespmem:s10+$0xF280]  }
0x2f9: {  	[tilespmem:s5+$0xC200] =	vst v19;
	v44 =	vld [tilespmem:s10+$0x11300];
	v5 =	vadd.f32 v39, v23  }
0x2fa: {  	v45 =	vld [tilespmem:s10+$0xD300];
	[tilespmem:s1+$0xC000] =	vst v51;
	v13 =	vadd.f32 v13, v36  }
0x2fb: {  	v46 =	vld [tilespmem:s10+$0xE180];
	v0 =	vadd.f32 v41, v36;
	[tilespmem:s10+$0xF180] =	vst v5  }
0x2fc: {  	v26 =	vld [tilespmem:s10+$0xE200];
	v49 =	vadd.f32 v42, v36;
	[tilespmem:s10+$0xC280] =	vst v13  }
0x2fd: {  	v48 =	vld [tilespmem:s10+$0xF200];
	v1 =	vadd.f32 v43, v36;
	[tilespmem:s10+$0xD280] =	vst v0  }
0x2fe: {  	v50 =	vld [tilespmem:s10+$0xD200];
	v61 =	vadd.f32 v40, v23;
	[tilespmem:s10+$0xE280] =	vst v49  }
0x2ff: {  	v53 =	vld [tilespmem:s10+$0xC200];
	v12 =	vadd.f32 v38, v44;
	[tilespmem:s10+$0xF280] =	vst v1  }
0x300: {  	v54 =	vld [tilespmem:s8+$0xC280];
	v19 =	vadd.f32 v46, v23;
	[tilespmem:s10+$0xD180] =	vst v61  }
0x301: {  	v56 =	vld [tilespmem:s8+$0xE300];
	v11 =	vadd.f32 v35, v44;
	[tilespmem:s10+$0xC300] =	vst v12  }
0x302: {  	v58 =	vld [tilespmem:s8+$0x11280];
	v23 =	vadd.f32 v48, v37;
	[tilespmem:s10+$0xE180] =	vst v19  }
0x303: {  	v62 =	vld [tilespmem:s8+$0xF180];
	v10 =	vadd.f32 v50, v37;
	[tilespmem:s10+$0xE300] =	vst v11  }
0x304: {  	v60 =	vld [tilespmem:s8+$0xC300];
	v30 =	vadd.f32 v53, v37;
	[tilespmem:s10+$0xF200] =	vst v23  }
0x305: {  	v21 =	vld [tilespmem:s8+$0xD280];
	v33 =	vadd.f32 v24, v44;
	[tilespmem:s10+$0xD200] =	vst v10  }
0x306: {  	v25 =	vld [tilespmem:s8+$0xF280];
	v4 =	vadd.f32 v26, v37;
	[tilespmem:s10+$0xC200] =	vst v30  }
0x307: {  	v27 =	vld [tilespmem:s8+$0x11300];
	v6 =	vadd.f32 v45, v44;
	[tilespmem:s10+$0xF300] =	vst v33  }
0x308: {  	v31 =	vld [tilespmem:s8+$0xE180];
	v28 =	vadd.f32 v62, v47;
	[tilespmem:s10+$0xE200] =	vst v4  }
0x309: {  	v59 =	vld [tilespmem:s8+$0x11200];
	v32 =	vadd.f32 v54, v58;
	[tilespmem:s10+$0xD300] =	vst v6  }
0x30a: {  	v34 =	vld [tilespmem:s8+$0xE200];
	v9 =	vadd.f32 v21, v58;
	[tilespmem:s8+$0xF180] =	vst v28  }
0x30b: {  	v29 =	vld [tilespmem:s8+$0xD300];
	v37 =	vadd.f32 v25, v58;
	[tilespmem:s8+$0xC280] =	vst v32  }
0x30c: {  	v22 =	vld [tilespmem:s8+$0xE280];
	v2 =	vadd.f32 v60, v27;
	[tilespmem:s8+$0xD280] =	vst v9  }
0x30d: {  	v63 =	vld [tilespmem:s8+$0xD180];
	v39 =	vadd.f32 v31, v47;
	[tilespmem:s8+$0xF280] =	vst v37  }
0x30e: {  	v55 =	vld [tilespmem:s8+$0xF300];
	v40 =	vadd.f32 v56, v27;
	[tilespmem:s8+$0xC300] =	vst v2  }
0x30f: {  	v35 =	vld [tilespmem:s8+$0xF200];
	v46 =	vadd.f32 v34, v59;
	[tilespmem:s8+$0xE180] =	vst v39  }
0x310: {  	v36 =	vld [tilespmem:s8+$0xD200];
	v48 =	vadd.f32 v29, v27;
	[tilespmem:s8+$0xE300] =	vst v40  }
0x311: {  	s21 =	sor.u32 s18, s13;
	v38 =	vld [tilespmem:s8+$0xC200];
	v12 =	vadd.f32 v22, v58;
	[tilespmem:s8+$0xE200] =	vst v46  }
0x312: {  	s1 =	sor.u32 $0x380, s21;
	v1 =	vadd.f32 v63, v47;
	[tilespmem:s8+$0xD300] =	vst v48  }
0x313: {  	v43 =	vld [tilespmem:s1+$0x11000];
	v0 =	vadd.f32 v55, v27;
	[tilespmem:s8+$0xE280] =	vst v12  }
0x314: {  	s0 =	sor.u32 s6, s0;
	v45 =	vld [tilespmem:s1+$0xC000];
	[tilespmem:s8+$0xD180] =	vst v1;
	v41 =	vadd.f32 v35, v59  }
0x315: {  	s0 =	sor.u32 $0x380, s0;
	[tilespmem:s8+$0xF300] =	vst v0;
	v42 =	vadd.f32 v36, v59  }
0x316: {  	v47 =	vld [tilespmem:s0+$0x11000];
	v44 =	vadd.f32 v38, v59;
	[tilespmem:s8+$0xF200] =	vst v41  }
0x317: {  	s24 =	sor.u32 s12, s7;
	v49 =	vld [tilespmem:s0+$0xC000];
	[tilespmem:s8+$0xD200] =	vst v42  }
0x318: {  	s6 =	sor.u32 $0x380, s24;
	[tilespmem:s8+$0xC200] =	vst v44  }
0x319: {  	v1 =	vadd.f32 v45, v43;
	v2 =	vld [tilespmem:s6+$0x11000]  }
0x31a: {  	v5 =	vld [tilespmem:s6+$0xC000]  }
0x31b: {  	[tilespmem:s1+$0xC000] =	vst v1  }
0x31c: {  	v1 =	vld [tilespmem:s5+$0xD380];
	v0 =	vadd.f32 v49, v47  }
0x31d: {  	v50 =	vld [tilespmem:s5+$0xE380]  }
0x31e: {  	v51 =	vld [tilespmem:s5+$0xF380];
	[tilespmem:s0+$0xC000] =	vst v0  }
0x31f: {  	v0 =	vld [tilespmem:s10+$0xD380];
	v5 =	vadd.f32 v5, v2  }
0x320: {  	v52 =	vld [tilespmem:s10+$0xE380]  }
0x321: {  	v53 =	vld [tilespmem:s10+$0xF380];
	v1 =	vadd.f32 v1, v43;
	[tilespmem:s6+$0xC000] =	vst v5  }
0x322: {  	v54 =	vadd.f32 v50, v43;
	v55 =	vld [tilespmem:s8+$0xD380]  }
0x323: {  	v56 =	vadd.f32 v51, v43;
	[tilespmem:s5+$0xD380] =	vst v1;
	v57 =	vld [tilespmem:s8+$0xE380]  }
0x324: {  	[tilespmem:s5+$0xE380] =	vst v54;
	v0 =	vadd.f32 v0, v47;
	v58 =	vld [tilespmem:s8+$0xF380]  }
0x325: {  	[tilespmem:s5+$0xF380] =	vst v56;
	v59 =	vadd.f32 v52, v47  }
0x326: {  	v60 =	vadd.f32 v53, v47;
	[tilespmem:s10+$0xD380] =	vst v0  }
0x327: {  	[tilespmem:s10+$0xE380] =	vst v59;
	v61 =	vadd.f32 v55, v2  }
0x328: {  	[tilespmem:s10+$0xF380] =	vst v60;
	v62 =	vadd.f32 v57, v2  }
0x329: {  	v63 =	vadd.f32 v58, v2;
	[tilespmem:s8+$0xD380] =	vst v61  }
0x32a: {  	[tilespmem:s8+$0xE380] =	vst v62  }
0x32b: {  	s3 =	sadd.s32 $0x1, s3;
	s25 =	simm.s32 $0x6;
	[tilespmem:s8+$0xF380] =	vst v63  }
0x32c: {  	p0 =	sne.s32 s3, $0x8;
	_ =	swait.ge [sflag:s25], $0x4000  }
.Ltmp4:
0x32d: {  	[sflag:s25] =	ssyncset.done $0x0;
	s26 =	rddreg [dreg:$0x6];
	(pc) =	sbr.rel @p0 .LBB2_2-.Ltmp4, $4  }
0x32e: {  	[sflag:s25] =	ssyncadd.s32 $0xFFFFC000;
	s0 =	sadd.s32 s9, s26  }
0x32f: {  	[tilespmem:s31], [sflag:$0x2] =	stream.strided.gather [hbm4b:s0+s14], $0x4000, s15, s14, $0x38;
	[tilespmem:$0x12000] =	vst v63  }
0x330: {  	s28 =	sadd.s32 s4, s11;
	s30 =	simm.s32 $0xC000  }
0x331: {  	[hbm4b:s28+s14] =	stream.strided.scatter [tilespmem:s30], [sflag:$0x8], $0x4000, s15, s14, $0x38;
	[tilespmem:$0x12000] =	vst v63  }
0x332: {  	s0 =	simm.s32 $0x7  }
0x333: {  	_ =	swait.ge [sflag:s0], $0x4000  }
0x334: {  	[sflag:s0] =	ssyncset.done $0x0  }
0x335: {  	s28 =	simm.s32 $0x8;
	[sflag:s0] =	ssyncadd.s32 $0xFFFFC000  }
0x336: {  	_ =	swait.ge [sflag:s28], $0x4000  }
0x337: {  	[sflag:s28] =	ssyncset.done $0x0  }
0x338: {  	[sflag:s28] =	ssyncadd.s32 $0xFFFFC000  }
0x339: {  	_ =	swait.ge [sflag:s19], $0x4000  }
0x33a: {  	[sflag:s19] =	ssyncset.done $0x0  }
0x33b: {  	[sflag:s19] =	ssyncadd.s32 $0xFFFFC000  }
0x33c: {  	_ =	swait.ge [sflag:s22], $0x4000  }
0x33d: {  	[sflag:s22] =	ssyncset.done $0x0  }
0x33e: {  	[sflag:s22] =	ssyncadd.s32 $0xFFFFC000  }
0x33f: {  	_ =	swait.ge [sflag:s20], $0x1000  }
0x340: {  	s1 =	rddreg [dreg:$0xc]  }
0x341: {  	s30 =	rddreg [dreg:$0xb];
	s1 =	sadd.s32 $0x1, s1  }
0x342: {  	p0 =	sne.s32 s1, s30  }
.Ltmp5:
0x343: {  	_ = 	snop;
	(pc) =	sbr.rel @p0 .LBB2_1-.Ltmp5, $3  }
0x344: {  	_ =	sdelay $0x1  }
0x345: {  	[sflag:s20] =	ssyncset.done $0x0  }
0x346: {  	[sflag:s20] =	ssyncadd.s32 $0xFFFFF000  }
0x347: {  	_ =	sfence.sel $0x180000  }
0x348: {  	[bflag:$0x0] =	sbarrier.arrive $0xFFFF  }
0x349: {  	_ =	strace $0x90000047  }
0x34a: {  	s0 =	stileid.u32;
	[bflag:$0x2] =	sbarrier.arrive $0xFFFF  }
0x34b: {  	p0 =	sne.s32 s0, $0x0;
	s0 =	rddreg [dreg:$0x3]  }
0x34c: {  	s0 =	sadd.s32 @!p0 $0x100000, s0  }
0x34d: {  	[sflag:s0] =	ssyncadd.tile.s32 @!p0 $0x1;
	_ =	shalt  }
.Lfunc_end2:
_tile_overlayer_lowered:
.L_overlay_start_2:
0x34e: {  	(tag) =	ssettag $0x2  }
0x34f: {  	s0 =	rddreg [dreg:$0x0];
	s2 =	stileid.u32  }
0x350: {  	s1 =	rddreg [dreg:$0x1];
	p0 =	sne.s32 s2, $0x0  }
0x351: {  	s3 =	rddreg [dreg:$0x2];
	[bflag:$0x3] =	sbarrier.arrive $0xFFFF;
	s2 =	simm.s32 @!p0 $0x1C0B  }
0x352: {  	[timem:s3], [sflag:s2] =	dma.local @!p0 [hbm:s0], s1  }
0x353: {  	s0 =	simm.s32 @!p0 $0xB  }
0x354: {  	_ =	swait.ge @!p0 [sflag:s0], s1  }
0x355: {  	s1 =	ssub.s32 @!p0 $0x0, s1;
	[sflag:s0] =	ssyncset.done @!p0 $0x0  }
0x356: {  	[sflag:s0] =	ssyncadd.s32 @!p0 s1  }
0x357: {  	[bflag:$0x3] =	sbarrier.arrive $0xFFFF  }
0x358: {  	_ =	shalt  }

</sc_bundles>
